<compile_context>
chip_gen: v7x
topology: tpu7x:2x2x1
jax: 0.10.2.dev20260603
libtpu: 0.0.44.dev20260713+nightly
codegen_flags: <defaults>
</compile_context>

<pallas_src>
import functools

import jax
import jax.numpy as jnp
from jax import lax
from jax.experimental import pallas as pl
from jax.experimental.pallas import tpu as pltpu
from jax.experimental.pallas import tpu_sc as plsc

NC = 2
NS = 16
NW = NC * NS
K = 80


SPMEM_BUDGET = 2097151 * 4


@functools.lru_cache(maxsize=None)
def _make_sc_scatter(n, e, d, with_cnt):
    assert e % (NW * K) == 0 and n % K == 0 and d % 16 == 0
    epw = e // NW
    nch = epw // K
    nrc = n // K

    cnt_bytes = (n * 32 + NS * 2 * 32 * K) if with_cnt else 0
    nbuf = 2
    for cand in (3, 4):
        if n * d * 4 + NS * (cand * K * d * 4 + 2 * cand * 2 * K * 4) \
                + cnt_bytes < SPMEM_BUDGET:
            nbuf = cand
    ir = 2 * nbuf
    assert nch > ir

    mesh = plsc.VectorSubcoreMesh(core_axis_name="c", subcore_axis_name="s")

    out_type = [jax.ShapeDtypeStruct((NC, n, d), jnp.float32)]
    cnt_scratch = []
    if with_cnt:
        out_type.append(jax.ShapeDtypeStruct((NC, n, 16), jnp.bfloat16))
        cnt_scratch = [
            pltpu.VMEM((K, 16), jnp.bfloat16),
            pltpu.VMEM((K, 16), jnp.bfloat16),
            pltpu.VMEM_SHARED((n, 16), jnp.bfloat16),
        ]

    @functools.partial(
        pl.kernel,
        out_type=tuple(out_type) if with_cnt else out_type[0],
        mesh=mesh,
        scratch_types=[
            *[pltpu.VMEM((2, K), jnp.int32) for _ in range(ir)],
            *[pltpu.VMEM((K, d), jnp.float32) for _ in range(nbuf)],
            pltpu.VMEM_SHARED((n, d), jnp.float32),
            *cnt_scratch,
            *[pltpu.SemaphoreType.DMA for _ in range(ir + nbuf)],
        ],
        compiler_params=pltpu.CompilerParams(use_tc_tiling_on_sc=False),
    )
    def sc_kernel(*args):
        it = iter(args)
        rows_hbm = next(it)
        edges_hbm = next(it)
        part_hbm = next(it)
        pcnt_hbm = next(it) if with_cnt else None
        ix = [next(it) for _ in range(ir)]
        rows_v = [next(it) for _ in range(nbuf)]
        acc = next(it)
        if with_cnt:
            ones_v, zcol_v, acc1 = next(it), next(it), next(it)
        isem = [next(it) for _ in range(ir)]
        gsem = [next(it) for _ in range(nbuf)]

        c = lax.axis_index("c")
        s = lax.axis_index("s")
        wid = s * NC + c
        ch0 = wid * nch

        def ixload(i, a):
            return pltpu.make_async_copy(edges_hbm.at[ch0 + i], ix[a], isem[a])

        def gather(b, a):
            return pltpu.make_async_copy(
                rows_hbm.at[ix[a].at[0]], rows_v[b], gsem[b])

        def scatter(b, a):
            pltpu.sync_copy(rows_v[b], acc.at[ix[a].at[1]], add=True)
            if with_cnt:
                pltpu.sync_copy(ones_v, acc1.at[ix[a].at[1]], add=True)

        def zrow(i, carry):
            for j in range(d // 16):
                rows_v[0][i, pl.ds(j * 16, 16)] = jnp.zeros((16,), jnp.float32)
            return carry
        lax.fori_loop(0, K, zrow, 0)
        if with_cnt:
            def zcnt(i, carry):
                ones_v[pl.ds(2 * i, 2), :] = jnp.ones((2, 16), jnp.bfloat16)
                zcol_v[pl.ds(2 * i, 2), :] = jnp.zeros((2, 16), jnp.bfloat16)
                return carry
            lax.fori_loop(0, K // 2, zcnt, 0)

        for a in range(ir):
            ixload(a, a).start()

        def zacc(i, carry):
            t = s + i * NS
            @pl.when(t < nrc)
            def _():
                pltpu.sync_copy(rows_v[0], acc.at[pl.ds(t * K, K)])
                if with_cnt:
                    pltpu.sync_copy(zcol_v, acc1.at[pl.ds(t * K, K)])
            return carry
        lax.fori_loop(0, (nrc + NS - 1) // NS, zacc, 0)
        plsc.subcore_barrier()

        for q in range(nbuf):
            ixload(q, q).wait()
            gather(q, q).start()

        def step(i, q, tail):
            b, a = q % nbuf, q % ir
            gather(b, a).wait()
            scatter(b, a)

            def refill():
                ixload(i + ir, a).start()
            def advance():
                a2 = (q + nbuf) % ir
                ixload(i + nbuf, a2).wait()
                gather(b, a2).start()
            if tail:
                if i + ir < nch:
                    refill()
                if i + nbuf < nch:
                    advance()
            else:
                pl.when(i + ir < nch)(refill)
                pl.when(i + nbuf < nch)(advance)

        def outer(j, carry):
            for q in range(ir):
                step(j * ir + q, q, False)
            return carry
        lax.fori_loop(0, nch // ir, outer, 0)
        for i in range((nch // ir) * ir, nch):
            step(i, i % ir, True)
        plsc.subcore_barrier()

        def cout(i, carry):
            t = s + i * NS
            @pl.when(t < nrc)
            def _():
                pltpu.sync_copy(acc.at[pl.ds(t * K, K)],
                                part_hbm.at[c, pl.ds(t * K, K)])
                if with_cnt:
                    pltpu.sync_copy(acc1.at[pl.ds(t * K, K)],
                                    pcnt_hbm.at[c, pl.ds(t * K, K)])
            return carry
        lax.fori_loop(0, (nrc + NS - 1) // NS, cout, 0)

    return sc_kernel


@functools.lru_cache(maxsize=None)
def _make_tc1(n, f_in, hid, f_out, r):
    grid = n // r

    def body(part, pcnt, x, wl1, bl1, wr1, wl2, wr2, bl2, p, r2, inv):
        a = part[0] + part[1]
        cnt = (pcnt[0, :, 0:1].astype(jnp.float32)
               + pcnt[1, :, 0:1].astype(jnp.float32))
        iv = 1.0 / jnp.maximum(cnt, 1.0)
        mean = a * iv
        h = jnp.maximum(
            jnp.dot(mean, wl1[...], preferred_element_type=jnp.float32)
            + bl1[...]
            + jnp.dot(x[...], wr1[...], preferred_element_type=jnp.float32),
            0.0)
        p[...] = jnp.dot(h, wl2[...], preferred_element_type=jnp.float32)
        r2[...] = (jnp.dot(h, wr2[...], preferred_element_type=jnp.float32)
                   + bl2[...])
        inv[...] = iv

    return pl.pallas_call(
        body,
        grid=(grid,),
        in_specs=[
            pl.BlockSpec((NC, r, f_in), lambda i: (0, i, 0)),
            pl.BlockSpec((NC, r, 16), lambda i: (0, i, 0)),
            pl.BlockSpec((r, f_in), lambda i: (i, 0)),
            pl.BlockSpec((f_in, hid), lambda i: (0, 0)),
            pl.BlockSpec((1, hid), lambda i: (0, 0)),
            pl.BlockSpec((f_in, hid), lambda i: (0, 0)),
            pl.BlockSpec((hid, f_out), lambda i: (0, 0)),
            pl.BlockSpec((hid, f_out), lambda i: (0, 0)),
            pl.BlockSpec((1, f_out), lambda i: (0, 0)),
        ],
        out_specs=[
            pl.BlockSpec((r, f_out), lambda i: (i, 0)),
            pl.BlockSpec((r, f_out), lambda i: (i, 0)),
            pl.BlockSpec((r, 1), lambda i: (i, 0)),
        ],
        out_shape=[
            jax.ShapeDtypeStruct((n, f_out), jnp.float32),
            jax.ShapeDtypeStruct((n, f_out), jnp.float32),
            jax.ShapeDtypeStruct((n, 1), jnp.float32),
        ],
    )


@functools.lru_cache(maxsize=None)
def _make_tc2(n, f_out, r):
    grid = n // r

    def body(part, inv, r2, out):
        out[...] = (part[0] + part[1]) * inv[...] + r2[...]

    return pl.pallas_call(
        body,
        grid=(grid,),
        in_specs=[
            pl.BlockSpec((NC, r, f_out), lambda i: (0, i, 0)),
            pl.BlockSpec((r, 1), lambda i: (i, 0)),
            pl.BlockSpec((r, f_out), lambda i: (i, 0)),
        ],
        out_specs=pl.BlockSpec((r, f_out), lambda i: (i, 0)),
        out_shape=jax.ShapeDtypeStruct((n, f_out), jnp.float32),
    )


def kernel(x, edge_index, W_l1, b_l1, W_r1, W_l2, b_l2, W_r2):
    n, f_in = x.shape
    e = edge_index.shape[1]
    hid = W_l1.shape[1]
    f_out = W_l2.shape[1]

    edges = edge_index.reshape(2, e // K, K).transpose(1, 0, 2)

    part1, pcnt = _make_sc_scatter(n, e, f_in, True)(x, edges)
    p, r2, inv = _make_tc1(n, f_in, hid, f_out, 5000)(
        part1, pcnt, x, W_l1, b_l1.reshape(1, hid), W_r1, W_l2, W_r2,
        b_l2.reshape(1, f_out))
    part2 = _make_sc_scatter(n, e, f_out, False)(p, edges)
    out = _make_tc2(n, f_out, 5000)(part2, inv, r2)
    return out

# --- scband reference (transcript-rebuilt; emitter-appended) ---
"""Pipeline reference for scband-base-net-66546223284300 (READ-ONLY COPY).

The authoritative reference and input builder live on the scoring server;
editing this copy changes nothing except your own understanding.
"""

import jax, jax.numpy as jnp
import numpy as np

N = 10000
E = 320000
F_IN = 128
HID = 256
F_OUT = 128


def setup_inputs(seed: int = 0) -> dict:
    key = jax.random.key(seed)
    ks = jax.random.split(key, 8)
    x = jax.random.normal(ks[0], (N, F_IN), dtype=jnp.float32)
    edge_index = jax.random.randint(ks[1], (2, E), 0, N, dtype=jnp.int32)
    # SAGEConv layer 1: in=F_IN, out=HID (lin_l has bias, lin_r has no bias, per PyG SAGEConv)
    W_l1 = jax.random.normal(ks[2], (F_IN, HID), dtype=jnp.float32) * 0.05
    b_l1 = jnp.zeros((HID,), dtype=jnp.float32)
    W_r1 = jax.random.normal(ks[3], (F_IN, HID), dtype=jnp.float32) * 0.05
    # SAGEConv layer 2: in=HID, out=F_OUT
    W_l2 = jax.random.normal(ks[4], (HID, F_OUT), dtype=jnp.float32) * 0.05
    b_l2 = jnp.zeros((F_OUT,), dtype=jnp.float32)
    W_r2 = jax.random.normal(ks[5], (HID, F_OUT), dtype=jnp.float32) * 0.05
    return {"x": x, "edge_index": edge_index, "W_l1": W_l1, "b_l1": b_l1, "W_r1": W_r1,
            "W_l2": W_l2, "b_l2": b_l2, "W_r2": W_r2}


def _sage_conv(h, src, dst, W_l, b_l, W_r):
    # mean aggregation of source features onto destination nodes (scatter-add + count)
    msgs = jnp.take(h, src, axis=0)                                   # gather [E, d]
    agg = jax.ops.segment_sum(msgs, dst, num_segments=h.shape[0])      # scatter-add [N, d]
    cnt = jax.ops.segment_sum(jnp.ones((src.shape[0], 1), h.dtype), dst, num_segments=h.shape[0])
    mean = agg / jnp.clip(cnt, 1.0)
    # out = lin_l(mean_neighbors) + lin_r(x_target); x_target == h (full-graph layer, size[1]=N)
    return mean @ W_l + b_l + h @ W_r


def reference(x, edge_index, W_l1, b_l1, W_r1, W_l2, b_l2, W_r2):
    src = edge_index[0]
    dst = edge_index[1]
    # layer 0
    h = _sage_conv(x, src, dst, W_l1, b_l1, W_r1)
    # i != num_layers - 1 -> relu (dropout p=0 is identity)
    h = jax.nn.relu(h)
    # layer 1 (last layer, no activation)
    out = _sage_conv(h, src, dst, W_l2, b_l2, W_r2)
    return out

if __name__ == "__main__":
    import jax
    _d = setup_inputs()
    print(jax.jit(kernel)(*tuple(_d.values())))

</pallas_src>

<mosaic_0001>
#map = affine_map<(d0, d1) -> (0, 0)>
#map1 = affine_map<(d0, d1) -> (0, 0, 0)>
module attributes {stable_mosaic.version = 14 : i64} {
  func.func @sc_kernel(%arg0: i32, %arg1: i32, %arg2: memref<10000x128xf32, #tpu.memory_space<hbm>>, %arg3: memref<4000x2x80xi32, #tpu.memory_space<hbm>>, %arg4: memref<2x10000x128xf32, #tpu.memory_space<hbm>>, %arg5: memref<2x80xi32, #tpu.memory_space<vmem>>, %arg6: memref<2x80xi32, #tpu.memory_space<vmem>>, %arg7: memref<2x80xi32, #tpu.memory_space<vmem>>, %arg8: memref<2x80xi32, #tpu.memory_space<vmem>>, %arg9: memref<2x80xi32, #tpu.memory_space<vmem>>, %arg10: memref<2x80xi32, #tpu.memory_space<vmem>>, %arg11: memref<2x80xi32, #tpu.memory_space<vmem>>, %arg12: memref<2x80xi32, #tpu.memory_space<vmem>>, %arg13: memref<80x128xf32, #tpu.memory_space<vmem>>, %arg14: memref<80x128xf32, #tpu.memory_space<vmem>>, %arg15: memref<80x128xf32, #tpu.memory_space<vmem>>, %arg16: memref<80x128xf32, #tpu.memory_space<vmem>>, %arg17: memref<10000x128xf32, #tpu.memory_space<vmem_shared>>, %arg18: memref<!tpu.dma_semaphore, #tpu.memory_space<semaphore_mem>>, %arg19: memref<!tpu.dma_semaphore, #tpu.memory_space<semaphore_mem>>, %arg20: memref<!tpu.dma_semaphore, #tpu.memory_space<semaphore_mem>>, %arg21: memref<!tpu.dma_semaphore, #tpu.memory_space<semaphore_mem>>, %arg22: memref<!tpu.dma_semaphore, #tpu.memory_space<semaphore_mem>>, %arg23: memref<!tpu.dma_semaphore, #tpu.memory_space<semaphore_mem>>, %arg24: memref<!tpu.dma_semaphore, #tpu.memory_space<semaphore_mem>>, %arg25: memref<!tpu.dma_semaphore, #tpu.memory_space<semaphore_mem>>, %arg26: memref<!tpu.dma_semaphore, #tpu.memory_space<semaphore_mem>>, %arg27: memref<!tpu.dma_semaphore, #tpu.memory_space<semaphore_mem>>, %arg28: memref<!tpu.dma_semaphore, #tpu.memory_space<semaphore_mem>>, %arg29: memref<!tpu.dma_semaphore, #tpu.memory_space<semaphore_mem>>) attributes {dimension_semantics = [#tpu.dimension_semantics<core_parallel>, #tpu.dimension_semantics<subcore_parallel>], iteration_bounds = array<i64: 2, 16>, scalar_prefetch = 0 : i64, scratch_operands = 25 : i64, tpu.core_type = #tpu.core_type<sc_vector_subcore>, window_params = [{transform_indices = #map}, {transform_indices = #map1}, {transform_indices = #map1}]} {
    %mul3A = arith.constant 2 : i32
    %mul3A_0 = arith.muli %arg1, %mul3A : i32
    %add3A = arith.addi %mul3A_0, %arg0 : i32
    %mul3A_1 = arith.constant 125 : i32
    %mul3A_2 = arith.muli %add3A, %mul3A_1 : i32
    %scan3A = arith.constant 0 : i32
    %scan3A_3 = arith.constant 0 : i32
    %scan3A_4 = arith.constant 80 : i32
    %scan3A_5 = arith.addi %scan3A_3, %scan3A_4 : i32
    %scan3A_6 = arith.constant 1 : i32
    scf.for %scan3A_229 = %scan3A_3 to %scan3A_5 step %scan3A_6  : i32 {
      %broadcast_in_dim3A = arith.constant 0.000000e+00 : f32
      %broadcast_in_dim3A_230 = vector.broadcast %broadcast_in_dim3A : f32 to vector<16xf32>
      %swap3A = arith.index_cast %scan3A_229 : i32 to index
      %swap3A_231 = arith.constant 0 : index
      %swap3A_232 = tpu.vector_load %arg13[%swap3A, %swap3A_231] {strides = array<i32>} : memref<80x128xf32, #tpu.memory_space<vmem>>, vector<1x16xf32>,
      %swap3A_233 = vector.shape_cast %swap3A_232 : vector<1x16xf32> to vector<16xf32>
      %swap3A_234 = vector.shape_cast %broadcast_in_dim3A_230 : vector<16xf32> to vector<1x16xf32>
      tpu.vector_store %arg13[%swap3A, %swap3A_231], %swap3A_234 {strides = array<i32>} : memref<80x128xf32, #tpu.memory_space<vmem>>, vector<1x16xf32>,
      %broadcast_in_dim3A_235 = arith.constant 0.000000e+00 : f32
      %broadcast_in_dim3A_236 = vector.broadcast %broadcast_in_dim3A_235 : f32 to vector<16xf32>
      %swap3A_237 = arith.index_cast %scan3A_229 : i32 to index
      %swap3A_238 = arith.constant 16 : index
      %swap3A_239 = tpu.vector_load %arg13[%swap3A_237, %swap3A_238] {strides = array<i32>} : memref<80x128xf32, #tpu.memory_space<vmem>>, vector<1x16xf32>,
      %swap3A_240 = vector.shape_cast %swap3A_239 : vector<1x16xf32> to vector<16xf32>
      %swap3A_241 = vector.shape_cast %broadcast_in_dim3A_236 : vector<16xf32> to vector<1x16xf32>
      tpu.vector_store %arg13[%swap3A_237, %swap3A_238], %swap3A_241 {strides = array<i32>} : memref<80x128xf32, #tpu.memory_space<vmem>>, vector<1x16xf32>,
      %broadcast_in_dim3A_242 = arith.constant 0.000000e+00 : f32
      %broadcast_in_dim3A_243 = vector.broadcast %broadcast_in_dim3A_242 : f32 to vector<16xf32>
      %swap3A_244 = arith.index_cast %scan3A_229 : i32 to index
      %swap3A_245 = arith.constant 32 : index
      %swap3A_246 = tpu.vector_load %arg13[%swap3A_244, %swap3A_245] {strides = array<i32>} : memref<80x128xf32, #tpu.memory_space<vmem>>, vector<1x16xf32>,
      %swap3A_247 = vector.shape_cast %swap3A_246 : vector<1x16xf32> to vector<16xf32>
      %swap3A_248 = vector.shape_cast %broadcast_in_dim3A_243 : vector<16xf32> to vector<1x16xf32>
      tpu.vector_store %arg13[%swap3A_244, %swap3A_245], %swap3A_248 {strides = array<i32>} : memref<80x128xf32, #tpu.memory_space<vmem>>, vector<1x16xf32>,
      %broadcast_in_dim3A_249 = arith.constant 0.000000e+00 : f32
      %broadcast_in_dim3A_250 = vector.broadcast %broadcast_in_dim3A_249 : f32 to vector<16xf32>
      %swap3A_251 = arith.index_cast %scan3A_229 : i32 to index
      %swap3A_252 = arith.constant 48 : index
      %swap3A_253 = tpu.vector_load %arg13[%swap3A_251, %swap3A_252] {strides = array<i32>} : memref<80x128xf32, #tpu.memory_space<vmem>>, vector<1x16xf32>,
      %swap3A_254 = vector.shape_cast %swap3A_253 : vector<1x16xf32> to vector<16xf32>
      %swap3A_255 = vector.shape_cast %broadcast_in_dim3A_250 : vector<16xf32> to vector<1x16xf32>
      tpu.vector_store %arg13[%swap3A_251, %swap3A_252], %swap3A_255 {strides = array<i32>} : memref<80x128xf32, #tpu.memory_space<vmem>>, vector<1x16xf32>,
      %broadcast_in_dim3A_256 = arith.constant 0.000000e+00 : f32
      %broadcast_in_dim3A_257 = vector.broadcast %broadcast_in_dim3A_256 : f32 to vector<16xf32>
      %swap3A_258 = arith.index_cast %scan3A_229 : i32 to index
      %swap3A_259 = arith.constant 64 : index
      %swap3A_260 = tpu.vector_load %arg13[%swap3A_258, %swap3A_259] {strides = array<i32>} : memref<80x128xf32, #tpu.memory_space<vmem>>, vector<1x16xf32>,
      %swap3A_261 = vector.shape_cast %swap3A_260 : vector<1x16xf32> to vector<16xf32>
      %swap3A_262 = vector.shape_cast %broadcast_in_dim3A_257 : vector<16xf32> to vector<1x16xf32>
      tpu.vector_store %arg13[%swap3A_258, %swap3A_259], %swap3A_262 {strides = array<i32>} : memref<80x128xf32, #tpu.memory_space<vmem>>, vector<1x16xf32>,
      %broadcast_in_dim3A_263 = arith.constant 0.000000e+00 : f32
      %broadcast_in_dim3A_264 = vector.broadcast %broadcast_in_dim3A_263 : f32 to vector<16xf32>
      %swap3A_265 = arith.index_cast %scan3A_229 : i32 to index
      %swap3A_266 = arith.constant 80 : index
      %swap3A_267 = tpu.vector_load %arg13[%swap3A_265, %swap3A_266] {strides = array<i32>} : memref<80x128xf32, #tpu.memory_space<vmem>>, vector<1x16xf32>,
      %swap3A_268 = vector.shape_cast %swap3A_267 : vector<1x16xf32> to vector<16xf32>
      %swap3A_269 = vector.shape_cast %broadcast_in_dim3A_264 : vector<16xf32> to vector<1x16xf32>
      tpu.vector_store %arg13[%swap3A_265, %swap3A_266], %swap3A_269 {strides = array<i32>} : memref<80x128xf32, #tpu.memory_space<vmem>>, vector<1x16xf32>,
      %broadcast_in_dim3A_270 = arith.constant 0.000000e+00 : f32
      %broadcast_in_dim3A_271 = vector.broadcast %broadcast_in_dim3A_270 : f32 to vector<16xf32>
      %swap3A_272 = arith.index_cast %scan3A_229 : i32 to index
      %swap3A_273 = arith.constant 96 : index
      %swap3A_274 = tpu.vector_load %arg13[%swap3A_272, %swap3A_273] {strides = array<i32>} : memref<80x128xf32, #tpu.memory_space<vmem>>, vector<1x16xf32>,
      %swap3A_275 = vector.shape_cast %swap3A_274 : vector<1x16xf32> to vector<16xf32>
      %swap3A_276 = vector.shape_cast %broadcast_in_dim3A_271 : vector<16xf32> to vector<1x16xf32>
      tpu.vector_store %arg13[%swap3A_272, %swap3A_273], %swap3A_276 {strides = array<i32>} : memref<80x128xf32, #tpu.memory_space<vmem>>, vector<1x16xf32>,
      %broadcast_in_dim3A_277 = arith.constant 0.000000e+00 : f32
      %broadcast_in_dim3A_278 = vector.broadcast %broadcast_in_dim3A_277 : f32 to vector<16xf32>
      %swap3A_279 = arith.index_cast %scan3A_229 : i32 to index
      %swap3A_280 = arith.constant 112 : index
      %swap3A_281 = tpu.vector_load %arg13[%swap3A_279, %swap3A_280] {strides = array<i32>} : memref<80x128xf32, #tpu.memory_space<vmem>>, vector<1x16xf32>,
      %swap3A_282 = vector.shape_cast %swap3A_281 : vector<1x16xf32> to vector<16xf32>
      %swap3A_283 = vector.shape_cast %broadcast_in_dim3A_278 : vector<16xf32> to vector<1x16xf32>
      tpu.vector_store %arg13[%swap3A_279, %swap3A_280], %swap3A_283 {strides = array<i32>} : memref<80x128xf32, #tpu.memory_space<vmem>>, vector<1x16xf32>,
    }
    %scan3A_7 = arith.constant 80 : i32
    %add3A_8 = arith.constant 0 : i32
    %add3A_9 = arith.addi %mul3A_2, %add3A_8 : i32
    %dma_start3A = arith.constant 0 : i32
    %dma_start3A_10 = arith.constant 0 : i32
    %dma_start3A_11 = tpu.memref_slice %arg3[%add3A_9, %dma_start3A, %dma_start3A_10] : memref<4000x2x80xi32, #tpu.memory_space<hbm>> -> memref<1x2x80xi32, #tpu.memory_space<hbm>>
    %dma_start3A_12 = tpu.memref_squeeze %dma_start3A_11 : memref<1x2x80xi32, #tpu.memory_space<hbm>> -> memref<2x80xi32, #tpu.memory_space<hbm>>
    %dma_start3A_13 = arith.constant 0 : i32
    %dma_start3A_14 = arith.constant 0 : i32
    %dma_start3A_15 = tpu.memref_slice %arg3[%add3A_9, %dma_start3A_13, %dma_start3A_14] : memref<4000x2x80xi32, #tpu.memory_space<hbm>> -> memref<1x2x80xi32, #tpu.memory_space<hbm>>
    %dma_start3A_16 = tpu.memref_squeeze %dma_start3A_15 : memref<1x2x80xi32, #tpu.memory_space<hbm>> -> memref<2x80xi32, #tpu.memory_space<hbm>>
    tpu.enqueue_dma source(%dma_start3A_16 : memref<2x80xi32, #tpu.memory_space<hbm>>) target(%arg5 : memref<2x80xi32, #tpu.memory_space<vmem>>) target_semaphore(%arg18 : memref<!tpu.dma_semaphore, #tpu.memory_space<semaphore_mem>>)
    %add3A_17 = arith.constant 1 : i32
    %add3A_18 = arith.addi %mul3A_2, %add3A_17 : i32
    %dma_start3A_19 = arith.constant 0 : i32
    %dma_start3A_20 = arith.constant 0 : i32
    %dma_start3A_21 = tpu.memref_slice %arg3[%add3A_18, %dma_start3A_19, %dma_start3A_20] : memref<4000x2x80xi32, #tpu.memory_space<hbm>> -> memref<1x2x80xi32, #tpu.memory_space<hbm>>
    %dma_start3A_22 = tpu.memref_squeeze %dma_start3A_21 : memref<1x2x80xi32, #tpu.memory_space<hbm>> -> memref<2x80xi32, #tpu.memory_space<hbm>>
    %dma_start3A_23 = arith.constant 0 : i32
    %dma_start3A_24 = arith.constant 0 : i32
    %dma_start3A_25 = tpu.memref_slice %arg3[%add3A_18, %dma_start3A_23, %dma_start3A_24] : memref<4000x2x80xi32, #tpu.memory_space<hbm>> -> memref<1x2x80xi32, #tpu.memory_space<hbm>>
    %dma_start3A_26 = tpu.memref_squeeze %dma_start3A_25 : memref<1x2x80xi32, #tpu.memory_space<hbm>> -> memref<2x80xi32, #tpu.memory_space<hbm>>
    tpu.enqueue_dma source(%dma_start3A_26 : memref<2x80xi32, #tpu.memory_space<hbm>>) target(%arg6 : memref<2x80xi32, #tpu.memory_space<vmem>>) target_semaphore(%arg19 : memref<!tpu.dma_semaphore, #tpu.memory_space<semaphore_mem>>)
    %add3A_27 = arith.constant 2 : i32
    %add3A_28 = arith.addi %mul3A_2, %add3A_27 : i32
    %dma_start3A_29 = arith.constant 0 : i32
    %dma_start3A_30 = arith.constant 0 : i32
    %dma_start3A_31 = tpu.memref_slice %arg3[%add3A_28, %dma_start3A_29, %dma_start3A_30] : memref<4000x2x80xi32, #tpu.memory_space<hbm>> -> memref<1x2x80xi32, #tpu.memory_space<hbm>>
    %dma_start3A_32 = tpu.memref_squeeze %dma_start3A_31 : memref<1x2x80xi32, #tpu.memory_space<hbm>> -> memref<2x80xi32, #tpu.memory_space<hbm>>
    %dma_start3A_33 = arith.constant 0 : i32
    %dma_start3A_34 = arith.constant 0 : i32
    %dma_start3A_35 = tpu.memref_slice %arg3[%add3A_28, %dma_start3A_33, %dma_start3A_34] : memref<4000x2x80xi32, #tpu.memory_space<hbm>> -> memref<1x2x80xi32, #tpu.memory_space<hbm>>
    %dma_start3A_36 = tpu.memref_squeeze %dma_start3A_35 : memref<1x2x80xi32, #tpu.memory_space<hbm>> -> memref<2x80xi32, #tpu.memory_space<hbm>>
    tpu.enqueue_dma source(%dma_start3A_36 : memref<2x80xi32, #tpu.memory_space<hbm>>) target(%arg7 : memref<2x80xi32, #tpu.memory_space<vmem>>) target_semaphore(%arg20 : memref<!tpu.dma_semaphore, #tpu.memory_space<semaphore_mem>>)
    %add3A_37 = arith.constant 3 : i32
    %add3A_38 = arith.addi %mul3A_2, %add3A_37 : i32
    %dma_start3A_39 = arith.constant 0 : i32
    %dma_start3A_40 = arith.constant 0 : i32
    %dma_start3A_41 = tpu.memref_slice %arg3[%add3A_38, %dma_start3A_39, %dma_start3A_40] : memref<4000x2x80xi32, #tpu.memory_space<hbm>> -> memref<1x2x80xi32, #tpu.memory_space<hbm>>
    %dma_start3A_42 = tpu.memref_squeeze %dma_start3A_41 : memref<1x2x80xi32, #tpu.memory_space<hbm>> -> memref<2x80xi32, #tpu.memory_space<hbm>>
    %dma_start3A_43 = arith.constant 0 : i32
    %dma_start3A_44 = arith.constant 0 : i32
    %dma_start3A_45 = tpu.memref_slice %arg3[%add3A_38, %dma_start3A_43, %dma_start3A_44] : memref<4000x2x80xi32, #tpu.memory_space<hbm>> -> memref<1x2x80xi32, #tpu.memory_space<hbm>>
    %dma_start3A_46 = tpu.memref_squeeze %dma_start3A_45 : memref<1x2x80xi32, #tpu.memory_space<hbm>> -> memref<2x80xi32, #tpu.memory_space<hbm>>
    tpu.enqueue_dma source(%dma_start3A_46 : memref<2x80xi32, #tpu.memory_space<hbm>>) target(%arg8 : memref<2x80xi32, #tpu.memory_space<vmem>>) target_semaphore(%arg21 : memref<!tpu.dma_semaphore, #tpu.memory_space<semaphore_mem>>)
    %add3A_47 = arith.constant 4 : i32
    %add3A_48 = arith.addi %mul3A_2, %add3A_47 : i32
    %dma_start3A_49 = arith.constant 0 : i32
    %dma_start3A_50 = arith.constant 0 : i32
    %dma_start3A_51 = tpu.memref_slice %arg3[%add3A_48, %dma_start3A_49, %dma_start3A_50] : memref<4000x2x80xi32, #tpu.memory_space<hbm>> -> memref<1x2x80xi32, #tpu.memory_space<hbm>>
    %dma_start3A_52 = tpu.memref_squeeze %dma_start3A_51 : memref<1x2x80xi32, #tpu.memory_space<hbm>> -> memref<2x80xi32, #tpu.memory_space<hbm>>
    %dma_start3A_53 = arith.constant 0 : i32
    %dma_start3A_54 = arith.constant 0 : i32
    %dma_start3A_55 = tpu.memref_slice %arg3[%add3A_48, %dma_start3A_53, %dma_start3A_54] : memref<4000x2x80xi32, #tpu.memory_space<hbm>> -> memref<1x2x80xi32, #tpu.memory_space<hbm>>
    %dma_start3A_56 = tpu.memref_squeeze %dma_start3A_55 : memref<1x2x80xi32, #tpu.memory_space<hbm>> -> memref<2x80xi32, #tpu.memory_space<hbm>>
    tpu.enqueue_dma source(%dma_start3A_56 : memref<2x80xi32, #tpu.memory_space<hbm>>) target(%arg9 : memref<2x80xi32, #tpu.memory_space<vmem>>) target_semaphore(%arg22 : memref<!tpu.dma_semaphore, #tpu.memory_space<semaphore_mem>>)
    %add3A_57 = arith.constant 5 : i32
    %add3A_58 = arith.addi %mul3A_2, %add3A_57 : i32
    %dma_start3A_59 = arith.constant 0 : i32
    %dma_start3A_60 = arith.constant 0 : i32
    %dma_start3A_61 = tpu.memref_slice %arg3[%add3A_58, %dma_start3A_59, %dma_start3A_60] : memref<4000x2x80xi32, #tpu.memory_space<hbm>> -> memref<1x2x80xi32, #tpu.memory_space<hbm>>
    %dma_start3A_62 = tpu.memref_squeeze %dma_start3A_61 : memref<1x2x80xi32, #tpu.memory_space<hbm>> -> memref<2x80xi32, #tpu.memory_space<hbm>>
    %dma_start3A_63 = arith.constant 0 : i32
    %dma_start3A_64 = arith.constant 0 : i32
    %dma_start3A_65 = tpu.memref_slice %arg3[%add3A_58, %dma_start3A_63, %dma_start3A_64] : memref<4000x2x80xi32, #tpu.memory_space<hbm>> -> memref<1x2x80xi32, #tpu.memory_space<hbm>>
    %dma_start3A_66 = tpu.memref_squeeze %dma_start3A_65 : memref<1x2x80xi32, #tpu.memory_space<hbm>> -> memref<2x80xi32, #tpu.memory_space<hbm>>
    tpu.enqueue_dma source(%dma_start3A_66 : memref<2x80xi32, #tpu.memory_space<hbm>>) target(%arg10 : memref<2x80xi32, #tpu.memory_space<vmem>>) target_semaphore(%arg23 : memref<!tpu.dma_semaphore, #tpu.memory_space<semaphore_mem>>)
    %add3A_67 = arith.constant 6 : i32
    %add3A_68 = arith.addi %mul3A_2, %add3A_67 : i32
    %dma_start3A_69 = arith.constant 0 : i32
    %dma_start3A_70 = arith.constant 0 : i32
    %dma_start3A_71 = tpu.memref_slice %arg3[%add3A_68, %dma_start3A_69, %dma_start3A_70] : memref<4000x2x80xi32, #tpu.memory_space<hbm>> -> memref<1x2x80xi32, #tpu.memory_space<hbm>>
    %dma_start3A_72 = tpu.memref_squeeze %dma_start3A_71 : memref<1x2x80xi32, #tpu.memory_space<hbm>> -> memref<2x80xi32, #tpu.memory_space<hbm>>
    %dma_start3A_73 = arith.constant 0 : i32
    %dma_start3A_74 = arith.constant 0 : i32
    %dma_start3A_75 = tpu.memref_slice %arg3[%add3A_68, %dma_start3A_73, %dma_start3A_74] : memref<4000x2x80xi32, #tpu.memory_space<hbm>> -> memref<1x2x80xi32, #tpu.memory_space<hbm>>
    %dma_start3A_76 = tpu.memref_squeeze %dma_start3A_75 : memref<1x2x80xi32, #tpu.memory_space<hbm>> -> memref<2x80xi32, #tpu.memory_space<hbm>>
    tpu.enqueue_dma source(%dma_start3A_76 : memref<2x80xi32, #tpu.memory_space<hbm>>) target(%arg11 : memref<2x80xi32, #tpu.memory_space<vmem>>) target_semaphore(%arg24 : memref<!tpu.dma_semaphore, #tpu.memory_space<semaphore_mem>>)
    %add3A_77 = arith.constant 7 : i32
    %add3A_78 = arith.addi %mul3A_2, %add3A_77 : i32
    %dma_start3A_79 = arith.constant 0 : i32
    %dma_start3A_80 = arith.constant 0 : i32
    %dma_start3A_81 = tpu.memref_slice %arg3[%add3A_78, %dma_start3A_79, %dma_start3A_80] : memref<4000x2x80xi32, #tpu.memory_space<hbm>> -> memref<1x2x80xi32, #tpu.memory_space<hbm>>
    %dma_start3A_82 = tpu.memref_squeeze %dma_start3A_81 : memref<1x2x80xi32, #tpu.memory_space<hbm>> -> memref<2x80xi32, #tpu.memory_space<hbm>>
    %dma_start3A_83 = arith.constant 0 : i32
    %dma_start3A_84 = arith.constant 0 : i32
    %dma_start3A_85 = tpu.memref_slice %arg3[%add3A_78, %dma_start3A_83, %dma_start3A_84] : memref<4000x2x80xi32, #tpu.memory_space<hbm>> -> memref<1x2x80xi32, #tpu.memory_space<hbm>>
    %dma_start3A_86 = tpu.memref_squeeze %dma_start3A_85 : memref<1x2x80xi32, #tpu.memory_space<hbm>> -> memref<2x80xi32, #tpu.memory_space<hbm>>
    tpu.enqueue_dma source(%dma_start3A_86 : memref<2x80xi32, #tpu.memory_space<hbm>>) target(%arg12 : memref<2x80xi32, #tpu.memory_space<vmem>>) target_semaphore(%arg25 : memref<!tpu.dma_semaphore, #tpu.memory_space<semaphore_mem>>)
    %scan3A_87 = arith.constant 0 : i32
    %scan3A_88 = arith.constant 0 : i32
    %scan3A_89 = arith.constant 8 : i32
    %scan3A_90 = arith.addi %scan3A_88, %scan3A_89 : i32
    %scan3A_91 = arith.constant 1 : i32
    scf.for %scan3A_229 = %scan3A_88 to %scan3A_90 step %scan3A_91  : i32 {
      %mul3A_230 = arith.constant 16 : i32
      %mul3A_231 = arith.muli %scan3A_229, %mul3A_230 : i32
      %add3A_232 = arith.addi %arg1, %mul3A_231 : i32
      %lt3A = arith.constant 125 : i32
      %lt3A_233 = arith.cmpi slt, %add3A_232, %lt3A : i32
      %convert_element_type3A = arith.extui %lt3A_233 : i1 to i32
      %cond3A = arith.constant 0 : i32
      %cond3A_234 = arith.cmpi ne, %convert_element_type3A, %cond3A : i32
      scf.if %cond3A_234 {
        %mul3A_235 = arith.constant 80 : i32
        %mul3A_236 = arith.muli %add3A_232, %mul3A_235 : i32
        "tpu.region"() ({
          %run_scoped3A_237 = tpu.sem_alloc : memref<!tpu.dma_semaphore, #tpu.memory_space<semaphore_mem>>
          %dma_start3A_238 = arith.constant 0 : i32
          %dma_start3A_239 = tpu.memref_slice %arg17[%mul3A_236, %dma_start3A_238] : memref<10000x128xf32, #tpu.memory_space<vmem_shared>> -> memref<80x128xf32, #tpu.memory_space<vmem_shared>>
          %dma_start3A_240 = arith.constant 0 : i32
          %dma_start3A_241 = tpu.memref_slice %arg17[%mul3A_236, %dma_start3A_240] : memref<10000x128xf32, #tpu.memory_space<vmem_shared>> -> memref<80x128xf32, #tpu.memory_space<vmem_shared>>
          tpu.enqueue_dma source(%arg13 : memref<80x128xf32, #tpu.memory_space<vmem>>) target(%dma_start3A_241 : memref<80x128xf32, #tpu.memory_space<vmem_shared>>) target_semaphore(%run_scoped3A_237 : memref<!tpu.dma_semaphore, #tpu.memory_space<semaphore_mem>>)
          %dma_wait3A_242 = arith.constant 0 : i32
          %dma_wait3A_243 = tpu.memref_slice %arg17[%mul3A_236, %dma_wait3A_242] : memref<10000x128xf32, #tpu.memory_space<vmem_shared>> -> memref<80x128xf32, #tpu.memory_space<vmem_shared>>
          %dma_wait3A_244 = arith.constant 0 : i32
          %dma_wait3A_245 = tpu.memref_slice %arg17[%mul3A_236, %dma_wait3A_244] : memref<10000x128xf32, #tpu.memory_space<vmem_shared>> -> memref<80x128xf32, #tpu.memory_space<vmem_shared>>
          tpu.wait_dma2 semaphore(%run_scoped3A_237 : memref<!tpu.dma_semaphore, #tpu.memory_space<semaphore_mem>>) src(%arg13 : memref<80x128xf32, #tpu.memory_space<vmem>>) dst(%dma_wait3A_245 : memref<80x128xf32, #tpu.memory_space<vmem_shared>>)
          tpu.yield
        }) : () -> ()
      } else {
      }
    }
    %scan3A_92 = arith.constant 8 : i32
    %barrier3A = arith.constant 0 : index
    tpu.barrier barrier_id(%barrier3A)
    %add3A_93 = arith.constant 0 : i32
    %add3A_94 = arith.addi %mul3A_2, %add3A_93 : i32
    %dma_wait3A = arith.constant 0 : i32
    %dma_wait3A_95 = arith.constant 0 : i32
    %dma_wait3A_96 = tpu.memref_slice %arg3[%add3A_94, %dma_wait3A, %dma_wait3A_95] : memref<4000x2x80xi32, #tpu.memory_space<hbm>> -> memref<1x2x80xi32, #tpu.memory_space<hbm>>
    %dma_wait3A_97 = tpu.memref_squeeze %dma_wait3A_96 : memref<1x2x80xi32, #tpu.memory_space<hbm>> -> memref<2x80xi32, #tpu.memory_space<hbm>>
    %dma_wait3A_98 = arith.constant 0 : i32
    %dma_wait3A_99 = arith.constant 0 : i32
    %dma_wait3A_100 = tpu.memref_slice %arg3[%add3A_94, %dma_wait3A_98, %dma_wait3A_99] : memref<4000x2x80xi32, #tpu.memory_space<hbm>> -> memref<1x2x80xi32, #tpu.memory_space<hbm>>
    %dma_wait3A_101 = tpu.memref_squeeze %dma_wait3A_100 : memref<1x2x80xi32, #tpu.memory_space<hbm>> -> memref<2x80xi32, #tpu.memory_space<hbm>>
    tpu.wait_dma2 semaphore(%arg18 : memref<!tpu.dma_semaphore, #tpu.memory_space<semaphore_mem>>) src(%dma_wait3A_101 : memref<2x80xi32, #tpu.memory_space<hbm>>) dst(%arg5 : memref<2x80xi32, #tpu.memory_space<vmem>>)
    %dma_start3A_102 = arith.constant 0 : i32
    %dma_start3A_103 = arith.constant 0 : i32
    %dma_start3A_104 = tpu.memref_slice %arg5[%dma_start3A_102, %dma_start3A_103] : memref<2x80xi32, #tpu.memory_space<vmem>> -> memref<1x80xi32, #tpu.memory_space<vmem>>
    %dma_start3A_105 = tpu.memref_squeeze %dma_start3A_104 : memref<1x80xi32, #tpu.memory_space<vmem>> -> memref<80xi32, #tpu.memory_space<vmem>>
    %dma_start3A_106 = arith.constant 0 : i32
    %dma_start3A_107 = arith.constant 0 : i32
    %dma_start3A_108 = tpu.memref_slice %arg2[%dma_start3A_106, %dma_start3A_107] : memref<10000x128xf32, #tpu.memory_space<hbm>> -> memref<10000x128xf32, #tpu.memory_space<hbm>>
    tpu.enqueue_indirect_dma source(%dma_start3A_108 : memref<10000x128xf32, #tpu.memory_space<hbm>>) target(%arg13 : memref<80x128xf32, #tpu.memory_space<vmem>>) offsets(%dma_start3A_105 : memref<80xi32, #tpu.memory_space<vmem>>) semaphore(%arg26 : memref<!tpu.dma_semaphore, #tpu.memory_space<semaphore_mem>>)
    %add3A_109 = arith.constant 1 : i32
    %add3A_110 = arith.addi %mul3A_2, %add3A_109 : i32
    %dma_wait3A_111 = arith.constant 0 : i32
    %dma_wait3A_112 = arith.constant 0 : i32
    %dma_wait3A_113 = tpu.memref_slice %arg3[%add3A_110, %dma_wait3A_111, %dma_wait3A_112] : memref<4000x2x80xi32, #tpu.memory_space<hbm>> -> memref<1x2x80xi32, #tpu.memory_space<hbm>>
    %dma_wait3A_114 = tpu.memref_squeeze %dma_wait3A_113 : memref<1x2x80xi32, #tpu.memory_space<hbm>> -> memref<2x80xi32, #tpu.memory_space<hbm>>
    %dma_wait3A_115 = arith.constant 0 : i32
    %dma_wait3A_116 = arith.constant 0 : i32
    %dma_wait3A_117 = tpu.memref_slice %arg3[%add3A_110, %dma_wait3A_115, %dma_wait3A_116] : memref<4000x2x80xi32, #tpu.memory_space<hbm>> -> memref<1x2x80xi32, #tpu.memory_space<hbm>>
    %dma_wait3A_118 = tpu.memref_squeeze %dma_wait3A_117 : memref<1x2x80xi32, #tpu.memory_space<hbm>> -> memref<2x80xi32, #tpu.memory_space<hbm>>
    tpu.wait_dma2 semaphore(%arg19 : memref<!tpu.dma_semaphore, #tpu.memory_space<semaphore_mem>>) src(%dma_wait3A_118 : memref<2x80xi32, #tpu.memory_space<hbm>>) dst(%arg6 : memref<2x80xi32, #tpu.memory_space<vmem>>)
    %dma_start3A_119 = arith.constant 0 : i32
    %dma_start3A_120 = arith.constant 0 : i32
    %dma_start3A_121 = tpu.memref_slice %arg6[%dma_start3A_119, %dma_start3A_120] : memref<2x80xi32, #tpu.memory_space<vmem>> -> memref<1x80xi32, #tpu.memory_space<vmem>>
    %dma_start3A_122 = tpu.memref_squeeze %dma_start3A_121 : memref<1x80xi32, #tpu.memory_space<vmem>> -> memref<80xi32, #tpu.memory_space<vmem>>
    %dma_start3A_123 = arith.constant 0 : i32
    %dma_start3A_124 = arith.constant 0 : i32
    %dma_start3A_125 = tpu.memref_slice %arg2[%dma_start3A_123, %dma_start3A_124] : memref<10000x128xf32, #tpu.memory_space<hbm>> -> memref<10000x128xf32, #tpu.memory_space<hbm>>
    tpu.enqueue_indirect_dma source(%dma_start3A_125 : memref<10000x128xf32, #tpu.memory_space<hbm>>) target(%arg14 : memref<80x128xf32, #tpu.memory_space<vmem>>) offsets(%dma_start3A_122 : memref<80xi32, #tpu.memory_space<vmem>>) semaphore(%arg27 : memref<!tpu.dma_semaphore, #tpu.memory_space<semaphore_mem>>)
    %add3A_126 = arith.constant 2 : i32
    %add3A_127 = arith.addi %mul3A_2, %add3A_126 : i32
    %dma_wait3A_128 = arith.constant 0 : i32
    %dma_wait3A_129 = arith.constant 0 : i32
    %dma_wait3A_130 = tpu.memref_slice %arg3[%add3A_127, %dma_wait3A_128, %dma_wait3A_129] : memref<4000x2x80xi32, #tpu.memory_space<hbm>> -> memref<1x2x80xi32, #tpu.memory_space<hbm>>
    %dma_wait3A_131 = tpu.memref_squeeze %dma_wait3A_130 : memref<1x2x80xi32, #tpu.memory_space<hbm>> -> memref<2x80xi32, #tpu.memory_space<hbm>>
    %dma_wait3A_132 = arith.constant 0 : i32
    %dma_wait3A_133 = arith.constant 0 : i32
    %dma_wait3A_134 = tpu.memref_slice %arg3[%add3A_127, %dma_wait3A_132, %dma_wait3A_133] : memref<4000x2x80xi32, #tpu.memory_space<hbm>> -> memref<1x2x80xi32, #tpu.memory_space<hbm>>
    %dma_wait3A_135 = tpu.memref_squeeze %dma_wait3A_134 : memref<1x2x80xi32, #tpu.memory_space<hbm>> -> memref<2x80xi32, #tpu.memory_space<hbm>>
    tpu.wait_dma2 semaphore(%arg20 : memref<!tpu.dma_semaphore, #tpu.memory_space<semaphore_mem>>) src(%dma_wait3A_135 : memref<2x80xi32, #tpu.memory_space<hbm>>) dst(%arg7 : memref<2x80xi32, #tpu.memory_space<vmem>>)
    %dma_start3A_136 = arith.constant 0 : i32
    %dma_start3A_137 = arith.constant 0 : i32
    %dma_start3A_138 = tpu.memref_slice %arg7[%dma_start3A_136, %dma_start3A_137] : memref<2x80xi32, #tpu.memory_space<vmem>> -> memref<1x80xi32, #tpu.memory_space<vmem>>
    %dma_start3A_139 = tpu.memref_squeeze %dma_start3A_138 : memref<1x80xi32, #tpu.memory_space<vmem>> -> memref<80xi32, #tpu.memory_space<vmem>>
    %dma_start3A_140 = arith.constant 0 : i32
    %dma_start3A_141 = arith.constant 0 : i32
    %dma_start3A_142 = tpu.memref_slice %arg2[%dma_start3A_140, %dma_start3A_141] : memref<10000x128xf32, #tpu.memory_space<hbm>> -> memref<10000x128xf32, #tpu.memory_space<hbm>>
    tpu.enqueue_indirect_dma source(%dma_start3A_142 : memref<10000x128xf32, #tpu.memory_space<hbm>>) target(%arg15 : memref<80x128xf32, #tpu.memory_space<vmem>>) offsets(%dma_start3A_139 : memref<80xi32, #tpu.memory_space<vmem>>) semaphore(%arg28 : memref<!tpu.dma_semaphore, #tpu.memory_space<semaphore_mem>>)
    %add3A_143 = arith.constant 3 : i32
    %add3A_144 = arith.addi %mul3A_2, %add3A_143 : i32
    %dma_wait3A_145 = arith.constant 0 : i32
    %dma_wait3A_146 = arith.constant 0 : i32
    %dma_wait3A_147 = tpu.memref_slice %arg3[%add3A_144, %dma_wait3A_145, %dma_wait3A_146] : memref<4000x2x80xi32, #tpu.memory_space<hbm>> -> memref<1x2x80xi32, #tpu.memory_space<hbm>>
    %dma_wait3A_148 = tpu.memref_squeeze %dma_wait3A_147 : memref<1x2x80xi32, #tpu.memory_space<hbm>> -> memref<2x80xi32, #tpu.memory_space<hbm>>
    %dma_wait3A_149 = arith.constant 0 : i32
    %dma_wait3A_150 = arith.constant 0 : i32
    %dma_wait3A_151 = tpu.memref_slice %arg3[%add3A_144, %dma_wait3A_149, %dma_wait3A_150] : memref<4000x2x80xi32, #tpu.memory_space<hbm>> -> memref<1x2x80xi32, #tpu.memory_space<hbm>>
    %dma_wait3A_152 = tpu.memref_squeeze %dma_wait3A_151 : memref<1x2x80xi32, #tpu.memory_space<hbm>> -> memref<2x80xi32, #tpu.memory_space<hbm>>
    tpu.wait_dma2 semaphore(%arg21 : memref<!tpu.dma_semaphore, #tpu.memory_space<semaphore_mem>>) src(%dma_wait3A_152 : memref<2x80xi32, #tpu.memory_space<hbm>>) dst(%arg8 : memref<2x80xi32, #tpu.memory_space<vmem>>)
    %dma_start3A_153 = arith.constant 0 : i32
    %dma_start3A_154 = arith.constant 0 : i32
    %dma_start3A_155 = tpu.memref_slice %arg8[%dma_start3A_153, %dma_start3A_154] : memref<2x80xi32, #tpu.memory_space<vmem>> -> memref<1x80xi32, #tpu.memory_space<vmem>>
    %dma_start3A_156 = tpu.memref_squeeze %dma_start3A_155 : memref<1x80xi32, #tpu.memory_space<vmem>> -> memref<80xi32, #tpu.memory_space<vmem>>
    %dma_start3A_157 = arith.constant 0 : i32
    %dma_start3A_158 = arith.constant 0 : i32
    %dma_start3A_159 = tpu.memref_slice %arg2[%dma_start3A_157, %dma_start3A_158] : memref<10000x128xf32, #tpu.memory_space<hbm>> -> memref<10000x128xf32, #tpu.memory_space<hbm>>
    tpu.enqueue_indirect_dma source(%dma_start3A_159 : memref<10000x128xf32, #tpu.memory_space<hbm>>) target(%arg16 : memref<80x128xf32, #tpu.memory_space<vmem>>) offsets(%dma_start3A_156 : memref<80xi32, #tpu.memory_space<vmem>>) semaphore(%arg29 : memref<!tpu.dma_semaphore, #tpu.memory_space<semaphore_mem>>)
    %scan3A_160 = arith.constant 0 : i32
    %scan3A_161 = arith.constant 0 : i32
    %scan3A_162 = arith.constant 15 : i32
    %scan3A_163 = arith.addi %scan3A_161, %scan3A_162 : i32
    %scan3A_164 = arith.constant 1 : i32
    scf.for %scan3A_229 = %scan3A_161 to %scan3A_163 step %scan3A_164  : i32 {
      %mul3A_230 = arith.constant 8 : i32
      %mul3A_231 = arith.muli %scan3A_229, %mul3A_230 : i32
      %add3A_232 = arith.constant 0 : i32
      %add3A_233 = arith.addi %mul3A_231, %add3A_232 : i32
      %dma_wait3A_234 = arith.constant 0 : i32
      %dma_wait3A_235 = arith.constant 0 : i32
      %dma_wait3A_236 = tpu.memref_slice %arg5[%dma_wait3A_234, %dma_wait3A_235] : memref<2x80xi32, #tpu.memory_space<vmem>> -> memref<1x80xi32, #tpu.memory_space<vmem>>
      %dma_wait3A_237 = tpu.memref_squeeze %dma_wait3A_236 : memref<1x80xi32, #tpu.memory_space<vmem>> -> memref<80xi32, #tpu.memory_space<vmem>>
      %dma_wait3A_238 = arith.constant 0 : i32
      %dma_wait3A_239 = arith.constant 0 : i32
      %dma_wait3A_240 = tpu.memref_slice %arg2[%dma_wait3A_238, %dma_wait3A_239] : memref<10000x128xf32, #tpu.memory_space<hbm>> -> memref<10000x128xf32, #tpu.memory_space<hbm>>
      tpu.wait_indirect_dma semaphore(%arg26 : memref<!tpu.dma_semaphore, #tpu.memory_space<semaphore_mem>>) src(%dma_wait3A_240 : memref<10000x128xf32, #tpu.memory_space<hbm>>) dst(%arg13 : memref<80x128xf32, #tpu.memory_space<vmem>>)
      %run_scoped3A_241 = arith.constant 1 : i32
      "tpu.region"() ({
        %run_scoped3A_435 = tpu.sem_alloc : memref<!tpu.dma_semaphore, #tpu.memory_space<semaphore_mem>>
        %dma_start3A_436 = arith.constant 0 : i32
        %dma_start3A_437 = tpu.memref_slice %arg5[%run_scoped3A_241, %dma_start3A_436] : memref<2x80xi32, #tpu.memory_space<vmem>> -> memref<1x80xi32, #tpu.memory_space<vmem>>
        %dma_start3A_438 = tpu.memref_squeeze %dma_start3A_437 : memref<1x80xi32, #tpu.memory_space<vmem>> -> memref<80xi32, #tpu.memory_space<vmem>>
        %dma_start3A_439 = arith.constant 0 : i32
        %dma_start3A_440 = arith.constant 0 : i32
        %dma_start3A_441 = tpu.memref_slice %arg17[%dma_start3A_439, %dma_start3A_440] : memref<10000x128xf32, #tpu.memory_space<vmem_shared>> -> memref<10000x128xf32, #tpu.memory_space<vmem_shared>>
        tpu.enqueue_indirect_dma source(%arg13 : memref<80x128xf32, #tpu.memory_space<vmem>>) target(%dma_start3A_441 : memref<10000x128xf32, #tpu.memory_space<vmem_shared>>) offsets(%dma_start3A_438 : memref<80xi32, #tpu.memory_space<vmem>>) semaphore(%run_scoped3A_435 : memref<!tpu.dma_semaphore, #tpu.memory_space<semaphore_mem>>) {add = true}
        %dma_wait3A_442 = arith.constant 0 : i32
        %dma_wait3A_443 = tpu.memref_slice %arg5[%run_scoped3A_241, %dma_wait3A_442] : memref<2x80xi32, #tpu.memory_space<vmem>> -> memref<1x80xi32, #tpu.memory_space<vmem>>
        %dma_wait3A_444 = tpu.memref_squeeze %dma_wait3A_443 : memref<1x80xi32, #tpu.memory_space<vmem>> -> memref<80xi32, #tpu.memory_space<vmem>>
        %dma_wait3A_445 = arith.constant 0 : i32
        %dma_wait3A_446 = arith.constant 0 : i32
        %dma_wait3A_447 = tpu.memref_slice %arg17[%dma_wait3A_445, %dma_wait3A_446] : memref<10000x128xf32, #tpu.memory_space<vmem_shared>> -> memref<10000x128xf32, #tpu.memory_space<vmem_shared>>
        tpu.wait_indirect_dma semaphore(%run_scoped3A_435 : memref<!tpu.dma_semaphore, #tpu.memory_space<semaphore_mem>>) src(%arg13 : memref<80x128xf32, #tpu.memory_space<vmem>>) dst(%dma_wait3A_447 : memref<10000x128xf32, #tpu.memory_space<vmem_shared>>)
        tpu.yield
      }) : () -> ()
      %add3A_242 = arith.constant 8 : i32
      %add3A_243 = arith.addi %add3A_233, %add3A_242 : i32
      %lt3A = arith.constant 125 : i32
      %lt3A_244 = arith.cmpi slt, %add3A_243, %lt3A : i32
      %convert_element_type3A = arith.extui %lt3A_244 : i1 to i32
      %cond3A = arith.constant 0 : i32
      %cond3A_245 = arith.cmpi ne, %convert_element_type3A, %cond3A : i32
      scf.if %cond3A_245 {
        %add3A_435 = arith.constant 8 : i32
        %add3A_436 = arith.addi %add3A_233, %add3A_435 : i32
        %add3A_437 = arith.addi %mul3A_2, %add3A_436 : i32
        %dma_start3A_438 = arith.constant 0 : i32
        %dma_start3A_439 = arith.constant 0 : i32
        %dma_start3A_440 = tpu.memref_slice %arg3[%add3A_437, %dma_start3A_438, %dma_start3A_439] : memref<4000x2x80xi32, #tpu.memory_space<hbm>> -> memref<1x2x80xi32, #tpu.memory_space<hbm>>
        %dma_start3A_441 = tpu.memref_squeeze %dma_start3A_440 : memref<1x2x80xi32, #tpu.memory_space<hbm>> -> memref<2x80xi32, #tpu.memory_space<hbm>>
        %dma_start3A_442 = arith.constant 0 : i32
        %dma_start3A_443 = arith.constant 0 : i32
        %dma_start3A_444 = tpu.memref_slice %arg3[%add3A_437, %dma_start3A_442, %dma_start3A_443] : memref<4000x2x80xi32, #tpu.memory_space<hbm>> -> memref<1x2x80xi32, #tpu.memory_space<hbm>>
        %dma_start3A_445 = tpu.memref_squeeze %dma_start3A_444 : memref<1x2x80xi32, #tpu.memory_space<hbm>> -> memref<2x80xi32, #tpu.memory_space<hbm>>
        tpu.enqueue_dma source(%dma_start3A_445 : memref<2x80xi32, #tpu.memory_space<hbm>>) target(%arg5 : memref<2x80xi32, #tpu.memory_space<vmem>>) target_semaphore(%arg18 : memref<!tpu.dma_semaphore, #tpu.memory_space<semaphore_mem>>)
      } else {
      }
      %add3A_246 = arith.constant 4 : i32
      %add3A_247 = arith.addi %add3A_233, %add3A_246 : i32
      %lt3A_248 = arith.constant 125 : i32
      %lt3A_249 = arith.cmpi slt, %add3A_247, %lt3A_248 : i32
      %convert_element_type3A_250 = arith.extui %lt3A_249 : i1 to i32
      %cond3A_251 = arith.constant 0 : i32
      %cond3A_252 = arith.cmpi ne, %convert_element_type3A_250, %cond3A_251 : i32
      scf.if %cond3A_252 {
        %add3A_435 = arith.constant 4 : i32
        %add3A_436 = arith.addi %add3A_233, %add3A_435 : i32
        %add3A_437 = arith.addi %mul3A_2, %add3A_436 : i32
        %dma_wait3A_438 = arith.constant 0 : i32
        %dma_wait3A_439 = arith.constant 0 : i32
        %dma_wait3A_440 = tpu.memref_slice %arg3[%add3A_437, %dma_wait3A_438, %dma_wait3A_439] : memref<4000x2x80xi32, #tpu.memory_space<hbm>> -> memref<1x2x80xi32, #tpu.memory_space<hbm>>
        %dma_wait3A_441 = tpu.memref_squeeze %dma_wait3A_440 : memref<1x2x80xi32, #tpu.memory_space<hbm>> -> memref<2x80xi32, #tpu.memory_space<hbm>>
        %dma_wait3A_442 = arith.constant 0 : i32
        %dma_wait3A_443 = arith.constant 0 : i32
        %dma_wait3A_444 = tpu.memref_slice %arg3[%add3A_437, %dma_wait3A_442, %dma_wait3A_443] : memref<4000x2x80xi32, #tpu.memory_space<hbm>> -> memref<1x2x80xi32, #tpu.memory_space<hbm>>
        %dma_wait3A_445 = tpu.memref_squeeze %dma_wait3A_444 : memref<1x2x80xi32, #tpu.memory_space<hbm>> -> memref<2x80xi32, #tpu.memory_space<hbm>>
        tpu.wait_dma2 semaphore(%arg22 : memref<!tpu.dma_semaphore, #tpu.memory_space<semaphore_mem>>) src(%dma_wait3A_445 : memref<2x80xi32, #tpu.memory_space<hbm>>) dst(%arg9 : memref<2x80xi32, #tpu.memory_space<vmem>>)
        %dma_start3A_446 = arith.constant 0 : i32
        %dma_start3A_447 = arith.constant 0 : i32
        %dma_start3A_448 = tpu.memref_slice %arg9[%dma_start3A_446, %dma_start3A_447] : memref<2x80xi32, #tpu.memory_space<vmem>> -> memref<1x80xi32, #tpu.memory_space<vmem>>
        %dma_start3A_449 = tpu.memref_squeeze %dma_start3A_448 : memref<1x80xi32, #tpu.memory_space<vmem>> -> memref<80xi32, #tpu.memory_space<vmem>>
        %dma_start3A_450 = arith.constant 0 : i32
        %dma_start3A_451 = arith.constant 0 : i32
        %dma_start3A_452 = tpu.memref_slice %arg2[%dma_start3A_450, %dma_start3A_451] : memref<10000x128xf32, #tpu.memory_space<hbm>> -> memref<10000x128xf32, #tpu.memory_space<hbm>>
        tpu.enqueue_indirect_dma source(%dma_start3A_452 : memref<10000x128xf32, #tpu.memory_space<hbm>>) target(%arg13 : memref<80x128xf32, #tpu.memory_space<vmem>>) offsets(%dma_start3A_449 : memref<80xi32, #tpu.memory_space<vmem>>) semaphore(%arg26 : memref<!tpu.dma_semaphore, #tpu.memory_space<semaphore_mem>>)
      } else {
      }
      %mul3A_253 = arith.constant 8 : i32
      %mul3A_254 = arith.muli %scan3A_229, %mul3A_253 : i32
      %add3A_255 = arith.constant 1 : i32
      %add3A_256 = arith.addi %mul3A_254, %add3A_255 : i32
      %dma_wait3A_257 = arith.constant 0 : i32
      %dma_wait3A_258 = arith.constant 0 : i32
      %dma_wait3A_259 = tpu.memref_slice %arg6[%dma_wait3A_257, %dma_wait3A_258] : memref<2x80xi32, #tpu.memory_space<vmem>> -> memref<1x80xi32, #tpu.memory_space<vmem>>
      %dma_wait3A_260 = tpu.memref_squeeze %dma_wait3A_259 : memref<1x80xi32, #tpu.memory_space<vmem>> -> memref<80xi32, #tpu.memory_space<vmem>>
      %dma_wait3A_261 = arith.constant 0 : i32
      %dma_wait3A_262 = arith.constant 0 : i32
      %dma_wait3A_263 = tpu.memref_slice %arg2[%dma_wait3A_261, %dma_wait3A_262] : memref<10000x128xf32, #tpu.memory_space<hbm>> -> memref<10000x128xf32, #tpu.memory_space<hbm>>
      tpu.wait_indirect_dma semaphore(%arg27 : memref<!tpu.dma_semaphore, #tpu.memory_space<semaphore_mem>>) src(%dma_wait3A_263 : memref<10000x128xf32, #tpu.memory_space<hbm>>) dst(%arg14 : memref<80x128xf32, #tpu.memory_space<vmem>>)
      %run_scoped3A_264 = arith.constant 1 : i32
      "tpu.region"() ({
        %run_scoped3A_435 = tpu.sem_alloc : memref<!tpu.dma_semaphore, #tpu.memory_space<semaphore_mem>>
        %dma_start3A_436 = arith.constant 0 : i32
        %dma_start3A_437 = tpu.memref_slice %arg6[%run_scoped3A_264, %dma_start3A_436] : memref<2x80xi32, #tpu.memory_space<vmem>> -> memref<1x80xi32, #tpu.memory_space<vmem>>
        %dma_start3A_438 = tpu.memref_squeeze %dma_start3A_437 : memref<1x80xi32, #tpu.memory_space<vmem>> -> memref<80xi32, #tpu.memory_space<vmem>>
        %dma_start3A_439 = arith.constant 0 : i32
        %dma_start3A_440 = arith.constant 0 : i32
        %dma_start3A_441 = tpu.memref_slice %arg17[%dma_start3A_439, %dma_start3A_440] : memref<10000x128xf32, #tpu.memory_space<vmem_shared>> -> memref<10000x128xf32, #tpu.memory_space<vmem_shared>>
        tpu.enqueue_indirect_dma source(%arg14 : memref<80x128xf32, #tpu.memory_space<vmem>>) target(%dma_start3A_441 : memref<10000x128xf32, #tpu.memory_space<vmem_shared>>) offsets(%dma_start3A_438 : memref<80xi32, #tpu.memory_space<vmem>>) semaphore(%run_scoped3A_435 : memref<!tpu.dma_semaphore, #tpu.memory_space<semaphore_mem>>) {add = true}
        %dma_wait3A_442 = arith.constant 0 : i32
        %dma_wait3A_443 = tpu.memref_slice %arg6[%run_scoped3A_264, %dma_wait3A_442] : memref<2x80xi32, #tpu.memory_space<vmem>> -> memref<1x80xi32, #tpu.memory_space<vmem>>
        %dma_wait3A_444 = tpu.memref_squeeze %dma_wait3A_443 : memref<1x80xi32, #tpu.memory_space<vmem>> -> memref<80xi32, #tpu.memory_space<vmem>>
        %dma_wait3A_445 = arith.constant 0 : i32
        %dma_wait3A_446 = arith.constant 0 : i32
        %dma_wait3A_447 = tpu.memref_slice %arg17[%dma_wait3A_445, %dma_wait3A_446] : memref<10000x128xf32, #tpu.memory_space<vmem_shared>> -> memref<10000x128xf32, #tpu.memory_space<vmem_shared>>
        tpu.wait_indirect_dma semaphore(%run_scoped3A_435 : memref<!tpu.dma_semaphore, #tpu.memory_space<semaphore_mem>>) src(%arg14 : memref<80x128xf32, #tpu.memory_space<vmem>>) dst(%dma_wait3A_447 : memref<10000x128xf32, #tpu.memory_space<vmem_shared>>)
        tpu.yield
      }) : () -> ()
      %add3A_265 = arith.constant 8 : i32
      %add3A_266 = arith.addi %add3A_256, %add3A_265 : i32
      %lt3A_267 = arith.constant 125 : i32
      %lt3A_268 = arith.cmpi slt, %add3A_266, %lt3A_267 : i32
      %convert_element_type3A_269 = arith.extui %lt3A_268 : i1 to i32
      %cond3A_270 = arith.constant 0 : i32
      %cond3A_271 = arith.cmpi ne, %convert_element_type3A_269, %cond3A_270 : i32
      scf.if %cond3A_271 {
        %add3A_435 = arith.constant 8 : i32
        %add3A_436 = arith.addi %add3A_256, %add3A_435 : i32
        %add3A_437 = arith.addi %mul3A_2, %add3A_436 : i32
        %dma_start3A_438 = arith.constant 0 : i32
        %dma_start3A_439 = arith.constant 0 : i32
        %dma_start3A_440 = tpu.memref_slice %arg3[%add3A_437, %dma_start3A_438, %dma_start3A_439] : memref<4000x2x80xi32, #tpu.memory_space<hbm>> -> memref<1x2x80xi32, #tpu.memory_space<hbm>>
        %dma_start3A_441 = tpu.memref_squeeze %dma_start3A_440 : memref<1x2x80xi32, #tpu.memory_space<hbm>> -> memref<2x80xi32, #tpu.memory_space<hbm>>
        %dma_start3A_442 = arith.constant 0 : i32
        %dma_start3A_443 = arith.constant 0 : i32
        %dma_start3A_444 = tpu.memref_slice %arg3[%add3A_437, %dma_start3A_442, %dma_start3A_443] : memref<4000x2x80xi32, #tpu.memory_space<hbm>> -> memref<1x2x80xi32, #tpu.memory_space<hbm>>
        %dma_start3A_445 = tpu.memref_squeeze %dma_start3A_444 : memref<1x2x80xi32, #tpu.memory_space<hbm>> -> memref<2x80xi32, #tpu.memory_space<hbm>>
        tpu.enqueue_dma source(%dma_start3A_445 : memref<2x80xi32, #tpu.memory_space<hbm>>) target(%arg6 : memref<2x80xi32, #tpu.memory_space<vmem>>) target_semaphore(%arg19 : memref<!tpu.dma_semaphore, #tpu.memory_space<semaphore_mem>>)
      } else {
      }
      %add3A_272 = arith.constant 4 : i32
      %add3A_273 = arith.addi %add3A_256, %add3A_272 : i32
      %lt3A_274 = arith.constant 125 : i32
      %lt3A_275 = arith.cmpi slt, %add3A_273, %lt3A_274 : i32
      %convert_element_type3A_276 = arith.extui %lt3A_275 : i1 to i32
      %cond3A_277 = arith.constant 0 : i32
      %cond3A_278 = arith.cmpi ne, %convert_element_type3A_276, %cond3A_277 : i32
      scf.if %cond3A_278 {
        %add3A_435 = arith.constant 4 : i32
        %add3A_436 = arith.addi %add3A_256, %add3A_435 : i32
        %add3A_437 = arith.addi %mul3A_2, %add3A_436 : i32
        %dma_wait3A_438 = arith.constant 0 : i32
        %dma_wait3A_439 = arith.constant 0 : i32
        %dma_wait3A_440 = tpu.memref_slice %arg3[%add3A_437, %dma_wait3A_438, %dma_wait3A_439] : memref<4000x2x80xi32, #tpu.memory_space<hbm>> -> memref<1x2x80xi32, #tpu.memory_space<hbm>>
        %dma_wait3A_441 = tpu.memref_squeeze %dma_wait3A_440 : memref<1x2x80xi32, #tpu.memory_space<hbm>> -> memref<2x80xi32, #tpu.memory_space<hbm>>
        %dma_wait3A_442 = arith.constant 0 : i32
        %dma_wait3A_443 = arith.constant 0 : i32
        %dma_wait3A_444 = tpu.memref_slice %arg3[%add3A_437, %dma_wait3A_442, %dma_wait3A_443] : memref<4000x2x80xi32, #tpu.memory_space<hbm>> -> memref<1x2x80xi32, #tpu.memory_space<hbm>>
        %dma_wait3A_445 = tpu.memref_squeeze %dma_wait3A_444 : memref<1x2x80xi32, #tpu.memory_space<hbm>> -> memref<2x80xi32, #tpu.memory_space<hbm>>
        tpu.wait_dma2 semaphore(%arg23 : memref<!tpu.dma_semaphore, #tpu.memory_space<semaphore_mem>>) src(%dma_wait3A_445 : memref<2x80xi32, #tpu.memory_space<hbm>>) dst(%arg10 : memref<2x80xi32, #tpu.memory_space<vmem>>)
        %dma_start3A_446 = arith.constant 0 : i32
        %dma_start3A_447 = arith.constant 0 : i32
        %dma_start3A_448 = tpu.memref_slice %arg10[%dma_start3A_446, %dma_start3A_447] : memref<2x80xi32, #tpu.memory_space<vmem>> -> memref<1x80xi32, #tpu.memory_space<vmem>>
        %dma_start3A_449 = tpu.memref_squeeze %dma_start3A_448 : memref<1x80xi32, #tpu.memory_space<vmem>> -> memref<80xi32, #tpu.memory_space<vmem>>
        %dma_start3A_450 = arith.constant 0 : i32
        %dma_start3A_451 = arith.constant 0 : i32
        %dma_start3A_452 = tpu.memref_slice %arg2[%dma_start3A_450, %dma_start3A_451] : memref<10000x128xf32, #tpu.memory_space<hbm>> -> memref<10000x128xf32, #tpu.memory_space<hbm>>
        tpu.enqueue_indirect_dma source(%dma_start3A_452 : memref<10000x128xf32, #tpu.memory_space<hbm>>) target(%arg14 : memref<80x128xf32, #tpu.memory_space<vmem>>) offsets(%dma_start3A_449 : memref<80xi32, #tpu.memory_space<vmem>>) semaphore(%arg27 : memref<!tpu.dma_semaphore, #tpu.memory_space<semaphore_mem>>)
      } else {
      }
      %mul3A_279 = arith.constant 8 : i32
      %mul3A_280 = arith.muli %scan3A_229, %mul3A_279 : i32
      %add3A_281 = arith.constant 2 : i32
      %add3A_282 = arith.addi %mul3A_280, %add3A_281 : i32
      %dma_wait3A_283 = arith.constant 0 : i32
      %dma_wait3A_284 = arith.constant 0 : i32
      %dma_wait3A_285 = tpu.memref_slice %arg7[%dma_wait3A_283, %dma_wait3A_284] : memref<2x80xi32, #tpu.memory_space<vmem>> -> memref<1x80xi32, #tpu.memory_space<vmem>>
      %dma_wait3A_286 = tpu.memref_squeeze %dma_wait3A_285 : memref<1x80xi32, #tpu.memory_space<vmem>> -> memref<80xi32, #tpu.memory_space<vmem>>
      %dma_wait3A_287 = arith.constant 0 : i32
      %dma_wait3A_288 = arith.constant 0 : i32
      %dma_wait3A_289 = tpu.memref_slice %arg2[%dma_wait3A_287, %dma_wait3A_288] : memref<10000x128xf32, #tpu.memory_space<hbm>> -> memref<10000x128xf32, #tpu.memory_space<hbm>>
      tpu.wait_indirect_dma semaphore(%arg28 : memref<!tpu.dma_semaphore, #tpu.memory_space<semaphore_mem>>) src(%dma_wait3A_289 : memref<10000x128xf32, #tpu.memory_space<hbm>>) dst(%arg15 : memref<80x128xf32, #tpu.memory_space<vmem>>)
      %run_scoped3A_290 = arith.constant 1 : i32
      "tpu.region"() ({
        %run_scoped3A_435 = tpu.sem_alloc : memref<!tpu.dma_semaphore, #tpu.memory_space<semaphore_mem>>
        %dma_start3A_436 = arith.constant 0 : i32
        %dma_start3A_437 = tpu.memref_slice %arg7[%run_scoped3A_290, %dma_start3A_436] : memref<2x80xi32, #tpu.memory_space<vmem>> -> memref<1x80xi32, #tpu.memory_space<vmem>>
        %dma_start3A_438 = tpu.memref_squeeze %dma_start3A_437 : memref<1x80xi32, #tpu.memory_space<vmem>> -> memref<80xi32, #tpu.memory_space<vmem>>
        %dma_start3A_439 = arith.constant 0 : i32
        %dma_start3A_440 = arith.constant 0 : i32
        %dma_start3A_441 = tpu.memref_slice %arg17[%dma_start3A_439, %dma_start3A_440] : memref<10000x128xf32, #tpu.memory_space<vmem_shared>> -> memref<10000x128xf32, #tpu.memory_space<vmem_shared>>
        tpu.enqueue_indirect_dma source(%arg15 : memref<80x128xf32, #tpu.memory_space<vmem>>) target(%dma_start3A_441 : memref<10000x128xf32, #tpu.memory_space<vmem_shared>>) offsets(%dma_start3A_438 : memref<80xi32, #tpu.memory_space<vmem>>) semaphore(%run_scoped3A_435 : memref<!tpu.dma_semaphore, #tpu.memory_space<semaphore_mem>>) {add = true}
        %dma_wait3A_442 = arith.constant 0 : i32
        %dma_wait3A_443 = tpu.memref_slice %arg7[%run_scoped3A_290, %dma_wait3A_442] : memref<2x80xi32, #tpu.memory_space<vmem>> -> memref<1x80xi32, #tpu.memory_space<vmem>>
        %dma_wait3A_444 = tpu.memref_squeeze %dma_wait3A_443 : memref<1x80xi32, #tpu.memory_space<vmem>> -> memref<80xi32, #tpu.memory_space<vmem>>
        %dma_wait3A_445 = arith.constant 0 : i32
        %dma_wait3A_446 = arith.constant 0 : i32
        %dma_wait3A_447 = tpu.memref_slice %arg17[%dma_wait3A_445, %dma_wait3A_446] : memref<10000x128xf32, #tpu.memory_space<vmem_shared>> -> memref<10000x128xf32, #tpu.memory_space<vmem_shared>>
        tpu.wait_indirect_dma semaphore(%run_scoped3A_435 : memref<!tpu.dma_semaphore, #tpu.memory_space<semaphore_mem>>) src(%arg15 : memref<80x128xf32, #tpu.memory_space<vmem>>) dst(%dma_wait3A_447 : memref<10000x128xf32, #tpu.memory_space<vmem_shared>>)
        tpu.yield
      }) : () -> ()
      %add3A_291 = arith.constant 8 : i32
      %add3A_292 = arith.addi %add3A_282, %add3A_291 : i32
      %lt3A_293 = arith.constant 125 : i32
      %lt3A_294 = arith.cmpi slt, %add3A_292, %lt3A_293 : i32
      %convert_element_type3A_295 = arith.extui %lt3A_294 : i1 to i32
      %cond3A_296 = arith.constant 0 : i32
      %cond3A_297 = arith.cmpi ne, %convert_element_type3A_295, %cond3A_296 : i32
      scf.if %cond3A_297 {
        %add3A_435 = arith.constant 8 : i32
        %add3A_436 = arith.addi %add3A_282, %add3A_435 : i32
        %add3A_437 = arith.addi %mul3A_2, %add3A_436 : i32
        %dma_start3A_438 = arith.constant 0 : i32
        %dma_start3A_439 = arith.constant 0 : i32
        %dma_start3A_440 = tpu.memref_slice %arg3[%add3A_437, %dma_start3A_438, %dma_start3A_439] : memref<4000x2x80xi32, #tpu.memory_space<hbm>> -> memref<1x2x80xi32, #tpu.memory_space<hbm>>
        %dma_start3A_441 = tpu.memref_squeeze %dma_start3A_440 : memref<1x2x80xi32, #tpu.memory_space<hbm>> -> memref<2x80xi32, #tpu.memory_space<hbm>>
        %dma_start3A_442 = arith.constant 0 : i32
        %dma_start3A_443 = arith.constant 0 : i32
        %dma_start3A_444 = tpu.memref_slice %arg3[%add3A_437, %dma_start3A_442, %dma_start3A_443] : memref<4000x2x80xi32, #tpu.memory_space<hbm>> -> memref<1x2x80xi32, #tpu.memory_space<hbm>>
        %dma_start3A_445 = tpu.memref_squeeze %dma_start3A_444 : memref<1x2x80xi32, #tpu.memory_space<hbm>> -> memref<2x80xi32, #tpu.memory_space<hbm>>
        tpu.enqueue_dma source(%dma_start3A_445 : memref<2x80xi32, #tpu.memory_space<hbm>>) target(%arg7 : memref<2x80xi32, #tpu.memory_space<vmem>>) target_semaphore(%arg20 : memref<!tpu.dma_semaphore, #tpu.memory_space<semaphore_mem>>)
      } else {
      }
      %add3A_298 = arith.constant 4 : i32
      %add3A_299 = arith.addi %add3A_282, %add3A_298 : i32
      %lt3A_300 = arith.constant 125 : i32
      %lt3A_301 = arith.cmpi slt, %add3A_299, %lt3A_300 : i32
      %convert_element_type3A_302 = arith.extui %lt3A_301 : i1 to i32
      %cond3A_303 = arith.constant 0 : i32
      %cond3A_304 = arith.cmpi ne, %convert_element_type3A_302, %cond3A_303 : i32
      scf.if %cond3A_304 {
        %add3A_435 = arith.constant 4 : i32
        %add3A_436 = arith.addi %add3A_282, %add3A_435 : i32
        %add3A_437 = arith.addi %mul3A_2, %add3A_436 : i32
        %dma_wait3A_438 = arith.constant 0 : i32
        %dma_wait3A_439 = arith.constant 0 : i32
        %dma_wait3A_440 = tpu.memref_slice %arg3[%add3A_437, %dma_wait3A_438, %dma_wait3A_439] : memref<4000x2x80xi32, #tpu.memory_space<hbm>> -> memref<1x2x80xi32, #tpu.memory_space<hbm>>
        %dma_wait3A_441 = tpu.memref_squeeze %dma_wait3A_440 : memref<1x2x80xi32, #tpu.memory_space<hbm>> -> memref<2x80xi32, #tpu.memory_space<hbm>>
        %dma_wait3A_442 = arith.constant 0 : i32
        %dma_wait3A_443 = arith.constant 0 : i32
        %dma_wait3A_444 = tpu.memref_slice %arg3[%add3A_437, %dma_wait3A_442, %dma_wait3A_443] : memref<4000x2x80xi32, #tpu.memory_space<hbm>> -> memref<1x2x80xi32, #tpu.memory_space<hbm>>
        %dma_wait3A_445 = tpu.memref_squeeze %dma_wait3A_444 : memref<1x2x80xi32, #tpu.memory_space<hbm>> -> memref<2x80xi32, #tpu.memory_space<hbm>>
        tpu.wait_dma2 semaphore(%arg24 : memref<!tpu.dma_semaphore, #tpu.memory_space<semaphore_mem>>) src(%dma_wait3A_445 : memref<2x80xi32, #tpu.memory_space<hbm>>) dst(%arg11 : memref<2x80xi32, #tpu.memory_space<vmem>>)
        %dma_start3A_446 = arith.constant 0 : i32
        %dma_start3A_447 = arith.constant 0 : i32
        %dma_start3A_448 = tpu.memref_slice %arg11[%dma_start3A_446, %dma_start3A_447] : memref<2x80xi32, #tpu.memory_space<vmem>> -> memref<1x80xi32, #tpu.memory_space<vmem>>
        %dma_start3A_449 = tpu.memref_squeeze %dma_start3A_448 : memref<1x80xi32, #tpu.memory_space<vmem>> -> memref<80xi32, #tpu.memory_space<vmem>>
        %dma_start3A_450 = arith.constant 0 : i32
        %dma_start3A_451 = arith.constant 0 : i32
        %dma_start3A_452 = tpu.memref_slice %arg2[%dma_start3A_450, %dma_start3A_451] : memref<10000x128xf32, #tpu.memory_space<hbm>> -> memref<10000x128xf32, #tpu.memory_space<hbm>>
        tpu.enqueue_indirect_dma source(%dma_start3A_452 : memref<10000x128xf32, #tpu.memory_space<hbm>>) target(%arg15 : memref<80x128xf32, #tpu.memory_space<vmem>>) offsets(%dma_start3A_449 : memref<80xi32, #tpu.memory_space<vmem>>) semaphore(%arg28 : memref<!tpu.dma_semaphore, #tpu.memory_space<semaphore_mem>>)
      } else {
      }
      %mul3A_305 = arith.constant 8 : i32
      %mul3A_306 = arith.muli %scan3A_229, %mul3A_305 : i32
      %add3A_307 = arith.constant 3 : i32
      %add3A_308 = arith.addi %mul3A_306, %add3A_307 : i32
      %dma_wait3A_309 = arith.constant 0 : i32
      %dma_wait3A_310 = arith.constant 0 : i32
      %dma_wait3A_311 = tpu.memref_slice %arg8[%dma_wait3A_309, %dma_wait3A_310] : memref<2x80xi32, #tpu.memory_space<vmem>> -> memref<1x80xi32, #tpu.memory_space<vmem>>
      %dma_wait3A_312 = tpu.memref_squeeze %dma_wait3A_311 : memref<1x80xi32, #tpu.memory_space<vmem>> -> memref<80xi32, #tpu.memory_space<vmem>>
      %dma_wait3A_313 = arith.constant 0 : i32
      %dma_wait3A_314 = arith.constant 0 : i32
      %dma_wait3A_315 = tpu.memref_slice %arg2[%dma_wait3A_313, %dma_wait3A_314] : memref<10000x128xf32, #tpu.memory_space<hbm>> -> memref<10000x128xf32, #tpu.memory_space<hbm>>
      tpu.wait_indirect_dma semaphore(%arg29 : memref<!tpu.dma_semaphore, #tpu.memory_space<semaphore_mem>>) src(%dma_wait3A_315 : memref<10000x128xf32, #tpu.memory_space<hbm>>) dst(%arg16 : memref<80x128xf32, #tpu.memory_space<vmem>>)
      %run_scoped3A_316 = arith.constant 1 : i32
      "tpu.region"() ({
        %run_scoped3A_435 = tpu.sem_alloc : memref<!tpu.dma_semaphore, #tpu.memory_space<semaphore_mem>>
        %dma_start3A_436 = arith.constant 0 : i32
        %dma_start3A_437 = tpu.memref_slice %arg8[%run_scoped3A_316, %dma_start3A_436] : memref<2x80xi32, #tpu.memory_space<vmem>> -> memref<1x80xi32, #tpu.memory_space<vmem>>
        %dma_start3A_438 = tpu.memref_squeeze %dma_start3A_437 : memref<1x80xi32, #tpu.memory_space<vmem>> -> memref<80xi32, #tpu.memory_space<vmem>>
        %dma_start3A_439 = arith.constant 0 : i32
        %dma_start3A_440 = arith.constant 0 : i32
        %dma_start3A_441 = tpu.memref_slice %arg17[%dma_start3A_439, %dma_start3A_440] : memref<10000x128xf32, #tpu.memory_space<vmem_shared>> -> memref<10000x128xf32, #tpu.memory_space<vmem_shared>>
        tpu.enqueue_indirect_dma source(%arg16 : memref<80x128xf32, #tpu.memory_space<vmem>>) target(%dma_start3A_441 : memref<10000x128xf32, #tpu.memory_space<vmem_shared>>) offsets(%dma_start3A_438 : memref<80xi32, #tpu.memory_space<vmem>>) semaphore(%run_scoped3A_435 : memref<!tpu.dma_semaphore, #tpu.memory_space<semaphore_mem>>) {add = true}
        %dma_wait3A_442 = arith.constant 0 : i32
        %dma_wait3A_443 = tpu.memref_slice %arg8[%run_scoped3A_316, %dma_wait3A_442] : memref<2x80xi32, #tpu.memory_space<vmem>> -> memref<1x80xi32, #tpu.memory_space<vmem>>
        %dma_wait3A_444 = tpu.memref_squeeze %dma_wait3A_443 : memref<1x80xi32, #tpu.memory_space<vmem>> -> memref<80xi32, #tpu.memory_space<vmem>>
        %dma_wait3A_445 = arith.constant 0 : i32
        %dma_wait3A_446 = arith.constant 0 : i32
        %dma_wait3A_447 = tpu.memref_slice %arg17[%dma_wait3A_445, %dma_wait3A_446] : memref<10000x128xf32, #tpu.memory_space<vmem_shared>> -> memref<10000x128xf32, #tpu.memory_space<vmem_shared>>
        tpu.wait_indirect_dma semaphore(%run_scoped3A_435 : memref<!tpu.dma_semaphore, #tpu.memory_space<semaphore_mem>>) src(%arg16 : memref<80x128xf32, #tpu.memory_space<vmem>>) dst(%dma_wait3A_447 : memref<10000x128xf32, #tpu.memory_space<vmem_shared>>)
        tpu.yield
      }) : () -> ()
      %add3A_317 = arith.constant 8 : i32
      %add3A_318 = arith.addi %add3A_308, %add3A_317 : i32
      %lt3A_319 = arith.constant 125 : i32
      %lt3A_320 = arith.cmpi slt, %add3A_318, %lt3A_319 : i32
      %convert_element_type3A_321 = arith.extui %lt3A_320 : i1 to i32
      %cond3A_322 = arith.constant 0 : i32
      %cond3A_323 = arith.cmpi ne, %convert_element_type3A_321, %cond3A_322 : i32
      scf.if %cond3A_323 {
        %add3A_435 = arith.constant 8 : i32
        %add3A_436 = arith.addi %add3A_308, %add3A_435 : i32
        %add3A_437 = arith.addi %mul3A_2, %add3A_436 : i32
        %dma_start3A_438 = arith.constant 0 : i32
        %dma_start3A_439 = arith.constant 0 : i32
        %dma_start3A_440 = tpu.memref_slice %arg3[%add3A_437, %dma_start3A_438, %dma_start3A_439] : memref<4000x2x80xi32, #tpu.memory_space<hbm>> -> memref<1x2x80xi32, #tpu.memory_space<hbm>>
        %dma_start3A_441 = tpu.memref_squeeze %dma_start3A_440 : memref<1x2x80xi32, #tpu.memory_space<hbm>> -> memref<2x80xi32, #tpu.memory_space<hbm>>
        %dma_start3A_442 = arith.constant 0 : i32
        %dma_start3A_443 = arith.constant 0 : i32
        %dma_start3A_444 = tpu.memref_slice %arg3[%add3A_437, %dma_start3A_442, %dma_start3A_443] : memref<4000x2x80xi32, #tpu.memory_space<hbm>> -> memref<1x2x80xi32, #tpu.memory_space<hbm>>
        %dma_start3A_445 = tpu.memref_squeeze %dma_start3A_444 : memref<1x2x80xi32, #tpu.memory_space<hbm>> -> memref<2x80xi32, #tpu.memory_space<hbm>>
        tpu.enqueue_dma source(%dma_start3A_445 : memref<2x80xi32, #tpu.memory_space<hbm>>) target(%arg8 : memref<2x80xi32, #tpu.memory_space<vmem>>) target_semaphore(%arg21 : memref<!tpu.dma_semaphore, #tpu.memory_space<semaphore_mem>>)
      } else {
      }
      %add3A_324 = arith.constant 4 : i32
      %add3A_325 = arith.addi %add3A_308, %add3A_324 : i32
      %lt3A_326 = arith.constant 125 : i32
      %lt3A_327 = arith.cmpi slt, %add3A_325, %lt3A_326 : i32
      %convert_element_type3A_328 = arith.extui %lt3A_327 : i1 to i32
      %cond3A_329 = arith.constant 0 : i32
      %cond3A_330 = arith.cmpi ne, %convert_element_type3A_328, %cond3A_329 : i32
      scf.if %cond3A_330 {
        %add3A_435 = arith.constant 4 : i32
        %add3A_436 = arith.addi %add3A_308, %add3A_435 : i32
        %add3A_437 = arith.addi %mul3A_2, %add3A_436 : i32
        %dma_wait3A_438 = arith.constant 0 : i32
        %dma_wait3A_439 = arith.constant 0 : i32
        %dma_wait3A_440 = tpu.memref_slice %arg3[%add3A_437, %dma_wait3A_438, %dma_wait3A_439] : memref<4000x2x80xi32, #tpu.memory_space<hbm>> -> memref<1x2x80xi32, #tpu.memory_space<hbm>>
        %dma_wait3A_441 = tpu.memref_squeeze %dma_wait3A_440 : memref<1x2x80xi32, #tpu.memory_space<hbm>> -> memref<2x80xi32, #tpu.memory_space<hbm>>
        %dma_wait3A_442 = arith.constant 0 : i32
        %dma_wait3A_443 = arith.constant 0 : i32
        %dma_wait3A_444 = tpu.memref_slice %arg3[%add3A_437, %dma_wait3A_442, %dma_wait3A_443] : memref<4000x2x80xi32, #tpu.memory_space<hbm>> -> memref<1x2x80xi32, #tpu.memory_space<hbm>>
        %dma_wait3A_445 = tpu.memref_squeeze %dma_wait3A_444 : memref<1x2x80xi32, #tpu.memory_space<hbm>> -> memref<2x80xi32, #tpu.memory_space<hbm>>
        tpu.wait_dma2 semaphore(%arg25 : memref<!tpu.dma_semaphore, #tpu.memory_space<semaphore_mem>>) src(%dma_wait3A_445 : memref<2x80xi32, #tpu.memory_space<hbm>>) dst(%arg12 : memref<2x80xi32, #tpu.memory_space<vmem>>)
        %dma_start3A_446 = arith.constant 0 : i32
        %dma_start3A_447 = arith.constant 0 : i32
        %dma_start3A_448 = tpu.memref_slice %arg12[%dma_start3A_446, %dma_start3A_447] : memref<2x80xi32, #tpu.memory_space<vmem>> -> memref<1x80xi32, #tpu.memory_space<vmem>>
        %dma_start3A_449 = tpu.memref_squeeze %dma_start3A_448 : memref<1x80xi32, #tpu.memory_space<vmem>> -> memref<80xi32, #tpu.memory_space<vmem>>
        %dma_start3A_450 = arith.constant 0 : i32
        %dma_start3A_451 = arith.constant 0 : i32
        %dma_start3A_452 = tpu.memref_slice %arg2[%dma_start3A_450, %dma_start3A_451] : memref<10000x128xf32, #tpu.memory_space<hbm>> -> memref<10000x128xf32, #tpu.memory_space<hbm>>
        tpu.enqueue_indirect_dma source(%dma_start3A_452 : memref<10000x128xf32, #tpu.memory_space<hbm>>) target(%arg16 : memref<80x128xf32, #tpu.memory_space<vmem>>) offsets(%dma_start3A_449 : memref<80xi32, #tpu.memory_space<vmem>>) semaphore(%arg29 : memref<!tpu.dma_semaphore, #tpu.memory_space<semaphore_mem>>)
      } else {
      }
      %mul3A_331 = arith.constant 8 : i32
      %mul3A_332 = arith.muli %scan3A_229, %mul3A_331 : i32
      %add3A_333 = arith.constant 4 : i32
      %add3A_334 = arith.addi %mul3A_332, %add3A_333 : i32
      %dma_wait3A_335 = arith.constant 0 : i32
      %dma_wait3A_336 = arith.constant 0 : i32
      %dma_wait3A_337 = tpu.memref_slice %arg9[%dma_wait3A_335, %dma_wait3A_336] : memref<2x80xi32, #tpu.memory_space<vmem>> -> memref<1x80xi32, #tpu.memory_space<vmem>>
      %dma_wait3A_338 = tpu.memref_squeeze %dma_wait3A_337 : memref<1x80xi32, #tpu.memory_space<vmem>> -> memref<80xi32, #tpu.memory_space<vmem>>
      %dma_wait3A_339 = arith.constant 0 : i32
      %dma_wait3A_340 = arith.constant 0 : i32
      %dma_wait3A_341 = tpu.memref_slice %arg2[%dma_wait3A_339, %dma_wait3A_340] : memref<10000x128xf32, #tpu.memory_space<hbm>> -> memref<10000x128xf32, #tpu.memory_space<hbm>>
      tpu.wait_indirect_dma semaphore(%arg26 : memref<!tpu.dma_semaphore, #tpu.memory_space<semaphore_mem>>) src(%dma_wait3A_341 : memref<10000x128xf32, #tpu.memory_space<hbm>>) dst(%arg13 : memref<80x128xf32, #tpu.memory_space<vmem>>)
      %run_scoped3A_342 = arith.constant 1 : i32
      "tpu.region"() ({
        %run_scoped3A_435 = tpu.sem_alloc : memref<!tpu.dma_semaphore, #tpu.memory_space<semaphore_mem>>
        %dma_start3A_436 = arith.constant 0 : i32
        %dma_start3A_437 = tpu.memref_slice %arg9[%run_scoped3A_342, %dma_start3A_436] : memref<2x80xi32, #tpu.memory_space<vmem>> -> memref<1x80xi32, #tpu.memory_space<vmem>>
        %dma_start3A_438 = tpu.memref_squeeze %dma_start3A_437 : memref<1x80xi32, #tpu.memory_space<vmem>> -> memref<80xi32, #tpu.memory_space<vmem>>
        %dma_start3A_439 = arith.constant 0 : i32
        %dma_start3A_440 = arith.constant 0 : i32
        %dma_start3A_441 = tpu.memref_slice %arg17[%dma_start3A_439, %dma_start3A_440] : memref<10000x128xf32, #tpu.memory_space<vmem_shared>> -> memref<10000x128xf32, #tpu.memory_space<vmem_shared>>
        tpu.enqueue_indirect_dma source(%arg13 : memref<80x128xf32, #tpu.memory_space<vmem>>) target(%dma_start3A_441 : memref<10000x128xf32, #tpu.memory_space<vmem_shared>>) offsets(%dma_start3A_438 : memref<80xi32, #tpu.memory_space<vmem>>) semaphore(%run_scoped3A_435 : memref<!tpu.dma_semaphore, #tpu.memory_space<semaphore_mem>>) {add = true}
        %dma_wait3A_442 = arith.constant 0 : i32
        %dma_wait3A_443 = tpu.memref_slice %arg9[%run_scoped3A_342, %dma_wait3A_442] : memref<2x80xi32, #tpu.memory_space<vmem>> -> memref<1x80xi32, #tpu.memory_space<vmem>>
        %dma_wait3A_444 = tpu.memref_squeeze %dma_wait3A_443 : memref<1x80xi32, #tpu.memory_space<vmem>> -> memref<80xi32, #tpu.memory_space<vmem>>
        %dma_wait3A_445 = arith.constant 0 : i32
        %dma_wait3A_446 = arith.constant 0 : i32
        %dma_wait3A_447 = tpu.memref_slice %arg17[%dma_wait3A_445, %dma_wait3A_446] : memref<10000x128xf32, #tpu.memory_space<vmem_shared>> -> memref<10000x128xf32, #tpu.memory_space<vmem_shared>>
        tpu.wait_indirect_dma semaphore(%run_scoped3A_435 : memref<!tpu.dma_semaphore, #tpu.memory_space<semaphore_mem>>) src(%arg13 : memref<80x128xf32, #tpu.memory_space<vmem>>) dst(%dma_wait3A_447 : memref<10000x128xf32, #tpu.memory_space<vmem_shared>>)
        tpu.yield
      }) : () -> ()
      %add3A_343 = arith.constant 8 : i32
      %add3A_344 = arith.addi %add3A_334, %add3A_343 : i32
      %lt3A_345 = arith.constant 125 : i32
      %lt3A_346 = arith.cmpi slt, %add3A_344, %lt3A_345 : i32
      %convert_element_type3A_347 = arith.extui %lt3A_346 : i1 to i32
      %cond3A_348 = arith.constant 0 : i32
      %cond3A_349 = arith.cmpi ne, %convert_element_type3A_347, %cond3A_348 : i32
      scf.if %cond3A_349 {
        %add3A_435 = arith.constant 8 : i32
        %add3A_436 = arith.addi %add3A_334, %add3A_435 : i32
        %add3A_437 = arith.addi %mul3A_2, %add3A_436 : i32
        %dma_start3A_438 = arith.constant 0 : i32
        %dma_start3A_439 = arith.constant 0 : i32
        %dma_start3A_440 = tpu.memref_slice %arg3[%add3A_437, %dma_start3A_438, %dma_start3A_439] : memref<4000x2x80xi32, #tpu.memory_space<hbm>> -> memref<1x2x80xi32, #tpu.memory_space<hbm>>
        %dma_start3A_441 = tpu.memref_squeeze %dma_start3A_440 : memref<1x2x80xi32, #tpu.memory_space<hbm>> -> memref<2x80xi32, #tpu.memory_space<hbm>>
        %dma_start3A_442 = arith.constant 0 : i32
        %dma_start3A_443 = arith.constant 0 : i32
        %dma_start3A_444 = tpu.memref_slice %arg3[%add3A_437, %dma_start3A_442, %dma_start3A_443] : memref<4000x2x80xi32, #tpu.memory_space<hbm>> -> memref<1x2x80xi32, #tpu.memory_space<hbm>>
        %dma_start3A_445 = tpu.memref_squeeze %dma_start3A_444 : memref<1x2x80xi32, #tpu.memory_space<hbm>> -> memref<2x80xi32, #tpu.memory_space<hbm>>
        tpu.enqueue_dma source(%dma_start3A_445 : memref<2x80xi32, #tpu.memory_space<hbm>>) target(%arg9 : memref<2x80xi32, #tpu.memory_space<vmem>>) target_semaphore(%arg22 : memref<!tpu.dma_semaphore, #tpu.memory_space<semaphore_mem>>)
      } else {
      }
      %add3A_350 = arith.constant 4 : i32
      %add3A_351 = arith.addi %add3A_334, %add3A_350 : i32
      %lt3A_352 = arith.constant 125 : i32
      %lt3A_353 = arith.cmpi slt, %add3A_351, %lt3A_352 : i32
      %convert_element_type3A_354 = arith.extui %lt3A_353 : i1 to i32
      %cond3A_355 = arith.constant 0 : i32
      %cond3A_356 = arith.cmpi ne, %convert_element_type3A_354, %cond3A_355 : i32
      scf.if %cond3A_356 {
        %add3A_435 = arith.constant 4 : i32
        %add3A_436 = arith.addi %add3A_334, %add3A_435 : i32
        %add3A_437 = arith.addi %mul3A_2, %add3A_436 : i32
        %dma_wait3A_438 = arith.constant 0 : i32
        %dma_wait3A_439 = arith.constant 0 : i32
        %dma_wait3A_440 = tpu.memref_slice %arg3[%add3A_437, %dma_wait3A_438, %dma_wait3A_439] : memref<4000x2x80xi32, #tpu.memory_space<hbm>> -> memref<1x2x80xi32, #tpu.memory_space<hbm>>
        %dma_wait3A_441 = tpu.memref_squeeze %dma_wait3A_440 : memref<1x2x80xi32, #tpu.memory_space<hbm>> -> memref<2x80xi32, #tpu.memory_space<hbm>>
        %dma_wait3A_442 = arith.constant 0 : i32
        %dma_wait3A_443 = arith.constant 0 : i32
        %dma_wait3A_444 = tpu.memref_slice %arg3[%add3A_437, %dma_wait3A_442, %dma_wait3A_443] : memref<4000x2x80xi32, #tpu.memory_space<hbm>> -> memref<1x2x80xi32, #tpu.memory_space<hbm>>
        %dma_wait3A_445 = tpu.memref_squeeze %dma_wait3A_444 : memref<1x2x80xi32, #tpu.memory_space<hbm>> -> memref<2x80xi32, #tpu.memory_space<hbm>>
        tpu.wait_dma2 semaphore(%arg18 : memref<!tpu.dma_semaphore, #tpu.memory_space<semaphore_mem>>) src(%dma_wait3A_445 : memref<2x80xi32, #tpu.memory_space<hbm>>) dst(%arg5 : memref<2x80xi32, #tpu.memory_space<vmem>>)
        %dma_start3A_446 = arith.constant 0 : i32
        %dma_start3A_447 = arith.constant 0 : i32
        %dma_start3A_448 = tpu.memref_slice %arg5[%dma_start3A_446, %dma_start3A_447] : memref<2x80xi32, #tpu.memory_space<vmem>> -> memref<1x80xi32, #tpu.memory_space<vmem>>
        %dma_start3A_449 = tpu.memref_squeeze %dma_start3A_448 : memref<1x80xi32, #tpu.memory_space<vmem>> -> memref<80xi32, #tpu.memory_space<vmem>>
        %dma_start3A_450 = arith.constant 0 : i32
        %dma_start3A_451 = arith.constant 0 : i32
        %dma_start3A_452 = tpu.memref_slice %arg2[%dma_start3A_450, %dma_start3A_451] : memref<10000x128xf32, #tpu.memory_space<hbm>> -> memref<10000x128xf32, #tpu.memory_space<hbm>>
        tpu.enqueue_indirect_dma source(%dma_start3A_452 : memref<10000x128xf32, #tpu.memory_space<hbm>>) target(%arg13 : memref<80x128xf32, #tpu.memory_space<vmem>>) offsets(%dma_start3A_449 : memref<80xi32, #tpu.memory_space<vmem>>) semaphore(%arg26 : memref<!tpu.dma_semaphore, #tpu.memory_space<semaphore_mem>>)
      } else {
      }
      %mul3A_357 = arith.constant 8 : i32
      %mul3A_358 = arith.muli %scan3A_229, %mul3A_357 : i32
      %add3A_359 = arith.constant 5 : i32
      %add3A_360 = arith.addi %mul3A_358, %add3A_359 : i32
      %dma_wait3A_361 = arith.constant 0 : i32
      %dma_wait3A_362 = arith.constant 0 : i32
      %dma_wait3A_363 = tpu.memref_slice %arg10[%dma_wait3A_361, %dma_wait3A_362] : memref<2x80xi32, #tpu.memory_space<vmem>> -> memref<1x80xi32, #tpu.memory_space<vmem>>
      %dma_wait3A_364 = tpu.memref_squeeze %dma_wait3A_363 : memref<1x80xi32, #tpu.memory_space<vmem>> -> memref<80xi32, #tpu.memory_space<vmem>>
      %dma_wait3A_365 = arith.constant 0 : i32
      %dma_wait3A_366 = arith.constant 0 : i32
      %dma_wait3A_367 = tpu.memref_slice %arg2[%dma_wait3A_365, %dma_wait3A_366] : memref<10000x128xf32, #tpu.memory_space<hbm>> -> memref<10000x128xf32, #tpu.memory_space<hbm>>
      tpu.wait_indirect_dma semaphore(%arg27 : memref<!tpu.dma_semaphore, #tpu.memory_space<semaphore_mem>>) src(%dma_wait3A_367 : memref<10000x128xf32, #tpu.memory_space<hbm>>) dst(%arg14 : memref<80x128xf32, #tpu.memory_space<vmem>>)
      %run_scoped3A_368 = arith.constant 1 : i32
      "tpu.region"() ({
        %run_scoped3A_435 = tpu.sem_alloc : memref<!tpu.dma_semaphore, #tpu.memory_space<semaphore_mem>>
        %dma_start3A_436 = arith.constant 0 : i32
        %dma_start3A_437 = tpu.memref_slice %arg10[%run_scoped3A_368, %dma_start3A_436] : memref<2x80xi32, #tpu.memory_space<vmem>> -> memref<1x80xi32, #tpu.memory_space<vmem>>
        %dma_start3A_438 = tpu.memref_squeeze %dma_start3A_437 : memref<1x80xi32, #tpu.memory_space<vmem>> -> memref<80xi32, #tpu.memory_space<vmem>>
        %dma_start3A_439 = arith.constant 0 : i32
        %dma_start3A_440 = arith.constant 0 : i32
        %dma_start3A_441 = tpu.memref_slice %arg17[%dma_start3A_439, %dma_start3A_440] : memref<10000x128xf32, #tpu.memory_space<vmem_shared>> -> memref<10000x128xf32, #tpu.memory_space<vmem_shared>>
        tpu.enqueue_indirect_dma source(%arg14 : memref<80x128xf32, #tpu.memory_space<vmem>>) target(%dma_start3A_441 : memref<10000x128xf32, #tpu.memory_space<vmem_shared>>) offsets(%dma_start3A_438 : memref<80xi32, #tpu.memory_space<vmem>>) semaphore(%run_scoped3A_435 : memref<!tpu.dma_semaphore, #tpu.memory_space<semaphore_mem>>) {add = true}
        %dma_wait3A_442 = arith.constant 0 : i32
        %dma_wait3A_443 = tpu.memref_slice %arg10[%run_scoped3A_368, %dma_wait3A_442] : memref<2x80xi32, #tpu.memory_space<vmem>> -> memref<1x80xi32, #tpu.memory_space<vmem>>
        %dma_wait3A_444 = tpu.memref_squeeze %dma_wait3A_443 : memref<1x80xi32, #tpu.memory_space<vmem>> -> memref<80xi32, #tpu.memory_space<vmem>>
        %dma_wait3A_445 = arith.constant 0 : i32
        %dma_wait3A_446 = arith.constant 0 : i32
        %dma_wait3A_447 = tpu.memref_slice %arg17[%dma_wait3A_445, %dma_wait3A_446] : memref<10000x128xf32, #tpu.memory_space<vmem_shared>> -> memref<10000x128xf32, #tpu.memory_space<vmem_shared>>
        tpu.wait_indirect_dma semaphore(%run_scoped3A_435 : memref<!tpu.dma_semaphore, #tpu.memory_space<semaphore_mem>>) src(%arg14 : memref<80x128xf32, #tpu.memory_space<vmem>>) dst(%dma_wait3A_447 : memref<10000x128xf32, #tpu.memory_space<vmem_shared>>)
        tpu.yield
      }) : () -> ()
      %add3A_369 = arith.constant 8 : i32
      %add3A_370 = arith.addi %add3A_360, %add3A_369 : i32
      %lt3A_371 = arith.constant 125 : i32
      %lt3A_372 = arith.cmpi slt, %add3A_370, %lt3A_371 : i32
      %convert_element_type3A_373 = arith.extui %lt3A_372 : i1 to i32
      %cond3A_374 = arith.constant 0 : i32
      %cond3A_375 = arith.cmpi ne, %convert_element_type3A_373, %cond3A_374 : i32
      scf.if %cond3A_375 {
        %add3A_435 = arith.constant 8 : i32
        %add3A_436 = arith.addi %add3A_360, %add3A_435 : i32
        %add3A_437 = arith.addi %mul3A_2, %add3A_436 : i32
        %dma_start3A_438 = arith.constant 0 : i32
        %dma_start3A_439 = arith.constant 0 : i32
        %dma_start3A_440 = tpu.memref_slice %arg3[%add3A_437, %dma_start3A_438, %dma_start3A_439] : memref<4000x2x80xi32, #tpu.memory_space<hbm>> -> memref<1x2x80xi32, #tpu.memory_space<hbm>>
        %dma_start3A_441 = tpu.memref_squeeze %dma_start3A_440 : memref<1x2x80xi32, #tpu.memory_space<hbm>> -> memref<2x80xi32, #tpu.memory_space<hbm>>
        %dma_start3A_442 = arith.constant 0 : i32
        %dma_start3A_443 = arith.constant 0 : i32
        %dma_start3A_444 = tpu.memref_slice %arg3[%add3A_437, %dma_start3A_442, %dma_start3A_443] : memref<4000x2x80xi32, #tpu.memory_space<hbm>> -> memref<1x2x80xi32, #tpu.memory_space<hbm>>
        %dma_start3A_445 = tpu.memref_squeeze %dma_start3A_444 : memref<1x2x80xi32, #tpu.memory_space<hbm>> -> memref<2x80xi32, #tpu.memory_space<hbm>>
        tpu.enqueue_dma source(%dma_start3A_445 : memref<2x80xi32, #tpu.memory_space<hbm>>) target(%arg10 : memref<2x80xi32, #tpu.memory_space<vmem>>) target_semaphore(%arg23 : memref<!tpu.dma_semaphore, #tpu.memory_space<semaphore_mem>>)
      } else {
      }
      %add3A_376 = arith.constant 4 : i32
      %add3A_377 = arith.addi %add3A_360, %add3A_376 : i32
      %lt3A_378 = arith.constant 125 : i32
      %lt3A_379 = arith.cmpi slt, %add3A_377, %lt3A_378 : i32
      %convert_element_type3A_380 = arith.extui %lt3A_379 : i1 to i32
      %cond3A_381 = arith.constant 0 : i32
      %cond3A_382 = arith.cmpi ne, %convert_element_type3A_380, %cond3A_381 : i32
      scf.if %cond3A_382 {
        %add3A_435 = arith.constant 4 : i32
        %add3A_436 = arith.addi %add3A_360, %add3A_435 : i32
        %add3A_437 = arith.addi %mul3A_2, %add3A_436 : i32
        %dma_wait3A_438 = arith.constant 0 : i32
        %dma_wait3A_439 = arith.constant 0 : i32
        %dma_wait3A_440 = tpu.memref_slice %arg3[%add3A_437, %dma_wait3A_438, %dma_wait3A_439] : memref<4000x2x80xi32, #tpu.memory_space<hbm>> -> memref<1x2x80xi32, #tpu.memory_space<hbm>>
        %dma_wait3A_441 = tpu.memref_squeeze %dma_wait3A_440 : memref<1x2x80xi32, #tpu.memory_space<hbm>> -> memref<2x80xi32, #tpu.memory_space<hbm>>
        %dma_wait3A_442 = arith.constant 0 : i32
        %dma_wait3A_443 = arith.constant 0 : i32
        %dma_wait3A_444 = tpu.memref_slice %arg3[%add3A_437, %dma_wait3A_442, %dma_wait3A_443] : memref<4000x2x80xi32, #tpu.memory_space<hbm>> -> memref<1x2x80xi32, #tpu.memory_space<hbm>>
        %dma_wait3A_445 = tpu.memref_squeeze %dma_wait3A_444 : memref<1x2x80xi32, #tpu.memory_space<hbm>> -> memref<2x80xi32, #tpu.memory_space<hbm>>
        tpu.wait_dma2 semaphore(%arg19 : memref<!tpu.dma_semaphore, #tpu.memory_space<semaphore_mem>>) src(%dma_wait3A_445 : memref<2x80xi32, #tpu.memory_space<hbm>>) dst(%arg6 : memref<2x80xi32, #tpu.memory_space<vmem>>)
        %dma_start3A_446 = arith.constant 0 : i32
        %dma_start3A_447 = arith.constant 0 : i32
        %dma_start3A_448 = tpu.memref_slice %arg6[%dma_start3A_446, %dma_start3A_447] : memref<2x80xi32, #tpu.memory_space<vmem>> -> memref<1x80xi32, #tpu.memory_space<vmem>>
        %dma_start3A_449 = tpu.memref_squeeze %dma_start3A_448 : memref<1x80xi32, #tpu.memory_space<vmem>> -> memref<80xi32, #tpu.memory_space<vmem>>
        %dma_start3A_450 = arith.constant 0 : i32
        %dma_start3A_451 = arith.constant 0 : i32
        %dma_start3A_452 = tpu.memref_slice %arg2[%dma_start3A_450, %dma_start3A_451] : memref<10000x128xf32, #tpu.memory_space<hbm>> -> memref<10000x128xf32, #tpu.memory_space<hbm>>
        tpu.enqueue_indirect_dma source(%dma_start3A_452 : memref<10000x128xf32, #tpu.memory_space<hbm>>) target(%arg14 : memref<80x128xf32, #tpu.memory_space<vmem>>) offsets(%dma_start3A_449 : memref<80xi32, #tpu.memory_space<vmem>>) semaphore(%arg27 : memref<!tpu.dma_semaphore, #tpu.memory_space<semaphore_mem>>)
      } else {
      }
      %mul3A_383 = arith.constant 8 : i32
      %mul3A_384 = arith.muli %scan3A_229, %mul3A_383 : i32
      %add3A_385 = arith.constant 6 : i32
      %add3A_386 = arith.addi %mul3A_384, %add3A_385 : i32
      %dma_wait3A_387 = arith.constant 0 : i32
      %dma_wait3A_388 = arith.constant 0 : i32
      %dma_wait3A_389 = tpu.memref_slice %arg11[%dma_wait3A_387, %dma_wait3A_388] : memref<2x80xi32, #tpu.memory_space<vmem>> -> memref<1x80xi32, #tpu.memory_space<vmem>>
      %dma_wait3A_390 = tpu.memref_squeeze %dma_wait3A_389 : memref<1x80xi32, #tpu.memory_space<vmem>> -> memref<80xi32, #tpu.memory_space<vmem>>
      %dma_wait3A_391 = arith.constant 0 : i32
      %dma_wait3A_392 = arith.constant 0 : i32
      %dma_wait3A_393 = tpu.memref_slice %arg2[%dma_wait3A_391, %dma_wait3A_392] : memref<10000x128xf32, #tpu.memory_space<hbm>> -> memref<10000x128xf32, #tpu.memory_space<hbm>>
      tpu.wait_indirect_dma semaphore(%arg28 : memref<!tpu.dma_semaphore, #tpu.memory_space<semaphore_mem>>) src(%dma_wait3A_393 : memref<10000x128xf32, #tpu.memory_space<hbm>>) dst(%arg15 : memref<80x128xf32, #tpu.memory_space<vmem>>)
      %run_scoped3A_394 = arith.constant 1 : i32
      "tpu.region"() ({
        %run_scoped3A_435 = tpu.sem_alloc : memref<!tpu.dma_semaphore, #tpu.memory_space<semaphore_mem>>
        %dma_start3A_436 = arith.constant 0 : i32
        %dma_start3A_437 = tpu.memref_slice %arg11[%run_scoped3A_394, %dma_start3A_436] : memref<2x80xi32, #tpu.memory_space<vmem>> -> memref<1x80xi32, #tpu.memory_space<vmem>>
        %dma_start3A_438 = tpu.memref_squeeze %dma_start3A_437 : memref<1x80xi32, #tpu.memory_space<vmem>> -> memref<80xi32, #tpu.memory_space<vmem>>
        %dma_start3A_439 = arith.constant 0 : i32
        %dma_start3A_440 = arith.constant 0 : i32
        %dma_start3A_441 = tpu.memref_slice %arg17[%dma_start3A_439, %dma_start3A_440] : memref<10000x128xf32, #tpu.memory_space<vmem_shared>> -> memref<10000x128xf32, #tpu.memory_space<vmem_shared>>
        tpu.enqueue_indirect_dma source(%arg15 : memref<80x128xf32, #tpu.memory_space<vmem>>) target(%dma_start3A_441 : memref<10000x128xf32, #tpu.memory_space<vmem_shared>>) offsets(%dma_start3A_438 : memref<80xi32, #tpu.memory_space<vmem>>) semaphore(%run_scoped3A_435 : memref<!tpu.dma_semaphore, #tpu.memory_space<semaphore_mem>>) {add = true}
        %dma_wait3A_442 = arith.constant 0 : i32
        %dma_wait3A_443 = tpu.memref_slice %arg11[%run_scoped3A_394, %dma_wait3A_442] : memref<2x80xi32, #tpu.memory_space<vmem>> -> memref<1x80xi32, #tpu.memory_space<vmem>>
        %dma_wait3A_444 = tpu.memref_squeeze %dma_wait3A_443 : memref<1x80xi32, #tpu.memory_space<vmem>> -> memref<80xi32, #tpu.memory_space<vmem>>
        %dma_wait3A_445 = arith.constant 0 : i32
        %dma_wait3A_446 = arith.constant 0 : i32
        %dma_wait3A_447 = tpu.memref_slice %arg17[%dma_wait3A_445, %dma_wait3A_446] : memref<10000x128xf32, #tpu.memory_space<vmem_shared>> -> memref<10000x128xf32, #tpu.memory_space<vmem_shared>>
        tpu.wait_indirect_dma semaphore(%run_scoped3A_435 : memref<!tpu.dma_semaphore, #tpu.memory_space<semaphore_mem>>) src(%arg15 : memref<80x128xf32, #tpu.memory_space<vmem>>) dst(%dma_wait3A_447 : memref<10000x128xf32, #tpu.memory_space<vmem_shared>>)
        tpu.yield
      }) : () -> ()
      %add3A_395 = arith.constant 8 : i32
      %add3A_396 = arith.addi %add3A_386, %add3A_395 : i32
      %lt3A_397 = arith.constant 125 : i32
      %lt3A_398 = arith.cmpi slt, %add3A_396, %lt3A_397 : i32
      %convert_element_type3A_399 = arith.extui %lt3A_398 : i1 to i32
      %cond3A_400 = arith.constant 0 : i32
      %cond3A_401 = arith.cmpi ne, %convert_element_type3A_399, %cond3A_400 : i32
      scf.if %cond3A_401 {
        %add3A_435 = arith.constant 8 : i32
        %add3A_436 = arith.addi %add3A_386, %add3A_435 : i32
        %add3A_437 = arith.addi %mul3A_2, %add3A_436 : i32
        %dma_start3A_438 = arith.constant 0 : i32
        %dma_start3A_439 = arith.constant 0 : i32
        %dma_start3A_440 = tpu.memref_slice %arg3[%add3A_437, %dma_start3A_438, %dma_start3A_439] : memref<4000x2x80xi32, #tpu.memory_space<hbm>> -> memref<1x2x80xi32, #tpu.memory_space<hbm>>
        %dma_start3A_441 = tpu.memref_squeeze %dma_start3A_440 : memref<1x2x80xi32, #tpu.memory_space<hbm>> -> memref<2x80xi32, #tpu.memory_space<hbm>>
        %dma_start3A_442 = arith.constant 0 : i32
        %dma_start3A_443 = arith.constant 0 : i32
        %dma_start3A_444 = tpu.memref_slice %arg3[%add3A_437, %dma_start3A_442, %dma_start3A_443] : memref<4000x2x80xi32, #tpu.memory_space<hbm>> -> memref<1x2x80xi32, #tpu.memory_space<hbm>>
        %dma_start3A_445 = tpu.memref_squeeze %dma_start3A_444 : memref<1x2x80xi32, #tpu.memory_space<hbm>> -> memref<2x80xi32, #tpu.memory_space<hbm>>
        tpu.enqueue_dma source(%dma_start3A_445 : memref<2x80xi32, #tpu.memory_space<hbm>>) target(%arg11 : memref<2x80xi32, #tpu.memory_space<vmem>>) target_semaphore(%arg24 : memref<!tpu.dma_semaphore, #tpu.memory_space<semaphore_mem>>)
      } else {
      }
      %add3A_402 = arith.constant 4 : i32
      %add3A_403 = arith.addi %add3A_386, %add3A_402 : i32
      %lt3A_404 = arith.constant 125 : i32
      %lt3A_405 = arith.cmpi slt, %add3A_403, %lt3A_404 : i32
      %convert_element_type3A_406 = arith.extui %lt3A_405 : i1 to i32
      %cond3A_407 = arith.constant 0 : i32
      %cond3A_408 = arith.cmpi ne, %convert_element_type3A_406, %cond3A_407 : i32
      scf.if %cond3A_408 {
        %add3A_435 = arith.constant 4 : i32
        %add3A_436 = arith.addi %add3A_386, %add3A_435 : i32
        %add3A_437 = arith.addi %mul3A_2, %add3A_436 : i32
        %dma_wait3A_438 = arith.constant 0 : i32
        %dma_wait3A_439 = arith.constant 0 : i32
        %dma_wait3A_440 = tpu.memref_slice %arg3[%add3A_437, %dma_wait3A_438, %dma_wait3A_439] : memref<4000x2x80xi32, #tpu.memory_space<hbm>> -> memref<1x2x80xi32, #tpu.memory_space<hbm>>
        %dma_wait3A_441 = tpu.memref_squeeze %dma_wait3A_440 : memref<1x2x80xi32, #tpu.memory_space<hbm>> -> memref<2x80xi32, #tpu.memory_space<hbm>>
        %dma_wait3A_442 = arith.constant 0 : i32
        %dma_wait3A_443 = arith.constant 0 : i32
        %dma_wait3A_444 = tpu.memref_slice %arg3[%add3A_437, %dma_wait3A_442, %dma_wait3A_443] : memref<4000x2x80xi32, #tpu.memory_space<hbm>> -> memref<1x2x80xi32, #tpu.memory_space<hbm>>
        %dma_wait3A_445 = tpu.memref_squeeze %dma_wait3A_444 : memref<1x2x80xi32, #tpu.memory_space<hbm>> -> memref<2x80xi32, #tpu.memory_space<hbm>>
        tpu.wait_dma2 semaphore(%arg20 : memref<!tpu.dma_semaphore, #tpu.memory_space<semaphore_mem>>) src(%dma_wait3A_445 : memref<2x80xi32, #tpu.memory_space<hbm>>) dst(%arg7 : memref<2x80xi32, #tpu.memory_space<vmem>>)
        %dma_start3A_446 = arith.constant 0 : i32
        %dma_start3A_447 = arith.constant 0 : i32
        %dma_start3A_448 = tpu.memref_slice %arg7[%dma_start3A_446, %dma_start3A_447] : memref<2x80xi32, #tpu.memory_space<vmem>> -> memref<1x80xi32, #tpu.memory_space<vmem>>
        %dma_start3A_449 = tpu.memref_squeeze %dma_start3A_448 : memref<1x80xi32, #tpu.memory_space<vmem>> -> memref<80xi32, #tpu.memory_space<vmem>>
        %dma_start3A_450 = arith.constant 0 : i32
        %dma_start3A_451 = arith.constant 0 : i32
        %dma_start3A_452 = tpu.memref_slice %arg2[%dma_start3A_450, %dma_start3A_451] : memref<10000x128xf32, #tpu.memory_space<hbm>> -> memref<10000x128xf32, #tpu.memory_space<hbm>>
        tpu.enqueue_indirect_dma source(%dma_start3A_452 : memref<10000x128xf32, #tpu.memory_space<hbm>>) target(%arg15 : memref<80x128xf32, #tpu.memory_space<vmem>>) offsets(%dma_start3A_449 : memref<80xi32, #tpu.memory_space<vmem>>) semaphore(%arg28 : memref<!tpu.dma_semaphore, #tpu.memory_space<semaphore_mem>>)
      } else {
      }
      %mul3A_409 = arith.constant 8 : i32
      %mul3A_410 = arith.muli %scan3A_229, %mul3A_409 : i32
      %add3A_411 = arith.constant 7 : i32
      %add3A_412 = arith.addi %mul3A_410, %add3A_411 : i32
      %dma_wait3A_413 = arith.constant 0 : i32
      %dma_wait3A_414 = arith.constant 0 : i32
      %dma_wait3A_415 = tpu.memref_slice %arg12[%dma_wait3A_413, %dma_wait3A_414] : memref<2x80xi32, #tpu.memory_space<vmem>> -> memref<1x80xi32, #tpu.memory_space<vmem>>
      %dma_wait3A_416 = tpu.memref_squeeze %dma_wait3A_415 : memref<1x80xi32, #tpu.memory_space<vmem>> -> memref<80xi32, #tpu.memory_space<vmem>>
      %dma_wait3A_417 = arith.constant 0 : i32
      %dma_wait3A_418 = arith.constant 0 : i32
      %dma_wait3A_419 = tpu.memref_slice %arg2[%dma_wait3A_417, %dma_wait3A_418] : memref<10000x128xf32, #tpu.memory_space<hbm>> -> memref<10000x128xf32, #tpu.memory_space<hbm>>
      tpu.wait_indirect_dma semaphore(%arg29 : memref<!tpu.dma_semaphore, #tpu.memory_space<semaphore_mem>>) src(%dma_wait3A_419 : memref<10000x128xf32, #tpu.memory_space<hbm>>) dst(%arg16 : memref<80x128xf32, #tpu.memory_space<vmem>>)
      %run_scoped3A_420 = arith.constant 1 : i32
      "tpu.region"() ({
        %run_scoped3A_435 = tpu.sem_alloc : memref<!tpu.dma_semaphore, #tpu.memory_space<semaphore_mem>>
        %dma_start3A_436 = arith.constant 0 : i32
        %dma_start3A_437 = tpu.memref_slice %arg12[%run_scoped3A_420, %dma_start3A_436] : memref<2x80xi32, #tpu.memory_space<vmem>> -> memref<1x80xi32, #tpu.memory_space<vmem>>
        %dma_start3A_438 = tpu.memref_squeeze %dma_start3A_437 : memref<1x80xi32, #tpu.memory_space<vmem>> -> memref<80xi32, #tpu.memory_space<vmem>>
        %dma_start3A_439 = arith.constant 0 : i32
        %dma_start3A_440 = arith.constant 0 : i32
        %dma_start3A_441 = tpu.memref_slice %arg17[%dma_start3A_439, %dma_start3A_440] : memref<10000x128xf32, #tpu.memory_space<vmem_shared>> -> memref<10000x128xf32, #tpu.memory_space<vmem_shared>>
        tpu.enqueue_indirect_dma source(%arg16 : memref<80x128xf32, #tpu.memory_space<vmem>>) target(%dma_start3A_441 : memref<10000x128xf32, #tpu.memory_space<vmem_shared>>) offsets(%dma_start3A_438 : memref<80xi32, #tpu.memory_space<vmem>>) semaphore(%run_scoped3A_435 : memref<!tpu.dma_semaphore, #tpu.memory_space<semaphore_mem>>) {add = true}
        %dma_wait3A_442 = arith.constant 0 : i32
        %dma_wait3A_443 = tpu.memref_slice %arg12[%run_scoped3A_420, %dma_wait3A_442] : memref<2x80xi32, #tpu.memory_space<vmem>> -> memref<1x80xi32, #tpu.memory_space<vmem>>
        %dma_wait3A_444 = tpu.memref_squeeze %dma_wait3A_443 : memref<1x80xi32, #tpu.memory_space<vmem>> -> memref<80xi32, #tpu.memory_space<vmem>>
        %dma_wait3A_445 = arith.constant 0 : i32
        %dma_wait3A_446 = arith.constant 0 : i32
        %dma_wait3A_447 = tpu.memref_slice %arg17[%dma_wait3A_445, %dma_wait3A_446] : memref<10000x128xf32, #tpu.memory_space<vmem_shared>> -> memref<10000x128xf32, #tpu.memory_space<vmem_shared>>
        tpu.wait_indirect_dma semaphore(%run_scoped3A_435 : memref<!tpu.dma_semaphore, #tpu.memory_space<semaphore_mem>>) src(%arg16 : memref<80x128xf32, #tpu.memory_space<vmem>>) dst(%dma_wait3A_447 : memref<10000x128xf32, #tpu.memory_space<vmem_shared>>)
        tpu.yield
      }) : () -> ()
      %add3A_421 = arith.constant 8 : i32
      %add3A_422 = arith.addi %add3A_412, %add3A_421 : i32
      %lt3A_423 = arith.constant 125 : i32
      %lt3A_424 = arith.cmpi slt, %add3A_422, %lt3A_423 : i32
      %convert_element_type3A_425 = arith.extui %lt3A_424 : i1 to i32
      %cond3A_426 = arith.constant 0 : i32
      %cond3A_427 = arith.cmpi ne, %convert_element_type3A_425, %cond3A_426 : i32
      scf.if %cond3A_427 {
        %add3A_435 = arith.constant 8 : i32
        %add3A_436 = arith.addi %add3A_412, %add3A_435 : i32
        %add3A_437 = arith.addi %mul3A_2, %add3A_436 : i32
        %dma_start3A_438 = arith.constant 0 : i32
        %dma_start3A_439 = arith.constant 0 : i32
        %dma_start3A_440 = tpu.memref_slice %arg3[%add3A_437, %dma_start3A_438, %dma_start3A_439] : memref<4000x2x80xi32, #tpu.memory_space<hbm>> -> memref<1x2x80xi32, #tpu.memory_space<hbm>>
        %dma_start3A_441 = tpu.memref_squeeze %dma_start3A_440 : memref<1x2x80xi32, #tpu.memory_space<hbm>> -> memref<2x80xi32, #tpu.memory_space<hbm>>
        %dma_start3A_442 = arith.constant 0 : i32
        %dma_start3A_443 = arith.constant 0 : i32
        %dma_start3A_444 = tpu.memref_slice %arg3[%add3A_437, %dma_start3A_442, %dma_start3A_443] : memref<4000x2x80xi32, #tpu.memory_space<hbm>> -> memref<1x2x80xi32, #tpu.memory_space<hbm>>
        %dma_start3A_445 = tpu.memref_squeeze %dma_start3A_444 : memref<1x2x80xi32, #tpu.memory_space<hbm>> -> memref<2x80xi32, #tpu.memory_space<hbm>>
        tpu.enqueue_dma source(%dma_start3A_445 : memref<2x80xi32, #tpu.memory_space<hbm>>) target(%arg12 : memref<2x80xi32, #tpu.memory_space<vmem>>) target_semaphore(%arg25 : memref<!tpu.dma_semaphore, #tpu.memory_space<semaphore_mem>>)
      } else {
      }
      %add3A_428 = arith.constant 4 : i32
      %add3A_429 = arith.addi %add3A_412, %add3A_428 : i32
      %lt3A_430 = arith.constant 125 : i32
      %lt3A_431 = arith.cmpi slt, %add3A_429, %lt3A_430 : i32
      %convert_element_type3A_432 = arith.extui %lt3A_431 : i1 to i32
      %cond3A_433 = arith.constant 0 : i32
      %cond3A_434 = arith.cmpi ne, %convert_element_type3A_432, %cond3A_433 : i32
      scf.if %cond3A_434 {
        %add3A_435 = arith.constant 4 : i32
        %add3A_436 = arith.addi %add3A_412, %add3A_435 : i32
        %add3A_437 = arith.addi %mul3A_2, %add3A_436 : i32
        %dma_wait3A_438 = arith.constant 0 : i32
        %dma_wait3A_439 = arith.constant 0 : i32
        %dma_wait3A_440 = tpu.memref_slice %arg3[%add3A_437, %dma_wait3A_438, %dma_wait3A_439] : memref<4000x2x80xi32, #tpu.memory_space<hbm>> -> memref<1x2x80xi32, #tpu.memory_space<hbm>>
        %dma_wait3A_441 = tpu.memref_squeeze %dma_wait3A_440 : memref<1x2x80xi32, #tpu.memory_space<hbm>> -> memref<2x80xi32, #tpu.memory_space<hbm>>
        %dma_wait3A_442 = arith.constant 0 : i32
        %dma_wait3A_443 = arith.constant 0 : i32
        %dma_wait3A_444 = tpu.memref_slice %arg3[%add3A_437, %dma_wait3A_442, %dma_wait3A_443] : memref<4000x2x80xi32, #tpu.memory_space<hbm>> -> memref<1x2x80xi32, #tpu.memory_space<hbm>>
        %dma_wait3A_445 = tpu.memref_squeeze %dma_wait3A_444 : memref<1x2x80xi32, #tpu.memory_space<hbm>> -> memref<2x80xi32, #tpu.memory_space<hbm>>
        tpu.wait_dma2 semaphore(%arg21 : memref<!tpu.dma_semaphore, #tpu.memory_space<semaphore_mem>>) src(%dma_wait3A_445 : memref<2x80xi32, #tpu.memory_space<hbm>>) dst(%arg8 : memref<2x80xi32, #tpu.memory_space<vmem>>)
        %dma_start3A_446 = arith.constant 0 : i32
        %dma_start3A_447 = arith.constant 0 : i32
        %dma_start3A_448 = tpu.memref_slice %arg8[%dma_start3A_446, %dma_start3A_447] : memref<2x80xi32, #tpu.memory_space<vmem>> -> memref<1x80xi32, #tpu.memory_space<vmem>>
        %dma_start3A_449 = tpu.memref_squeeze %dma_start3A_448 : memref<1x80xi32, #tpu.memory_space<vmem>> -> memref<80xi32, #tpu.memory_space<vmem>>
        %dma_start3A_450 = arith.constant 0 : i32
        %dma_start3A_451 = arith.constant 0 : i32
        %dma_start3A_452 = tpu.memref_slice %arg2[%dma_start3A_450, %dma_start3A_451] : memref<10000x128xf32, #tpu.memory_space<hbm>> -> memref<10000x128xf32, #tpu.memory_space<hbm>>
        tpu.enqueue_indirect_dma source(%dma_start3A_452 : memref<10000x128xf32, #tpu.memory_space<hbm>>) target(%arg16 : memref<80x128xf32, #tpu.memory_space<vmem>>) offsets(%dma_start3A_449 : memref<80xi32, #tpu.memory_space<vmem>>) semaphore(%arg29 : memref<!tpu.dma_semaphore, #tpu.memory_space<semaphore_mem>>)
      } else {
      }
    }
    %scan3A_165 = arith.constant 15 : i32
    %dma_wait3A_166 = arith.constant 0 : i32
    %dma_wait3A_167 = arith.constant 0 : i32
    %dma_wait3A_168 = tpu.memref_slice %arg5[%dma_wait3A_166, %dma_wait3A_167] : memref<2x80xi32, #tpu.memory_space<vmem>> -> memref<1x80xi32, #tpu.memory_space<vmem>>
    %dma_wait3A_169 = tpu.memref_squeeze %dma_wait3A_168 : memref<1x80xi32, #tpu.memory_space<vmem>> -> memref<80xi32, #tpu.memory_space<vmem>>
    %dma_wait3A_170 = arith.constant 0 : i32
    %dma_wait3A_171 = arith.constant 0 : i32
    %dma_wait3A_172 = tpu.memref_slice %arg2[%dma_wait3A_170, %dma_wait3A_171] : memref<10000x128xf32, #tpu.memory_space<hbm>> -> memref<10000x128xf32, #tpu.memory_space<hbm>>
    tpu.wait_indirect_dma semaphore(%arg26 : memref<!tpu.dma_semaphore, #tpu.memory_space<semaphore_mem>>) src(%dma_wait3A_172 : memref<10000x128xf32, #tpu.memory_space<hbm>>) dst(%arg13 : memref<80x128xf32, #tpu.memory_space<vmem>>)
    %run_scoped3A = arith.constant 1 : i32
    "tpu.region"() ({
      %run_scoped3A_229 = tpu.sem_alloc : memref<!tpu.dma_semaphore, #tpu.memory_space<semaphore_mem>>
      %dma_start3A_230 = arith.constant 0 : i32
      %dma_start3A_231 = tpu.memref_slice %arg5[%run_scoped3A, %dma_start3A_230] : memref<2x80xi32, #tpu.memory_space<vmem>> -> memref<1x80xi32, #tpu.memory_space<vmem>>
      %dma_start3A_232 = tpu.memref_squeeze %dma_start3A_231 : memref<1x80xi32, #tpu.memory_space<vmem>> -> memref<80xi32, #tpu.memory_space<vmem>>
      %dma_start3A_233 = arith.constant 0 : i32
      %dma_start3A_234 = arith.constant 0 : i32
      %dma_start3A_235 = tpu.memref_slice %arg17[%dma_start3A_233, %dma_start3A_234] : memref<10000x128xf32, #tpu.memory_space<vmem_shared>> -> memref<10000x128xf32, #tpu.memory_space<vmem_shared>>
      tpu.enqueue_indirect_dma source(%arg13 : memref<80x128xf32, #tpu.memory_space<vmem>>) target(%dma_start3A_235 : memref<10000x128xf32, #tpu.memory_space<vmem_shared>>) offsets(%dma_start3A_232 : memref<80xi32, #tpu.memory_space<vmem>>) semaphore(%run_scoped3A_229 : memref<!tpu.dma_semaphore, #tpu.memory_space<semaphore_mem>>) {add = true}
      %dma_wait3A_236 = arith.constant 0 : i32
      %dma_wait3A_237 = tpu.memref_slice %arg5[%run_scoped3A, %dma_wait3A_236] : memref<2x80xi32, #tpu.memory_space<vmem>> -> memref<1x80xi32, #tpu.memory_space<vmem>>
      %dma_wait3A_238 = tpu.memref_squeeze %dma_wait3A_237 : memref<1x80xi32, #tpu.memory_space<vmem>> -> memref<80xi32, #tpu.memory_space<vmem>>
      %dma_wait3A_239 = arith.constant 0 : i32
      %dma_wait3A_240 = arith.constant 0 : i32
      %dma_wait3A_241 = tpu.memref_slice %arg17[%dma_wait3A_239, %dma_wait3A_240] : memref<10000x128xf32, #tpu.memory_space<vmem_shared>> -> memref<10000x128xf32, #tpu.memory_space<vmem_shared>>
      tpu.wait_indirect_dma semaphore(%run_scoped3A_229 : memref<!tpu.dma_semaphore, #tpu.memory_space<semaphore_mem>>) src(%arg13 : memref<80x128xf32, #tpu.memory_space<vmem>>) dst(%dma_wait3A_241 : memref<10000x128xf32, #tpu.memory_space<vmem_shared>>)
      tpu.yield
    }) : () -> ()
    %add3A_173 = arith.constant 124 : i32
    %add3A_174 = arith.addi %mul3A_2, %add3A_173 : i32
    %dma_wait3A_175 = arith.constant 0 : i32
    %dma_wait3A_176 = arith.constant 0 : i32
    %dma_wait3A_177 = tpu.memref_slice %arg3[%add3A_174, %dma_wait3A_175, %dma_wait3A_176] : memref<4000x2x80xi32, #tpu.memory_space<hbm>> -> memref<1x2x80xi32, #tpu.memory_space<hbm>>
    %dma_wait3A_178 = tpu.memref_squeeze %dma_wait3A_177 : memref<1x2x80xi32, #tpu.memory_space<hbm>> -> memref<2x80xi32, #tpu.memory_space<hbm>>
    %dma_wait3A_179 = arith.constant 0 : i32
    %dma_wait3A_180 = arith.constant 0 : i32
    %dma_wait3A_181 = tpu.memref_slice %arg3[%add3A_174, %dma_wait3A_179, %dma_wait3A_180] : memref<4000x2x80xi32, #tpu.memory_space<hbm>> -> memref<1x2x80xi32, #tpu.memory_space<hbm>>
    %dma_wait3A_182 = tpu.memref_squeeze %dma_wait3A_181 : memref<1x2x80xi32, #tpu.memory_space<hbm>> -> memref<2x80xi32, #tpu.memory_space<hbm>>
    tpu.wait_dma2 semaphore(%arg22 : memref<!tpu.dma_semaphore, #tpu.memory_space<semaphore_mem>>) src(%dma_wait3A_182 : memref<2x80xi32, #tpu.memory_space<hbm>>) dst(%arg9 : memref<2x80xi32, #tpu.memory_space<vmem>>)
    %dma_start3A_183 = arith.constant 0 : i32
    %dma_start3A_184 = arith.constant 0 : i32
    %dma_start3A_185 = tpu.memref_slice %arg9[%dma_start3A_183, %dma_start3A_184] : memref<2x80xi32, #tpu.memory_space<vmem>> -> memref<1x80xi32, #tpu.memory_space<vmem>>
    %dma_start3A_186 = tpu.memref_squeeze %dma_start3A_185 : memref<1x80xi32, #tpu.memory_space<vmem>> -> memref<80xi32, #tpu.memory_space<vmem>>
    %dma_start3A_187 = arith.constant 0 : i32
    %dma_start3A_188 = arith.constant 0 : i32
    %dma_start3A_189 = tpu.memref_slice %arg2[%dma_start3A_187, %dma_start3A_188] : memref<10000x128xf32, #tpu.memory_space<hbm>> -> memref<10000x128xf32, #tpu.memory_space<hbm>>
    tpu.enqueue_indirect_dma source(%dma_start3A_189 : memref<10000x128xf32, #tpu.memory_space<hbm>>) target(%arg13 : memref<80x128xf32, #tpu.memory_space<vmem>>) offsets(%dma_start3A_186 : memref<80xi32, #tpu.memory_space<vmem>>) semaphore(%arg26 : memref<!tpu.dma_semaphore, #tpu.memory_space<semaphore_mem>>)
    %dma_wait3A_190 = arith.constant 0 : i32
    %dma_wait3A_191 = arith.constant 0 : i32
    %dma_wait3A_192 = tpu.memref_slice %arg6[%dma_wait3A_190, %dma_wait3A_191] : memref<2x80xi32, #tpu.memory_space<vmem>> -> memref<1x80xi32, #tpu.memory_space<vmem>>
    %dma_wait3A_193 = tpu.memref_squeeze %dma_wait3A_192 : memref<1x80xi32, #tpu.memory_space<vmem>> -> memref<80xi32, #tpu.memory_space<vmem>>
    %dma_wait3A_194 = arith.constant 0 : i32
    %dma_wait3A_195 = arith.constant 0 : i32
    %dma_wait3A_196 = tpu.memref_slice %arg2[%dma_wait3A_194, %dma_wait3A_195] : memref<10000x128xf32, #tpu.memory_space<hbm>> -> memref<10000x128xf32, #tpu.memory_space<hbm>>
    tpu.wait_indirect_dma semaphore(%arg27 : memref<!tpu.dma_semaphore, #tpu.memory_space<semaphore_mem>>) src(%dma_wait3A_196 : memref<10000x128xf32, #tpu.memory_space<hbm>>) dst(%arg14 : memref<80x128xf32, #tpu.memory_space<vmem>>)
    %run_scoped3A_197 = arith.constant 1 : i32
    "tpu.region"() ({
      %run_scoped3A_229 = tpu.sem_alloc : memref<!tpu.dma_semaphore, #tpu.memory_space<semaphore_mem>>
      %dma_start3A_230 = arith.constant 0 : i32
      %dma_start3A_231 = tpu.memref_slice %arg6[%run_scoped3A_197, %dma_start3A_230] : memref<2x80xi32, #tpu.memory_space<vmem>> -> memref<1x80xi32, #tpu.memory_space<vmem>>
      %dma_start3A_232 = tpu.memref_squeeze %dma_start3A_231 : memref<1x80xi32, #tpu.memory_space<vmem>> -> memref<80xi32, #tpu.memory_space<vmem>>
      %dma_start3A_233 = arith.constant 0 : i32
      %dma_start3A_234 = arith.constant 0 : i32
      %dma_start3A_235 = tpu.memref_slice %arg17[%dma_start3A_233, %dma_start3A_234] : memref<10000x128xf32, #tpu.memory_space<vmem_shared>> -> memref<10000x128xf32, #tpu.memory_space<vmem_shared>>
      tpu.enqueue_indirect_dma source(%arg14 : memref<80x128xf32, #tpu.memory_space<vmem>>) target(%dma_start3A_235 : memref<10000x128xf32, #tpu.memory_space<vmem_shared>>) offsets(%dma_start3A_232 : memref<80xi32, #tpu.memory_space<vmem>>) semaphore(%run_scoped3A_229 : memref<!tpu.dma_semaphore, #tpu.memory_space<semaphore_mem>>) {add = true}
      %dma_wait3A_236 = arith.constant 0 : i32
      %dma_wait3A_237 = tpu.memref_slice %arg6[%run_scoped3A_197, %dma_wait3A_236] : memref<2x80xi32, #tpu.memory_space<vmem>> -> memref<1x80xi32, #tpu.memory_space<vmem>>
      %dma_wait3A_238 = tpu.memref_squeeze %dma_wait3A_237 : memref<1x80xi32, #tpu.memory_space<vmem>> -> memref<80xi32, #tpu.memory_space<vmem>>
      %dma_wait3A_239 = arith.constant 0 : i32
      %dma_wait3A_240 = arith.constant 0 : i32
      %dma_wait3A_241 = tpu.memref_slice %arg17[%dma_wait3A_239, %dma_wait3A_240] : memref<10000x128xf32, #tpu.memory_space<vmem_shared>> -> memref<10000x128xf32, #tpu.memory_space<vmem_shared>>
      tpu.wait_indirect_dma semaphore(%run_scoped3A_229 : memref<!tpu.dma_semaphore, #tpu.memory_space<semaphore_mem>>) src(%arg14 : memref<80x128xf32, #tpu.memory_space<vmem>>) dst(%dma_wait3A_241 : memref<10000x128xf32, #tpu.memory_space<vmem_shared>>)
      tpu.yield
    }) : () -> ()
    %dma_wait3A_198 = arith.constant 0 : i32
    %dma_wait3A_199 = arith.constant 0 : i32
    %dma_wait3A_200 = tpu.memref_slice %arg7[%dma_wait3A_198, %dma_wait3A_199] : memref<2x80xi32, #tpu.memory_space<vmem>> -> memref<1x80xi32, #tpu.memory_space<vmem>>
    %dma_wait3A_201 = tpu.memref_squeeze %dma_wait3A_200 : memref<1x80xi32, #tpu.memory_space<vmem>> -> memref<80xi32, #tpu.memory_space<vmem>>
    %dma_wait3A_202 = arith.constant 0 : i32
    %dma_wait3A_203 = arith.constant 0 : i32
    %dma_wait3A_204 = tpu.memref_slice %arg2[%dma_wait3A_202, %dma_wait3A_203] : memref<10000x128xf32, #tpu.memory_space<hbm>> -> memref<10000x128xf32, #tpu.memory_space<hbm>>
    tpu.wait_indirect_dma semaphore(%arg28 : memref<!tpu.dma_semaphore, #tpu.memory_space<semaphore_mem>>) src(%dma_wait3A_204 : memref<10000x128xf32, #tpu.memory_space<hbm>>) dst(%arg15 : memref<80x128xf32, #tpu.memory_space<vmem>>)
    %run_scoped3A_205 = arith.constant 1 : i32
    "tpu.region"() ({
      %run_scoped3A_229 = tpu.sem_alloc : memref<!tpu.dma_semaphore, #tpu.memory_space<semaphore_mem>>
      %dma_start3A_230 = arith.constant 0 : i32
      %dma_start3A_231 = tpu.memref_slice %arg7[%run_scoped3A_205, %dma_start3A_230] : memref<2x80xi32, #tpu.memory_space<vmem>> -> memref<1x80xi32, #tpu.memory_space<vmem>>
      %dma_start3A_232 = tpu.memref_squeeze %dma_start3A_231 : memref<1x80xi32, #tpu.memory_space<vmem>> -> memref<80xi32, #tpu.memory_space<vmem>>
      %dma_start3A_233 = arith.constant 0 : i32
      %dma_start3A_234 = arith.constant 0 : i32
      %dma_start3A_235 = tpu.memref_slice %arg17[%dma_start3A_233, %dma_start3A_234] : memref<10000x128xf32, #tpu.memory_space<vmem_shared>> -> memref<10000x128xf32, #tpu.memory_space<vmem_shared>>
      tpu.enqueue_indirect_dma source(%arg15 : memref<80x128xf32, #tpu.memory_space<vmem>>) target(%dma_start3A_235 : memref<10000x128xf32, #tpu.memory_space<vmem_shared>>) offsets(%dma_start3A_232 : memref<80xi32, #tpu.memory_space<vmem>>) semaphore(%run_scoped3A_229 : memref<!tpu.dma_semaphore, #tpu.memory_space<semaphore_mem>>) {add = true}
      %dma_wait3A_236 = arith.constant 0 : i32
      %dma_wait3A_237 = tpu.memref_slice %arg7[%run_scoped3A_205, %dma_wait3A_236] : memref<2x80xi32, #tpu.memory_space<vmem>> -> memref<1x80xi32, #tpu.memory_space<vmem>>
      %dma_wait3A_238 = tpu.memref_squeeze %dma_wait3A_237 : memref<1x80xi32, #tpu.memory_space<vmem>> -> memref<80xi32, #tpu.memory_space<vmem>>
      %dma_wait3A_239 = arith.constant 0 : i32
      %dma_wait3A_240 = arith.constant 0 : i32
      %dma_wait3A_241 = tpu.memref_slice %arg17[%dma_wait3A_239, %dma_wait3A_240] : memref<10000x128xf32, #tpu.memory_space<vmem_shared>> -> memref<10000x128xf32, #tpu.memory_space<vmem_shared>>
      tpu.wait_indirect_dma semaphore(%run_scoped3A_229 : memref<!tpu.dma_semaphore, #tpu.memory_space<semaphore_mem>>) src(%arg15 : memref<80x128xf32, #tpu.memory_space<vmem>>) dst(%dma_wait3A_241 : memref<10000x128xf32, #tpu.memory_space<vmem_shared>>)
      tpu.yield
    }) : () -> ()
    %dma_wait3A_206 = arith.constant 0 : i32
    %dma_wait3A_207 = arith.constant 0 : i32
    %dma_wait3A_208 = tpu.memref_slice %arg8[%dma_wait3A_206, %dma_wait3A_207] : memref<2x80xi32, #tpu.memory_space<vmem>> -> memref<1x80xi32, #tpu.memory_space<vmem>>
    %dma_wait3A_209 = tpu.memref_squeeze %dma_wait3A_208 : memref<1x80xi32, #tpu.memory_space<vmem>> -> memref<80xi32, #tpu.memory_space<vmem>>
    %dma_wait3A_210 = arith.constant 0 : i32
    %dma_wait3A_211 = arith.constant 0 : i32
    %dma_wait3A_212 = tpu.memref_slice %arg2[%dma_wait3A_210, %dma_wait3A_211] : memref<10000x128xf32, #tpu.memory_space<hbm>> -> memref<10000x128xf32, #tpu.memory_space<hbm>>
    tpu.wait_indirect_dma semaphore(%arg29 : memref<!tpu.dma_semaphore, #tpu.memory_space<semaphore_mem>>) src(%dma_wait3A_212 : memref<10000x128xf32, #tpu.memory_space<hbm>>) dst(%arg16 : memref<80x128xf32, #tpu.memory_space<vmem>>)
    %run_scoped3A_213 = arith.constant 1 : i32
    "tpu.region"() ({
      %run_scoped3A_229 = tpu.sem_alloc : memref<!tpu.dma_semaphore, #tpu.memory_space<semaphore_mem>>
      %dma_start3A_230 = arith.constant 0 : i32
      %dma_start3A_231 = tpu.memref_slice %arg8[%run_scoped3A_213, %dma_start3A_230] : memref<2x80xi32, #tpu.memory_space<vmem>> -> memref<1x80xi32, #tpu.memory_space<vmem>>
      %dma_start3A_232 = tpu.memref_squeeze %dma_start3A_231 : memref<1x80xi32, #tpu.memory_space<vmem>> -> memref<80xi32, #tpu.memory_space<vmem>>
      %dma_start3A_233 = arith.constant 0 : i32
      %dma_start3A_234 = arith.constant 0 : i32
      %dma_start3A_235 = tpu.memref_slice %arg17[%dma_start3A_233, %dma_start3A_234] : memref<10000x128xf32, #tpu.memory_space<vmem_shared>> -> memref<10000x128xf32, #tpu.memory_space<vmem_shared>>
      tpu.enqueue_indirect_dma source(%arg16 : memref<80x128xf32, #tpu.memory_space<vmem>>) target(%dma_start3A_235 : memref<10000x128xf32, #tpu.memory_space<vmem_shared>>) offsets(%dma_start3A_232 : memref<80xi32, #tpu.memory_space<vmem>>) semaphore(%run_scoped3A_229 : memref<!tpu.dma_semaphore, #tpu.memory_space<semaphore_mem>>) {add = true}
      %dma_wait3A_236 = arith.constant 0 : i32
      %dma_wait3A_237 = tpu.memref_slice %arg8[%run_scoped3A_213, %dma_wait3A_236] : memref<2x80xi32, #tpu.memory_space<vmem>> -> memref<1x80xi32, #tpu.memory_space<vmem>>
      %dma_wait3A_238 = tpu.memref_squeeze %dma_wait3A_237 : memref<1x80xi32, #tpu.memory_space<vmem>> -> memref<80xi32, #tpu.memory_space<vmem>>
      %dma_wait3A_239 = arith.constant 0 : i32
      %dma_wait3A_240 = arith.constant 0 : i32
      %dma_wait3A_241 = tpu.memref_slice %arg17[%dma_wait3A_239, %dma_wait3A_240] : memref<10000x128xf32, #tpu.memory_space<vmem_shared>> -> memref<10000x128xf32, #tpu.memory_space<vmem_shared>>
      tpu.wait_indirect_dma semaphore(%run_scoped3A_229 : memref<!tpu.dma_semaphore, #tpu.memory_space<semaphore_mem>>) src(%arg16 : memref<80x128xf32, #tpu.memory_space<vmem>>) dst(%dma_wait3A_241 : memref<10000x128xf32, #tpu.memory_space<vmem_shared>>)
      tpu.yield
    }) : () -> ()
    %dma_wait3A_214 = arith.constant 0 : i32
    %dma_wait3A_215 = arith.constant 0 : i32
    %dma_wait3A_216 = tpu.memref_slice %arg9[%dma_wait3A_214, %dma_wait3A_215] : memref<2x80xi32, #tpu.memory_space<vmem>> -> memref<1x80xi32, #tpu.memory_space<vmem>>
    %dma_wait3A_217 = tpu.memref_squeeze %dma_wait3A_216 : memref<1x80xi32, #tpu.memory_space<vmem>> -> memref<80xi32, #tpu.memory_space<vmem>>
    %dma_wait3A_218 = arith.constant 0 : i32
    %dma_wait3A_219 = arith.constant 0 : i32
    %dma_wait3A_220 = tpu.memref_slice %arg2[%dma_wait3A_218, %dma_wait3A_219] : memref<10000x128xf32, #tpu.memory_space<hbm>> -> memref<10000x128xf32, #tpu.memory_space<hbm>>
    tpu.wait_indirect_dma semaphore(%arg26 : memref<!tpu.dma_semaphore, #tpu.memory_space<semaphore_mem>>) src(%dma_wait3A_220 : memref<10000x128xf32, #tpu.memory_space<hbm>>) dst(%arg13 : memref<80x128xf32, #tpu.memory_space<vmem>>)
    %run_scoped3A_221 = arith.constant 1 : i32
    "tpu.region"() ({
      %run_scoped3A_229 = tpu.sem_alloc : memref<!tpu.dma_semaphore, #tpu.memory_space<semaphore_mem>>
      %dma_start3A_230 = arith.constant 0 : i32
      %dma_start3A_231 = tpu.memref_slice %arg9[%run_scoped3A_221, %dma_start3A_230] : memref<2x80xi32, #tpu.memory_space<vmem>> -> memref<1x80xi32, #tpu.memory_space<vmem>>
      %dma_start3A_232 = tpu.memref_squeeze %dma_start3A_231 : memref<1x80xi32, #tpu.memory_space<vmem>> -> memref<80xi32, #tpu.memory_space<vmem>>
      %dma_start3A_233 = arith.constant 0 : i32
      %dma_start3A_234 = arith.constant 0 : i32
      %dma_start3A_235 = tpu.memref_slice %arg17[%dma_start3A_233, %dma_start3A_234] : memref<10000x128xf32, #tpu.memory_space<vmem_shared>> -> memref<10000x128xf32, #tpu.memory_space<vmem_shared>>
      tpu.enqueue_indirect_dma source(%arg13 : memref<80x128xf32, #tpu.memory_space<vmem>>) target(%dma_start3A_235 : memref<10000x128xf32, #tpu.memory_space<vmem_shared>>) offsets(%dma_start3A_232 : memref<80xi32, #tpu.memory_space<vmem>>) semaphore(%run_scoped3A_229 : memref<!tpu.dma_semaphore, #tpu.memory_space<semaphore_mem>>) {add = true}
      %dma_wait3A_236 = arith.constant 0 : i32
      %dma_wait3A_237 = tpu.memref_slice %arg9[%run_scoped3A_221, %dma_wait3A_236] : memref<2x80xi32, #tpu.memory_space<vmem>> -> memref<1x80xi32, #tpu.memory_space<vmem>>
      %dma_wait3A_238 = tpu.memref_squeeze %dma_wait3A_237 : memref<1x80xi32, #tpu.memory_space<vmem>> -> memref<80xi32, #tpu.memory_space<vmem>>
      %dma_wait3A_239 = arith.constant 0 : i32
      %dma_wait3A_240 = arith.constant 0 : i32
      %dma_wait3A_241 = tpu.memref_slice %arg17[%dma_wait3A_239, %dma_wait3A_240] : memref<10000x128xf32, #tpu.memory_space<vmem_shared>> -> memref<10000x128xf32, #tpu.memory_space<vmem_shared>>
      tpu.wait_indirect_dma semaphore(%run_scoped3A_229 : memref<!tpu.dma_semaphore, #tpu.memory_space<semaphore_mem>>) src(%arg13 : memref<80x128xf32, #tpu.memory_space<vmem>>) dst(%dma_wait3A_241 : memref<10000x128xf32, #tpu.memory_space<vmem_shared>>)
      tpu.yield
    }) : () -> ()
    %barrier3A_222 = arith.constant 0 : index
    tpu.barrier barrier_id(%barrier3A_222)
    %scan3A_223 = arith.constant 0 : i32
    %scan3A_224 = arith.constant 0 : i32
    %scan3A_225 = arith.constant 8 : i32
    %scan3A_226 = arith.addi %scan3A_224, %scan3A_225 : i32
    %scan3A_227 = arith.constant 1 : i32
    scf.for %scan3A_229 = %scan3A_224 to %scan3A_226 step %scan3A_227  : i32 {
      %mul3A_230 = arith.constant 16 : i32
      %mul3A_231 = arith.muli %scan3A_229, %mul3A_230 : i32
      %add3A_232 = arith.addi %arg1, %mul3A_231 : i32
      %lt3A = arith.constant 125 : i32
      %lt3A_233 = arith.cmpi slt, %add3A_232, %lt3A : i32
      %convert_element_type3A = arith.extui %lt3A_233 : i1 to i32
      %cond3A = arith.constant 0 : i32
      %cond3A_234 = arith.cmpi ne, %convert_element_type3A, %cond3A : i32
      scf.if %cond3A_234 {
        %mul3A_235 = arith.constant 80 : i32
        %mul3A_236 = arith.muli %add3A_232, %mul3A_235 : i32
        %mul3A_237 = arith.constant 80 : i32
        %mul3A_238 = arith.muli %add3A_232, %mul3A_237 : i32
        "tpu.region"() ({
          %run_scoped3A_239 = tpu.sem_alloc : memref<!tpu.dma_semaphore, #tpu.memory_space<semaphore_mem>>
          %dma_start3A_240 = arith.constant 0 : i32
          %dma_start3A_241 = tpu.memref_slice %arg4[%arg0, %mul3A_238, %dma_start3A_240] : memref<2x10000x128xf32, #tpu.memory_space<hbm>> -> memref<1x80x128xf32, #tpu.memory_space<hbm>>
          %dma_start3A_242 = tpu.memref_squeeze %dma_start3A_241 : memref<1x80x128xf32, #tpu.memory_space<hbm>> -> memref<80x128xf32, #tpu.memory_space<hbm>>
          %dma_start3A_243 = arith.constant 0 : i32
          %dma_start3A_244 = tpu.memref_slice %arg17[%mul3A_236, %dma_start3A_243] : memref<10000x128xf32, #tpu.memory_space<vmem_shared>> -> memref<80x128xf32, #tpu.memory_space<vmem_shared>>
          tpu.enqueue_dma source(%dma_start3A_244 : memref<80x128xf32, #tpu.memory_space<vmem_shared>>) target(%dma_start3A_242 : memref<80x128xf32, #tpu.memory_space<hbm>>) target_semaphore(%run_scoped3A_239 : memref<!tpu.dma_semaphore, #tpu.memory_space<semaphore_mem>>)
          %dma_wait3A_245 = arith.constant 0 : i32
          %dma_wait3A_246 = tpu.memref_slice %arg4[%arg0, %mul3A_238, %dma_wait3A_245] : memref<2x10000x128xf32, #tpu.memory_space<hbm>> -> memref<1x80x128xf32, #tpu.memory_space<hbm>>
          %dma_wait3A_247 = tpu.memref_squeeze %dma_wait3A_246 : memref<1x80x128xf32, #tpu.memory_space<hbm>> -> memref<80x128xf32, #tpu.memory_space<hbm>>
          %dma_wait3A_248 = arith.constant 0 : i32
          %dma_wait3A_249 = tpu.memref_slice %arg17[%mul3A_236, %dma_wait3A_248] : memref<10000x128xf32, #tpu.memory_space<vmem_shared>> -> memref<80x128xf32, #tpu.memory_space<vmem_shared>>
          tpu.wait_dma2 semaphore(%run_scoped3A_239 : memref<!tpu.dma_semaphore, #tpu.memory_space<semaphore_mem>>) src(%dma_wait3A_249 : memref<80x128xf32, #tpu.memory_space<vmem_shared>>) dst(%dma_wait3A_247 : memref<80x128xf32, #tpu.memory_space<hbm>>)
          tpu.yield
        }) : () -> ()
      } else {
      }
    }
    %scan3A_228 = arith.constant 8 : i32
    return
  }
}

#map = affine_map<(d0, d1) -> (0, 0)>
#map1 = affine_map<(d0, d1) -> (0, 0, 0)>
module attributes {stable_mosaic.version = 14 : i64} {
  func.func @sc_kernel(%arg0: i32, %arg1: i32, %arg2: memref<10000x128xf32, #tpu.memory_space<hbm>>, %arg3: memref<4000x2x80xi32, #tpu.memory_space<hbm>>, %arg4: memref<2x10000x128xf32, #tpu.memory_space<hbm>>, %arg5: memref<2x10000x16xbf16, #tpu.memory_space<hbm>>, %arg6: memref<2x80xi32, #tpu.memory_space<vmem>>, %arg7: memref<2x80xi32, #tpu.memory_space<vmem>>, %arg8: memref<2x80xi32, #tpu.memory_space<vmem>>, %arg9: memref<2x80xi32, #tpu.memory_space<vmem>>, %arg10: memref<2x80xi32, #tpu.memory_space<vmem>>, %arg11: memref<2x80xi32, #tpu.memory_space<vmem>>, %arg12: memref<2x80xi32, #tpu.memory_space<vmem>>, %arg13: memref<2x80xi32, #tpu.memory_space<vmem>>, %arg14: memref<80x128xf32, #tpu.memory_space<vmem>>, %arg15: memref<80x128xf32, #tpu.memory_space<vmem>>, %arg16: memref<80x128xf32, #tpu.memory_space<vmem>>, %arg17: memref<80x128xf32, #tpu.memory_space<vmem>>, %arg18: memref<10000x128xf32, #tpu.memory_space<vmem_shared>>, %arg19: memref<80x16xbf16, #tpu.memory_space<vmem>>, %arg20: memref<80x16xbf16, #tpu.memory_space<vmem>>, %arg21: memref<10000x16xbf16, #tpu.memory_space<vmem_shared>>, %arg22: memref<!tpu.dma_semaphore, #tpu.memory_space<semaphore_mem>>, %arg23: memref<!tpu.dma_semaphore, #tpu.memory_space<semaphore_mem>>, %arg24: memref<!tpu.dma_semaphore, #tpu.memory_space<semaphore_mem>>, %arg25: memref<!tpu.dma_semaphore, #tpu.memory_space<semaphore_mem>>, %arg26: memref<!tpu.dma_semaphore, #tpu.memory_space<semaphore_mem>>, %arg27: memref<!tpu.dma_semaphore, #tpu.memory_space<semaphore_mem>>, %arg28: memref<!tpu.dma_semaphore, #tpu.memory_space<semaphore_mem>>, %arg29: memref<!tpu.dma_semaphore, #tpu.memory_space<semaphore_mem>>, %arg30: memref<!tpu.dma_semaphore, #tpu.memory_space<semaphore_mem>>, %arg31: memref<!tpu.dma_semaphore, #tpu.memory_space<semaphore_mem>>, %arg32: memref<!tpu.dma_semaphore, #tpu.memory_space<semaphore_mem>>, %arg33: memref<!tpu.dma_semaphore, #tpu.memory_space<semaphore_mem>>) attributes {dimension_semantics = [#tpu.dimension_semantics<core_parallel>, #tpu.dimension_semantics<subcore_parallel>], iteration_bounds = array<i64: 2, 16>, scalar_prefetch = 0 : i64, scratch_operands = 28 : i64, tpu.core_type = #tpu.core_type<sc_vector_subcore>, window_params = [{transform_indices = #map}, {transform_indices = #map1}, {transform_indices = #map1}, {transform_indices = #map1}]} {
    %mul3A = arith.constant 2 : i32
    %mul3A_0 = arith.muli %arg1, %mul3A : i32
    %add3A = arith.addi %mul3A_0, %arg0 : i32
    %mul3A_1 = arith.constant 125 : i32
    %mul3A_2 = arith.muli %add3A, %mul3A_1 : i32
    %scan3A = arith.constant 0 : i32
    %scan3A_3 = arith.constant 0 : i32
    %scan3A_4 = arith.constant 80 : i32
    %scan3A_5 = arith.addi %scan3A_3, %scan3A_4 : i32
    %scan3A_6 = arith.constant 1 : i32
    scf.for %scan3A_240 = %scan3A_3 to %scan3A_5 step %scan3A_6  : i32 {
      %broadcast_in_dim3A = arith.constant 0.000000e+00 : f32
      %broadcast_in_dim3A_241 = vector.broadcast %broadcast_in_dim3A : f32 to vector<16xf32>
      %swap3A = arith.index_cast %scan3A_240 : i32 to index
      %swap3A_242 = arith.constant 0 : index
      %swap3A_243 = tpu.vector_load %arg14[%swap3A, %swap3A_242] {strides = array<i32>} : memref<80x128xf32, #tpu.memory_space<vmem>>, vector<1x16xf32>,
      %swap3A_244 = vector.shape_cast %swap3A_243 : vector<1x16xf32> to vector<16xf32>
      %swap3A_245 = vector.shape_cast %broadcast_in_dim3A_241 : vector<16xf32> to vector<1x16xf32>
      tpu.vector_store %arg14[%swap3A, %swap3A_242], %swap3A_245 {strides = array<i32>} : memref<80x128xf32, #tpu.memory_space<vmem>>, vector<1x16xf32>,
      %broadcast_in_dim3A_246 = arith.constant 0.000000e+00 : f32
      %broadcast_in_dim3A_247 = vector.broadcast %broadcast_in_dim3A_246 : f32 to vector<16xf32>
      %swap3A_248 = arith.index_cast %scan3A_240 : i32 to index
      %swap3A_249 = arith.constant 16 : index
      %swap3A_250 = tpu.vector_load %arg14[%swap3A_248, %swap3A_249] {strides = array<i32>} : memref<80x128xf32, #tpu.memory_space<vmem>>, vector<1x16xf32>,
      %swap3A_251 = vector.shape_cast %swap3A_250 : vector<1x16xf32> to vector<16xf32>
      %swap3A_252 = vector.shape_cast %broadcast_in_dim3A_247 : vector<16xf32> to vector<1x16xf32>
      tpu.vector_store %arg14[%swap3A_248, %swap3A_249], %swap3A_252 {strides = array<i32>} : memref<80x128xf32, #tpu.memory_space<vmem>>, vector<1x16xf32>,
      %broadcast_in_dim3A_253 = arith.constant 0.000000e+00 : f32
      %broadcast_in_dim3A_254 = vector.broadcast %broadcast_in_dim3A_253 : f32 to vector<16xf32>
      %swap3A_255 = arith.index_cast %scan3A_240 : i32 to index
      %swap3A_256 = arith.constant 32 : index
      %swap3A_257 = tpu.vector_load %arg14[%swap3A_255, %swap3A_256] {strides = array<i32>} : memref<80x128xf32, #tpu.memory_space<vmem>>, vector<1x16xf32>,
      %swap3A_258 = vector.shape_cast %swap3A_257 : vector<1x16xf32> to vector<16xf32>
      %swap3A_259 = vector.shape_cast %broadcast_in_dim3A_254 : vector<16xf32> to vector<1x16xf32>
      tpu.vector_store %arg14[%swap3A_255, %swap3A_256], %swap3A_259 {strides = array<i32>} : memref<80x128xf32, #tpu.memory_space<vmem>>, vector<1x16xf32>,
      %broadcast_in_dim3A_260 = arith.constant 0.000000e+00 : f32
      %broadcast_in_dim3A_261 = vector.broadcast %broadcast_in_dim3A_260 : f32 to vector<16xf32>
      %swap3A_262 = arith.index_cast %scan3A_240 : i32 to index
      %swap3A_263 = arith.constant 48 : index
      %swap3A_264 = tpu.vector_load %arg14[%swap3A_262, %swap3A_263] {strides = array<i32>} : memref<80x128xf32, #tpu.memory_space<vmem>>, vector<1x16xf32>,
      %swap3A_265 = vector.shape_cast %swap3A_264 : vector<1x16xf32> to vector<16xf32>
      %swap3A_266 = vector.shape_cast %broadcast_in_dim3A_261 : vector<16xf32> to vector<1x16xf32>
      tpu.vector_store %arg14[%swap3A_262, %swap3A_263], %swap3A_266 {strides = array<i32>} : memref<80x128xf32, #tpu.memory_space<vmem>>, vector<1x16xf32>,
      %broadcast_in_dim3A_267 = arith.constant 0.000000e+00 : f32
      %broadcast_in_dim3A_268 = vector.broadcast %broadcast_in_dim3A_267 : f32 to vector<16xf32>
      %swap3A_269 = arith.index_cast %scan3A_240 : i32 to index
      %swap3A_270 = arith.constant 64 : index
      %swap3A_271 = tpu.vector_load %arg14[%swap3A_269, %swap3A_270] {strides = array<i32>} : memref<80x128xf32, #tpu.memory_space<vmem>>, vector<1x16xf32>,
      %swap3A_272 = vector.shape_cast %swap3A_271 : vector<1x16xf32> to vector<16xf32>
      %swap3A_273 = vector.shape_cast %broadcast_in_dim3A_268 : vector<16xf32> to vector<1x16xf32>
      tpu.vector_store %arg14[%swap3A_269, %swap3A_270], %swap3A_273 {strides = array<i32>} : memref<80x128xf32, #tpu.memory_space<vmem>>, vector<1x16xf32>,
      %broadcast_in_dim3A_274 = arith.constant 0.000000e+00 : f32
      %broadcast_in_dim3A_275 = vector.broadcast %broadcast_in_dim3A_274 : f32 to vector<16xf32>
      %swap3A_276 = arith.index_cast %scan3A_240 : i32 to index
      %swap3A_277 = arith.constant 80 : index
      %swap3A_278 = tpu.vector_load %arg14[%swap3A_276, %swap3A_277] {strides = array<i32>} : memref<80x128xf32, #tpu.memory_space<vmem>>, vector<1x16xf32>,
      %swap3A_279 = vector.shape_cast %swap3A_278 : vector<1x16xf32> to vector<16xf32>
      %swap3A_280 = vector.shape_cast %broadcast_in_dim3A_275 : vector<16xf32> to vector<1x16xf32>
      tpu.vector_store %arg14[%swap3A_276, %swap3A_277], %swap3A_280 {strides = array<i32>} : memref<80x128xf32, #tpu.memory_space<vmem>>, vector<1x16xf32>,
      %broadcast_in_dim3A_281 = arith.constant 0.000000e+00 : f32
      %broadcast_in_dim3A_282 = vector.broadcast %broadcast_in_dim3A_281 : f32 to vector<16xf32>
      %swap3A_283 = arith.index_cast %scan3A_240 : i32 to index
      %swap3A_284 = arith.constant 96 : index
      %swap3A_285 = tpu.vector_load %arg14[%swap3A_283, %swap3A_284] {strides = array<i32>} : memref<80x128xf32, #tpu.memory_space<vmem>>, vector<1x16xf32>,
      %swap3A_286 = vector.shape_cast %swap3A_285 : vector<1x16xf32> to vector<16xf32>
      %swap3A_287 = vector.shape_cast %broadcast_in_dim3A_282 : vector<16xf32> to vector<1x16xf32>
      tpu.vector_store %arg14[%swap3A_283, %swap3A_284], %swap3A_287 {strides = array<i32>} : memref<80x128xf32, #tpu.memory_space<vmem>>, vector<1x16xf32>,
      %broadcast_in_dim3A_288 = arith.constant 0.000000e+00 : f32
      %broadcast_in_dim3A_289 = vector.broadcast %broadcast_in_dim3A_288 : f32 to vector<16xf32>
      %swap3A_290 = arith.index_cast %scan3A_240 : i32 to index
      %swap3A_291 = arith.constant 112 : index
      %swap3A_292 = tpu.vector_load %arg14[%swap3A_290, %swap3A_291] {strides = array<i32>} : memref<80x128xf32, #tpu.memory_space<vmem>>, vector<1x16xf32>,
      %swap3A_293 = vector.shape_cast %swap3A_292 : vector<1x16xf32> to vector<16xf32>
      %swap3A_294 = vector.shape_cast %broadcast_in_dim3A_289 : vector<16xf32> to vector<1x16xf32>
      tpu.vector_store %arg14[%swap3A_290, %swap3A_291], %swap3A_294 {strides = array<i32>} : memref<80x128xf32, #tpu.memory_space<vmem>>, vector<1x16xf32>,
    }
    %scan3A_7 = arith.constant 80 : i32
    %scan3A_8 = arith.constant 0 : i32
    %scan3A_9 = arith.constant 0 : i32
    %scan3A_10 = arith.constant 40 : i32
    %scan3A_11 = arith.addi %scan3A_9, %scan3A_10 : i32
    %scan3A_12 = arith.constant 1 : i32
    scf.for %scan3A_240 = %scan3A_9 to %scan3A_11 step %scan3A_12  : i32 {
      %broadcast_in_dim3A = arith.constant 1.000000e+00 : bf16
      %broadcast_in_dim3A_241 = vector.broadcast %broadcast_in_dim3A : bf16 to vector<2x16xbf16>
      %mul3A_242 = arith.constant 2 : i32
      %mul3A_243 = arith.muli %mul3A_242, %scan3A_240 : i32
      %swap3A = arith.index_cast %mul3A_243 : i32 to index
      %swap3A_244 = arith.constant 0 : index
      %swap3A_245 = tpu.vector_load %arg19[%swap3A, %swap3A_244] {strides = array<i32>} : memref<80x16xbf16, #tpu.memory_space<vmem>>, vector<2x16xbf16>,
      %swap3A_246 = vector.shape_cast %swap3A_245 : vector<2x16xbf16> to vector<2x16xbf16>
      %swap3A_247 = vector.shape_cast %broadcast_in_dim3A_241 : vector<2x16xbf16> to vector<2x16xbf16>
      tpu.vector_store %arg19[%swap3A, %swap3A_244], %swap3A_247 {strides = array<i32>} : memref<80x16xbf16, #tpu.memory_space<vmem>>, vector<2x16xbf16>,
      %broadcast_in_dim3A_248 = arith.constant 0.000000e+00 : bf16
      %broadcast_in_dim3A_249 = vector.broadcast %broadcast_in_dim3A_248 : bf16 to vector<2x16xbf16>
      %mul3A_250 = arith.constant 2 : i32
      %mul3A_251 = arith.muli %mul3A_250, %scan3A_240 : i32
      %swap3A_252 = arith.index_cast %mul3A_251 : i32 to index
      %swap3A_253 = arith.constant 0 : index
      %swap3A_254 = tpu.vector_load %arg20[%swap3A_252, %swap3A_253] {strides = array<i32>} : memref<80x16xbf16, #tpu.memory_space<vmem>>, vector<2x16xbf16>,
      %swap3A_255 = vector.shape_cast %swap3A_254 : vector<2x16xbf16> to vector<2x16xbf16>
      %swap3A_256 = vector.shape_cast %broadcast_in_dim3A_249 : vector<2x16xbf16> to vector<2x16xbf16>
      tpu.vector_store %arg20[%swap3A_252, %swap3A_253], %swap3A_256 {strides = array<i32>} : memref<80x16xbf16, #tpu.memory_space<vmem>>, vector<2x16xbf16>,
    }
    %scan3A_13 = arith.constant 40 : i32
    %add3A_14 = arith.constant 0 : i32
    %add3A_15 = arith.addi %mul3A_2, %add3A_14 : i32
    %dma_start3A = arith.constant 0 : i32
    %dma_start3A_16 = arith.constant 0 : i32
    %dma_start3A_17 = tpu.memref_slice %arg3[%add3A_15, %dma_start3A, %dma_start3A_16] : memref<4000x2x80xi32, #tpu.memory_space<hbm>> -> memref<1x2x80xi32, #tpu.memory_space<hbm>>
    %dma_start3A_18 = tpu.memref_squeeze %dma_start3A_17 : memref<1x2x80xi32, #tpu.memory_space<hbm>> -> memref<2x80xi32, #tpu.memory_space<hbm>>
    %dma_start3A_19 = arith.constant 0 : i32
    %dma_start3A_20 = arith.constant 0 : i32
    %dma_start3A_21 = tpu.memref_slice %arg3[%add3A_15, %dma_start3A_19, %dma_start3A_20] : memref<4000x2x80xi32, #tpu.memory_space<hbm>> -> memref<1x2x80xi32, #tpu.memory_space<hbm>>
    %dma_start3A_22 = tpu.memref_squeeze %dma_start3A_21 : memref<1x2x80xi32, #tpu.memory_space<hbm>> -> memref<2x80xi32, #tpu.memory_space<hbm>>
    tpu.enqueue_dma source(%dma_start3A_22 : memref<2x80xi32, #tpu.memory_space<hbm>>) target(%arg6 : memref<2x80xi32, #tpu.memory_space<vmem>>) target_semaphore(%arg22 : memref<!tpu.dma_semaphore, #tpu.memory_space<semaphore_mem>>)
    %add3A_23 = arith.constant 1 : i32
    %add3A_24 = arith.addi %mul3A_2, %add3A_23 : i32
    %dma_start3A_25 = arith.constant 0 : i32
    %dma_start3A_26 = arith.constant 0 : i32
    %dma_start3A_27 = tpu.memref_slice %arg3[%add3A_24, %dma_start3A_25, %dma_start3A_26] : memref<4000x2x80xi32, #tpu.memory_space<hbm>> -> memref<1x2x80xi32, #tpu.memory_space<hbm>>
    %dma_start3A_28 = tpu.memref_squeeze %dma_start3A_27 : memref<1x2x80xi32, #tpu.memory_space<hbm>> -> memref<2x80xi32, #tpu.memory_space<hbm>>
    %dma_start3A_29 = arith.constant 0 : i32
    %dma_start3A_30 = arith.constant 0 : i32
    %dma_start3A_31 = tpu.memref_slice %arg3[%add3A_24, %dma_start3A_29, %dma_start3A_30] : memref<4000x2x80xi32, #tpu.memory_space<hbm>> -> memref<1x2x80xi32, #tpu.memory_space<hbm>>
    %dma_start3A_32 = tpu.memref_squeeze %dma_start3A_31 : memref<1x2x80xi32, #tpu.memory_space<hbm>> -> memref<2x80xi32, #tpu.memory_space<hbm>>
    tpu.enqueue_dma source(%dma_start3A_32 : memref<2x80xi32, #tpu.memory_space<hbm>>) target(%arg7 : memref<2x80xi32, #tpu.memory_space<vmem>>) target_semaphore(%arg23 : memref<!tpu.dma_semaphore, #tpu.memory_space<semaphore_mem>>)
    %add3A_33 = arith.constant 2 : i32
    %add3A_34 = arith.addi %mul3A_2, %add3A_33 : i32
    %dma_start3A_35 = arith.constant 0 : i32
    %dma_start3A_36 = arith.constant 0 : i32
    %dma_start3A_37 = tpu.memref_slice %arg3[%add3A_34, %dma_start3A_35, %dma_start3A_36] : memref<4000x2x80xi32, #tpu.memory_space<hbm>> -> memref<1x2x80xi32, #tpu.memory_space<hbm>>
    %dma_start3A_38 = tpu.memref_squeeze %dma_start3A_37 : memref<1x2x80xi32, #tpu.memory_space<hbm>> -> memref<2x80xi32, #tpu.memory_space<hbm>>
    %dma_start3A_39 = arith.constant 0 : i32
    %dma_start3A_40 = arith.constant 0 : i32
    %dma_start3A_41 = tpu.memref_slice %arg3[%add3A_34, %dma_start3A_39, %dma_start3A_40] : memref<4000x2x80xi32, #tpu.memory_space<hbm>> -> memref<1x2x80xi32, #tpu.memory_space<hbm>>
    %dma_start3A_42 = tpu.memref_squeeze %dma_start3A_41 : memref<1x2x80xi32, #tpu.memory_space<hbm>> -> memref<2x80xi32, #tpu.memory_space<hbm>>
    tpu.enqueue_dma source(%dma_start3A_42 : memref<2x80xi32, #tpu.memory_space<hbm>>) target(%arg8 : memref<2x80xi32, #tpu.memory_space<vmem>>) target_semaphore(%arg24 : memref<!tpu.dma_semaphore, #tpu.memory_space<semaphore_mem>>)
    %add3A_43 = arith.constant 3 : i32
    %add3A_44 = arith.addi %mul3A_2, %add3A_43 : i32
    %dma_start3A_45 = arith.constant 0 : i32
    %dma_start3A_46 = arith.constant 0 : i32
    %dma_start3A_47 = tpu.memref_slice %arg3[%add3A_44, %dma_start3A_45, %dma_start3A_46] : memref<4000x2x80xi32, #tpu.memory_space<hbm>> -> memref<1x2x80xi32, #tpu.memory_space<hbm>>
    %dma_start3A_48 = tpu.memref_squeeze %dma_start3A_47 : memref<1x2x80xi32, #tpu.memory_space<hbm>> -> memref<2x80xi32, #tpu.memory_space<hbm>>
    %dma_start3A_49 = arith.constant 0 : i32
    %dma_start3A_50 = arith.constant 0 : i32
    %dma_start3A_51 = tpu.memref_slice %arg3[%add3A_44, %dma_start3A_49, %dma_start3A_50] : memref<4000x2x80xi32, #tpu.memory_space<hbm>> -> memref<1x2x80xi32, #tpu.memory_space<hbm>>
    %dma_start3A_52 = tpu.memref_squeeze %dma_start3A_51 : memref<1x2x80xi32, #tpu.memory_space<hbm>> -> memref<2x80xi32, #tpu.memory_space<hbm>>
    tpu.enqueue_dma source(%dma_start3A_52 : memref<2x80xi32, #tpu.memory_space<hbm>>) target(%arg9 : memref<2x80xi32, #tpu.memory_space<vmem>>) target_semaphore(%arg25 : memref<!tpu.dma_semaphore, #tpu.memory_space<semaphore_mem>>)
    %add3A_53 = arith.constant 4 : i32
    %add3A_54 = arith.addi %mul3A_2, %add3A_53 : i32
    %dma_start3A_55 = arith.constant 0 : i32
    %dma_start3A_56 = arith.constant 0 : i32
    %dma_start3A_57 = tpu.memref_slice %arg3[%add3A_54, %dma_start3A_55, %dma_start3A_56] : memref<4000x2x80xi32, #tpu.memory_space<hbm>> -> memref<1x2x80xi32, #tpu.memory_space<hbm>>
    %dma_start3A_58 = tpu.memref_squeeze %dma_start3A_57 : memref<1x2x80xi32, #tpu.memory_space<hbm>> -> memref<2x80xi32, #tpu.memory_space<hbm>>
    %dma_start3A_59 = arith.constant 0 : i32
    %dma_start3A_60 = arith.constant 0 : i32
    %dma_start3A_61 = tpu.memref_slice %arg3[%add3A_54, %dma_start3A_59, %dma_start3A_60] : memref<4000x2x80xi32, #tpu.memory_space<hbm>> -> memref<1x2x80xi32, #tpu.memory_space<hbm>>
    %dma_start3A_62 = tpu.memref_squeeze %dma_start3A_61 : memref<1x2x80xi32, #tpu.memory_space<hbm>> -> memref<2x80xi32, #tpu.memory_space<hbm>>
    tpu.enqueue_dma source(%dma_start3A_62 : memref<2x80xi32, #tpu.memory_space<hbm>>) target(%arg10 : memref<2x80xi32, #tpu.memory_space<vmem>>) target_semaphore(%arg26 : memref<!tpu.dma_semaphore, #tpu.memory_space<semaphore_mem>>)
    %add3A_63 = arith.constant 5 : i32
    %add3A_64 = arith.addi %mul3A_2, %add3A_63 : i32
    %dma_start3A_65 = arith.constant 0 : i32
    %dma_start3A_66 = arith.constant 0 : i32
    %dma_start3A_67 = tpu.memref_slice %arg3[%add3A_64, %dma_start3A_65, %dma_start3A_66] : memref<4000x2x80xi32, #tpu.memory_space<hbm>> -> memref<1x2x80xi32, #tpu.memory_space<hbm>>
    %dma_start3A_68 = tpu.memref_squeeze %dma_start3A_67 : memref<1x2x80xi32, #tpu.memory_space<hbm>> -> memref<2x80xi32, #tpu.memory_space<hbm>>
    %dma_start3A_69 = arith.constant 0 : i32
    %dma_start3A_70 = arith.constant 0 : i32
    %dma_start3A_71 = tpu.memref_slice %arg3[%add3A_64, %dma_start3A_69, %dma_start3A_70] : memref<4000x2x80xi32, #tpu.memory_space<hbm>> -> memref<1x2x80xi32, #tpu.memory_space<hbm>>
    %dma_start3A_72 = tpu.memref_squeeze %dma_start3A_71 : memref<1x2x80xi32, #tpu.memory_space<hbm>> -> memref<2x80xi32, #tpu.memory_space<hbm>>
    tpu.enqueue_dma source(%dma_start3A_72 : memref<2x80xi32, #tpu.memory_space<hbm>>) target(%arg11 : memref<2x80xi32, #tpu.memory_space<vmem>>) target_semaphore(%arg27 : memref<!tpu.dma_semaphore, #tpu.memory_space<semaphore_mem>>)
    %add3A_73 = arith.constant 6 : i32
    %add3A_74 = arith.addi %mul3A_2, %add3A_73 : i32
    %dma_start3A_75 = arith.constant 0 : i32
    %dma_start3A_76 = arith.constant 0 : i32
    %dma_start3A_77 = tpu.memref_slice %arg3[%add3A_74, %dma_start3A_75, %dma_start3A_76] : memref<4000x2x80xi32, #tpu.memory_space<hbm>> -> memref<1x2x80xi32, #tpu.memory_space<hbm>>
    %dma_start3A_78 = tpu.memref_squeeze %dma_start3A_77 : memref<1x2x80xi32, #tpu.memory_space<hbm>> -> memref<2x80xi32, #tpu.memory_space<hbm>>
    %dma_start3A_79 = arith.constant 0 : i32
    %dma_start3A_80 = arith.constant 0 : i32
    %dma_start3A_81 = tpu.memref_slice %arg3[%add3A_74, %dma_start3A_79, %dma_start3A_80] : memref<4000x2x80xi32, #tpu.memory_space<hbm>> -> memref<1x2x80xi32, #tpu.memory_space<hbm>>
    %dma_start3A_82 = tpu.memref_squeeze %dma_start3A_81 : memref<1x2x80xi32, #tpu.memory_space<hbm>> -> memref<2x80xi32, #tpu.memory_space<hbm>>
    tpu.enqueue_dma source(%dma_start3A_82 : memref<2x80xi32, #tpu.memory_space<hbm>>) target(%arg12 : memref<2x80xi32, #tpu.memory_space<vmem>>) target_semaphore(%arg28 : memref<!tpu.dma_semaphore, #tpu.memory_space<semaphore_mem>>)
    %add3A_83 = arith.constant 7 : i32
    %add3A_84 = arith.addi %mul3A_2, %add3A_83 : i32
    %dma_start3A_85 = arith.constant 0 : i32
    %dma_start3A_86 = arith.constant 0 : i32
    %dma_start3A_87 = tpu.memref_slice %arg3[%add3A_84, %dma_start3A_85, %dma_start3A_86] : memref<4000x2x80xi32, #tpu.memory_space<hbm>> -> memref<1x2x80xi32, #tpu.memory_space<hbm>>
    %dma_start3A_88 = tpu.memref_squeeze %dma_start3A_87 : memref<1x2x80xi32, #tpu.memory_space<hbm>> -> memref<2x80xi32, #tpu.memory_space<hbm>>
    %dma_start3A_89 = arith.constant 0 : i32
    %dma_start3A_90 = arith.constant 0 : i32
    %dma_start3A_91 = tpu.memref_slice %arg3[%add3A_84, %dma_start3A_89, %dma_start3A_90] : memref<4000x2x80xi32, #tpu.memory_space<hbm>> -> memref<1x2x80xi32, #tpu.memory_space<hbm>>
    %dma_start3A_92 = tpu.memref_squeeze %dma_start3A_91 : memref<1x2x80xi32, #tpu.memory_space<hbm>> -> memref<2x80xi32, #tpu.memory_space<hbm>>
    tpu.enqueue_dma source(%dma_start3A_92 : memref<2x80xi32, #tpu.memory_space<hbm>>) target(%arg13 : memref<2x80xi32, #tpu.memory_space<vmem>>) target_semaphore(%arg29 : memref<!tpu.dma_semaphore, #tpu.memory_space<semaphore_mem>>)
    %scan3A_93 = arith.constant 0 : i32
    %scan3A_94 = arith.constant 0 : i32
    %scan3A_95 = arith.constant 8 : i32
    %scan3A_96 = arith.addi %scan3A_94, %scan3A_95 : i32
    %scan3A_97 = arith.constant 1 : i32
    scf.for %scan3A_240 = %scan3A_94 to %scan3A_96 step %scan3A_97  : i32 {
      %mul3A_241 = arith.constant 16 : i32
      %mul3A_242 = arith.muli %scan3A_240, %mul3A_241 : i32
      %add3A_243 = arith.addi %arg1, %mul3A_242 : i32
      %lt3A = arith.constant 125 : i32
      %lt3A_244 = arith.cmpi slt, %add3A_243, %lt3A : i32
      %convert_element_type3A = arith.extui %lt3A_244 : i1 to i32
      %cond3A = arith.constant 0 : i32
      %cond3A_245 = arith.cmpi ne, %convert_element_type3A, %cond3A : i32
      scf.if %cond3A_245 {
        %mul3A_246 = arith.constant 80 : i32
        %mul3A_247 = arith.muli %add3A_243, %mul3A_246 : i32
        "tpu.region"() ({
          %run_scoped3A_250 = tpu.sem_alloc : memref<!tpu.dma_semaphore, #tpu.memory_space<semaphore_mem>>
          %dma_start3A_251 = arith.constant 0 : i32
          %dma_start3A_252 = tpu.memref_slice %arg18[%mul3A_247, %dma_start3A_251] : memref<10000x128xf32, #tpu.memory_space<vmem_shared>> -> memref<80x128xf32, #tpu.memory_space<vmem_shared>>
          %dma_start3A_253 = arith.constant 0 : i32
          %dma_start3A_254 = tpu.memref_slice %arg18[%mul3A_247, %dma_start3A_253] : memref<10000x128xf32, #tpu.memory_space<vmem_shared>> -> memref<80x128xf32, #tpu.memory_space<vmem_shared>>
          tpu.enqueue_dma source(%arg14 : memref<80x128xf32, #tpu.memory_space<vmem>>) target(%dma_start3A_254 : memref<80x128xf32, #tpu.memory_space<vmem_shared>>) target_semaphore(%run_scoped3A_250 : memref<!tpu.dma_semaphore, #tpu.memory_space<semaphore_mem>>)
          %dma_wait3A_255 = arith.constant 0 : i32
          %dma_wait3A_256 = tpu.memref_slice %arg18[%mul3A_247, %dma_wait3A_255] : memref<10000x128xf32, #tpu.memory_space<vmem_shared>> -> memref<80x128xf32, #tpu.memory_space<vmem_shared>>
          %dma_wait3A_257 = arith.constant 0 : i32
          %dma_wait3A_258 = tpu.memref_slice %arg18[%mul3A_247, %dma_wait3A_257] : memref<10000x128xf32, #tpu.memory_space<vmem_shared>> -> memref<80x128xf32, #tpu.memory_space<vmem_shared>>
          tpu.wait_dma2 semaphore(%run_scoped3A_250 : memref<!tpu.dma_semaphore, #tpu.memory_space<semaphore_mem>>) src(%arg14 : memref<80x128xf32, #tpu.memory_space<vmem>>) dst(%dma_wait3A_258 : memref<80x128xf32, #tpu.memory_space<vmem_shared>>)
          tpu.yield
        }) : () -> ()
        %mul3A_248 = arith.constant 80 : i32
        %mul3A_249 = arith.muli %add3A_243, %mul3A_248 : i32
        "tpu.region"() ({
          %run_scoped3A_250 = tpu.sem_alloc : memref<!tpu.dma_semaphore, #tpu.memory_space<semaphore_mem>>
          %dma_start3A_251 = arith.constant 0 : i32
          %dma_start3A_252 = tpu.memref_slice %arg21[%mul3A_249, %dma_start3A_251] : memref<10000x16xbf16, #tpu.memory_space<vmem_shared>> -> memref<80x16xbf16, #tpu.memory_space<vmem_shared>>
          %dma_start3A_253 = arith.constant 0 : i32
          %dma_start3A_254 = tpu.memref_slice %arg21[%mul3A_249, %dma_start3A_253] : memref<10000x16xbf16, #tpu.memory_space<vmem_shared>> -> memref<80x16xbf16, #tpu.memory_space<vmem_shared>>
          tpu.enqueue_dma source(%arg20 : memref<80x16xbf16, #tpu.memory_space<vmem>>) target(%dma_start3A_254 : memref<80x16xbf16, #tpu.memory_space<vmem_shared>>) target_semaphore(%run_scoped3A_250 : memref<!tpu.dma_semaphore, #tpu.memory_space<semaphore_mem>>)
          %dma_wait3A_255 = arith.constant 0 : i32
          %dma_wait3A_256 = tpu.memref_slice %arg21[%mul3A_249, %dma_wait3A_255] : memref<10000x16xbf16, #tpu.memory_space<vmem_shared>> -> memref<80x16xbf16, #tpu.memory_space<vmem_shared>>
          %dma_wait3A_257 = arith.constant 0 : i32
          %dma_wait3A_258 = tpu.memref_slice %arg21[%mul3A_249, %dma_wait3A_257] : memref<10000x16xbf16, #tpu.memory_space<vmem_shared>> -> memref<80x16xbf16, #tpu.memory_space<vmem_shared>>
          tpu.wait_dma2 semaphore(%run_scoped3A_250 : memref<!tpu.dma_semaphore, #tpu.memory_space<semaphore_mem>>) src(%arg20 : memref<80x16xbf16, #tpu.memory_space<vmem>>) dst(%dma_wait3A_258 : memref<80x16xbf16, #tpu.memory_space<vmem_shared>>)
          tpu.yield
        }) : () -> ()
      } else {
      }
    }
    %scan3A_98 = arith.constant 8 : i32
    %barrier3A = arith.constant 0 : index
    tpu.barrier barrier_id(%barrier3A)
    %add3A_99 = arith.constant 0 : i32
    %add3A_100 = arith.addi %mul3A_2, %add3A_99 : i32
    %dma_wait3A = arith.constant 0 : i32
    %dma_wait3A_101 = arith.constant 0 : i32
    %dma_wait3A_102 = tpu.memref_slice %arg3[%add3A_100, %dma_wait3A, %dma_wait3A_101] : memref<4000x2x80xi32, #tpu.memory_space<hbm>> -> memref<1x2x80xi32, #tpu.memory_space<hbm>>
    %dma_wait3A_103 = tpu.memref_squeeze %dma_wait3A_102 : memref<1x2x80xi32, #tpu.memory_space<hbm>> -> memref<2x80xi32, #tpu.memory_space<hbm>>
    %dma_wait3A_104 = arith.constant 0 : i32
    %dma_wait3A_105 = arith.constant 0 : i32
    %dma_wait3A_106 = tpu.memref_slice %arg3[%add3A_100, %dma_wait3A_104, %dma_wait3A_105] : memref<4000x2x80xi32, #tpu.memory_space<hbm>> -> memref<1x2x80xi32, #tpu.memory_space<hbm>>
    %dma_wait3A_107 = tpu.memref_squeeze %dma_wait3A_106 : memref<1x2x80xi32, #tpu.memory_space<hbm>> -> memref<2x80xi32, #tpu.memory_space<hbm>>
    tpu.wait_dma2 semaphore(%arg22 : memref<!tpu.dma_semaphore, #tpu.memory_space<semaphore_mem>>) src(%dma_wait3A_107 : memref<2x80xi32, #tpu.memory_space<hbm>>) dst(%arg6 : memref<2x80xi32, #tpu.memory_space<vmem>>)
    %dma_start3A_108 = arith.constant 0 : i32
    %dma_start3A_109 = arith.constant 0 : i32
    %dma_start3A_110 = tpu.memref_slice %arg6[%dma_start3A_108, %dma_start3A_109] : memref<2x80xi32, #tpu.memory_space<vmem>> -> memref<1x80xi32, #tpu.memory_space<vmem>>
    %dma_start3A_111 = tpu.memref_squeeze %dma_start3A_110 : memref<1x80xi32, #tpu.memory_space<vmem>> -> memref<80xi32, #tpu.memory_space<vmem>>
    %dma_start3A_112 = arith.constant 0 : i32
    %dma_start3A_113 = arith.constant 0 : i32
    %dma_start3A_114 = tpu.memref_slice %arg2[%dma_start3A_112, %dma_start3A_113] : memref<10000x128xf32, #tpu.memory_space<hbm>> -> memref<10000x128xf32, #tpu.memory_space<hbm>>
    tpu.enqueue_indirect_dma source(%dma_start3A_114 : memref<10000x128xf32, #tpu.memory_space<hbm>>) target(%arg14 : memref<80x128xf32, #tpu.memory_space<vmem>>) offsets(%dma_start3A_111 : memref<80xi32, #tpu.memory_space<vmem>>) semaphore(%arg30 : memref<!tpu.dma_semaphore, #tpu.memory_space<semaphore_mem>>)
    %add3A_115 = arith.constant 1 : i32
    %add3A_116 = arith.addi %mul3A_2, %add3A_115 : i32
    %dma_wait3A_117 = arith.constant 0 : i32
    %dma_wait3A_118 = arith.constant 0 : i32
    %dma_wait3A_119 = tpu.memref_slice %arg3[%add3A_116, %dma_wait3A_117, %dma_wait3A_118] : memref<4000x2x80xi32, #tpu.memory_space<hbm>> -> memref<1x2x80xi32, #tpu.memory_space<hbm>>
    %dma_wait3A_120 = tpu.memref_squeeze %dma_wait3A_119 : memref<1x2x80xi32, #tpu.memory_space<hbm>> -> memref<2x80xi32, #tpu.memory_space<hbm>>
    %dma_wait3A_121 = arith.constant 0 : i32
    %dma_wait3A_122 = arith.constant 0 : i32
    %dma_wait3A_123 = tpu.memref_slice %arg3[%add3A_116, %dma_wait3A_121, %dma_wait3A_122] : memref<4000x2x80xi32, #tpu.memory_space<hbm>> -> memref<1x2x80xi32, #tpu.memory_space<hbm>>
    %dma_wait3A_124 = tpu.memref_squeeze %dma_wait3A_123 : memref<1x2x80xi32, #tpu.memory_space<hbm>> -> memref<2x80xi32, #tpu.memory_space<hbm>>
    tpu.wait_dma2 semaphore(%arg23 : memref<!tpu.dma_semaphore, #tpu.memory_space<semaphore_mem>>) src(%dma_wait3A_124 : memref<2x80xi32, #tpu.memory_space<hbm>>) dst(%arg7 : memref<2x80xi32, #tpu.memory_space<vmem>>)
    %dma_start3A_125 = arith.constant 0 : i32
    %dma_start3A_126 = arith.constant 0 : i32
    %dma_start3A_127 = tpu.memref_slice %arg7[%dma_start3A_125, %dma_start3A_126] : memref<2x80xi32, #tpu.memory_space<vmem>> -> memref<1x80xi32, #tpu.memory_space<vmem>>
    %dma_start3A_128 = tpu.memref_squeeze %dma_start3A_127 : memref<1x80xi32, #tpu.memory_space<vmem>> -> memref<80xi32, #tpu.memory_space<vmem>>
    %dma_start3A_129 = arith.constant 0 : i32
    %dma_start3A_130 = arith.constant 0 : i32
    %dma_start3A_131 = tpu.memref_slice %arg2[%dma_start3A_129, %dma_start3A_130] : memref<10000x128xf32, #tpu.memory_space<hbm>> -> memref<10000x128xf32, #tpu.memory_space<hbm>>
    tpu.enqueue_indirect_dma source(%dma_start3A_131 : memref<10000x128xf32, #tpu.memory_space<hbm>>) target(%arg15 : memref<80x128xf32, #tpu.memory_space<vmem>>) offsets(%dma_start3A_128 : memref<80xi32, #tpu.memory_space<vmem>>) semaphore(%arg31 : memref<!tpu.dma_semaphore, #tpu.memory_space<semaphore_mem>>)
    %add3A_132 = arith.constant 2 : i32
    %add3A_133 = arith.addi %mul3A_2, %add3A_132 : i32
    %dma_wait3A_134 = arith.constant 0 : i32
    %dma_wait3A_135 = arith.constant 0 : i32
    %dma_wait3A_136 = tpu.memref_slice %arg3[%add3A_133, %dma_wait3A_134, %dma_wait3A_135] : memref<4000x2x80xi32, #tpu.memory_space<hbm>> -> memref<1x2x80xi32, #tpu.memory_space<hbm>>
    %dma_wait3A_137 = tpu.memref_squeeze %dma_wait3A_136 : memref<1x2x80xi32, #tpu.memory_space<hbm>> -> memref<2x80xi32, #tpu.memory_space<hbm>>
    %dma_wait3A_138 = arith.constant 0 : i32
    %dma_wait3A_139 = arith.constant 0 : i32
    %dma_wait3A_140 = tpu.memref_slice %arg3[%add3A_133, %dma_wait3A_138, %dma_wait3A_139] : memref<4000x2x80xi32, #tpu.memory_space<hbm>> -> memref<1x2x80xi32, #tpu.memory_space<hbm>>
    %dma_wait3A_141 = tpu.memref_squeeze %dma_wait3A_140 : memref<1x2x80xi32, #tpu.memory_space<hbm>> -> memref<2x80xi32, #tpu.memory_space<hbm>>
    tpu.wait_dma2 semaphore(%arg24 : memref<!tpu.dma_semaphore, #tpu.memory_space<semaphore_mem>>) src(%dma_wait3A_141 : memref<2x80xi32, #tpu.memory_space<hbm>>) dst(%arg8 : memref<2x80xi32, #tpu.memory_space<vmem>>)
    %dma_start3A_142 = arith.constant 0 : i32
    %dma_start3A_143 = arith.constant 0 : i32
    %dma_start3A_144 = tpu.memref_slice %arg8[%dma_start3A_142, %dma_start3A_143] : memref<2x80xi32, #tpu.memory_space<vmem>> -> memref<1x80xi32, #tpu.memory_space<vmem>>
    %dma_start3A_145 = tpu.memref_squeeze %dma_start3A_144 : memref<1x80xi32, #tpu.memory_space<vmem>> -> memref<80xi32, #tpu.memory_space<vmem>>
    %dma_start3A_146 = arith.constant 0 : i32
    %dma_start3A_147 = arith.constant 0 : i32
    %dma_start3A_148 = tpu.memref_slice %arg2[%dma_start3A_146, %dma_start3A_147] : memref<10000x128xf32, #tpu.memory_space<hbm>> -> memref<10000x128xf32, #tpu.memory_space<hbm>>
    tpu.enqueue_indirect_dma source(%dma_start3A_148 : memref<10000x128xf32, #tpu.memory_space<hbm>>) target(%arg16 : memref<80x128xf32, #tpu.memory_space<vmem>>) offsets(%dma_start3A_145 : memref<80xi32, #tpu.memory_space<vmem>>) semaphore(%arg32 : memref<!tpu.dma_semaphore, #tpu.memory_space<semaphore_mem>>)
    %add3A_149 = arith.constant 3 : i32
    %add3A_150 = arith.addi %mul3A_2, %add3A_149 : i32
    %dma_wait3A_151 = arith.constant 0 : i32
    %dma_wait3A_152 = arith.constant 0 : i32
    %dma_wait3A_153 = tpu.memref_slice %arg3[%add3A_150, %dma_wait3A_151, %dma_wait3A_152] : memref<4000x2x80xi32, #tpu.memory_space<hbm>> -> memref<1x2x80xi32, #tpu.memory_space<hbm>>
    %dma_wait3A_154 = tpu.memref_squeeze %dma_wait3A_153 : memref<1x2x80xi32, #tpu.memory_space<hbm>> -> memref<2x80xi32, #tpu.memory_space<hbm>>
    %dma_wait3A_155 = arith.constant 0 : i32
    %dma_wait3A_156 = arith.constant 0 : i32
    %dma_wait3A_157 = tpu.memref_slice %arg3[%add3A_150, %dma_wait3A_155, %dma_wait3A_156] : memref<4000x2x80xi32, #tpu.memory_space<hbm>> -> memref<1x2x80xi32, #tpu.memory_space<hbm>>
    %dma_wait3A_158 = tpu.memref_squeeze %dma_wait3A_157 : memref<1x2x80xi32, #tpu.memory_space<hbm>> -> memref<2x80xi32, #tpu.memory_space<hbm>>
    tpu.wait_dma2 semaphore(%arg25 : memref<!tpu.dma_semaphore, #tpu.memory_space<semaphore_mem>>) src(%dma_wait3A_158 : memref<2x80xi32, #tpu.memory_space<hbm>>) dst(%arg9 : memref<2x80xi32, #tpu.memory_space<vmem>>)
    %dma_start3A_159 = arith.constant 0 : i32
    %dma_start3A_160 = arith.constant 0 : i32
    %dma_start3A_161 = tpu.memref_slice %arg9[%dma_start3A_159, %dma_start3A_160] : memref<2x80xi32, #tpu.memory_space<vmem>> -> memref<1x80xi32, #tpu.memory_space<vmem>>
    %dma_start3A_162 = tpu.memref_squeeze %dma_start3A_161 : memref<1x80xi32, #tpu.memory_space<vmem>> -> memref<80xi32, #tpu.memory_space<vmem>>
    %dma_start3A_163 = arith.constant 0 : i32
    %dma_start3A_164 = arith.constant 0 : i32
    %dma_start3A_165 = tpu.memref_slice %arg2[%dma_start3A_163, %dma_start3A_164] : memref<10000x128xf32, #tpu.memory_space<hbm>> -> memref<10000x128xf32, #tpu.memory_space<hbm>>
    tpu.enqueue_indirect_dma source(%dma_start3A_165 : memref<10000x128xf32, #tpu.memory_space<hbm>>) target(%arg17 : memref<80x128xf32, #tpu.memory_space<vmem>>) offsets(%dma_start3A_162 : memref<80xi32, #tpu.memory_space<vmem>>) semaphore(%arg33 : memref<!tpu.dma_semaphore, #tpu.memory_space<semaphore_mem>>)
    %scan3A_166 = arith.constant 0 : i32
    %scan3A_167 = arith.constant 0 : i32
    %scan3A_168 = arith.constant 15 : i32
    %scan3A_169 = arith.addi %scan3A_167, %scan3A_168 : i32
    %scan3A_170 = arith.constant 1 : i32
    scf.for %scan3A_240 = %scan3A_167 to %scan3A_169 step %scan3A_170  : i32 {
      %mul3A_241 = arith.constant 8 : i32
      %mul3A_242 = arith.muli %scan3A_240, %mul3A_241 : i32
      %add3A_243 = arith.constant 0 : i32
      %add3A_244 = arith.addi %mul3A_242, %add3A_243 : i32
      %dma_wait3A_245 = arith.constant 0 : i32
      %dma_wait3A_246 = arith.constant 0 : i32
      %dma_wait3A_247 = tpu.memref_slice %arg6[%dma_wait3A_245, %dma_wait3A_246] : memref<2x80xi32, #tpu.memory_space<vmem>> -> memref<1x80xi32, #tpu.memory_space<vmem>>
      %dma_wait3A_248 = tpu.memref_squeeze %dma_wait3A_247 : memref<1x80xi32, #tpu.memory_space<vmem>> -> memref<80xi32, #tpu.memory_space<vmem>>
      %dma_wait3A_249 = arith.constant 0 : i32
      %dma_wait3A_250 = arith.constant 0 : i32
      %dma_wait3A_251 = tpu.memref_slice %arg2[%dma_wait3A_249, %dma_wait3A_250] : memref<10000x128xf32, #tpu.memory_space<hbm>> -> memref<10000x128xf32, #tpu.memory_space<hbm>>
      tpu.wait_indirect_dma semaphore(%arg30 : memref<!tpu.dma_semaphore, #tpu.memory_space<semaphore_mem>>) src(%dma_wait3A_251 : memref<10000x128xf32, #tpu.memory_space<hbm>>) dst(%arg14 : memref<80x128xf32, #tpu.memory_space<vmem>>)
      %run_scoped3A_252 = arith.constant 1 : i32
      "tpu.region"() ({
        %run_scoped3A_454 = tpu.sem_alloc : memref<!tpu.dma_semaphore, #tpu.memory_space<semaphore_mem>>
        %dma_start3A_455 = arith.constant 0 : i32
        %dma_start3A_456 = tpu.memref_slice %arg6[%run_scoped3A_252, %dma_start3A_455] : memref<2x80xi32, #tpu.memory_space<vmem>> -> memref<1x80xi32, #tpu.memory_space<vmem>>
        %dma_start3A_457 = tpu.memref_squeeze %dma_start3A_456 : memref<1x80xi32, #tpu.memory_space<vmem>> -> memref<80xi32, #tpu.memory_space<vmem>>
        %dma_start3A_458 = arith.constant 0 : i32
        %dma_start3A_459 = arith.constant 0 : i32
        %dma_start3A_460 = tpu.memref_slice %arg18[%dma_start3A_458, %dma_start3A_459] : memref<10000x128xf32, #tpu.memory_space<vmem_shared>> -> memref<10000x128xf32, #tpu.memory_space<vmem_shared>>
        tpu.enqueue_indirect_dma source(%arg14 : memref<80x128xf32, #tpu.memory_space<vmem>>) target(%dma_start3A_460 : memref<10000x128xf32, #tpu.memory_space<vmem_shared>>) offsets(%dma_start3A_457 : memref<80xi32, #tpu.memory_space<vmem>>) semaphore(%run_scoped3A_454 : memref<!tpu.dma_semaphore, #tpu.memory_space<semaphore_mem>>) {add = true}
        %dma_wait3A_461 = arith.constant 0 : i32
        %dma_wait3A_462 = tpu.memref_slice %arg6[%run_scoped3A_252, %dma_wait3A_461] : memref<2x80xi32, #tpu.memory_space<vmem>> -> memref<1x80xi32, #tpu.memory_space<vmem>>
        %dma_wait3A_463 = tpu.memref_squeeze %dma_wait3A_462 : memref<1x80xi32, #tpu.memory_space<vmem>> -> memref<80xi32, #tpu.memory_space<vmem>>
        %dma_wait3A_464 = arith.constant 0 : i32
        %dma_wait3A_465 = arith.constant 0 : i32
        %dma_wait3A_466 = tpu.memref_slice %arg18[%dma_wait3A_464, %dma_wait3A_465] : memref<10000x128xf32, #tpu.memory_space<vmem_shared>> -> memref<10000x128xf32, #tpu.memory_space<vmem_shared>>
        tpu.wait_indirect_dma semaphore(%run_scoped3A_454 : memref<!tpu.dma_semaphore, #tpu.memory_space<semaphore_mem>>) src(%arg14 : memref<80x128xf32, #tpu.memory_space<vmem>>) dst(%dma_wait3A_466 : memref<10000x128xf32, #tpu.memory_space<vmem_shared>>)
        tpu.yield
      }) : () -> ()
      %run_scoped3A_253 = arith.constant 1 : i32
      "tpu.region"() ({
        %run_scoped3A_454 = tpu.sem_alloc : memref<!tpu.dma_semaphore, #tpu.memory_space<semaphore_mem>>
        %dma_start3A_455 = arith.constant 0 : i32
        %dma_start3A_456 = tpu.memref_slice %arg6[%run_scoped3A_253, %dma_start3A_455] : memref<2x80xi32, #tpu.memory_space<vmem>> -> memref<1x80xi32, #tpu.memory_space<vmem>>
        %dma_start3A_457 = tpu.memref_squeeze %dma_start3A_456 : memref<1x80xi32, #tpu.memory_space<vmem>> -> memref<80xi32, #tpu.memory_space<vmem>>
        %dma_start3A_458 = arith.constant 0 : i32
        %dma_start3A_459 = arith.constant 0 : i32
        %dma_start3A_460 = tpu.memref_slice %arg21[%dma_start3A_458, %dma_start3A_459] : memref<10000x16xbf16, #tpu.memory_space<vmem_shared>> -> memref<10000x16xbf16, #tpu.memory_space<vmem_shared>>
        tpu.enqueue_indirect_dma source(%arg19 : memref<80x16xbf16, #tpu.memory_space<vmem>>) target(%dma_start3A_460 : memref<10000x16xbf16, #tpu.memory_space<vmem_shared>>) offsets(%dma_start3A_457 : memref<80xi32, #tpu.memory_space<vmem>>) semaphore(%run_scoped3A_454 : memref<!tpu.dma_semaphore, #tpu.memory_space<semaphore_mem>>) {add = true}
        %dma_wait3A_461 = arith.constant 0 : i32
        %dma_wait3A_462 = tpu.memref_slice %arg6[%run_scoped3A_253, %dma_wait3A_461] : memref<2x80xi32, #tpu.memory_space<vmem>> -> memref<1x80xi32, #tpu.memory_space<vmem>>
        %dma_wait3A_463 = tpu.memref_squeeze %dma_wait3A_462 : memref<1x80xi32, #tpu.memory_space<vmem>> -> memref<80xi32, #tpu.memory_space<vmem>>
        %dma_wait3A_464 = arith.constant 0 : i32
        %dma_wait3A_465 = arith.constant 0 : i32
        %dma_wait3A_466 = tpu.memref_slice %arg21[%dma_wait3A_464, %dma_wait3A_465] : memref<10000x16xbf16, #tpu.memory_space<vmem_shared>> -> memref<10000x16xbf16, #tpu.memory_space<vmem_shared>>
        tpu.wait_indirect_dma semaphore(%run_scoped3A_454 : memref<!tpu.dma_semaphore, #tpu.memory_space<semaphore_mem>>) src(%arg19 : memref<80x16xbf16, #tpu.memory_space<vmem>>) dst(%dma_wait3A_466 : memref<10000x16xbf16, #tpu.memory_space<vmem_shared>>)
        tpu.yield
      }) : () -> ()
      %add3A_254 = arith.constant 8 : i32
      %add3A_255 = arith.addi %add3A_244, %add3A_254 : i32
      %lt3A = arith.constant 125 : i32
      %lt3A_256 = arith.cmpi slt, %add3A_255, %lt3A : i32
      %convert_element_type3A = arith.extui %lt3A_256 : i1 to i32
      %cond3A = arith.constant 0 : i32
      %cond3A_257 = arith.cmpi ne, %convert_element_type3A, %cond3A : i32
      scf.if %cond3A_257 {
        %add3A_454 = arith.constant 8 : i32
        %add3A_455 = arith.addi %add3A_244, %add3A_454 : i32
        %add3A_456 = arith.addi %mul3A_2, %add3A_455 : i32
        %dma_start3A_457 = arith.constant 0 : i32
        %dma_start3A_458 = arith.constant 0 : i32
        %dma_start3A_459 = tpu.memref_slice %arg3[%add3A_456, %dma_start3A_457, %dma_start3A_458] : memref<4000x2x80xi32, #tpu.memory_space<hbm>> -> memref<1x2x80xi32, #tpu.memory_space<hbm>>
        %dma_start3A_460 = tpu.memref_squeeze %dma_start3A_459 : memref<1x2x80xi32, #tpu.memory_space<hbm>> -> memref<2x80xi32, #tpu.memory_space<hbm>>
        %dma_start3A_461 = arith.constant 0 : i32
        %dma_start3A_462 = arith.constant 0 : i32
        %dma_start3A_463 = tpu.memref_slice %arg3[%add3A_456, %dma_start3A_461, %dma_start3A_462] : memref<4000x2x80xi32, #tpu.memory_space<hbm>> -> memref<1x2x80xi32, #tpu.memory_space<hbm>>
        %dma_start3A_464 = tpu.memref_squeeze %dma_start3A_463 : memref<1x2x80xi32, #tpu.memory_space<hbm>> -> memref<2x80xi32, #tpu.memory_space<hbm>>
        tpu.enqueue_dma source(%dma_start3A_464 : memref<2x80xi32, #tpu.memory_space<hbm>>) target(%arg6 : memref<2x80xi32, #tpu.memory_space<vmem>>) target_semaphore(%arg22 : memref<!tpu.dma_semaphore, #tpu.memory_space<semaphore_mem>>)
      } else {
      }
      %add3A_258 = arith.constant 4 : i32
      %add3A_259 = arith.addi %add3A_244, %add3A_258 : i32
      %lt3A_260 = arith.constant 125 : i32
      %lt3A_261 = arith.cmpi slt, %add3A_259, %lt3A_260 : i32
      %convert_element_type3A_262 = arith.extui %lt3A_261 : i1 to i32
      %cond3A_263 = arith.constant 0 : i32
      %cond3A_264 = arith.cmpi ne, %convert_element_type3A_262, %cond3A_263 : i32
      scf.if %cond3A_264 {
        %add3A_454 = arith.constant 4 : i32
        %add3A_455 = arith.addi %add3A_244, %add3A_454 : i32
        %add3A_456 = arith.addi %mul3A_2, %add3A_455 : i32
        %dma_wait3A_457 = arith.constant 0 : i32
        %dma_wait3A_458 = arith.constant 0 : i32
        %dma_wait3A_459 = tpu.memref_slice %arg3[%add3A_456, %dma_wait3A_457, %dma_wait3A_458] : memref<4000x2x80xi32, #tpu.memory_space<hbm>> -> memref<1x2x80xi32, #tpu.memory_space<hbm>>
        %dma_wait3A_460 = tpu.memref_squeeze %dma_wait3A_459 : memref<1x2x80xi32, #tpu.memory_space<hbm>> -> memref<2x80xi32, #tpu.memory_space<hbm>>
        %dma_wait3A_461 = arith.constant 0 : i32
        %dma_wait3A_462 = arith.constant 0 : i32
        %dma_wait3A_463 = tpu.memref_slice %arg3[%add3A_456, %dma_wait3A_461, %dma_wait3A_462] : memref<4000x2x80xi32, #tpu.memory_space<hbm>> -> memref<1x2x80xi32, #tpu.memory_space<hbm>>
        %dma_wait3A_464 = tpu.memref_squeeze %dma_wait3A_463 : memref<1x2x80xi32, #tpu.memory_space<hbm>> -> memref<2x80xi32, #tpu.memory_space<hbm>>
        tpu.wait_dma2 semaphore(%arg26 : memref<!tpu.dma_semaphore, #tpu.memory_space<semaphore_mem>>) src(%dma_wait3A_464 : memref<2x80xi32, #tpu.memory_space<hbm>>) dst(%arg10 : memref<2x80xi32, #tpu.memory_space<vmem>>)
        %dma_start3A_465 = arith.constant 0 : i32
        %dma_start3A_466 = arith.constant 0 : i32
        %dma_start3A_467 = tpu.memref_slice %arg10[%dma_start3A_465, %dma_start3A_466] : memref<2x80xi32, #tpu.memory_space<vmem>> -> memref<1x80xi32, #tpu.memory_space<vmem>>
        %dma_start3A_468 = tpu.memref_squeeze %dma_start3A_467 : memref<1x80xi32, #tpu.memory_space<vmem>> -> memref<80xi32, #tpu.memory_space<vmem>>
        %dma_start3A_469 = arith.constant 0 : i32
        %dma_start3A_470 = arith.constant 0 : i32
        %dma_start3A_471 = tpu.memref_slice %arg2[%dma_start3A_469, %dma_start3A_470] : memref<10000x128xf32, #tpu.memory_space<hbm>> -> memref<10000x128xf32, #tpu.memory_space<hbm>>
        tpu.enqueue_indirect_dma source(%dma_start3A_471 : memref<10000x128xf32, #tpu.memory_space<hbm>>) target(%arg14 : memref<80x128xf32, #tpu.memory_space<vmem>>) offsets(%dma_start3A_468 : memref<80xi32, #tpu.memory_space<vmem>>) semaphore(%arg30 : memref<!tpu.dma_semaphore, #tpu.memory_space<semaphore_mem>>)
      } else {
      }
      %mul3A_265 = arith.constant 8 : i32
      %mul3A_266 = arith.muli %scan3A_240, %mul3A_265 : i32
      %add3A_267 = arith.constant 1 : i32
      %add3A_268 = arith.addi %mul3A_266, %add3A_267 : i32
      %dma_wait3A_269 = arith.constant 0 : i32
      %dma_wait3A_270 = arith.constant 0 : i32
      %dma_wait3A_271 = tpu.memref_slice %arg7[%dma_wait3A_269, %dma_wait3A_270] : memref<2x80xi32, #tpu.memory_space<vmem>> -> memref<1x80xi32, #tpu.memory_space<vmem>>
      %dma_wait3A_272 = tpu.memref_squeeze %dma_wait3A_271 : memref<1x80xi32, #tpu.memory_space<vmem>> -> memref<80xi32, #tpu.memory_space<vmem>>
      %dma_wait3A_273 = arith.constant 0 : i32
      %dma_wait3A_274 = arith.constant 0 : i32
      %dma_wait3A_275 = tpu.memref_slice %arg2[%dma_wait3A_273, %dma_wait3A_274] : memref<10000x128xf32, #tpu.memory_space<hbm>> -> memref<10000x128xf32, #tpu.memory_space<hbm>>
      tpu.wait_indirect_dma semaphore(%arg31 : memref<!tpu.dma_semaphore, #tpu.memory_space<semaphore_mem>>) src(%dma_wait3A_275 : memref<10000x128xf32, #tpu.memory_space<hbm>>) dst(%arg15 : memref<80x128xf32, #tpu.memory_space<vmem>>)
      %run_scoped3A_276 = arith.constant 1 : i32
      "tpu.region"() ({
        %run_scoped3A_454 = tpu.sem_alloc : memref<!tpu.dma_semaphore, #tpu.memory_space<semaphore_mem>>
        %dma_start3A_455 = arith.constant 0 : i32
        %dma_start3A_456 = tpu.memref_slice %arg7[%run_scoped3A_276, %dma_start3A_455] : memref<2x80xi32, #tpu.memory_space<vmem>> -> memref<1x80xi32, #tpu.memory_space<vmem>>
        %dma_start3A_457 = tpu.memref_squeeze %dma_start3A_456 : memref<1x80xi32, #tpu.memory_space<vmem>> -> memref<80xi32, #tpu.memory_space<vmem>>
        %dma_start3A_458 = arith.constant 0 : i32
        %dma_start3A_459 = arith.constant 0 : i32
        %dma_start3A_460 = tpu.memref_slice %arg18[%dma_start3A_458, %dma_start3A_459] : memref<10000x128xf32, #tpu.memory_space<vmem_shared>> -> memref<10000x128xf32, #tpu.memory_space<vmem_shared>>
        tpu.enqueue_indirect_dma source(%arg15 : memref<80x128xf32, #tpu.memory_space<vmem>>) target(%dma_start3A_460 : memref<10000x128xf32, #tpu.memory_space<vmem_shared>>) offsets(%dma_start3A_457 : memref<80xi32, #tpu.memory_space<vmem>>) semaphore(%run_scoped3A_454 : memref<!tpu.dma_semaphore, #tpu.memory_space<semaphore_mem>>) {add = true}
        %dma_wait3A_461 = arith.constant 0 : i32
        %dma_wait3A_462 = tpu.memref_slice %arg7[%run_scoped3A_276, %dma_wait3A_461] : memref<2x80xi32, #tpu.memory_space<vmem>> -> memref<1x80xi32, #tpu.memory_space<vmem>>
        %dma_wait3A_463 = tpu.memref_squeeze %dma_wait3A_462 : memref<1x80xi32, #tpu.memory_space<vmem>> -> memref<80xi32, #tpu.memory_space<vmem>>
        %dma_wait3A_464 = arith.constant 0 : i32
        %dma_wait3A_465 = arith.constant 0 : i32
        %dma_wait3A_466 = tpu.memref_slice %arg18[%dma_wait3A_464, %dma_wait3A_465] : memref<10000x128xf32, #tpu.memory_space<vmem_shared>> -> memref<10000x128xf32, #tpu.memory_space<vmem_shared>>
        tpu.wait_indirect_dma semaphore(%run_scoped3A_454 : memref<!tpu.dma_semaphore, #tpu.memory_space<semaphore_mem>>) src(%arg15 : memref<80x128xf32, #tpu.memory_space<vmem>>) dst(%dma_wait3A_466 : memref<10000x128xf32, #tpu.memory_space<vmem_shared>>)
        tpu.yield
      }) : () -> ()
      %run_scoped3A_277 = arith.constant 1 : i32
      "tpu.region"() ({
        %run_scoped3A_454 = tpu.sem_alloc : memref<!tpu.dma_semaphore, #tpu.memory_space<semaphore_mem>>
        %dma_start3A_455 = arith.constant 0 : i32
        %dma_start3A_456 = tpu.memref_slice %arg7[%run_scoped3A_277, %dma_start3A_455] : memref<2x80xi32, #tpu.memory_space<vmem>> -> memref<1x80xi32, #tpu.memory_space<vmem>>
        %dma_start3A_457 = tpu.memref_squeeze %dma_start3A_456 : memref<1x80xi32, #tpu.memory_space<vmem>> -> memref<80xi32, #tpu.memory_space<vmem>>
        %dma_start3A_458 = arith.constant 0 : i32
        %dma_start3A_459 = arith.constant 0 : i32
        %dma_start3A_460 = tpu.memref_slice %arg21[%dma_start3A_458, %dma_start3A_459] : memref<10000x16xbf16, #tpu.memory_space<vmem_shared>> -> memref<10000x16xbf16, #tpu.memory_space<vmem_shared>>
        tpu.enqueue_indirect_dma source(%arg19 : memref<80x16xbf16, #tpu.memory_space<vmem>>) target(%dma_start3A_460 : memref<10000x16xbf16, #tpu.memory_space<vmem_shared>>) offsets(%dma_start3A_457 : memref<80xi32, #tpu.memory_space<vmem>>) semaphore(%run_scoped3A_454 : memref<!tpu.dma_semaphore, #tpu.memory_space<semaphore_mem>>) {add = true}
        %dma_wait3A_461 = arith.constant 0 : i32
        %dma_wait3A_462 = tpu.memref_slice %arg7[%run_scoped3A_277, %dma_wait3A_461] : memref<2x80xi32, #tpu.memory_space<vmem>> -> memref<1x80xi32, #tpu.memory_space<vmem>>
        %dma_wait3A_463 = tpu.memref_squeeze %dma_wait3A_462 : memref<1x80xi32, #tpu.memory_space<vmem>> -> memref<80xi32, #tpu.memory_space<vmem>>
        %dma_wait3A_464 = arith.constant 0 : i32
        %dma_wait3A_465 = arith.constant 0 : i32
        %dma_wait3A_466 = tpu.memref_slice %arg21[%dma_wait3A_464, %dma_wait3A_465] : memref<10000x16xbf16, #tpu.memory_space<vmem_shared>> -> memref<10000x16xbf16, #tpu.memory_space<vmem_shared>>
        tpu.wait_indirect_dma semaphore(%run_scoped3A_454 : memref<!tpu.dma_semaphore, #tpu.memory_space<semaphore_mem>>) src(%arg19 : memref<80x16xbf16, #tpu.memory_space<vmem>>) dst(%dma_wait3A_466 : memref<10000x16xbf16, #tpu.memory_space<vmem_shared>>)
        tpu.yield
      }) : () -> ()
      %add3A_278 = arith.constant 8 : i32
      %add3A_279 = arith.addi %add3A_268, %add3A_278 : i32
      %lt3A_280 = arith.constant 125 : i32
      %lt3A_281 = arith.cmpi slt, %add3A_279, %lt3A_280 : i32
      %convert_element_type3A_282 = arith.extui %lt3A_281 : i1 to i32
      %cond3A_283 = arith.constant 0 : i32
      %cond3A_284 = arith.cmpi ne, %convert_element_type3A_282, %cond3A_283 : i32
      scf.if %cond3A_284 {
        %add3A_454 = arith.constant 8 : i32
        %add3A_455 = arith.addi %add3A_268, %add3A_454 : i32
        %add3A_456 = arith.addi %mul3A_2, %add3A_455 : i32
        %dma_start3A_457 = arith.constant 0 : i32
        %dma_start3A_458 = arith.constant 0 : i32
        %dma_start3A_459 = tpu.memref_slice %arg3[%add3A_456, %dma_start3A_457, %dma_start3A_458] : memref<4000x2x80xi32, #tpu.memory_space<hbm>> -> memref<1x2x80xi32, #tpu.memory_space<hbm>>
        %dma_start3A_460 = tpu.memref_squeeze %dma_start3A_459 : memref<1x2x80xi32, #tpu.memory_space<hbm>> -> memref<2x80xi32, #tpu.memory_space<hbm>>
        %dma_start3A_461 = arith.constant 0 : i32
        %dma_start3A_462 = arith.constant 0 : i32
        %dma_start3A_463 = tpu.memref_slice %arg3[%add3A_456, %dma_start3A_461, %dma_start3A_462] : memref<4000x2x80xi32, #tpu.memory_space<hbm>> -> memref<1x2x80xi32, #tpu.memory_space<hbm>>
        %dma_start3A_464 = tpu.memref_squeeze %dma_start3A_463 : memref<1x2x80xi32, #tpu.memory_space<hbm>> -> memref<2x80xi32, #tpu.memory_space<hbm>>
        tpu.enqueue_dma source(%dma_start3A_464 : memref<2x80xi32, #tpu.memory_space<hbm>>) target(%arg7 : memref<2x80xi32, #tpu.memory_space<vmem>>) target_semaphore(%arg23 : memref<!tpu.dma_semaphore, #tpu.memory_space<semaphore_mem>>)
      } else {
      }
      %add3A_285 = arith.constant 4 : i32
      %add3A_286 = arith.addi %add3A_268, %add3A_285 : i32
      %lt3A_287 = arith.constant 125 : i32
      %lt3A_288 = arith.cmpi slt, %add3A_286, %lt3A_287 : i32
      %convert_element_type3A_289 = arith.extui %lt3A_288 : i1 to i32
      %cond3A_290 = arith.constant 0 : i32
      %cond3A_291 = arith.cmpi ne, %convert_element_type3A_289, %cond3A_290 : i32
      scf.if %cond3A_291 {
        %add3A_454 = arith.constant 4 : i32
        %add3A_455 = arith.addi %add3A_268, %add3A_454 : i32
        %add3A_456 = arith.addi %mul3A_2, %add3A_455 : i32
        %dma_wait3A_457 = arith.constant 0 : i32
        %dma_wait3A_458 = arith.constant 0 : i32
        %dma_wait3A_459 = tpu.memref_slice %arg3[%add3A_456, %dma_wait3A_457, %dma_wait3A_458] : memref<4000x2x80xi32, #tpu.memory_space<hbm>> -> memref<1x2x80xi32, #tpu.memory_space<hbm>>
        %dma_wait3A_460 = tpu.memref_squeeze %dma_wait3A_459 : memref<1x2x80xi32, #tpu.memory_space<hbm>> -> memref<2x80xi32, #tpu.memory_space<hbm>>
        %dma_wait3A_461 = arith.constant 0 : i32
        %dma_wait3A_462 = arith.constant 0 : i32
        %dma_wait3A_463 = tpu.memref_slice %arg3[%add3A_456, %dma_wait3A_461, %dma_wait3A_462] : memref<4000x2x80xi32, #tpu.memory_space<hbm>> -> memref<1x2x80xi32, #tpu.memory_space<hbm>>
        %dma_wait3A_464 = tpu.memref_squeeze %dma_wait3A_463 : memref<1x2x80xi32, #tpu.memory_space<hbm>> -> memref<2x80xi32, #tpu.memory_space<hbm>>
        tpu.wait_dma2 semaphore(%arg27 : memref<!tpu.dma_semaphore, #tpu.memory_space<semaphore_mem>>) src(%dma_wait3A_464 : memref<2x80xi32, #tpu.memory_space<hbm>>) dst(%arg11 : memref<2x80xi32, #tpu.memory_space<vmem>>)
        %dma_start3A_465 = arith.constant 0 : i32
        %dma_start3A_466 = arith.constant 0 : i32
        %dma_start3A_467 = tpu.memref_slice %arg11[%dma_start3A_465, %dma_start3A_466] : memref<2x80xi32, #tpu.memory_space<vmem>> -> memref<1x80xi32, #tpu.memory_space<vmem>>
        %dma_start3A_468 = tpu.memref_squeeze %dma_start3A_467 : memref<1x80xi32, #tpu.memory_space<vmem>> -> memref<80xi32, #tpu.memory_space<vmem>>
        %dma_start3A_469 = arith.constant 0 : i32
        %dma_start3A_470 = arith.constant 0 : i32
        %dma_start3A_471 = tpu.memref_slice %arg2[%dma_start3A_469, %dma_start3A_470] : memref<10000x128xf32, #tpu.memory_space<hbm>> -> memref<10000x128xf32, #tpu.memory_space<hbm>>
        tpu.enqueue_indirect_dma source(%dma_start3A_471 : memref<10000x128xf32, #tpu.memory_space<hbm>>) target(%arg15 : memref<80x128xf32, #tpu.memory_space<vmem>>) offsets(%dma_start3A_468 : memref<80xi32, #tpu.memory_space<vmem>>) semaphore(%arg31 : memref<!tpu.dma_semaphore, #tpu.memory_space<semaphore_mem>>)
      } else {
      }
      %mul3A_292 = arith.constant 8 : i32
      %mul3A_293 = arith.muli %scan3A_240, %mul3A_292 : i32
      %add3A_294 = arith.constant 2 : i32
      %add3A_295 = arith.addi %mul3A_293, %add3A_294 : i32
      %dma_wait3A_296 = arith.constant 0 : i32
      %dma_wait3A_297 = arith.constant 0 : i32
      %dma_wait3A_298 = tpu.memref_slice %arg8[%dma_wait3A_296, %dma_wait3A_297] : memref<2x80xi32, #tpu.memory_space<vmem>> -> memref<1x80xi32, #tpu.memory_space<vmem>>
      %dma_wait3A_299 = tpu.memref_squeeze %dma_wait3A_298 : memref<1x80xi32, #tpu.memory_space<vmem>> -> memref<80xi32, #tpu.memory_space<vmem>>
      %dma_wait3A_300 = arith.constant 0 : i32
      %dma_wait3A_301 = arith.constant 0 : i32
      %dma_wait3A_302 = tpu.memref_slice %arg2[%dma_wait3A_300, %dma_wait3A_301] : memref<10000x128xf32, #tpu.memory_space<hbm>> -> memref<10000x128xf32, #tpu.memory_space<hbm>>
      tpu.wait_indirect_dma semaphore(%arg32 : memref<!tpu.dma_semaphore, #tpu.memory_space<semaphore_mem>>) src(%dma_wait3A_302 : memref<10000x128xf32, #tpu.memory_space<hbm>>) dst(%arg16 : memref<80x128xf32, #tpu.memory_space<vmem>>)
      %run_scoped3A_303 = arith.constant 1 : i32
      "tpu.region"() ({
        %run_scoped3A_454 = tpu.sem_alloc : memref<!tpu.dma_semaphore, #tpu.memory_space<semaphore_mem>>
        %dma_start3A_455 = arith.constant 0 : i32
        %dma_start3A_456 = tpu.memref_slice %arg8[%run_scoped3A_303, %dma_start3A_455] : memref<2x80xi32, #tpu.memory_space<vmem>> -> memref<1x80xi32, #tpu.memory_space<vmem>>
        %dma_start3A_457 = tpu.memref_squeeze %dma_start3A_456 : memref<1x80xi32, #tpu.memory_space<vmem>> -> memref<80xi32, #tpu.memory_space<vmem>>
        %dma_start3A_458 = arith.constant 0 : i32
        %dma_start3A_459 = arith.constant 0 : i32
        %dma_start3A_460 = tpu.memref_slice %arg18[%dma_start3A_458, %dma_start3A_459] : memref<10000x128xf32, #tpu.memory_space<vmem_shared>> -> memref<10000x128xf32, #tpu.memory_space<vmem_shared>>
        tpu.enqueue_indirect_dma source(%arg16 : memref<80x128xf32, #tpu.memory_space<vmem>>) target(%dma_start3A_460 : memref<10000x128xf32, #tpu.memory_space<vmem_shared>>) offsets(%dma_start3A_457 : memref<80xi32, #tpu.memory_space<vmem>>) semaphore(%run_scoped3A_454 : memref<!tpu.dma_semaphore, #tpu.memory_space<semaphore_mem>>) {add = true}
        %dma_wait3A_461 = arith.constant 0 : i32
        %dma_wait3A_462 = tpu.memref_slice %arg8[%run_scoped3A_303, %dma_wait3A_461] : memref<2x80xi32, #tpu.memory_space<vmem>> -> memref<1x80xi32, #tpu.memory_space<vmem>>
        %dma_wait3A_463 = tpu.memref_squeeze %dma_wait3A_462 : memref<1x80xi32, #tpu.memory_space<vmem>> -> memref<80xi32, #tpu.memory_space<vmem>>
        %dma_wait3A_464 = arith.constant 0 : i32
        %dma_wait3A_465 = arith.constant 0 : i32
        %dma_wait3A_466 = tpu.memref_slice %arg18[%dma_wait3A_464, %dma_wait3A_465] : memref<10000x128xf32, #tpu.memory_space<vmem_shared>> -> memref<10000x128xf32, #tpu.memory_space<vmem_shared>>
        tpu.wait_indirect_dma semaphore(%run_scoped3A_454 : memref<!tpu.dma_semaphore, #tpu.memory_space<semaphore_mem>>) src(%arg16 : memref<80x128xf32, #tpu.memory_space<vmem>>) dst(%dma_wait3A_466 : memref<10000x128xf32, #tpu.memory_space<vmem_shared>>)
        tpu.yield
      }) : () -> ()
      %run_scoped3A_304 = arith.constant 1 : i32
      "tpu.region"() ({
        %run_scoped3A_454 = tpu.sem_alloc : memref<!tpu.dma_semaphore, #tpu.memory_space<semaphore_mem>>
        %dma_start3A_455 = arith.constant 0 : i32
        %dma_start3A_456 = tpu.memref_slice %arg8[%run_scoped3A_304, %dma_start3A_455] : memref<2x80xi32, #tpu.memory_space<vmem>> -> memref<1x80xi32, #tpu.memory_space<vmem>>
        %dma_start3A_457 = tpu.memref_squeeze %dma_start3A_456 : memref<1x80xi32, #tpu.memory_space<vmem>> -> memref<80xi32, #tpu.memory_space<vmem>>
        %dma_start3A_458 = arith.constant 0 : i32
        %dma_start3A_459 = arith.constant 0 : i32
        %dma_start3A_460 = tpu.memref_slice %arg21[%dma_start3A_458, %dma_start3A_459] : memref<10000x16xbf16, #tpu.memory_space<vmem_shared>> -> memref<10000x16xbf16, #tpu.memory_space<vmem_shared>>
        tpu.enqueue_indirect_dma source(%arg19 : memref<80x16xbf16, #tpu.memory_space<vmem>>) target(%dma_start3A_460 : memref<10000x16xbf16, #tpu.memory_space<vmem_shared>>) offsets(%dma_start3A_457 : memref<80xi32, #tpu.memory_space<vmem>>) semaphore(%run_scoped3A_454 : memref<!tpu.dma_semaphore, #tpu.memory_space<semaphore_mem>>) {add = true}
        %dma_wait3A_461 = arith.constant 0 : i32
        %dma_wait3A_462 = tpu.memref_slice %arg8[%run_scoped3A_304, %dma_wait3A_461] : memref<2x80xi32, #tpu.memory_space<vmem>> -> memref<1x80xi32, #tpu.memory_space<vmem>>
        %dma_wait3A_463 = tpu.memref_squeeze %dma_wait3A_462 : memref<1x80xi32, #tpu.memory_space<vmem>> -> memref<80xi32, #tpu.memory_space<vmem>>
        %dma_wait3A_464 = arith.constant 0 : i32
        %dma_wait3A_465 = arith.constant 0 : i32
        %dma_wait3A_466 = tpu.memref_slice %arg21[%dma_wait3A_464, %dma_wait3A_465] : memref<10000x16xbf16, #tpu.memory_space<vmem_shared>> -> memref<10000x16xbf16, #tpu.memory_space<vmem_shared>>
        tpu.wait_indirect_dma semaphore(%run_scoped3A_454 : memref<!tpu.dma_semaphore, #tpu.memory_space<semaphore_mem>>) src(%arg19 : memref<80x16xbf16, #tpu.memory_space<vmem>>) dst(%dma_wait3A_466 : memref<10000x16xbf16, #tpu.memory_space<vmem_shared>>)
        tpu.yield
      }) : () -> ()
      %add3A_305 = arith.constant 8 : i32
      %add3A_306 = arith.addi %add3A_295, %add3A_305 : i32
      %lt3A_307 = arith.constant 125 : i32
      %lt3A_308 = arith.cmpi slt, %add3A_306, %lt3A_307 : i32
      %convert_element_type3A_309 = arith.extui %lt3A_308 : i1 to i32
      %cond3A_310 = arith.constant 0 : i32
      %cond3A_311 = arith.cmpi ne, %convert_element_type3A_309, %cond3A_310 : i32
      scf.if %cond3A_311 {
        %add3A_454 = arith.constant 8 : i32
        %add3A_455 = arith.addi %add3A_295, %add3A_454 : i32
        %add3A_456 = arith.addi %mul3A_2, %add3A_455 : i32
        %dma_start3A_457 = arith.constant 0 : i32
        %dma_start3A_458 = arith.constant 0 : i32
        %dma_start3A_459 = tpu.memref_slice %arg3[%add3A_456, %dma_start3A_457, %dma_start3A_458] : memref<4000x2x80xi32, #tpu.memory_space<hbm>> -> memref<1x2x80xi32, #tpu.memory_space<hbm>>
        %dma_start3A_460 = tpu.memref_squeeze %dma_start3A_459 : memref<1x2x80xi32, #tpu.memory_space<hbm>> -> memref<2x80xi32, #tpu.memory_space<hbm>>
        %dma_start3A_461 = arith.constant 0 : i32
        %dma_start3A_462 = arith.constant 0 : i32
        %dma_start3A_463 = tpu.memref_slice %arg3[%add3A_456, %dma_start3A_461, %dma_start3A_462] : memref<4000x2x80xi32, #tpu.memory_space<hbm>> -> memref<1x2x80xi32, #tpu.memory_space<hbm>>
        %dma_start3A_464 = tpu.memref_squeeze %dma_start3A_463 : memref<1x2x80xi32, #tpu.memory_space<hbm>> -> memref<2x80xi32, #tpu.memory_space<hbm>>
        tpu.enqueue_dma source(%dma_start3A_464 : memref<2x80xi32, #tpu.memory_space<hbm>>) target(%arg8 : memref<2x80xi32, #tpu.memory_space<vmem>>) target_semaphore(%arg24 : memref<!tpu.dma_semaphore, #tpu.memory_space<semaphore_mem>>)
      } else {
      }
      %add3A_312 = arith.constant 4 : i32
      %add3A_313 = arith.addi %add3A_295, %add3A_312 : i32
      %lt3A_314 = arith.constant 125 : i32
      %lt3A_315 = arith.cmpi slt, %add3A_313, %lt3A_314 : i32
      %convert_element_type3A_316 = arith.extui %lt3A_315 : i1 to i32
      %cond3A_317 = arith.constant 0 : i32
      %cond3A_318 = arith.cmpi ne, %convert_element_type3A_316, %cond3A_317 : i32
      scf.if %cond3A_318 {
        %add3A_454 = arith.constant 4 : i32
        %add3A_455 = arith.addi %add3A_295, %add3A_454 : i32
        %add3A_456 = arith.addi %mul3A_2, %add3A_455 : i32
        %dma_wait3A_457 = arith.constant 0 : i32
        %dma_wait3A_458 = arith.constant 0 : i32
        %dma_wait3A_459 = tpu.memref_slice %arg3[%add3A_456, %dma_wait3A_457, %dma_wait3A_458] : memref<4000x2x80xi32, #tpu.memory_space<hbm>> -> memref<1x2x80xi32, #tpu.memory_space<hbm>>
        %dma_wait3A_460 = tpu.memref_squeeze %dma_wait3A_459 : memref<1x2x80xi32, #tpu.memory_space<hbm>> -> memref<2x80xi32, #tpu.memory_space<hbm>>
        %dma_wait3A_461 = arith.constant 0 : i32
        %dma_wait3A_462 = arith.constant 0 : i32
        %dma_wait3A_463 = tpu.memref_slice %arg3[%add3A_456, %dma_wait3A_461, %dma_wait3A_462] : memref<4000x2x80xi32, #tpu.memory_space<hbm>> -> memref<1x2x80xi32, #tpu.memory_space<hbm>>
        %dma_wait3A_464 = tpu.memref_squeeze %dma_wait3A_463 : memref<1x2x80xi32, #tpu.memory_space<hbm>> -> memref<2x80xi32, #tpu.memory_space<hbm>>
        tpu.wait_dma2 semaphore(%arg28 : memref<!tpu.dma_semaphore, #tpu.memory_space<semaphore_mem>>) src(%dma_wait3A_464 : memref<2x80xi32, #tpu.memory_space<hbm>>) dst(%arg12 : memref<2x80xi32, #tpu.memory_space<vmem>>)
        %dma_start3A_465 = arith.constant 0 : i32
        %dma_start3A_466 = arith.constant 0 : i32
        %dma_start3A_467 = tpu.memref_slice %arg12[%dma_start3A_465, %dma_start3A_466] : memref<2x80xi32, #tpu.memory_space<vmem>> -> memref<1x80xi32, #tpu.memory_space<vmem>>
        %dma_start3A_468 = tpu.memref_squeeze %dma_start3A_467 : memref<1x80xi32, #tpu.memory_space<vmem>> -> memref<80xi32, #tpu.memory_space<vmem>>
        %dma_start3A_469 = arith.constant 0 : i32
        %dma_start3A_470 = arith.constant 0 : i32
        %dma_start3A_471 = tpu.memref_slice %arg2[%dma_start3A_469, %dma_start3A_470] : memref<10000x128xf32, #tpu.memory_space<hbm>> -> memref<10000x128xf32, #tpu.memory_space<hbm>>
        tpu.enqueue_indirect_dma source(%dma_start3A_471 : memref<10000x128xf32, #tpu.memory_space<hbm>>) target(%arg16 : memref<80x128xf32, #tpu.memory_space<vmem>>) offsets(%dma_start3A_468 : memref<80xi32, #tpu.memory_space<vmem>>) semaphore(%arg32 : memref<!tpu.dma_semaphore, #tpu.memory_space<semaphore_mem>>)
      } else {
      }
      %mul3A_319 = arith.constant 8 : i32
      %mul3A_320 = arith.muli %scan3A_240, %mul3A_319 : i32
      %add3A_321 = arith.constant 3 : i32
      %add3A_322 = arith.addi %mul3A_320, %add3A_321 : i32
      %dma_wait3A_323 = arith.constant 0 : i32
      %dma_wait3A_324 = arith.constant 0 : i32
      %dma_wait3A_325 = tpu.memref_slice %arg9[%dma_wait3A_323, %dma_wait3A_324] : memref<2x80xi32, #tpu.memory_space<vmem>> -> memref<1x80xi32, #tpu.memory_space<vmem>>
      %dma_wait3A_326 = tpu.memref_squeeze %dma_wait3A_325 : memref<1x80xi32, #tpu.memory_space<vmem>> -> memref<80xi32, #tpu.memory_space<vmem>>
      %dma_wait3A_327 = arith.constant 0 : i32
      %dma_wait3A_328 = arith.constant 0 : i32
      %dma_wait3A_329 = tpu.memref_slice %arg2[%dma_wait3A_327, %dma_wait3A_328] : memref<10000x128xf32, #tpu.memory_space<hbm>> -> memref<10000x128xf32, #tpu.memory_space<hbm>>
      tpu.wait_indirect_dma semaphore(%arg33 : memref<!tpu.dma_semaphore, #tpu.memory_space<semaphore_mem>>) src(%dma_wait3A_329 : memref<10000x128xf32, #tpu.memory_space<hbm>>) dst(%arg17 : memref<80x128xf32, #tpu.memory_space<vmem>>)
      %run_scoped3A_330 = arith.constant 1 : i32
      "tpu.region"() ({
        %run_scoped3A_454 = tpu.sem_alloc : memref<!tpu.dma_semaphore, #tpu.memory_space<semaphore_mem>>
        %dma_start3A_455 = arith.constant 0 : i32
        %dma_start3A_456 = tpu.memref_slice %arg9[%run_scoped3A_330, %dma_start3A_455] : memref<2x80xi32, #tpu.memory_space<vmem>> -> memref<1x80xi32, #tpu.memory_space<vmem>>
        %dma_start3A_457 = tpu.memref_squeeze %dma_start3A_456 : memref<1x80xi32, #tpu.memory_space<vmem>> -> memref<80xi32, #tpu.memory_space<vmem>>
        %dma_start3A_458 = arith.constant 0 : i32
        %dma_start3A_459 = arith.constant 0 : i32
        %dma_start3A_460 = tpu.memref_slice %arg18[%dma_start3A_458, %dma_start3A_459] : memref<10000x128xf32, #tpu.memory_space<vmem_shared>> -> memref<10000x128xf32, #tpu.memory_space<vmem_shared>>
        tpu.enqueue_indirect_dma source(%arg17 : memref<80x128xf32, #tpu.memory_space<vmem>>) target(%dma_start3A_460 : memref<10000x128xf32, #tpu.memory_space<vmem_shared>>) offsets(%dma_start3A_457 : memref<80xi32, #tpu.memory_space<vmem>>) semaphore(%run_scoped3A_454 : memref<!tpu.dma_semaphore, #tpu.memory_space<semaphore_mem>>) {add = true}
        %dma_wait3A_461 = arith.constant 0 : i32
        %dma_wait3A_462 = tpu.memref_slice %arg9[%run_scoped3A_330, %dma_wait3A_461] : memref<2x80xi32, #tpu.memory_space<vmem>> -> memref<1x80xi32, #tpu.memory_space<vmem>>
        %dma_wait3A_463 = tpu.memref_squeeze %dma_wait3A_462 : memref<1x80xi32, #tpu.memory_space<vmem>> -> memref<80xi32, #tpu.memory_space<vmem>>
        %dma_wait3A_464 = arith.constant 0 : i32
        %dma_wait3A_465 = arith.constant 0 : i32
        %dma_wait3A_466 = tpu.memref_slice %arg18[%dma_wait3A_464, %dma_wait3A_465] : memref<10000x128xf32, #tpu.memory_space<vmem_shared>> -> memref<10000x128xf32, #tpu.memory_space<vmem_shared>>
        tpu.wait_indirect_dma semaphore(%run_scoped3A_454 : memref<!tpu.dma_semaphore, #tpu.memory_space<semaphore_mem>>) src(%arg17 : memref<80x128xf32, #tpu.memory_space<vmem>>) dst(%dma_wait3A_466 : memref<10000x128xf32, #tpu.memory_space<vmem_shared>>)
        tpu.yield
      }) : () -> ()
      %run_scoped3A_331 = arith.constant 1 : i32
      "tpu.region"() ({
        %run_scoped3A_454 = tpu.sem_alloc : memref<!tpu.dma_semaphore, #tpu.memory_space<semaphore_mem>>
        %dma_start3A_455 = arith.constant 0 : i32
        %dma_start3A_456 = tpu.memref_slice %arg9[%run_scoped3A_331, %dma_start3A_455] : memref<2x80xi32, #tpu.memory_space<vmem>> -> memref<1x80xi32, #tpu.memory_space<vmem>>
        %dma_start3A_457 = tpu.memref_squeeze %dma_start3A_456 : memref<1x80xi32, #tpu.memory_space<vmem>> -> memref<80xi32, #tpu.memory_space<vmem>>
        %dma_start3A_458 = arith.constant 0 : i32
        %dma_start3A_459 = arith.constant 0 : i32
        %dma_start3A_460 = tpu.memref_slice %arg21[%dma_start3A_458, %dma_start3A_459] : memref<10000x16xbf16, #tpu.memory_space<vmem_shared>> -> memref<10000x16xbf16, #tpu.memory_space<vmem_shared>>
        tpu.enqueue_indirect_dma source(%arg19 : memref<80x16xbf16, #tpu.memory_space<vmem>>) target(%dma_start3A_460 : memref<10000x16xbf16, #tpu.memory_space<vmem_shared>>) offsets(%dma_start3A_457 : memref<80xi32, #tpu.memory_space<vmem>>) semaphore(%run_scoped3A_454 : memref<!tpu.dma_semaphore, #tpu.memory_space<semaphore_mem>>) {add = true}
        %dma_wait3A_461 = arith.constant 0 : i32
        %dma_wait3A_462 = tpu.memref_slice %arg9[%run_scoped3A_331, %dma_wait3A_461] : memref<2x80xi32, #tpu.memory_space<vmem>> -> memref<1x80xi32, #tpu.memory_space<vmem>>
        %dma_wait3A_463 = tpu.memref_squeeze %dma_wait3A_462 : memref<1x80xi32, #tpu.memory_space<vmem>> -> memref<80xi32, #tpu.memory_space<vmem>>
        %dma_wait3A_464 = arith.constant 0 : i32
        %dma_wait3A_465 = arith.constant 0 : i32
        %dma_wait3A_466 = tpu.memref_slice %arg21[%dma_wait3A_464, %dma_wait3A_465] : memref<10000x16xbf16, #tpu.memory_space<vmem_shared>> -> memref<10000x16xbf16, #tpu.memory_space<vmem_shared>>
        tpu.wait_indirect_dma semaphore(%run_scoped3A_454 : memref<!tpu.dma_semaphore, #tpu.memory_space<semaphore_mem>>) src(%arg19 : memref<80x16xbf16, #tpu.memory_space<vmem>>) dst(%dma_wait3A_466 : memref<10000x16xbf16, #tpu.memory_space<vmem_shared>>)
        tpu.yield
      }) : () -> ()
      %add3A_332 = arith.constant 8 : i32
      %add3A_333 = arith.addi %add3A_322, %add3A_332 : i32
      %lt3A_334 = arith.constant 125 : i32
      %lt3A_335 = arith.cmpi slt, %add3A_333, %lt3A_334 : i32
      %convert_element_type3A_336 = arith.extui %lt3A_335 : i1 to i32
      %cond3A_337 = arith.constant 0 : i32
      %cond3A_338 = arith.cmpi ne, %convert_element_type3A_336, %cond3A_337 : i32
      scf.if %cond3A_338 {
        %add3A_454 = arith.constant 8 : i32
        %add3A_455 = arith.addi %add3A_322, %add3A_454 : i32
        %add3A_456 = arith.addi %mul3A_2, %add3A_455 : i32
        %dma_start3A_457 = arith.constant 0 : i32
        %dma_start3A_458 = arith.constant 0 : i32
        %dma_start3A_459 = tpu.memref_slice %arg3[%add3A_456, %dma_start3A_457, %dma_start3A_458] : memref<4000x2x80xi32, #tpu.memory_space<hbm>> -> memref<1x2x80xi32, #tpu.memory_space<hbm>>
        %dma_start3A_460 = tpu.memref_squeeze %dma_start3A_459 : memref<1x2x80xi32, #tpu.memory_space<hbm>> -> memref<2x80xi32, #tpu.memory_space<hbm>>
        %dma_start3A_461 = arith.constant 0 : i32
        %dma_start3A_462 = arith.constant 0 : i32
        %dma_start3A_463 = tpu.memref_slice %arg3[%add3A_456, %dma_start3A_461, %dma_start3A_462] : memref<4000x2x80xi32, #tpu.memory_space<hbm>> -> memref<1x2x80xi32, #tpu.memory_space<hbm>>
        %dma_start3A_464 = tpu.memref_squeeze %dma_start3A_463 : memref<1x2x80xi32, #tpu.memory_space<hbm>> -> memref<2x80xi32, #tpu.memory_space<hbm>>
        tpu.enqueue_dma source(%dma_start3A_464 : memref<2x80xi32, #tpu.memory_space<hbm>>) target(%arg9 : memref<2x80xi32, #tpu.memory_space<vmem>>) target_semaphore(%arg25 : memref<!tpu.dma_semaphore, #tpu.memory_space<semaphore_mem>>)
      } else {
      }
      %add3A_339 = arith.constant 4 : i32
      %add3A_340 = arith.addi %add3A_322, %add3A_339 : i32
      %lt3A_341 = arith.constant 125 : i32
      %lt3A_342 = arith.cmpi slt, %add3A_340, %lt3A_341 : i32
      %convert_element_type3A_343 = arith.extui %lt3A_342 : i1 to i32
      %cond3A_344 = arith.constant 0 : i32
      %cond3A_345 = arith.cmpi ne, %convert_element_type3A_343, %cond3A_344 : i32
      scf.if %cond3A_345 {
        %add3A_454 = arith.constant 4 : i32
        %add3A_455 = arith.addi %add3A_322, %add3A_454 : i32
        %add3A_456 = arith.addi %mul3A_2, %add3A_455 : i32
        %dma_wait3A_457 = arith.constant 0 : i32
        %dma_wait3A_458 = arith.constant 0 : i32
        %dma_wait3A_459 = tpu.memref_slice %arg3[%add3A_456, %dma_wait3A_457, %dma_wait3A_458] : memref<4000x2x80xi32, #tpu.memory_space<hbm>> -> memref<1x2x80xi32, #tpu.memory_space<hbm>>
        %dma_wait3A_460 = tpu.memref_squeeze %dma_wait3A_459 : memref<1x2x80xi32, #tpu.memory_space<hbm>> -> memref<2x80xi32, #tpu.memory_space<hbm>>
        %dma_wait3A_461 = arith.constant 0 : i32
        %dma_wait3A_462 = arith.constant 0 : i32
        %dma_wait3A_463 = tpu.memref_slice %arg3[%add3A_456, %dma_wait3A_461, %dma_wait3A_462] : memref<4000x2x80xi32, #tpu.memory_space<hbm>> -> memref<1x2x80xi32, #tpu.memory_space<hbm>>
        %dma_wait3A_464 = tpu.memref_squeeze %dma_wait3A_463 : memref<1x2x80xi32, #tpu.memory_space<hbm>> -> memref<2x80xi32, #tpu.memory_space<hbm>>
        tpu.wait_dma2 semaphore(%arg29 : memref<!tpu.dma_semaphore, #tpu.memory_space<semaphore_mem>>) src(%dma_wait3A_464 : memref<2x80xi32, #tpu.memory_space<hbm>>) dst(%arg13 : memref<2x80xi32, #tpu.memory_space<vmem>>)
        %dma_start3A_465 = arith.constant 0 : i32
        %dma_start3A_466 = arith.constant 0 : i32
        %dma_start3A_467 = tpu.memref_slice %arg13[%dma_start3A_465, %dma_start3A_466] : memref<2x80xi32, #tpu.memory_space<vmem>> -> memref<1x80xi32, #tpu.memory_space<vmem>>
        %dma_start3A_468 = tpu.memref_squeeze %dma_start3A_467 : memref<1x80xi32, #tpu.memory_space<vmem>> -> memref<80xi32, #tpu.memory_space<vmem>>
        %dma_start3A_469 = arith.constant 0 : i32
        %dma_start3A_470 = arith.constant 0 : i32
        %dma_start3A_471 = tpu.memref_slice %arg2[%dma_start3A_469, %dma_start3A_470] : memref<10000x128xf32, #tpu.memory_space<hbm>> -> memref<10000x128xf32, #tpu.memory_space<hbm>>
        tpu.enqueue_indirect_dma source(%dma_start3A_471 : memref<10000x128xf32, #tpu.memory_space<hbm>>) target(%arg17 : memref<80x128xf32, #tpu.memory_space<vmem>>) offsets(%dma_start3A_468 : memref<80xi32, #tpu.memory_space<vmem>>) semaphore(%arg33 : memref<!tpu.dma_semaphore, #tpu.memory_space<semaphore_mem>>)
      } else {
      }
      %mul3A_346 = arith.constant 8 : i32
      %mul3A_347 = arith.muli %scan3A_240, %mul3A_346 : i32
      %add3A_348 = arith.constant 4 : i32
      %add3A_349 = arith.addi %mul3A_347, %add3A_348 : i32
      %dma_wait3A_350 = arith.constant 0 : i32
      %dma_wait3A_351 = arith.constant 0 : i32
      %dma_wait3A_352 = tpu.memref_slice %arg10[%dma_wait3A_350, %dma_wait3A_351] : memref<2x80xi32, #tpu.memory_space<vmem>> -> memref<1x80xi32, #tpu.memory_space<vmem>>
      %dma_wait3A_353 = tpu.memref_squeeze %dma_wait3A_352 : memref<1x80xi32, #tpu.memory_space<vmem>> -> memref<80xi32, #tpu.memory_space<vmem>>
      %dma_wait3A_354 = arith.constant 0 : i32
      %dma_wait3A_355 = arith.constant 0 : i32
      %dma_wait3A_356 = tpu.memref_slice %arg2[%dma_wait3A_354, %dma_wait3A_355] : memref<10000x128xf32, #tpu.memory_space<hbm>> -> memref<10000x128xf32, #tpu.memory_space<hbm>>
      tpu.wait_indirect_dma semaphore(%arg30 : memref<!tpu.dma_semaphore, #tpu.memory_space<semaphore_mem>>) src(%dma_wait3A_356 : memref<10000x128xf32, #tpu.memory_space<hbm>>) dst(%arg14 : memref<80x128xf32, #tpu.memory_space<vmem>>)
      %run_scoped3A_357 = arith.constant 1 : i32
      "tpu.region"() ({
        %run_scoped3A_454 = tpu.sem_alloc : memref<!tpu.dma_semaphore, #tpu.memory_space<semaphore_mem>>
        %dma_start3A_455 = arith.constant 0 : i32
        %dma_start3A_456 = tpu.memref_slice %arg10[%run_scoped3A_357, %dma_start3A_455] : memref<2x80xi32, #tpu.memory_space<vmem>> -> memref<1x80xi32, #tpu.memory_space<vmem>>
        %dma_start3A_457 = tpu.memref_squeeze %dma_start3A_456 : memref<1x80xi32, #tpu.memory_space<vmem>> -> memref<80xi32, #tpu.memory_space<vmem>>
        %dma_start3A_458 = arith.constant 0 : i32
        %dma_start3A_459 = arith.constant 0 : i32
        %dma_start3A_460 = tpu.memref_slice %arg18[%dma_start3A_458, %dma_start3A_459] : memref<10000x128xf32, #tpu.memory_space<vmem_shared>> -> memref<10000x128xf32, #tpu.memory_space<vmem_shared>>
        tpu.enqueue_indirect_dma source(%arg14 : memref<80x128xf32, #tpu.memory_space<vmem>>) target(%dma_start3A_460 : memref<10000x128xf32, #tpu.memory_space<vmem_shared>>) offsets(%dma_start3A_457 : memref<80xi32, #tpu.memory_space<vmem>>) semaphore(%run_scoped3A_454 : memref<!tpu.dma_semaphore, #tpu.memory_space<semaphore_mem>>) {add = true}
        %dma_wait3A_461 = arith.constant 0 : i32
        %dma_wait3A_462 = tpu.memref_slice %arg10[%run_scoped3A_357, %dma_wait3A_461] : memref<2x80xi32, #tpu.memory_space<vmem>> -> memref<1x80xi32, #tpu.memory_space<vmem>>
        %dma_wait3A_463 = tpu.memref_squeeze %dma_wait3A_462 : memref<1x80xi32, #tpu.memory_space<vmem>> -> memref<80xi32, #tpu.memory_space<vmem>>
        %dma_wait3A_464 = arith.constant 0 : i32
        %dma_wait3A_465 = arith.constant 0 : i32
        %dma_wait3A_466 = tpu.memref_slice %arg18[%dma_wait3A_464, %dma_wait3A_465] : memref<10000x128xf32, #tpu.memory_space<vmem_shared>> -> memref<10000x128xf32, #tpu.memory_space<vmem_shared>>
        tpu.wait_indirect_dma semaphore(%run_scoped3A_454 : memref<!tpu.dma_semaphore, #tpu.memory_space<semaphore_mem>>) src(%arg14 : memref<80x128xf32, #tpu.memory_space<vmem>>) dst(%dma_wait3A_466 : memref<10000x128xf32, #tpu.memory_space<vmem_shared>>)
        tpu.yield
      }) : () -> ()
      %run_scoped3A_358 = arith.constant 1 : i32
      "tpu.region"() ({
        %run_scoped3A_454 = tpu.sem_alloc : memref<!tpu.dma_semaphore, #tpu.memory_space<semaphore_mem>>
        %dma_start3A_455 = arith.constant 0 : i32
        %dma_start3A_456 = tpu.memref_slice %arg10[%run_scoped3A_358, %dma_start3A_455] : memref<2x80xi32, #tpu.memory_space<vmem>> -> memref<1x80xi32, #tpu.memory_space<vmem>>
        %dma_start3A_457 = tpu.memref_squeeze %dma_start3A_456 : memref<1x80xi32, #tpu.memory_space<vmem>> -> memref<80xi32, #tpu.memory_space<vmem>>
        %dma_start3A_458 = arith.constant 0 : i32
        %dma_start3A_459 = arith.constant 0 : i32
        %dma_start3A_460 = tpu.memref_slice %arg21[%dma_start3A_458, %dma_start3A_459] : memref<10000x16xbf16, #tpu.memory_space<vmem_shared>> -> memref<10000x16xbf16, #tpu.memory_space<vmem_shared>>
        tpu.enqueue_indirect_dma source(%arg19 : memref<80x16xbf16, #tpu.memory_space<vmem>>) target(%dma_start3A_460 : memref<10000x16xbf16, #tpu.memory_space<vmem_shared>>) offsets(%dma_start3A_457 : memref<80xi32, #tpu.memory_space<vmem>>) semaphore(%run_scoped3A_454 : memref<!tpu.dma_semaphore, #tpu.memory_space<semaphore_mem>>) {add = true}
        %dma_wait3A_461 = arith.constant 0 : i32
        %dma_wait3A_462 = tpu.memref_slice %arg10[%run_scoped3A_358, %dma_wait3A_461] : memref<2x80xi32, #tpu.memory_space<vmem>> -> memref<1x80xi32, #tpu.memory_space<vmem>>
        %dma_wait3A_463 = tpu.memref_squeeze %dma_wait3A_462 : memref<1x80xi32, #tpu.memory_space<vmem>> -> memref<80xi32, #tpu.memory_space<vmem>>
        %dma_wait3A_464 = arith.constant 0 : i32
        %dma_wait3A_465 = arith.constant 0 : i32
        %dma_wait3A_466 = tpu.memref_slice %arg21[%dma_wait3A_464, %dma_wait3A_465] : memref<10000x16xbf16, #tpu.memory_space<vmem_shared>> -> memref<10000x16xbf16, #tpu.memory_space<vmem_shared>>
        tpu.wait_indirect_dma semaphore(%run_scoped3A_454 : memref<!tpu.dma_semaphore, #tpu.memory_space<semaphore_mem>>) src(%arg19 : memref<80x16xbf16, #tpu.memory_space<vmem>>) dst(%dma_wait3A_466 : memref<10000x16xbf16, #tpu.memory_space<vmem_shared>>)
        tpu.yield
      }) : () -> ()
      %add3A_359 = arith.constant 8 : i32
      %add3A_360 = arith.addi %add3A_349, %add3A_359 : i32
      %lt3A_361 = arith.constant 125 : i32
      %lt3A_362 = arith.cmpi slt, %add3A_360, %lt3A_361 : i32
      %convert_element_type3A_363 = arith.extui %lt3A_362 : i1 to i32
      %cond3A_364 = arith.constant 0 : i32
      %cond3A_365 = arith.cmpi ne, %convert_element_type3A_363, %cond3A_364 : i32
      scf.if %cond3A_365 {
        %add3A_454 = arith.constant 8 : i32
        %add3A_455 = arith.addi %add3A_349, %add3A_454 : i32
        %add3A_456 = arith.addi %mul3A_2, %add3A_455 : i32
        %dma_start3A_457 = arith.constant 0 : i32
        %dma_start3A_458 = arith.constant 0 : i32
        %dma_start3A_459 = tpu.memref_slice %arg3[%add3A_456, %dma_start3A_457, %dma_start3A_458] : memref<4000x2x80xi32, #tpu.memory_space<hbm>> -> memref<1x2x80xi32, #tpu.memory_space<hbm>>
        %dma_start3A_460 = tpu.memref_squeeze %dma_start3A_459 : memref<1x2x80xi32, #tpu.memory_space<hbm>> -> memref<2x80xi32, #tpu.memory_space<hbm>>
        %dma_start3A_461 = arith.constant 0 : i32
        %dma_start3A_462 = arith.constant 0 : i32
        %dma_start3A_463 = tpu.memref_slice %arg3[%add3A_456, %dma_start3A_461, %dma_start3A_462] : memref<4000x2x80xi32, #tpu.memory_space<hbm>> -> memref<1x2x80xi32, #tpu.memory_space<hbm>>
        %dma_start3A_464 = tpu.memref_squeeze %dma_start3A_463 : memref<1x2x80xi32, #tpu.memory_space<hbm>> -> memref<2x80xi32, #tpu.memory_space<hbm>>
        tpu.enqueue_dma source(%dma_start3A_464 : memref<2x80xi32, #tpu.memory_space<hbm>>) target(%arg10 : memref<2x80xi32, #tpu.memory_space<vmem>>) target_semaphore(%arg26 : memref<!tpu.dma_semaphore, #tpu.memory_space<semaphore_mem>>)
      } else {
      }
      %add3A_366 = arith.constant 4 : i32
      %add3A_367 = arith.addi %add3A_349, %add3A_366 : i32
      %lt3A_368 = arith.constant 125 : i32
      %lt3A_369 = arith.cmpi slt, %add3A_367, %lt3A_368 : i32
      %convert_element_type3A_370 = arith.extui %lt3A_369 : i1 to i32
      %cond3A_371 = arith.constant 0 : i32
      %cond3A_372 = arith.cmpi ne, %convert_element_type3A_370, %cond3A_371 : i32
      scf.if %cond3A_372 {
        %add3A_454 = arith.constant 4 : i32
        %add3A_455 = arith.addi %add3A_349, %add3A_454 : i32
        %add3A_456 = arith.addi %mul3A_2, %add3A_455 : i32
        %dma_wait3A_457 = arith.constant 0 : i32
        %dma_wait3A_458 = arith.constant 0 : i32
        %dma_wait3A_459 = tpu.memref_slice %arg3[%add3A_456, %dma_wait3A_457, %dma_wait3A_458] : memref<4000x2x80xi32, #tpu.memory_space<hbm>> -> memref<1x2x80xi32, #tpu.memory_space<hbm>>
        %dma_wait3A_460 = tpu.memref_squeeze %dma_wait3A_459 : memref<1x2x80xi32, #tpu.memory_space<hbm>> -> memref<2x80xi32, #tpu.memory_space<hbm>>
        %dma_wait3A_461 = arith.constant 0 : i32
        %dma_wait3A_462 = arith.constant 0 : i32
        %dma_wait3A_463 = tpu.memref_slice %arg3[%add3A_456, %dma_wait3A_461, %dma_wait3A_462] : memref<4000x2x80xi32, #tpu.memory_space<hbm>> -> memref<1x2x80xi32, #tpu.memory_space<hbm>>
        %dma_wait3A_464 = tpu.memref_squeeze %dma_wait3A_463 : memref<1x2x80xi32, #tpu.memory_space<hbm>> -> memref<2x80xi32, #tpu.memory_space<hbm>>
        tpu.wait_dma2 semaphore(%arg22 : memref<!tpu.dma_semaphore, #tpu.memory_space<semaphore_mem>>) src(%dma_wait3A_464 : memref<2x80xi32, #tpu.memory_space<hbm>>) dst(%arg6 : memref<2x80xi32, #tpu.memory_space<vmem>>)
        %dma_start3A_465 = arith.constant 0 : i32
        %dma_start3A_466 = arith.constant 0 : i32
        %dma_start3A_467 = tpu.memref_slice %arg6[%dma_start3A_465, %dma_start3A_466] : memref<2x80xi32, #tpu.memory_space<vmem>> -> memref<1x80xi32, #tpu.memory_space<vmem>>
        %dma_start3A_468 = tpu.memref_squeeze %dma_start3A_467 : memref<1x80xi32, #tpu.memory_space<vmem>> -> memref<80xi32, #tpu.memory_space<vmem>>
        %dma_start3A_469 = arith.constant 0 : i32
        %dma_start3A_470 = arith.constant 0 : i32
        %dma_start3A_471 = tpu.memref_slice %arg2[%dma_start3A_469, %dma_start3A_470] : memref<10000x128xf32, #tpu.memory_space<hbm>> -> memref<10000x128xf32, #tpu.memory_space<hbm>>
        tpu.enqueue_indirect_dma source(%dma_start3A_471 : memref<10000x128xf32, #tpu.memory_space<hbm>>) target(%arg14 : memref<80x128xf32, #tpu.memory_space<vmem>>) offsets(%dma_start3A_468 : memref<80xi32, #tpu.memory_space<vmem>>) semaphore(%arg30 : memref<!tpu.dma_semaphore, #tpu.memory_space<semaphore_mem>>)
      } else {
      }
      %mul3A_373 = arith.constant 8 : i32
      %mul3A_374 = arith.muli %scan3A_240, %mul3A_373 : i32
      %add3A_375 = arith.constant 5 : i32
      %add3A_376 = arith.addi %mul3A_374, %add3A_375 : i32
      %dma_wait3A_377 = arith.constant 0 : i32
      %dma_wait3A_378 = arith.constant 0 : i32
      %dma_wait3A_379 = tpu.memref_slice %arg11[%dma_wait3A_377, %dma_wait3A_378] : memref<2x80xi32, #tpu.memory_space<vmem>> -> memref<1x80xi32, #tpu.memory_space<vmem>>
      %dma_wait3A_380 = tpu.memref_squeeze %dma_wait3A_379 : memref<1x80xi32, #tpu.memory_space<vmem>> -> memref<80xi32, #tpu.memory_space<vmem>>
      %dma_wait3A_381 = arith.constant 0 : i32
      %dma_wait3A_382 = arith.constant 0 : i32
      %dma_wait3A_383 = tpu.memref_slice %arg2[%dma_wait3A_381, %dma_wait3A_382] : memref<10000x128xf32, #tpu.memory_space<hbm>> -> memref<10000x128xf32, #tpu.memory_space<hbm>>
      tpu.wait_indirect_dma semaphore(%arg31 : memref<!tpu.dma_semaphore, #tpu.memory_space<semaphore_mem>>) src(%dma_wait3A_383 : memref<10000x128xf32, #tpu.memory_space<hbm>>) dst(%arg15 : memref<80x128xf32, #tpu.memory_space<vmem>>)
      %run_scoped3A_384 = arith.constant 1 : i32
      "tpu.region"() ({
        %run_scoped3A_454 = tpu.sem_alloc : memref<!tpu.dma_semaphore, #tpu.memory_space<semaphore_mem>>
        %dma_start3A_455 = arith.constant 0 : i32
        %dma_start3A_456 = tpu.memref_slice %arg11[%run_scoped3A_384, %dma_start3A_455] : memref<2x80xi32, #tpu.memory_space<vmem>> -> memref<1x80xi32, #tpu.memory_space<vmem>>
        %dma_start3A_457 = tpu.memref_squeeze %dma_start3A_456 : memref<1x80xi32, #tpu.memory_space<vmem>> -> memref<80xi32, #tpu.memory_space<vmem>>
        %dma_start3A_458 = arith.constant 0 : i32
        %dma_start3A_459 = arith.constant 0 : i32
        %dma_start3A_460 = tpu.memref_slice %arg18[%dma_start3A_458, %dma_start3A_459] : memref<10000x128xf32, #tpu.memory_space<vmem_shared>> -> memref<10000x128xf32, #tpu.memory_space<vmem_shared>>
        tpu.enqueue_indirect_dma source(%arg15 : memref<80x128xf32, #tpu.memory_space<vmem>>) target(%dma_start3A_460 : memref<10000x128xf32, #tpu.memory_space<vmem_shared>>) offsets(%dma_start3A_457 : memref<80xi32, #tpu.memory_space<vmem>>) semaphore(%run_scoped3A_454 : memref<!tpu.dma_semaphore, #tpu.memory_space<semaphore_mem>>) {add = true}
        %dma_wait3A_461 = arith.constant 0 : i32
        %dma_wait3A_462 = tpu.memref_slice %arg11[%run_scoped3A_384, %dma_wait3A_461] : memref<2x80xi32, #tpu.memory_space<vmem>> -> memref<1x80xi32, #tpu.memory_space<vmem>>
        %dma_wait3A_463 = tpu.memref_squeeze %dma_wait3A_462 : memref<1x80xi32, #tpu.memory_space<vmem>> -> memref<80xi32, #tpu.memory_space<vmem>>
        %dma_wait3A_464 = arith.constant 0 : i32
        %dma_wait3A_465 = arith.constant 0 : i32
        %dma_wait3A_466 = tpu.memref_slice %arg18[%dma_wait3A_464, %dma_wait3A_465] : memref<10000x128xf32, #tpu.memory_space<vmem_shared>> -> memref<10000x128xf32, #tpu.memory_space<vmem_shared>>
        tpu.wait_indirect_dma semaphore(%run_scoped3A_454 : memref<!tpu.dma_semaphore, #tpu.memory_space<semaphore_mem>>) src(%arg15 : memref<80x128xf32, #tpu.memory_space<vmem>>) dst(%dma_wait3A_466 : memref<10000x128xf32, #tpu.memory_space<vmem_shared>>)
        tpu.yield
      }) : () -> ()
      %run_scoped3A_385 = arith.constant 1 : i32
      "tpu.region"() ({
        %run_scoped3A_454 = tpu.sem_alloc : memref<!tpu.dma_semaphore, #tpu.memory_space<semaphore_mem>>
        %dma_start3A_455 = arith.constant 0 : i32
        %dma_start3A_456 = tpu.memref_slice %arg11[%run_scoped3A_385, %dma_start3A_455] : memref<2x80xi32, #tpu.memory_space<vmem>> -> memref<1x80xi32, #tpu.memory_space<vmem>>
        %dma_start3A_457 = tpu.memref_squeeze %dma_start3A_456 : memref<1x80xi32, #tpu.memory_space<vmem>> -> memref<80xi32, #tpu.memory_space<vmem>>
        %dma_start3A_458 = arith.constant 0 : i32
        %dma_start3A_459 = arith.constant 0 : i32
        %dma_start3A_460 = tpu.memref_slice %arg21[%dma_start3A_458, %dma_start3A_459] : memref<10000x16xbf16, #tpu.memory_space<vmem_shared>> -> memref<10000x16xbf16, #tpu.memory_space<vmem_shared>>
        tpu.enqueue_indirect_dma source(%arg19 : memref<80x16xbf16, #tpu.memory_space<vmem>>) target(%dma_start3A_460 : memref<10000x16xbf16, #tpu.memory_space<vmem_shared>>) offsets(%dma_start3A_457 : memref<80xi32, #tpu.memory_space<vmem>>) semaphore(%run_scoped3A_454 : memref<!tpu.dma_semaphore, #tpu.memory_space<semaphore_mem>>) {add = true}
        %dma_wait3A_461 = arith.constant 0 : i32
        %dma_wait3A_462 = tpu.memref_slice %arg11[%run_scoped3A_385, %dma_wait3A_461] : memref<2x80xi32, #tpu.memory_space<vmem>> -> memref<1x80xi32, #tpu.memory_space<vmem>>
        %dma_wait3A_463 = tpu.memref_squeeze %dma_wait3A_462 : memref<1x80xi32, #tpu.memory_space<vmem>> -> memref<80xi32, #tpu.memory_space<vmem>>
        %dma_wait3A_464 = arith.constant 0 : i32
        %dma_wait3A_465 = arith.constant 0 : i32
        %dma_wait3A_466 = tpu.memref_slice %arg21[%dma_wait3A_464, %dma_wait3A_465] : memref<10000x16xbf16, #tpu.memory_space<vmem_shared>> -> memref<10000x16xbf16, #tpu.memory_space<vmem_shared>>
        tpu.wait_indirect_dma semaphore(%run_scoped3A_454 : memref<!tpu.dma_semaphore, #tpu.memory_space<semaphore_mem>>) src(%arg19 : memref<80x16xbf16, #tpu.memory_space<vmem>>) dst(%dma_wait3A_466 : memref<10000x16xbf16, #tpu.memory_space<vmem_shared>>)
        tpu.yield
      }) : () -> ()
      %add3A_386 = arith.constant 8 : i32
      %add3A_387 = arith.addi %add3A_376, %add3A_386 : i32
      %lt3A_388 = arith.constant 125 : i32
      %lt3A_389 = arith.cmpi slt, %add3A_387, %lt3A_388 : i32
      %convert_element_type3A_390 = arith.extui %lt3A_389 : i1 to i32
      %cond3A_391 = arith.constant 0 : i32
      %cond3A_392 = arith.cmpi ne, %convert_element_type3A_390, %cond3A_391 : i32
      scf.if %cond3A_392 {
        %add3A_454 = arith.constant 8 : i32
        %add3A_455 = arith.addi %add3A_376, %add3A_454 : i32
        %add3A_456 = arith.addi %mul3A_2, %add3A_455 : i32
        %dma_start3A_457 = arith.constant 0 : i32
        %dma_start3A_458 = arith.constant 0 : i32
        %dma_start3A_459 = tpu.memref_slice %arg3[%add3A_456, %dma_start3A_457, %dma_start3A_458] : memref<4000x2x80xi32, #tpu.memory_space<hbm>> -> memref<1x2x80xi32, #tpu.memory_space<hbm>>
        %dma_start3A_460 = tpu.memref_squeeze %dma_start3A_459 : memref<1x2x80xi32, #tpu.memory_space<hbm>> -> memref<2x80xi32, #tpu.memory_space<hbm>>
        %dma_start3A_461 = arith.constant 0 : i32
        %dma_start3A_462 = arith.constant 0 : i32
        %dma_start3A_463 = tpu.memref_slice %arg3[%add3A_456, %dma_start3A_461, %dma_start3A_462] : memref<4000x2x80xi32, #tpu.memory_space<hbm>> -> memref<1x2x80xi32, #tpu.memory_space<hbm>>
        %dma_start3A_464 = tpu.memref_squeeze %dma_start3A_463 : memref<1x2x80xi32, #tpu.memory_space<hbm>> -> memref<2x80xi32, #tpu.memory_space<hbm>>
        tpu.enqueue_dma source(%dma_start3A_464 : memref<2x80xi32, #tpu.memory_space<hbm>>) target(%arg11 : memref<2x80xi32, #tpu.memory_space<vmem>>) target_semaphore(%arg27 : memref<!tpu.dma_semaphore, #tpu.memory_space<semaphore_mem>>)
      } else {
      }
      %add3A_393 = arith.constant 4 : i32
      %add3A_394 = arith.addi %add3A_376, %add3A_393 : i32
      %lt3A_395 = arith.constant 125 : i32
      %lt3A_396 = arith.cmpi slt, %add3A_394, %lt3A_395 : i32
      %convert_element_type3A_397 = arith.extui %lt3A_396 : i1 to i32
      %cond3A_398 = arith.constant 0 : i32
      %cond3A_399 = arith.cmpi ne, %convert_element_type3A_397, %cond3A_398 : i32
      scf.if %cond3A_399 {
        %add3A_454 = arith.constant 4 : i32
        %add3A_455 = arith.addi %add3A_376, %add3A_454 : i32
        %add3A_456 = arith.addi %mul3A_2, %add3A_455 : i32
        %dma_wait3A_457 = arith.constant 0 : i32
        %dma_wait3A_458 = arith.constant 0 : i32
        %dma_wait3A_459 = tpu.memref_slice %arg3[%add3A_456, %dma_wait3A_457, %dma_wait3A_458] : memref<4000x2x80xi32, #tpu.memory_space<hbm>> -> memref<1x2x80xi32, #tpu.memory_space<hbm>>
        %dma_wait3A_460 = tpu.memref_squeeze %dma_wait3A_459 : memref<1x2x80xi32, #tpu.memory_space<hbm>> -> memref<2x80xi32, #tpu.memory_space<hbm>>
        %dma_wait3A_461 = arith.constant 0 : i32
        %dma_wait3A_462 = arith.constant 0 : i32
        %dma_wait3A_463 = tpu.memref_slice %arg3[%add3A_456, %dma_wait3A_461, %dma_wait3A_462] : memref<4000x2x80xi32, #tpu.memory_space<hbm>> -> memref<1x2x80xi32, #tpu.memory_space<hbm>>
        %dma_wait3A_464 = tpu.memref_squeeze %dma_wait3A_463 : memref<1x2x80xi32, #tpu.memory_space<hbm>> -> memref<2x80xi32, #tpu.memory_space<hbm>>
        tpu.wait_dma2 semaphore(%arg23 : memref<!tpu.dma_semaphore, #tpu.memory_space<semaphore_mem>>) src(%dma_wait3A_464 : memref<2x80xi32, #tpu.memory_space<hbm>>) dst(%arg7 : memref<2x80xi32, #tpu.memory_space<vmem>>)
        %dma_start3A_465 = arith.constant 0 : i32
        %dma_start3A_466 = arith.constant 0 : i32
        %dma_start3A_467 = tpu.memref_slice %arg7[%dma_start3A_465, %dma_start3A_466] : memref<2x80xi32, #tpu.memory_space<vmem>> -> memref<1x80xi32, #tpu.memory_space<vmem>>
        %dma_start3A_468 = tpu.memref_squeeze %dma_start3A_467 : memref<1x80xi32, #tpu.memory_space<vmem>> -> memref<80xi32, #tpu.memory_space<vmem>>
        %dma_start3A_469 = arith.constant 0 : i32
        %dma_start3A_470 = arith.constant 0 : i32
        %dma_start3A_471 = tpu.memref_slice %arg2[%dma_start3A_469, %dma_start3A_470] : memref<10000x128xf32, #tpu.memory_space<hbm>> -> memref<10000x128xf32, #tpu.memory_space<hbm>>
        tpu.enqueue_indirect_dma source(%dma_start3A_471 : memref<10000x128xf32, #tpu.memory_space<hbm>>) target(%arg15 : memref<80x128xf32, #tpu.memory_space<vmem>>) offsets(%dma_start3A_468 : memref<80xi32, #tpu.memory_space<vmem>>) semaphore(%arg31 : memref<!tpu.dma_semaphore, #tpu.memory_space<semaphore_mem>>)
      } else {
      }
      %mul3A_400 = arith.constant 8 : i32
      %mul3A_401 = arith.muli %scan3A_240, %mul3A_400 : i32
      %add3A_402 = arith.constant 6 : i32
      %add3A_403 = arith.addi %mul3A_401, %add3A_402 : i32
      %dma_wait3A_404 = arith.constant 0 : i32
      %dma_wait3A_405 = arith.constant 0 : i32
      %dma_wait3A_406 = tpu.memref_slice %arg12[%dma_wait3A_404, %dma_wait3A_405] : memref<2x80xi32, #tpu.memory_space<vmem>> -> memref<1x80xi32, #tpu.memory_space<vmem>>
      %dma_wait3A_407 = tpu.memref_squeeze %dma_wait3A_406 : memref<1x80xi32, #tpu.memory_space<vmem>> -> memref<80xi32, #tpu.memory_space<vmem>>
      %dma_wait3A_408 = arith.constant 0 : i32
      %dma_wait3A_409 = arith.constant 0 : i32
      %dma_wait3A_410 = tpu.memref_slice %arg2[%dma_wait3A_408, %dma_wait3A_409] : memref<10000x128xf32, #tpu.memory_space<hbm>> -> memref<10000x128xf32, #tpu.memory_space<hbm>>
      tpu.wait_indirect_dma semaphore(%arg32 : memref<!tpu.dma_semaphore, #tpu.memory_space<semaphore_mem>>) src(%dma_wait3A_410 : memref<10000x128xf32, #tpu.memory_space<hbm>>) dst(%arg16 : memref<80x128xf32, #tpu.memory_space<vmem>>)
      %run_scoped3A_411 = arith.constant 1 : i32
      "tpu.region"() ({
        %run_scoped3A_454 = tpu.sem_alloc : memref<!tpu.dma_semaphore, #tpu.memory_space<semaphore_mem>>
        %dma_start3A_455 = arith.constant 0 : i32
        %dma_start3A_456 = tpu.memref_slice %arg12[%run_scoped3A_411, %dma_start3A_455] : memref<2x80xi32, #tpu.memory_space<vmem>> -> memref<1x80xi32, #tpu.memory_space<vmem>>
        %dma_start3A_457 = tpu.memref_squeeze %dma_start3A_456 : memref<1x80xi32, #tpu.memory_space<vmem>> -> memref<80xi32, #tpu.memory_space<vmem>>
        %dma_start3A_458 = arith.constant 0 : i32
        %dma_start3A_459 = arith.constant 0 : i32
        %dma_start3A_460 = tpu.memref_slice %arg18[%dma_start3A_458, %dma_start3A_459] : memref<10000x128xf32, #tpu.memory_space<vmem_shared>> -> memref<10000x128xf32, #tpu.memory_space<vmem_shared>>
        tpu.enqueue_indirect_dma source(%arg16 : memref<80x128xf32, #tpu.memory_space<vmem>>) target(%dma_start3A_460 : memref<10000x128xf32, #tpu.memory_space<vmem_shared>>) offsets(%dma_start3A_457 : memref<80xi32, #tpu.memory_space<vmem>>) semaphore(%run_scoped3A_454 : memref<!tpu.dma_semaphore, #tpu.memory_space<semaphore_mem>>) {add = true}
        %dma_wait3A_461 = arith.constant 0 : i32
        %dma_wait3A_462 = tpu.memref_slice %arg12[%run_scoped3A_411, %dma_wait3A_461] : memref<2x80xi32, #tpu.memory_space<vmem>> -> memref<1x80xi32, #tpu.memory_space<vmem>>
        %dma_wait3A_463 = tpu.memref_squeeze %dma_wait3A_462 : memref<1x80xi32, #tpu.memory_space<vmem>> -> memref<80xi32, #tpu.memory_space<vmem>>
        %dma_wait3A_464 = arith.constant 0 : i32
        %dma_wait3A_465 = arith.constant 0 : i32
        %dma_wait3A_466 = tpu.memref_slice %arg18[%dma_wait3A_464, %dma_wait3A_465] : memref<10000x128xf32, #tpu.memory_space<vmem_shared>> -> memref<10000x128xf32, #tpu.memory_space<vmem_shared>>
        tpu.wait_indirect_dma semaphore(%run_scoped3A_454 : memref<!tpu.dma_semaphore, #tpu.memory_space<semaphore_mem>>) src(%arg16 : memref<80x128xf32, #tpu.memory_space<vmem>>) dst(%dma_wait3A_466 : memref<10000x128xf32, #tpu.memory_space<vmem_shared>>)
        tpu.yield
      }) : () -> ()
      %run_scoped3A_412 = arith.constant 1 : i32
      "tpu.region"() ({
        %run_scoped3A_454 = tpu.sem_alloc : memref<!tpu.dma_semaphore, #tpu.memory_space<semaphore_mem>>
        %dma_start3A_455 = arith.constant 0 : i32
        %dma_start3A_456 = tpu.memref_slice %arg12[%run_scoped3A_412, %dma_start3A_455] : memref<2x80xi32, #tpu.memory_space<vmem>> -> memref<1x80xi32, #tpu.memory_space<vmem>>
        %dma_start3A_457 = tpu.memref_squeeze %dma_start3A_456 : memref<1x80xi32, #tpu.memory_space<vmem>> -> memref<80xi32, #tpu.memory_space<vmem>>
        %dma_start3A_458 = arith.constant 0 : i32
        %dma_start3A_459 = arith.constant 0 : i32
        %dma_start3A_460 = tpu.memref_slice %arg21[%dma_start3A_458, %dma_start3A_459] : memref<10000x16xbf16, #tpu.memory_space<vmem_shared>> -> memref<10000x16xbf16, #tpu.memory_space<vmem_shared>>
        tpu.enqueue_indirect_dma source(%arg19 : memref<80x16xbf16, #tpu.memory_space<vmem>>) target(%dma_start3A_460 : memref<10000x16xbf16, #tpu.memory_space<vmem_shared>>) offsets(%dma_start3A_457 : memref<80xi32, #tpu.memory_space<vmem>>) semaphore(%run_scoped3A_454 : memref<!tpu.dma_semaphore, #tpu.memory_space<semaphore_mem>>) {add = true}
        %dma_wait3A_461 = arith.constant 0 : i32
        %dma_wait3A_462 = tpu.memref_slice %arg12[%run_scoped3A_412, %dma_wait3A_461] : memref<2x80xi32, #tpu.memory_space<vmem>> -> memref<1x80xi32, #tpu.memory_space<vmem>>
        %dma_wait3A_463 = tpu.memref_squeeze %dma_wait3A_462 : memref<1x80xi32, #tpu.memory_space<vmem>> -> memref<80xi32, #tpu.memory_space<vmem>>
        %dma_wait3A_464 = arith.constant 0 : i32
        %dma_wait3A_465 = arith.constant 0 : i32
        %dma_wait3A_466 = tpu.memref_slice %arg21[%dma_wait3A_464, %dma_wait3A_465] : memref<10000x16xbf16, #tpu.memory_space<vmem_shared>> -> memref<10000x16xbf16, #tpu.memory_space<vmem_shared>>
        tpu.wait_indirect_dma semaphore(%run_scoped3A_454 : memref<!tpu.dma_semaphore, #tpu.memory_space<semaphore_mem>>) src(%arg19 : memref<80x16xbf16, #tpu.memory_space<vmem>>) dst(%dma_wait3A_466 : memref<10000x16xbf16, #tpu.memory_space<vmem_shared>>)
        tpu.yield
      }) : () -> ()
      %add3A_413 = arith.constant 8 : i32
      %add3A_414 = arith.addi %add3A_403, %add3A_413 : i32
      %lt3A_415 = arith.constant 125 : i32
      %lt3A_416 = arith.cmpi slt, %add3A_414, %lt3A_415 : i32
      %convert_element_type3A_417 = arith.extui %lt3A_416 : i1 to i32
      %cond3A_418 = arith.constant 0 : i32
      %cond3A_419 = arith.cmpi ne, %convert_element_type3A_417, %cond3A_418 : i32
      scf.if %cond3A_419 {
        %add3A_454 = arith.constant 8 : i32
        %add3A_455 = arith.addi %add3A_403, %add3A_454 : i32
        %add3A_456 = arith.addi %mul3A_2, %add3A_455 : i32
        %dma_start3A_457 = arith.constant 0 : i32
        %dma_start3A_458 = arith.constant 0 : i32
        %dma_start3A_459 = tpu.memref_slice %arg3[%add3A_456, %dma_start3A_457, %dma_start3A_458] : memref<4000x2x80xi32, #tpu.memory_space<hbm>> -> memref<1x2x80xi32, #tpu.memory_space<hbm>>
        %dma_start3A_460 = tpu.memref_squeeze %dma_start3A_459 : memref<1x2x80xi32, #tpu.memory_space<hbm>> -> memref<2x80xi32, #tpu.memory_space<hbm>>
        %dma_start3A_461 = arith.constant 0 : i32
        %dma_start3A_462 = arith.constant 0 : i32
        %dma_start3A_463 = tpu.memref_slice %arg3[%add3A_456, %dma_start3A_461, %dma_start3A_462] : memref<4000x2x80xi32, #tpu.memory_space<hbm>> -> memref<1x2x80xi32, #tpu.memory_space<hbm>>
        %dma_start3A_464 = tpu.memref_squeeze %dma_start3A_463 : memref<1x2x80xi32, #tpu.memory_space<hbm>> -> memref<2x80xi32, #tpu.memory_space<hbm>>
        tpu.enqueue_dma source(%dma_start3A_464 : memref<2x80xi32, #tpu.memory_space<hbm>>) target(%arg12 : memref<2x80xi32, #tpu.memory_space<vmem>>) target_semaphore(%arg28 : memref<!tpu.dma_semaphore, #tpu.memory_space<semaphore_mem>>)
      } else {
      }
      %add3A_420 = arith.constant 4 : i32
      %add3A_421 = arith.addi %add3A_403, %add3A_420 : i32
      %lt3A_422 = arith.constant 125 : i32
      %lt3A_423 = arith.cmpi slt, %add3A_421, %lt3A_422 : i32
      %convert_element_type3A_424 = arith.extui %lt3A_423 : i1 to i32
      %cond3A_425 = arith.constant 0 : i32
      %cond3A_426 = arith.cmpi ne, %convert_element_type3A_424, %cond3A_425 : i32
      scf.if %cond3A_426 {
        %add3A_454 = arith.constant 4 : i32
        %add3A_455 = arith.addi %add3A_403, %add3A_454 : i32
        %add3A_456 = arith.addi %mul3A_2, %add3A_455 : i32
        %dma_wait3A_457 = arith.constant 0 : i32
        %dma_wait3A_458 = arith.constant 0 : i32
        %dma_wait3A_459 = tpu.memref_slice %arg3[%add3A_456, %dma_wait3A_457, %dma_wait3A_458] : memref<4000x2x80xi32, #tpu.memory_space<hbm>> -> memref<1x2x80xi32, #tpu.memory_space<hbm>>
        %dma_wait3A_460 = tpu.memref_squeeze %dma_wait3A_459 : memref<1x2x80xi32, #tpu.memory_space<hbm>> -> memref<2x80xi32, #tpu.memory_space<hbm>>
        %dma_wait3A_461 = arith.constant 0 : i32
        %dma_wait3A_462 = arith.constant 0 : i32
        %dma_wait3A_463 = tpu.memref_slice %arg3[%add3A_456, %dma_wait3A_461, %dma_wait3A_462] : memref<4000x2x80xi32, #tpu.memory_space<hbm>> -> memref<1x2x80xi32, #tpu.memory_space<hbm>>
        %dma_wait3A_464 = tpu.memref_squeeze %dma_wait3A_463 : memref<1x2x80xi32, #tpu.memory_space<hbm>> -> memref<2x80xi32, #tpu.memory_space<hbm>>
        tpu.wait_dma2 semaphore(%arg24 : memref<!tpu.dma_semaphore, #tpu.memory_space<semaphore_mem>>) src(%dma_wait3A_464 : memref<2x80xi32, #tpu.memory_space<hbm>>) dst(%arg8 : memref<2x80xi32, #tpu.memory_space<vmem>>)
        %dma_start3A_465 = arith.constant 0 : i32
        %dma_start3A_466 = arith.constant 0 : i32
        %dma_start3A_467 = tpu.memref_slice %arg8[%dma_start3A_465, %dma_start3A_466] : memref<2x80xi32, #tpu.memory_space<vmem>> -> memref<1x80xi32, #tpu.memory_space<vmem>>
        %dma_start3A_468 = tpu.memref_squeeze %dma_start3A_467 : memref<1x80xi32, #tpu.memory_space<vmem>> -> memref<80xi32, #tpu.memory_space<vmem>>
        %dma_start3A_469 = arith.constant 0 : i32
        %dma_start3A_470 = arith.constant 0 : i32
        %dma_start3A_471 = tpu.memref_slice %arg2[%dma_start3A_469, %dma_start3A_470] : memref<10000x128xf32, #tpu.memory_space<hbm>> -> memref<10000x128xf32, #tpu.memory_space<hbm>>
        tpu.enqueue_indirect_dma source(%dma_start3A_471 : memref<10000x128xf32, #tpu.memory_space<hbm>>) target(%arg16 : memref<80x128xf32, #tpu.memory_space<vmem>>) offsets(%dma_start3A_468 : memref<80xi32, #tpu.memory_space<vmem>>) semaphore(%arg32 : memref<!tpu.dma_semaphore, #tpu.memory_space<semaphore_mem>>)
      } else {
      }
      %mul3A_427 = arith.constant 8 : i32
      %mul3A_428 = arith.muli %scan3A_240, %mul3A_427 : i32
      %add3A_429 = arith.constant 7 : i32
      %add3A_430 = arith.addi %mul3A_428, %add3A_429 : i32
      %dma_wait3A_431 = arith.constant 0 : i32
      %dma_wait3A_432 = arith.constant 0 : i32
      %dma_wait3A_433 = tpu.memref_slice %arg13[%dma_wait3A_431, %dma_wait3A_432] : memref<2x80xi32, #tpu.memory_space<vmem>> -> memref<1x80xi32, #tpu.memory_space<vmem>>
      %dma_wait3A_434 = tpu.memref_squeeze %dma_wait3A_433 : memref<1x80xi32, #tpu.memory_space<vmem>> -> memref<80xi32, #tpu.memory_space<vmem>>
      %dma_wait3A_435 = arith.constant 0 : i32
      %dma_wait3A_436 = arith.constant 0 : i32
      %dma_wait3A_437 = tpu.memref_slice %arg2[%dma_wait3A_435, %dma_wait3A_436] : memref<10000x128xf32, #tpu.memory_space<hbm>> -> memref<10000x128xf32, #tpu.memory_space<hbm>>
      tpu.wait_indirect_dma semaphore(%arg33 : memref<!tpu.dma_semaphore, #tpu.memory_space<semaphore_mem>>) src(%dma_wait3A_437 : memref<10000x128xf32, #tpu.memory_space<hbm>>) dst(%arg17 : memref<80x128xf32, #tpu.memory_space<vmem>>)
      %run_scoped3A_438 = arith.constant 1 : i32
      "tpu.region"() ({
        %run_scoped3A_454 = tpu.sem_alloc : memref<!tpu.dma_semaphore, #tpu.memory_space<semaphore_mem>>
        %dma_start3A_455 = arith.constant 0 : i32
        %dma_start3A_456 = tpu.memref_slice %arg13[%run_scoped3A_438, %dma_start3A_455] : memref<2x80xi32, #tpu.memory_space<vmem>> -> memref<1x80xi32, #tpu.memory_space<vmem>>
        %dma_start3A_457 = tpu.memref_squeeze %dma_start3A_456 : memref<1x80xi32, #tpu.memory_space<vmem>> -> memref<80xi32, #tpu.memory_space<vmem>>
        %dma_start3A_458 = arith.constant 0 : i32
        %dma_start3A_459 = arith.constant 0 : i32
        %dma_start3A_460 = tpu.memref_slice %arg18[%dma_start3A_458, %dma_start3A_459] : memref<10000x128xf32, #tpu.memory_space<vmem_shared>> -> memref<10000x128xf32, #tpu.memory_space<vmem_shared>>
        tpu.enqueue_indirect_dma source(%arg17 : memref<80x128xf32, #tpu.memory_space<vmem>>) target(%dma_start3A_460 : memref<10000x128xf32, #tpu.memory_space<vmem_shared>>) offsets(%dma_start3A_457 : memref<80xi32, #tpu.memory_space<vmem>>) semaphore(%run_scoped3A_454 : memref<!tpu.dma_semaphore, #tpu.memory_space<semaphore_mem>>) {add = true}
        %dma_wait3A_461 = arith.constant 0 : i32
        %dma_wait3A_462 = tpu.memref_slice %arg13[%run_scoped3A_438, %dma_wait3A_461] : memref<2x80xi32, #tpu.memory_space<vmem>> -> memref<1x80xi32, #tpu.memory_space<vmem>>
        %dma_wait3A_463 = tpu.memref_squeeze %dma_wait3A_462 : memref<1x80xi32, #tpu.memory_space<vmem>> -> memref<80xi32, #tpu.memory_space<vmem>>
        %dma_wait3A_464 = arith.constant 0 : i32
        %dma_wait3A_465 = arith.constant 0 : i32
        %dma_wait3A_466 = tpu.memref_slice %arg18[%dma_wait3A_464, %dma_wait3A_465] : memref<10000x128xf32, #tpu.memory_space<vmem_shared>> -> memref<10000x128xf32, #tpu.memory_space<vmem_shared>>
        tpu.wait_indirect_dma semaphore(%run_scoped3A_454 : memref<!tpu.dma_semaphore, #tpu.memory_space<semaphore_mem>>) src(%arg17 : memref<80x128xf32, #tpu.memory_space<vmem>>) dst(%dma_wait3A_466 : memref<10000x128xf32, #tpu.memory_space<vmem_shared>>)
        tpu.yield
      }) : () -> ()
      %run_scoped3A_439 = arith.constant 1 : i32
      "tpu.region"() ({
        %run_scoped3A_454 = tpu.sem_alloc : memref<!tpu.dma_semaphore, #tpu.memory_space<semaphore_mem>>
        %dma_start3A_455 = arith.constant 0 : i32
        %dma_start3A_456 = tpu.memref_slice %arg13[%run_scoped3A_439, %dma_start3A_455] : memref<2x80xi32, #tpu.memory_space<vmem>> -> memref<1x80xi32, #tpu.memory_space<vmem>>
        %dma_start3A_457 = tpu.memref_squeeze %dma_start3A_456 : memref<1x80xi32, #tpu.memory_space<vmem>> -> memref<80xi32, #tpu.memory_space<vmem>>
        %dma_start3A_458 = arith.constant 0 : i32
        %dma_start3A_459 = arith.constant 0 : i32
        %dma_start3A_460 = tpu.memref_slice %arg21[%dma_start3A_458, %dma_start3A_459] : memref<10000x16xbf16, #tpu.memory_space<vmem_shared>> -> memref<10000x16xbf16, #tpu.memory_space<vmem_shared>>
        tpu.enqueue_indirect_dma source(%arg19 : memref<80x16xbf16, #tpu.memory_space<vmem>>) target(%dma_start3A_460 : memref<10000x16xbf16, #tpu.memory_space<vmem_shared>>) offsets(%dma_start3A_457 : memref<80xi32, #tpu.memory_space<vmem>>) semaphore(%run_scoped3A_454 : memref<!tpu.dma_semaphore, #tpu.memory_space<semaphore_mem>>) {add = true}
        %dma_wait3A_461 = arith.constant 0 : i32
        %dma_wait3A_462 = tpu.memref_slice %arg13[%run_scoped3A_439, %dma_wait3A_461] : memref<2x80xi32, #tpu.memory_space<vmem>> -> memref<1x80xi32, #tpu.memory_space<vmem>>
        %dma_wait3A_463 = tpu.memref_squeeze %dma_wait3A_462 : memref<1x80xi32, #tpu.memory_space<vmem>> -> memref<80xi32, #tpu.memory_space<vmem>>
        %dma_wait3A_464 = arith.constant 0 : i32
        %dma_wait3A_465 = arith.constant 0 : i32
        %dma_wait3A_466 = tpu.memref_slice %arg21[%dma_wait3A_464, %dma_wait3A_465] : memref<10000x16xbf16, #tpu.memory_space<vmem_shared>> -> memref<10000x16xbf16, #tpu.memory_space<vmem_shared>>
        tpu.wait_indirect_dma semaphore(%run_scoped3A_454 : memref<!tpu.dma_semaphore, #tpu.memory_space<semaphore_mem>>) src(%arg19 : memref<80x16xbf16, #tpu.memory_space<vmem>>) dst(%dma_wait3A_466 : memref<10000x16xbf16, #tpu.memory_space<vmem_shared>>)
        tpu.yield
      }) : () -> ()
      %add3A_440 = arith.constant 8 : i32
      %add3A_441 = arith.addi %add3A_430, %add3A_440 : i32
      %lt3A_442 = arith.constant 125 : i32
      %lt3A_443 = arith.cmpi slt, %add3A_441, %lt3A_442 : i32
      %convert_element_type3A_444 = arith.extui %lt3A_443 : i1 to i32
      %cond3A_445 = arith.constant 0 : i32
      %cond3A_446 = arith.cmpi ne, %convert_element_type3A_444, %cond3A_445 : i32
      scf.if %cond3A_446 {
        %add3A_454 = arith.constant 8 : i32
        %add3A_455 = arith.addi %add3A_430, %add3A_454 : i32
        %add3A_456 = arith.addi %mul3A_2, %add3A_455 : i32
        %dma_start3A_457 = arith.constant 0 : i32
        %dma_start3A_458 = arith.constant 0 : i32
        %dma_start3A_459 = tpu.memref_slice %arg3[%add3A_456, %dma_start3A_457, %dma_start3A_458] : memref<4000x2x80xi32, #tpu.memory_space<hbm>> -> memref<1x2x80xi32, #tpu.memory_space<hbm>>
        %dma_start3A_460 = tpu.memref_squeeze %dma_start3A_459 : memref<1x2x80xi32, #tpu.memory_space<hbm>> -> memref<2x80xi32, #tpu.memory_space<hbm>>
        %dma_start3A_461 = arith.constant 0 : i32
        %dma_start3A_462 = arith.constant 0 : i32
        %dma_start3A_463 = tpu.memref_slice %arg3[%add3A_456, %dma_start3A_461, %dma_start3A_462] : memref<4000x2x80xi32, #tpu.memory_space<hbm>> -> memref<1x2x80xi32, #tpu.memory_space<hbm>>
        %dma_start3A_464 = tpu.memref_squeeze %dma_start3A_463 : memref<1x2x80xi32, #tpu.memory_space<hbm>> -> memref<2x80xi32, #tpu.memory_space<hbm>>
        tpu.enqueue_dma source(%dma_start3A_464 : memref<2x80xi32, #tpu.memory_space<hbm>>) target(%arg13 : memref<2x80xi32, #tpu.memory_space<vmem>>) target_semaphore(%arg29 : memref<!tpu.dma_semaphore, #tpu.memory_space<semaphore_mem>>)
      } else {
      }
      %add3A_447 = arith.constant 4 : i32
      %add3A_448 = arith.addi %add3A_430, %add3A_447 : i32
      %lt3A_449 = arith.constant 125 : i32
      %lt3A_450 = arith.cmpi slt, %add3A_448, %lt3A_449 : i32
      %convert_element_type3A_451 = arith.extui %lt3A_450 : i1 to i32
      %cond3A_452 = arith.constant 0 : i32
      %cond3A_453 = arith.cmpi ne, %convert_element_type3A_451, %cond3A_452 : i32
      scf.if %cond3A_453 {
        %add3A_454 = arith.constant 4 : i32
        %add3A_455 = arith.addi %add3A_430, %add3A_454 : i32
        %add3A_456 = arith.addi %mul3A_2, %add3A_455 : i32
        %dma_wait3A_457 = arith.constant 0 : i32
        %dma_wait3A_458 = arith.constant 0 : i32
        %dma_wait3A_459 = tpu.memref_slice %arg3[%add3A_456, %dma_wait3A_457, %dma_wait3A_458] : memref<4000x2x80xi32, #tpu.memory_space<hbm>> -> memref<1x2x80xi32, #tpu.memory_space<hbm>>
        %dma_wait3A_460 = tpu.memref_squeeze %dma_wait3A_459 : memref<1x2x80xi32, #tpu.memory_space<hbm>> -> memref<2x80xi32, #tpu.memory_space<hbm>>
        %dma_wait3A_461 = arith.constant 0 : i32
        %dma_wait3A_462 = arith.constant 0 : i32
        %dma_wait3A_463 = tpu.memref_slice %arg3[%add3A_456, %dma_wait3A_461, %dma_wait3A_462] : memref<4000x2x80xi32, #tpu.memory_space<hbm>> -> memref<1x2x80xi32, #tpu.memory_space<hbm>>
        %dma_wait3A_464 = tpu.memref_squeeze %dma_wait3A_463 : memref<1x2x80xi32, #tpu.memory_space<hbm>> -> memref<2x80xi32, #tpu.memory_space<hbm>>
        tpu.wait_dma2 semaphore(%arg25 : memref<!tpu.dma_semaphore, #tpu.memory_space<semaphore_mem>>) src(%dma_wait3A_464 : memref<2x80xi32, #tpu.memory_space<hbm>>) dst(%arg9 : memref<2x80xi32, #tpu.memory_space<vmem>>)
        %dma_start3A_465 = arith.constant 0 : i32
        %dma_start3A_466 = arith.constant 0 : i32
        %dma_start3A_467 = tpu.memref_slice %arg9[%dma_start3A_465, %dma_start3A_466] : memref<2x80xi32, #tpu.memory_space<vmem>> -> memref<1x80xi32, #tpu.memory_space<vmem>>
        %dma_start3A_468 = tpu.memref_squeeze %dma_start3A_467 : memref<1x80xi32, #tpu.memory_space<vmem>> -> memref<80xi32, #tpu.memory_space<vmem>>
        %dma_start3A_469 = arith.constant 0 : i32
        %dma_start3A_470 = arith.constant 0 : i32
        %dma_start3A_471 = tpu.memref_slice %arg2[%dma_start3A_469, %dma_start3A_470] : memref<10000x128xf32, #tpu.memory_space<hbm>> -> memref<10000x128xf32, #tpu.memory_space<hbm>>
        tpu.enqueue_indirect_dma source(%dma_start3A_471 : memref<10000x128xf32, #tpu.memory_space<hbm>>) target(%arg17 : memref<80x128xf32, #tpu.memory_space<vmem>>) offsets(%dma_start3A_468 : memref<80xi32, #tpu.memory_space<vmem>>) semaphore(%arg33 : memref<!tpu.dma_semaphore, #tpu.memory_space<semaphore_mem>>)
      } else {
      }
    }
    %scan3A_171 = arith.constant 15 : i32
    %dma_wait3A_172 = arith.constant 0 : i32
    %dma_wait3A_173 = arith.constant 0 : i32
    %dma_wait3A_174 = tpu.memref_slice %arg6[%dma_wait3A_172, %dma_wait3A_173] : memref<2x80xi32, #tpu.memory_space<vmem>> -> memref<1x80xi32, #tpu.memory_space<vmem>>
    %dma_wait3A_175 = tpu.memref_squeeze %dma_wait3A_174 : memref<1x80xi32, #tpu.memory_space<vmem>> -> memref<80xi32, #tpu.memory_space<vmem>>
    %dma_wait3A_176 = arith.constant 0 : i32
    %dma_wait3A_177 = arith.constant 0 : i32
    %dma_wait3A_178 = tpu.memref_slice %arg2[%dma_wait3A_176, %dma_wait3A_177] : memref<10000x128xf32, #tpu.memory_space<hbm>> -> memref<10000x128xf32, #tpu.memory_space<hbm>>
    tpu.wait_indirect_dma semaphore(%arg30 : memref<!tpu.dma_semaphore, #tpu.memory_space<semaphore_mem>>) src(%dma_wait3A_178 : memref<10000x128xf32, #tpu.memory_space<hbm>>) dst(%arg14 : memref<80x128xf32, #tpu.memory_space<vmem>>)
    %run_scoped3A = arith.constant 1 : i32
    "tpu.region"() ({
      %run_scoped3A_240 = tpu.sem_alloc : memref<!tpu.dma_semaphore, #tpu.memory_space<semaphore_mem>>
      %dma_start3A_241 = arith.constant 0 : i32
      %dma_start3A_242 = tpu.memref_slice %arg6[%run_scoped3A, %dma_start3A_241] : memref<2x80xi32, #tpu.memory_space<vmem>> -> memref<1x80xi32, #tpu.memory_space<vmem>>
      %dma_start3A_243 = tpu.memref_squeeze %dma_start3A_242 : memref<1x80xi32, #tpu.memory_space<vmem>> -> memref<80xi32, #tpu.memory_space<vmem>>
      %dma_start3A_244 = arith.constant 0 : i32
      %dma_start3A_245 = arith.constant 0 : i32
      %dma_start3A_246 = tpu.memref_slice %arg18[%dma_start3A_244, %dma_start3A_245] : memref<10000x128xf32, #tpu.memory_space<vmem_shared>> -> memref<10000x128xf32, #tpu.memory_space<vmem_shared>>
      tpu.enqueue_indirect_dma source(%arg14 : memref<80x128xf32, #tpu.memory_space<vmem>>) target(%dma_start3A_246 : memref<10000x128xf32, #tpu.memory_space<vmem_shared>>) offsets(%dma_start3A_243 : memref<80xi32, #tpu.memory_space<vmem>>) semaphore(%run_scoped3A_240 : memref<!tpu.dma_semaphore, #tpu.memory_space<semaphore_mem>>) {add = true}
      %dma_wait3A_247 = arith.constant 0 : i32
      %dma_wait3A_248 = tpu.memref_slice %arg6[%run_scoped3A, %dma_wait3A_247] : memref<2x80xi32, #tpu.memory_space<vmem>> -> memref<1x80xi32, #tpu.memory_space<vmem>>
      %dma_wait3A_249 = tpu.memref_squeeze %dma_wait3A_248 : memref<1x80xi32, #tpu.memory_space<vmem>> -> memref<80xi32, #tpu.memory_space<vmem>>
      %dma_wait3A_250 = arith.constant 0 : i32
      %dma_wait3A_251 = arith.constant 0 : i32
      %dma_wait3A_252 = tpu.memref_slice %arg18[%dma_wait3A_250, %dma_wait3A_251] : memref<10000x128xf32, #tpu.memory_space<vmem_shared>> -> memref<10000x128xf32, #tpu.memory_space<vmem_shared>>
      tpu.wait_indirect_dma semaphore(%run_scoped3A_240 : memref<!tpu.dma_semaphore, #tpu.memory_space<semaphore_mem>>) src(%arg14 : memref<80x128xf32, #tpu.memory_space<vmem>>) dst(%dma_wait3A_252 : memref<10000x128xf32, #tpu.memory_space<vmem_shared>>)
      tpu.yield
    }) : () -> ()
    %run_scoped3A_179 = arith.constant 1 : i32
    "tpu.region"() ({
      %run_scoped3A_240 = tpu.sem_alloc : memref<!tpu.dma_semaphore, #tpu.memory_space<semaphore_mem>>
      %dma_start3A_241 = arith.constant 0 : i32
      %dma_start3A_242 = tpu.memref_slice %arg6[%run_scoped3A_179, %dma_start3A_241] : memref<2x80xi32, #tpu.memory_space<vmem>> -> memref<1x80xi32, #tpu.memory_space<vmem>>
      %dma_start3A_243 = tpu.memref_squeeze %dma_start3A_242 : memref<1x80xi32, #tpu.memory_space<vmem>> -> memref<80xi32, #tpu.memory_space<vmem>>
      %dma_start3A_244 = arith.constant 0 : i32
      %dma_start3A_245 = arith.constant 0 : i32
      %dma_start3A_246 = tpu.memref_slice %arg21[%dma_start3A_244, %dma_start3A_245] : memref<10000x16xbf16, #tpu.memory_space<vmem_shared>> -> memref<10000x16xbf16, #tpu.memory_space<vmem_shared>>
      tpu.enqueue_indirect_dma source(%arg19 : memref<80x16xbf16, #tpu.memory_space<vmem>>) target(%dma_start3A_246 : memref<10000x16xbf16, #tpu.memory_space<vmem_shared>>) offsets(%dma_start3A_243 : memref<80xi32, #tpu.memory_space<vmem>>) semaphore(%run_scoped3A_240 : memref<!tpu.dma_semaphore, #tpu.memory_space<semaphore_mem>>) {add = true}
      %dma_wait3A_247 = arith.constant 0 : i32
      %dma_wait3A_248 = tpu.memref_slice %arg6[%run_scoped3A_179, %dma_wait3A_247] : memref<2x80xi32, #tpu.memory_space<vmem>> -> memref<1x80xi32, #tpu.memory_space<vmem>>
      %dma_wait3A_249 = tpu.memref_squeeze %dma_wait3A_248 : memref<1x80xi32, #tpu.memory_space<vmem>> -> memref<80xi32, #tpu.memory_space<vmem>>
      %dma_wait3A_250 = arith.constant 0 : i32
      %dma_wait3A_251 = arith.constant 0 : i32
      %dma_wait3A_252 = tpu.memref_slice %arg21[%dma_wait3A_250, %dma_wait3A_251] : memref<10000x16xbf16, #tpu.memory_space<vmem_shared>> -> memref<10000x16xbf16, #tpu.memory_space<vmem_shared>>
      tpu.wait_indirect_dma semaphore(%run_scoped3A_240 : memref<!tpu.dma_semaphore, #tpu.memory_space<semaphore_mem>>) src(%arg19 : memref<80x16xbf16, #tpu.memory_space<vmem>>) dst(%dma_wait3A_252 : memref<10000x16xbf16, #tpu.memory_space<vmem_shared>>)
      tpu.yield
    }) : () -> ()
    %add3A_180 = arith.constant 124 : i32
    %add3A_181 = arith.addi %mul3A_2, %add3A_180 : i32
    %dma_wait3A_182 = arith.constant 0 : i32
    %dma_wait3A_183 = arith.constant 0 : i32
    %dma_wait3A_184 = tpu.memref_slice %arg3[%add3A_181, %dma_wait3A_182, %dma_wait3A_183] : memref<4000x2x80xi32, #tpu.memory_space<hbm>> -> memref<1x2x80xi32, #tpu.memory_space<hbm>>
    %dma_wait3A_185 = tpu.memref_squeeze %dma_wait3A_184 : memref<1x2x80xi32, #tpu.memory_space<hbm>> -> memref<2x80xi32, #tpu.memory_space<hbm>>
    %dma_wait3A_186 = arith.constant 0 : i32
    %dma_wait3A_187 = arith.constant 0 : i32
    %dma_wait3A_188 = tpu.memref_slice %arg3[%add3A_181, %dma_wait3A_186, %dma_wait3A_187] : memref<4000x2x80xi32, #tpu.memory_space<hbm>> -> memref<1x2x80xi32, #tpu.memory_space<hbm>>
    %dma_wait3A_189 = tpu.memref_squeeze %dma_wait3A_188 : memref<1x2x80xi32, #tpu.memory_space<hbm>> -> memref<2x80xi32, #tpu.memory_space<hbm>>
    tpu.wait_dma2 semaphore(%arg26 : memref<!tpu.dma_semaphore, #tpu.memory_space<semaphore_mem>>) src(%dma_wait3A_189 : memref<2x80xi32, #tpu.memory_space<hbm>>) dst(%arg10 : memref<2x80xi32, #tpu.memory_space<vmem>>)
    %dma_start3A_190 = arith.constant 0 : i32
    %dma_start3A_191 = arith.constant 0 : i32
    %dma_start3A_192 = tpu.memref_slice %arg10[%dma_start3A_190, %dma_start3A_191] : memref<2x80xi32, #tpu.memory_space<vmem>> -> memref<1x80xi32, #tpu.memory_space<vmem>>
    %dma_start3A_193 = tpu.memref_squeeze %dma_start3A_192 : memref<1x80xi32, #tpu.memory_space<vmem>> -> memref<80xi32, #tpu.memory_space<vmem>>
    %dma_start3A_194 = arith.constant 0 : i32
    %dma_start3A_195 = arith.constant 0 : i32
    %dma_start3A_196 = tpu.memref_slice %arg2[%dma_start3A_194, %dma_start3A_195] : memref<10000x128xf32, #tpu.memory_space<hbm>> -> memref<10000x128xf32, #tpu.memory_space<hbm>>
    tpu.enqueue_indirect_dma source(%dma_start3A_196 : memref<10000x128xf32, #tpu.memory_space<hbm>>) target(%arg14 : memref<80x128xf32, #tpu.memory_space<vmem>>) offsets(%dma_start3A_193 : memref<80xi32, #tpu.memory_space<vmem>>) semaphore(%arg30 : memref<!tpu.dma_semaphore, #tpu.memory_space<semaphore_mem>>)
    %dma_wait3A_197 = arith.constant 0 : i32
    %dma_wait3A_198 = arith.constant 0 : i32
    %dma_wait3A_199 = tpu.memref_slice %arg7[%dma_wait3A_197, %dma_wait3A_198] : memref<2x80xi32, #tpu.memory_space<vmem>> -> memref<1x80xi32, #tpu.memory_space<vmem>>
    %dma_wait3A_200 = tpu.memref_squeeze %dma_wait3A_199 : memref<1x80xi32, #tpu.memory_space<vmem>> -> memref<80xi32, #tpu.memory_space<vmem>>
    %dma_wait3A_201 = arith.constant 0 : i32
    %dma_wait3A_202 = arith.constant 0 : i32
    %dma_wait3A_203 = tpu.memref_slice %arg2[%dma_wait3A_201, %dma_wait3A_202] : memref<10000x128xf32, #tpu.memory_space<hbm>> -> memref<10000x128xf32, #tpu.memory_space<hbm>>
    tpu.wait_indirect_dma semaphore(%arg31 : memref<!tpu.dma_semaphore, #tpu.memory_space<semaphore_mem>>) src(%dma_wait3A_203 : memref<10000x128xf32, #tpu.memory_space<hbm>>) dst(%arg15 : memref<80x128xf32, #tpu.memory_space<vmem>>)
    %run_scoped3A_204 = arith.constant 1 : i32
    "tpu.region"() ({
      %run_scoped3A_240 = tpu.sem_alloc : memref<!tpu.dma_semaphore, #tpu.memory_space<semaphore_mem>>
      %dma_start3A_241 = arith.constant 0 : i32
      %dma_start3A_242 = tpu.memref_slice %arg7[%run_scoped3A_204, %dma_start3A_241] : memref<2x80xi32, #tpu.memory_space<vmem>> -> memref<1x80xi32, #tpu.memory_space<vmem>>
      %dma_start3A_243 = tpu.memref_squeeze %dma_start3A_242 : memref<1x80xi32, #tpu.memory_space<vmem>> -> memref<80xi32, #tpu.memory_space<vmem>>
      %dma_start3A_244 = arith.constant 0 : i32
      %dma_start3A_245 = arith.constant 0 : i32
      %dma_start3A_246 = tpu.memref_slice %arg18[%dma_start3A_244, %dma_start3A_245] : memref<10000x128xf32, #tpu.memory_space<vmem_shared>> -> memref<10000x128xf32, #tpu.memory_space<vmem_shared>>
      tpu.enqueue_indirect_dma source(%arg15 : memref<80x128xf32, #tpu.memory_space<vmem>>) target(%dma_start3A_246 : memref<10000x128xf32, #tpu.memory_space<vmem_shared>>) offsets(%dma_start3A_243 : memref<80xi32, #tpu.memory_space<vmem>>) semaphore(%run_scoped3A_240 : memref<!tpu.dma_semaphore, #tpu.memory_space<semaphore_mem>>) {add = true}
      %dma_wait3A_247 = arith.constant 0 : i32
      %dma_wait3A_248 = tpu.memref_slice %arg7[%run_scoped3A_204, %dma_wait3A_247] : memref<2x80xi32, #tpu.memory_space<vmem>> -> memref<1x80xi32, #tpu.memory_space<vmem>>
      %dma_wait3A_249 = tpu.memref_squeeze %dma_wait3A_248 : memref<1x80xi32, #tpu.memory_space<vmem>> -> memref<80xi32, #tpu.memory_space<vmem>>
      %dma_wait3A_250 = arith.constant 0 : i32
      %dma_wait3A_251 = arith.constant 0 : i32
      %dma_wait3A_252 = tpu.memref_slice %arg18[%dma_wait3A_250, %dma_wait3A_251] : memref<10000x128xf32, #tpu.memory_space<vmem_shared>> -> memref<10000x128xf32, #tpu.memory_space<vmem_shared>>
      tpu.wait_indirect_dma semaphore(%run_scoped3A_240 : memref<!tpu.dma_semaphore, #tpu.memory_space<semaphore_mem>>) src(%arg15 : memref<80x128xf32, #tpu.memory_space<vmem>>) dst(%dma_wait3A_252 : memref<10000x128xf32, #tpu.memory_space<vmem_shared>>)
      tpu.yield
    }) : () -> ()
    %run_scoped3A_205 = arith.constant 1 : i32
    "tpu.region"() ({
      %run_scoped3A_240 = tpu.sem_alloc : memref<!tpu.dma_semaphore, #tpu.memory_space<semaphore_mem>>
      %dma_start3A_241 = arith.constant 0 : i32
      %dma_start3A_242 = tpu.memref_slice %arg7[%run_scoped3A_205, %dma_start3A_241] : memref<2x80xi32, #tpu.memory_space<vmem>> -> memref<1x80xi32, #tpu.memory_space<vmem>>
      %dma_start3A_243 = tpu.memref_squeeze %dma_start3A_242 : memref<1x80xi32, #tpu.memory_space<vmem>> -> memref<80xi32, #tpu.memory_space<vmem>>
      %dma_start3A_244 = arith.constant 0 : i32
      %dma_start3A_245 = arith.constant 0 : i32
      %dma_start3A_246 = tpu.memref_slice %arg21[%dma_start3A_244, %dma_start3A_245] : memref<10000x16xbf16, #tpu.memory_space<vmem_shared>> -> memref<10000x16xbf16, #tpu.memory_space<vmem_shared>>
      tpu.enqueue_indirect_dma source(%arg19 : memref<80x16xbf16, #tpu.memory_space<vmem>>) target(%dma_start3A_246 : memref<10000x16xbf16, #tpu.memory_space<vmem_shared>>) offsets(%dma_start3A_243 : memref<80xi32, #tpu.memory_space<vmem>>) semaphore(%run_scoped3A_240 : memref<!tpu.dma_semaphore, #tpu.memory_space<semaphore_mem>>) {add = true}
      %dma_wait3A_247 = arith.constant 0 : i32
      %dma_wait3A_248 = tpu.memref_slice %arg7[%run_scoped3A_205, %dma_wait3A_247] : memref<2x80xi32, #tpu.memory_space<vmem>> -> memref<1x80xi32, #tpu.memory_space<vmem>>
      %dma_wait3A_249 = tpu.memref_squeeze %dma_wait3A_248 : memref<1x80xi32, #tpu.memory_space<vmem>> -> memref<80xi32, #tpu.memory_space<vmem>>
      %dma_wait3A_250 = arith.constant 0 : i32
      %dma_wait3A_251 = arith.constant 0 : i32
      %dma_wait3A_252 = tpu.memref_slice %arg21[%dma_wait3A_250, %dma_wait3A_251] : memref<10000x16xbf16, #tpu.memory_space<vmem_shared>> -> memref<10000x16xbf16, #tpu.memory_space<vmem_shared>>
      tpu.wait_indirect_dma semaphore(%run_scoped3A_240 : memref<!tpu.dma_semaphore, #tpu.memory_space<semaphore_mem>>) src(%arg19 : memref<80x16xbf16, #tpu.memory_space<vmem>>) dst(%dma_wait3A_252 : memref<10000x16xbf16, #tpu.memory_space<vmem_shared>>)
      tpu.yield
    }) : () -> ()
    %dma_wait3A_206 = arith.constant 0 : i32
    %dma_wait3A_207 = arith.constant 0 : i32
    %dma_wait3A_208 = tpu.memref_slice %arg8[%dma_wait3A_206, %dma_wait3A_207] : memref<2x80xi32, #tpu.memory_space<vmem>> -> memref<1x80xi32, #tpu.memory_space<vmem>>
    %dma_wait3A_209 = tpu.memref_squeeze %dma_wait3A_208 : memref<1x80xi32, #tpu.memory_space<vmem>> -> memref<80xi32, #tpu.memory_space<vmem>>
    %dma_wait3A_210 = arith.constant 0 : i32
    %dma_wait3A_211 = arith.constant 0 : i32
    %dma_wait3A_212 = tpu.memref_slice %arg2[%dma_wait3A_210, %dma_wait3A_211] : memref<10000x128xf32, #tpu.memory_space<hbm>> -> memref<10000x128xf32, #tpu.memory_space<hbm>>
    tpu.wait_indirect_dma semaphore(%arg32 : memref<!tpu.dma_semaphore, #tpu.memory_space<semaphore_mem>>) src(%dma_wait3A_212 : memref<10000x128xf32, #tpu.memory_space<hbm>>) dst(%arg16 : memref<80x128xf32, #tpu.memory_space<vmem>>)
    %run_scoped3A_213 = arith.constant 1 : i32
    "tpu.region"() ({
      %run_scoped3A_240 = tpu.sem_alloc : memref<!tpu.dma_semaphore, #tpu.memory_space<semaphore_mem>>
      %dma_start3A_241 = arith.constant 0 : i32
      %dma_start3A_242 = tpu.memref_slice %arg8[%run_scoped3A_213, %dma_start3A_241] : memref<2x80xi32, #tpu.memory_space<vmem>> -> memref<1x80xi32, #tpu.memory_space<vmem>>
      %dma_start3A_243 = tpu.memref_squeeze %dma_start3A_242 : memref<1x80xi32, #tpu.memory_space<vmem>> -> memref<80xi32, #tpu.memory_space<vmem>>
      %dma_start3A_244 = arith.constant 0 : i32
      %dma_start3A_245 = arith.constant 0 : i32
      %dma_start3A_246 = tpu.memref_slice %arg18[%dma_start3A_244, %dma_start3A_245] : memref<10000x128xf32, #tpu.memory_space<vmem_shared>> -> memref<10000x128xf32, #tpu.memory_space<vmem_shared>>
      tpu.enqueue_indirect_dma source(%arg16 : memref<80x128xf32, #tpu.memory_space<vmem>>) target(%dma_start3A_246 : memref<10000x128xf32, #tpu.memory_space<vmem_shared>>) offsets(%dma_start3A_243 : memref<80xi32, #tpu.memory_space<vmem>>) semaphore(%run_scoped3A_240 : memref<!tpu.dma_semaphore, #tpu.memory_space<semaphore_mem>>) {add = true}
      %dma_wait3A_247 = arith.constant 0 : i32
      %dma_wait3A_248 = tpu.memref_slice %arg8[%run_scoped3A_213, %dma_wait3A_247] : memref<2x80xi32, #tpu.memory_space<vmem>> -> memref<1x80xi32, #tpu.memory_space<vmem>>
      %dma_wait3A_249 = tpu.memref_squeeze %dma_wait3A_248 : memref<1x80xi32, #tpu.memory_space<vmem>> -> memref<80xi32, #tpu.memory_space<vmem>>
      %dma_wait3A_250 = arith.constant 0 : i32
      %dma_wait3A_251 = arith.constant 0 : i32
      %dma_wait3A_252 = tpu.memref_slice %arg18[%dma_wait3A_250, %dma_wait3A_251] : memref<10000x128xf32, #tpu.memory_space<vmem_shared>> -> memref<10000x128xf32, #tpu.memory_space<vmem_shared>>
      tpu.wait_indirect_dma semaphore(%run_scoped3A_240 : memref<!tpu.dma_semaphore, #tpu.memory_space<semaphore_mem>>) src(%arg16 : memref<80x128xf32, #tpu.memory_space<vmem>>) dst(%dma_wait3A_252 : memref<10000x128xf32, #tpu.memory_space<vmem_shared>>)
      tpu.yield
    }) : () -> ()
    %run_scoped3A_214 = arith.constant 1 : i32
    "tpu.region"() ({
      %run_scoped3A_240 = tpu.sem_alloc : memref<!tpu.dma_semaphore, #tpu.memory_space<semaphore_mem>>
      %dma_start3A_241 = arith.constant 0 : i32
      %dma_start3A_242 = tpu.memref_slice %arg8[%run_scoped3A_214, %dma_start3A_241] : memref<2x80xi32, #tpu.memory_space<vmem>> -> memref<1x80xi32, #tpu.memory_space<vmem>>
      %dma_start3A_243 = tpu.memref_squeeze %dma_start3A_242 : memref<1x80xi32, #tpu.memory_space<vmem>> -> memref<80xi32, #tpu.memory_space<vmem>>
      %dma_start3A_244 = arith.constant 0 : i32
      %dma_start3A_245 = arith.constant 0 : i32
      %dma_start3A_246 = tpu.memref_slice %arg21[%dma_start3A_244, %dma_start3A_245] : memref<10000x16xbf16, #tpu.memory_space<vmem_shared>> -> memref<10000x16xbf16, #tpu.memory_space<vmem_shared>>
      tpu.enqueue_indirect_dma source(%arg19 : memref<80x16xbf16, #tpu.memory_space<vmem>>) target(%dma_start3A_246 : memref<10000x16xbf16, #tpu.memory_space<vmem_shared>>) offsets(%dma_start3A_243 : memref<80xi32, #tpu.memory_space<vmem>>) semaphore(%run_scoped3A_240 : memref<!tpu.dma_semaphore, #tpu.memory_space<semaphore_mem>>) {add = true}
      %dma_wait3A_247 = arith.constant 0 : i32
      %dma_wait3A_248 = tpu.memref_slice %arg8[%run_scoped3A_214, %dma_wait3A_247] : memref<2x80xi32, #tpu.memory_space<vmem>> -> memref<1x80xi32, #tpu.memory_space<vmem>>
      %dma_wait3A_249 = tpu.memref_squeeze %dma_wait3A_248 : memref<1x80xi32, #tpu.memory_space<vmem>> -> memref<80xi32, #tpu.memory_space<vmem>>
      %dma_wait3A_250 = arith.constant 0 : i32
      %dma_wait3A_251 = arith.constant 0 : i32
      %dma_wait3A_252 = tpu.memref_slice %arg21[%dma_wait3A_250, %dma_wait3A_251] : memref<10000x16xbf16, #tpu.memory_space<vmem_shared>> -> memref<10000x16xbf16, #tpu.memory_space<vmem_shared>>
      tpu.wait_indirect_dma semaphore(%run_scoped3A_240 : memref<!tpu.dma_semaphore, #tpu.memory_space<semaphore_mem>>) src(%arg19 : memref<80x16xbf16, #tpu.memory_space<vmem>>) dst(%dma_wait3A_252 : memref<10000x16xbf16, #tpu.memory_space<vmem_shared>>)
      tpu.yield
    }) : () -> ()
    %dma_wait3A_215 = arith.constant 0 : i32
    %dma_wait3A_216 = arith.constant 0 : i32
    %dma_wait3A_217 = tpu.memref_slice %arg9[%dma_wait3A_215, %dma_wait3A_216] : memref<2x80xi32, #tpu.memory_space<vmem>> -> memref<1x80xi32, #tpu.memory_space<vmem>>
    %dma_wait3A_218 = tpu.memref_squeeze %dma_wait3A_217 : memref<1x80xi32, #tpu.memory_space<vmem>> -> memref<80xi32, #tpu.memory_space<vmem>>
    %dma_wait3A_219 = arith.constant 0 : i32
    %dma_wait3A_220 = arith.constant 0 : i32
    %dma_wait3A_221 = tpu.memref_slice %arg2[%dma_wait3A_219, %dma_wait3A_220] : memref<10000x128xf32, #tpu.memory_space<hbm>> -> memref<10000x128xf32, #tpu.memory_space<hbm>>
    tpu.wait_indirect_dma semaphore(%arg33 : memref<!tpu.dma_semaphore, #tpu.memory_space<semaphore_mem>>) src(%dma_wait3A_221 : memref<10000x128xf32, #tpu.memory_space<hbm>>) dst(%arg17 : memref<80x128xf32, #tpu.memory_space<vmem>>)
    %run_scoped3A_222 = arith.constant 1 : i32
    "tpu.region"() ({
      %run_scoped3A_240 = tpu.sem_alloc : memref<!tpu.dma_semaphore, #tpu.memory_space<semaphore_mem>>
      %dma_start3A_241 = arith.constant 0 : i32
      %dma_start3A_242 = tpu.memref_slice %arg9[%run_scoped3A_222, %dma_start3A_241] : memref<2x80xi32, #tpu.memory_space<vmem>> -> memref<1x80xi32, #tpu.memory_space<vmem>>
      %dma_start3A_243 = tpu.memref_squeeze %dma_start3A_242 : memref<1x80xi32, #tpu.memory_space<vmem>> -> memref<80xi32, #tpu.memory_space<vmem>>
      %dma_start3A_244 = arith.constant 0 : i32
      %dma_start3A_245 = arith.constant 0 : i32
      %dma_start3A_246 = tpu.memref_slice %arg18[%dma_start3A_244, %dma_start3A_245] : memref<10000x128xf32, #tpu.memory_space<vmem_shared>> -> memref<10000x128xf32, #tpu.memory_space<vmem_shared>>
      tpu.enqueue_indirect_dma source(%arg17 : memref<80x128xf32, #tpu.memory_space<vmem>>) target(%dma_start3A_246 : memref<10000x128xf32, #tpu.memory_space<vmem_shared>>) offsets(%dma_start3A_243 : memref<80xi32, #tpu.memory_space<vmem>>) semaphore(%run_scoped3A_240 : memref<!tpu.dma_semaphore, #tpu.memory_space<semaphore_mem>>) {add = true}
      %dma_wait3A_247 = arith.constant 0 : i32
      %dma_wait3A_248 = tpu.memref_slice %arg9[%run_scoped3A_222, %dma_wait3A_247] : memref<2x80xi32, #tpu.memory_space<vmem>> -> memref<1x80xi32, #tpu.memory_space<vmem>>
      %dma_wait3A_249 = tpu.memref_squeeze %dma_wait3A_248 : memref<1x80xi32, #tpu.memory_space<vmem>> -> memref<80xi32, #tpu.memory_space<vmem>>
      %dma_wait3A_250 = arith.constant 0 : i32
      %dma_wait3A_251 = arith.constant 0 : i32
      %dma_wait3A_252 = tpu.memref_slice %arg18[%dma_wait3A_250, %dma_wait3A_251] : memref<10000x128xf32, #tpu.memory_space<vmem_shared>> -> memref<10000x128xf32, #tpu.memory_space<vmem_shared>>
      tpu.wait_indirect_dma semaphore(%run_scoped3A_240 : memref<!tpu.dma_semaphore, #tpu.memory_space<semaphore_mem>>) src(%arg17 : memref<80x128xf32, #tpu.memory_space<vmem>>) dst(%dma_wait3A_252 : memref<10000x128xf32, #tpu.memory_space<vmem_shared>>)
      tpu.yield
    }) : () -> ()
    %run_scoped3A_223 = arith.constant 1 : i32
    "tpu.region"() ({
      %run_scoped3A_240 = tpu.sem_alloc : memref<!tpu.dma_semaphore, #tpu.memory_space<semaphore_mem>>
      %dma_start3A_241 = arith.constant 0 : i32
      %dma_start3A_242 = tpu.memref_slice %arg9[%run_scoped3A_223, %dma_start3A_241] : memref<2x80xi32, #tpu.memory_space<vmem>> -> memref<1x80xi32, #tpu.memory_space<vmem>>
      %dma_start3A_243 = tpu.memref_squeeze %dma_start3A_242 : memref<1x80xi32, #tpu.memory_space<vmem>> -> memref<80xi32, #tpu.memory_space<vmem>>
      %dma_start3A_244 = arith.constant 0 : i32
      %dma_start3A_245 = arith.constant 0 : i32
      %dma_start3A_246 = tpu.memref_slice %arg21[%dma_start3A_244, %dma_start3A_245] : memref<10000x16xbf16, #tpu.memory_space<vmem_shared>> -> memref<10000x16xbf16, #tpu.memory_space<vmem_shared>>
      tpu.enqueue_indirect_dma source(%arg19 : memref<80x16xbf16, #tpu.memory_space<vmem>>) target(%dma_start3A_246 : memref<10000x16xbf16, #tpu.memory_space<vmem_shared>>) offsets(%dma_start3A_243 : memref<80xi32, #tpu.memory_space<vmem>>) semaphore(%run_scoped3A_240 : memref<!tpu.dma_semaphore, #tpu.memory_space<semaphore_mem>>) {add = true}
      %dma_wait3A_247 = arith.constant 0 : i32
      %dma_wait3A_248 = tpu.memref_slice %arg9[%run_scoped3A_223, %dma_wait3A_247] : memref<2x80xi32, #tpu.memory_space<vmem>> -> memref<1x80xi32, #tpu.memory_space<vmem>>
      %dma_wait3A_249 = tpu.memref_squeeze %dma_wait3A_248 : memref<1x80xi32, #tpu.memory_space<vmem>> -> memref<80xi32, #tpu.memory_space<vmem>>
      %dma_wait3A_250 = arith.constant 0 : i32
      %dma_wait3A_251 = arith.constant 0 : i32
      %dma_wait3A_252 = tpu.memref_slice %arg21[%dma_wait3A_250, %dma_wait3A_251] : memref<10000x16xbf16, #tpu.memory_space<vmem_shared>> -> memref<10000x16xbf16, #tpu.memory_space<vmem_shared>>
      tpu.wait_indirect_dma semaphore(%run_scoped3A_240 : memref<!tpu.dma_semaphore, #tpu.memory_space<semaphore_mem>>) src(%arg19 : memref<80x16xbf16, #tpu.memory_space<vmem>>) dst(%dma_wait3A_252 : memref<10000x16xbf16, #tpu.memory_space<vmem_shared>>)
      tpu.yield
    }) : () -> ()
    %dma_wait3A_224 = arith.constant 0 : i32
    %dma_wait3A_225 = arith.constant 0 : i32
    %dma_wait3A_226 = tpu.memref_slice %arg10[%dma_wait3A_224, %dma_wait3A_225] : memref<2x80xi32, #tpu.memory_space<vmem>> -> memref<1x80xi32, #tpu.memory_space<vmem>>
    %dma_wait3A_227 = tpu.memref_squeeze %dma_wait3A_226 : memref<1x80xi32, #tpu.memory_space<vmem>> -> memref<80xi32, #tpu.memory_space<vmem>>
    %dma_wait3A_228 = arith.constant 0 : i32
    %dma_wait3A_229 = arith.constant 0 : i32
    %dma_wait3A_230 = tpu.memref_slice %arg2[%dma_wait3A_228, %dma_wait3A_229] : memref<10000x128xf32, #tpu.memory_space<hbm>> -> memref<10000x128xf32, #tpu.memory_space<hbm>>
    tpu.wait_indirect_dma semaphore(%arg30 : memref<!tpu.dma_semaphore, #tpu.memory_space<semaphore_mem>>) src(%dma_wait3A_230 : memref<10000x128xf32, #tpu.memory_space<hbm>>) dst(%arg14 : memref<80x128xf32, #tpu.memory_space<vmem>>)
    %run_scoped3A_231 = arith.constant 1 : i32
    "tpu.region"() ({
      %run_scoped3A_240 = tpu.sem_alloc : memref<!tpu.dma_semaphore, #tpu.memory_space<semaphore_mem>>
      %dma_start3A_241 = arith.constant 0 : i32
      %dma_start3A_242 = tpu.memref_slice %arg10[%run_scoped3A_231, %dma_start3A_241] : memref<2x80xi32, #tpu.memory_space<vmem>> -> memref<1x80xi32, #tpu.memory_space<vmem>>
      %dma_start3A_243 = tpu.memref_squeeze %dma_start3A_242 : memref<1x80xi32, #tpu.memory_space<vmem>> -> memref<80xi32, #tpu.memory_space<vmem>>
      %dma_start3A_244 = arith.constant 0 : i32
      %dma_start3A_245 = arith.constant 0 : i32
      %dma_start3A_246 = tpu.memref_slice %arg18[%dma_start3A_244, %dma_start3A_245] : memref<10000x128xf32, #tpu.memory_space<vmem_shared>> -> memref<10000x128xf32, #tpu.memory_space<vmem_shared>>
      tpu.enqueue_indirect_dma source(%arg14 : memref<80x128xf32, #tpu.memory_space<vmem>>) target(%dma_start3A_246 : memref<10000x128xf32, #tpu.memory_space<vmem_shared>>) offsets(%dma_start3A_243 : memref<80xi32, #tpu.memory_space<vmem>>) semaphore(%run_scoped3A_240 : memref<!tpu.dma_semaphore, #tpu.memory_space<semaphore_mem>>) {add = true}
      %dma_wait3A_247 = arith.constant 0 : i32
      %dma_wait3A_248 = tpu.memref_slice %arg10[%run_scoped3A_231, %dma_wait3A_247] : memref<2x80xi32, #tpu.memory_space<vmem>> -> memref<1x80xi32, #tpu.memory_space<vmem>>
      %dma_wait3A_249 = tpu.memref_squeeze %dma_wait3A_248 : memref<1x80xi32, #tpu.memory_space<vmem>> -> memref<80xi32, #tpu.memory_space<vmem>>
      %dma_wait3A_250 = arith.constant 0 : i32
      %dma_wait3A_251 = arith.constant 0 : i32
      %dma_wait3A_252 = tpu.memref_slice %arg18[%dma_wait3A_250, %dma_wait3A_251] : memref<10000x128xf32, #tpu.memory_space<vmem_shared>> -> memref<10000x128xf32, #tpu.memory_space<vmem_shared>>
      tpu.wait_indirect_dma semaphore(%run_scoped3A_240 : memref<!tpu.dma_semaphore, #tpu.memory_space<semaphore_mem>>) src(%arg14 : memref<80x128xf32, #tpu.memory_space<vmem>>) dst(%dma_wait3A_252 : memref<10000x128xf32, #tpu.memory_space<vmem_shared>>)
      tpu.yield
    }) : () -> ()
    %run_scoped3A_232 = arith.constant 1 : i32
    "tpu.region"() ({
      %run_scoped3A_240 = tpu.sem_alloc : memref<!tpu.dma_semaphore, #tpu.memory_space<semaphore_mem>>
      %dma_start3A_241 = arith.constant 0 : i32
      %dma_start3A_242 = tpu.memref_slice %arg10[%run_scoped3A_232, %dma_start3A_241] : memref<2x80xi32, #tpu.memory_space<vmem>> -> memref<1x80xi32, #tpu.memory_space<vmem>>
      %dma_start3A_243 = tpu.memref_squeeze %dma_start3A_242 : memref<1x80xi32, #tpu.memory_space<vmem>> -> memref<80xi32, #tpu.memory_space<vmem>>
      %dma_start3A_244 = arith.constant 0 : i32
      %dma_start3A_245 = arith.constant 0 : i32
      %dma_start3A_246 = tpu.memref_slice %arg21[%dma_start3A_244, %dma_start3A_245] : memref<10000x16xbf16, #tpu.memory_space<vmem_shared>> -> memref<10000x16xbf16, #tpu.memory_space<vmem_shared>>
      tpu.enqueue_indirect_dma source(%arg19 : memref<80x16xbf16, #tpu.memory_space<vmem>>) target(%dma_start3A_246 : memref<10000x16xbf16, #tpu.memory_space<vmem_shared>>) offsets(%dma_start3A_243 : memref<80xi32, #tpu.memory_space<vmem>>) semaphore(%run_scoped3A_240 : memref<!tpu.dma_semaphore, #tpu.memory_space<semaphore_mem>>) {add = true}
      %dma_wait3A_247 = arith.constant 0 : i32
      %dma_wait3A_248 = tpu.memref_slice %arg10[%run_scoped3A_232, %dma_wait3A_247] : memref<2x80xi32, #tpu.memory_space<vmem>> -> memref<1x80xi32, #tpu.memory_space<vmem>>
      %dma_wait3A_249 = tpu.memref_squeeze %dma_wait3A_248 : memref<1x80xi32, #tpu.memory_space<vmem>> -> memref<80xi32, #tpu.memory_space<vmem>>
      %dma_wait3A_250 = arith.constant 0 : i32
      %dma_wait3A_251 = arith.constant 0 : i32
      %dma_wait3A_252 = tpu.memref_slice %arg21[%dma_wait3A_250, %dma_wait3A_251] : memref<10000x16xbf16, #tpu.memory_space<vmem_shared>> -> memref<10000x16xbf16, #tpu.memory_space<vmem_shared>>
      tpu.wait_indirect_dma semaphore(%run_scoped3A_240 : memref<!tpu.dma_semaphore, #tpu.memory_space<semaphore_mem>>) src(%arg19 : memref<80x16xbf16, #tpu.memory_space<vmem>>) dst(%dma_wait3A_252 : memref<10000x16xbf16, #tpu.memory_space<vmem_shared>>)
      tpu.yield
    }) : () -> ()
    %barrier3A_233 = arith.constant 0 : index
    tpu.barrier barrier_id(%barrier3A_233)
    %scan3A_234 = arith.constant 0 : i32
    %scan3A_235 = arith.constant 0 : i32
    %scan3A_236 = arith.constant 8 : i32
    %scan3A_237 = arith.addi %scan3A_235, %scan3A_236 : i32
    %scan3A_238 = arith.constant 1 : i32
    scf.for %scan3A_240 = %scan3A_235 to %scan3A_237 step %scan3A_238  : i32 {
      %mul3A_241 = arith.constant 16 : i32
      %mul3A_242 = arith.muli %scan3A_240, %mul3A_241 : i32
      %add3A_243 = arith.addi %arg1, %mul3A_242 : i32
      %lt3A = arith.constant 125 : i32
      %lt3A_244 = arith.cmpi slt, %add3A_243, %lt3A : i32
      %convert_element_type3A = arith.extui %lt3A_244 : i1 to i32
      %cond3A = arith.constant 0 : i32
      %cond3A_245 = arith.cmpi ne, %convert_element_type3A, %cond3A : i32
      scf.if %cond3A_245 {
        %mul3A_246 = arith.constant 80 : i32
        %mul3A_247 = arith.muli %add3A_243, %mul3A_246 : i32
        %mul3A_248 = arith.constant 80 : i32
        %mul3A_249 = arith.muli %add3A_243, %mul3A_248 : i32
        "tpu.region"() ({
          %run_scoped3A_254 = tpu.sem_alloc : memref<!tpu.dma_semaphore, #tpu.memory_space<semaphore_mem>>
          %dma_start3A_255 = arith.constant 0 : i32
          %dma_start3A_256 = tpu.memref_slice %arg4[%arg0, %mul3A_249, %dma_start3A_255] : memref<2x10000x128xf32, #tpu.memory_space<hbm>> -> memref<1x80x128xf32, #tpu.memory_space<hbm>>
          %dma_start3A_257 = tpu.memref_squeeze %dma_start3A_256 : memref<1x80x128xf32, #tpu.memory_space<hbm>> -> memref<80x128xf32, #tpu.memory_space<hbm>>
          %dma_start3A_258 = arith.constant 0 : i32
          %dma_start3A_259 = tpu.memref_slice %arg18[%mul3A_247, %dma_start3A_258] : memref<10000x128xf32, #tpu.memory_space<vmem_shared>> -> memref<80x128xf32, #tpu.memory_space<vmem_shared>>
          tpu.enqueue_dma source(%dma_start3A_259 : memref<80x128xf32, #tpu.memory_space<vmem_shared>>) target(%dma_start3A_257 : memref<80x128xf32, #tpu.memory_space<hbm>>) target_semaphore(%run_scoped3A_254 : memref<!tpu.dma_semaphore, #tpu.memory_space<semaphore_mem>>)
          %dma_wait3A_260 = arith.constant 0 : i32
          %dma_wait3A_261 = tpu.memref_slice %arg4[%arg0, %mul3A_249, %dma_wait3A_260] : memref<2x10000x128xf32, #tpu.memory_space<hbm>> -> memref<1x80x128xf32, #tpu.memory_space<hbm>>
          %dma_wait3A_262 = tpu.memref_squeeze %dma_wait3A_261 : memref<1x80x128xf32, #tpu.memory_space<hbm>> -> memref<80x128xf32, #tpu.memory_space<hbm>>
          %dma_wait3A_263 = arith.constant 0 : i32
          %dma_wait3A_264 = tpu.memref_slice %arg18[%mul3A_247, %dma_wait3A_263] : memref<10000x128xf32, #tpu.memory_space<vmem_shared>> -> memref<80x128xf32, #tpu.memory_space<vmem_shared>>
          tpu.wait_dma2 semaphore(%run_scoped3A_254 : memref<!tpu.dma_semaphore, #tpu.memory_space<semaphore_mem>>) src(%dma_wait3A_264 : memref<80x128xf32, #tpu.memory_space<vmem_shared>>) dst(%dma_wait3A_262 : memref<80x128xf32, #tpu.memory_space<hbm>>)
          tpu.yield
        }) : () -> ()
        %mul3A_250 = arith.constant 80 : i32
        %mul3A_251 = arith.muli %add3A_243, %mul3A_250 : i32
        %mul3A_252 = arith.constant 80 : i32
        %mul3A_253 = arith.muli %add3A_243, %mul3A_252 : i32
        "tpu.region"() ({
          %run_scoped3A_254 = tpu.sem_alloc : memref<!tpu.dma_semaphore, #tpu.memory_space<semaphore_mem>>
          %dma_start3A_255 = arith.constant 0 : i32
          %dma_start3A_256 = tpu.memref_slice %arg5[%arg0, %mul3A_253, %dma_start3A_255] : memref<2x10000x16xbf16, #tpu.memory_space<hbm>> -> memref<1x80x16xbf16, #tpu.memory_space<hbm>>
          %dma_start3A_257 = tpu.memref_squeeze %dma_start3A_256 : memref<1x80x16xbf16, #tpu.memory_space<hbm>> -> memref<80x16xbf16, #tpu.memory_space<hbm>>
          %dma_start3A_258 = arith.constant 0 : i32
          %dma_start3A_259 = tpu.memref_slice %arg21[%mul3A_251, %dma_start3A_258] : memref<10000x16xbf16, #tpu.memory_space<vmem_shared>> -> memref<80x16xbf16, #tpu.memory_space<vmem_shared>>
          tpu.enqueue_dma source(%dma_start3A_259 : memref<80x16xbf16, #tpu.memory_space<vmem_shared>>) target(%dma_start3A_257 : memref<80x16xbf16, #tpu.memory_space<hbm>>) target_semaphore(%run_scoped3A_254 : memref<!tpu.dma_semaphore, #tpu.memory_space<semaphore_mem>>)
          %dma_wait3A_260 = arith.constant 0 : i32
          %dma_wait3A_261 = tpu.memref_slice %arg5[%arg0, %mul3A_253, %dma_wait3A_260] : memref<2x10000x16xbf16, #tpu.memory_space<hbm>> -> memref<1x80x16xbf16, #tpu.memory_space<hbm>>
          %dma_wait3A_262 = tpu.memref_squeeze %dma_wait3A_261 : memref<1x80x16xbf16, #tpu.memory_space<hbm>> -> memref<80x16xbf16, #tpu.memory_space<hbm>>
          %dma_wait3A_263 = arith.constant 0 : i32
          %dma_wait3A_264 = tpu.memref_slice %arg21[%mul3A_251, %dma_wait3A_263] : memref<10000x16xbf16, #tpu.memory_space<vmem_shared>> -> memref<80x16xbf16, #tpu.memory_space<vmem_shared>>
          tpu.wait_dma2 semaphore(%run_scoped3A_254 : memref<!tpu.dma_semaphore, #tpu.memory_space<semaphore_mem>>) src(%dma_wait3A_264 : memref<80x16xbf16, #tpu.memory_space<vmem_shared>>) dst(%dma_wait3A_262 : memref<80x16xbf16, #tpu.memory_space<hbm>>)
          tpu.yield
        }) : () -> ()
      } else {
      }
    }
    %scan3A_239 = arith.constant 8 : i32
    return
  }
}

module attributes {stable_mosaic.version = 14 : i64} {
  func.func @body(%arg0: i32, %arg1: memref<2x5000x128xf32, #tpu.memory_space<vmem>>, %arg2: memref<2x5000x16xbf16, #tpu.memory_space<vmem>>, %arg3: memref<5000x128xf32, #tpu.memory_space<vmem>>, %arg4: memref<128x256xf32, #tpu.memory_space<vmem>>, %arg5: memref<1x256xf32, #tpu.memory_space<vmem>>, %arg6: memref<128x256xf32, #tpu.memory_space<vmem>>, %arg7: memref<256x128xf32, #tpu.memory_space<vmem>>, %arg8: memref<256x128xf32, #tpu.memory_space<vmem>>, %arg9: memref<1x128xf32, #tpu.memory_space<vmem>>, %arg10: memref<5000x128xf32, #tpu.memory_space<vmem>>, %arg11: memref<5000x128xf32, #tpu.memory_space<vmem>>, %arg12: memref<5000x1xf32, #tpu.memory_space<vmem>>) attributes {dimension_semantics = [#tpu.dimension_semantics<arbitrary>], iteration_bounds = array<i64: 2>, scalar_prefetch = 0 : i64, scratch_operands = 0 : i64, tpu.core_type = #tpu.core_type<tc>, window_params = [{transform_indices = @transform_0, window_bounds = array<i64: 2, 5000, 128>}, {transform_indices = @transform_1, window_bounds = array<i64: 2, 5000, 16>}, {transform_indices = @transform_2, window_bounds = array<i64: 5000, 128>}, {pipeline_mode = #tpu.pipeline_mode<synchronous>, transform_indices = @transform_3, window_bounds = array<i64: 128, 256>}, {pipeline_mode = #tpu.pipeline_mode<synchronous>, transform_indices = @transform_4, window_bounds = array<i64: 1, 256>}, {pipeline_mode = #tpu.pipeline_mode<synchronous>, transform_indices = @transform_5, window_bounds = array<i64: 128, 256>}, {pipeline_mode = #tpu.pipeline_mode<synchronous>, transform_indices = @transform_6, window_bounds = array<i64: 256, 128>}, {pipeline_mode = #tpu.pipeline_mode<synchronous>, transform_indices = @transform_7, window_bounds = array<i64: 256, 128>}, {pipeline_mode = #tpu.pipeline_mode<synchronous>, transform_indices = @transform_8, window_bounds = array<i64: 1, 128>}, {transform_indices = @transform_9, window_bounds = array<i64: 5000, 128>}, {transform_indices = @transform_10, window_bounds = array<i64: 5000, 128>}, {transform_indices = @transform_11, window_bounds = array<i64: 5000, 1>}]} {
    %get3A = arith.constant 0 : index
    %get3A_0 = arith.constant 0 : index
    %get3A_1 = arith.constant 0 : index
    %get3A_2 = vector.load %arg1[%get3A, %get3A_0, %get3A_1] : memref<2x5000x128xf32, #tpu.memory_space<vmem>>, vector<1x5000x128xf32>
    %get3A_3 = vector.shape_cast %get3A_2 : vector<1x5000x128xf32> to vector<5000x128xf32>
    %get3A_4 = arith.constant 1 : index
    %get3A_5 = arith.constant 0 : index
    %get3A_6 = arith.constant 0 : index
    %get3A_7 = vector.load %arg1[%get3A_4, %get3A_5, %get3A_6] : memref<2x5000x128xf32, #tpu.memory_space<vmem>>, vector<1x5000x128xf32>
    %get3A_8 = vector.shape_cast %get3A_7 : vector<1x5000x128xf32> to vector<5000x128xf32>
    %add3A = arith.addf %get3A_3, %get3A_8 : vector<5000x128xf32>
    %get3A_9 = arith.constant 0 : index
    %get3A_10 = arith.constant 0 : index
    %get3A_11 = arith.constant 0 : index
    %get3A_12 = vector.load %arg2[%get3A_9, %get3A_10, %get3A_11] : memref<2x5000x16xbf16, #tpu.memory_space<vmem>>, vector<1x5000x1xbf16>
    %get3A_13 = vector.shape_cast %get3A_12 : vector<1x5000x1xbf16> to vector<5000x1xbf16>
    %convert_element_type3A = arith.extf %get3A_13 : vector<5000x1xbf16> to vector<5000x1xf32>
    %get3A_14 = arith.constant 1 : index
    %get3A_15 = arith.constant 0 : index
    %get3A_16 = arith.constant 0 : index
    %get3A_17 = vector.load %arg2[%get3A_14, %get3A_15, %get3A_16] : memref<2x5000x16xbf16, #tpu.memory_space<vmem>>, vector<1x5000x1xbf16>
    %get3A_18 = vector.shape_cast %get3A_17 : vector<1x5000x1xbf16> to vector<5000x1xbf16>
    %convert_element_type3A_19 = arith.extf %get3A_18 : vector<5000x1xbf16> to vector<5000x1xf32>
    %add3A_20 = arith.addf %convert_element_type3A, %convert_element_type3A_19 : vector<5000x1xf32>
    %max3A = arith.constant 1.000000e+00 : f32
    %max3A_21 = vector.broadcast %max3A : f32 to vector<5000x1xf32>
    %max3A_22 = arith.maximumf %add3A_20, %max3A_21 : vector<5000x1xf32>
    %div3A = arith.constant 1.000000e+00 : f32
    %div3A_23 = vector.broadcast %div3A : f32 to vector<5000x1xf32>
    %div3A_24 = arith.divf %div3A_23, %max3A_22 : vector<5000x1xf32>
    %mul3A = vector.broadcast %div3A_24 : vector<5000x1xf32> to vector<5000x128xf32>
    %mul3A_25 = arith.mulf %add3A, %mul3A : vector<5000x128xf32>
    %get3A_26 = arith.constant 0 : index
    %get3A_27 = arith.constant 0 : index
    %get3A_28 = vector.load %arg4[%get3A_26, %get3A_27] : memref<128x256xf32, #tpu.memory_space<vmem>>, vector<128x256xf32>
    %dot_general3A = arith.constant dense<0.000000e+00> : vector<5000x256xf32>
    %dot_general3A_29 = tpu.matmul %mul3A_25, %get3A_28, %dot_general3A {dimension_numbers = #tpu.dot_dimension_numbers<[1], [0], [0], [1], [0, 0, 1, 1], [], []>, transpose_lhs_hint = false} : vector<5000x128xf32>, vector<128x256xf32>, vector<5000x256xf32> -> vector<5000x256xf32>
    %get3A_30 = arith.constant 0 : index
    %get3A_31 = arith.constant 0 : index
    %get3A_32 = vector.load %arg5[%get3A_30, %get3A_31] : memref<1x256xf32, #tpu.memory_space<vmem>>, vector<1x256xf32>
    %add3A_33 = vector.broadcast %get3A_32 : vector<1x256xf32> to vector<5000x256xf32>
    %add3A_34 = arith.addf %dot_general3A_29, %add3A_33 : vector<5000x256xf32>
    %get3A_35 = arith.constant 0 : index
    %get3A_36 = arith.constant 0 : index
    %get3A_37 = vector.load %arg3[%get3A_35, %get3A_36] : memref<5000x128xf32, #tpu.memory_space<vmem>>, vector<5000x128xf32>
    %get3A_38 = arith.constant 0 : index
    %get3A_39 = arith.constant 0 : index
    %get3A_40 = vector.load %arg6[%get3A_38, %get3A_39] : memref<128x256xf32, #tpu.memory_space<vmem>>, vector<128x256xf32>
    %dot_general3A_41 = arith.constant dense<0.000000e+00> : vector<5000x256xf32>
    %dot_general3A_42 = tpu.matmul %get3A_37, %get3A_40, %dot_general3A_41 {dimension_numbers = #tpu.dot_dimension_numbers<[1], [0], [0], [1], [0, 0, 1, 1], [], []>, transpose_lhs_hint = false} : vector<5000x128xf32>, vector<128x256xf32>, vector<5000x256xf32> -> vector<5000x256xf32>
    %add3A_43 = arith.addf %add3A_34, %dot_general3A_42 : vector<5000x256xf32>
    %max3A_44 = arith.constant 0.000000e+00 : f32
    %max3A_45 = vector.broadcast %max3A_44 : f32 to vector<5000x256xf32>
    %max3A_46 = arith.maximumf %add3A_43, %max3A_45 : vector<5000x256xf32>
    %get3A_47 = arith.constant 0 : index
    %get3A_48 = arith.constant 0 : index
    %get3A_49 = vector.load %arg7[%get3A_47, %get3A_48] : memref<256x128xf32, #tpu.memory_space<vmem>>, vector<256x128xf32>
    %dot_general3A_50 = arith.constant dense<0.000000e+00> : vector<5000x128xf32>
    %dot_general3A_51 = tpu.matmul %max3A_46, %get3A_49, %dot_general3A_50 {dimension_numbers = #tpu.dot_dimension_numbers<[1], [0], [0], [1], [0, 0, 1, 1], [], []>, transpose_lhs_hint = false} : vector<5000x256xf32>, vector<256x128xf32>, vector<5000x128xf32> -> vector<5000x128xf32>
    %swap3A = arith.constant 0 : index
    %swap3A_52 = arith.constant 0 : index
    %swap3A_53 = vector.load %arg10[%swap3A, %swap3A_52] : memref<5000x128xf32, #tpu.memory_space<vmem>>, vector<5000x128xf32>
    tpu.vector_store %arg10[%swap3A, %swap3A_52], %dot_general3A_51 {strides = array<i32>} : memref<5000x128xf32, #tpu.memory_space<vmem>>, vector<5000x128xf32>,
    %get3A_54 = arith.constant 0 : index
    %get3A_55 = arith.constant 0 : index
    %get3A_56 = vector.load %arg8[%get3A_54, %get3A_55] : memref<256x128xf32, #tpu.memory_space<vmem>>, vector<256x128xf32>
    %dot_general3A_57 = arith.constant dense<0.000000e+00> : vector<5000x128xf32>
    %dot_general3A_58 = tpu.matmul %max3A_46, %get3A_56, %dot_general3A_57 {dimension_numbers = #tpu.dot_dimension_numbers<[1], [0], [0], [1], [0, 0, 1, 1], [], []>, transpose_lhs_hint = false} : vector<5000x256xf32>, vector<256x128xf32>, vector<5000x128xf32> -> vector<5000x128xf32>
    %get3A_59 = arith.constant 0 : index
    %get3A_60 = arith.constant 0 : index
    %get3A_61 = vector.load %arg9[%get3A_59, %get3A_60] : memref<1x128xf32, #tpu.memory_space<vmem>>, vector<1x128xf32>
    %add3A_62 = vector.broadcast %get3A_61 : vector<1x128xf32> to vector<5000x128xf32>
    %add3A_63 = arith.addf %dot_general3A_58, %add3A_62 : vector<5000x128xf32>
    %swap3A_64 = arith.constant 0 : index
    %swap3A_65 = arith.constant 0 : index
    %swap3A_66 = vector.load %arg11[%swap3A_64, %swap3A_65] : memref<5000x128xf32, #tpu.memory_space<vmem>>, vector<5000x128xf32>
    tpu.vector_store %arg11[%swap3A_64, %swap3A_65], %add3A_63 {strides = array<i32>} : memref<5000x128xf32, #tpu.memory_space<vmem>>, vector<5000x128xf32>,
    %swap3A_67 = arith.constant 0 : index
    %swap3A_68 = arith.constant 0 : index
    %swap3A_69 = vector.load %arg12[%swap3A_67, %swap3A_68] : memref<5000x1xf32, #tpu.memory_space<vmem>>, vector<5000x1xf32>
    tpu.vector_store %arg12[%swap3A_67, %swap3A_68], %div3A_24 {strides = array<i32>} : memref<5000x1xf32, #tpu.memory_space<vmem>>, vector<5000x1xf32>,
    return
  }
  func.func @transform_0(%arg0: i32) -> (i32, i32, i32) {
    %c0_i32 = arith.constant 0 : i32
    %c0_i32_0 = arith.constant 0 : i32
    %c0_i32_1 = arith.constant 0 : i32
    return %c0_i32, %arg0, %c0_i32_0 : i32, i32, i32
  }
  func.func @transform_1(%arg0: i32) -> (i32, i32, i32) {
    %c0_i32 = arith.constant 0 : i32
    %c0_i32_0 = arith.constant 0 : i32
    %c0_i32_1 = arith.constant 0 : i32
    return %c0_i32, %arg0, %c0_i32_0 : i32, i32, i32
  }
  func.func @transform_2(%arg0: i32) -> (i32, i32) {
    %c0_i32 = arith.constant 0 : i32
    %c0_i32_0 = arith.constant 0 : i32
    return %arg0, %c0_i32 : i32, i32
  }
  func.func @transform_3(%arg0: i32) -> (i32, i32) {
    %c0_i32 = arith.constant 0 : i32
    %c0_i32_0 = arith.constant 0 : i32
    %c0_i32_1 = arith.constant 0 : i32
    return %c0_i32, %c0_i32_0 : i32, i32
  }
  func.func @transform_4(%arg0: i32) -> (i32, i32) {
    %c0_i32 = arith.constant 0 : i32
    %c0_i32_0 = arith.constant 0 : i32
    %c0_i32_1 = arith.constant 0 : i32
    return %c0_i32, %c0_i32_0 : i32, i32
  }
  func.func @transform_5(%arg0: i32) -> (i32, i32) {
    %c0_i32 = arith.constant 0 : i32
    %c0_i32_0 = arith.constant 0 : i32
    %c0_i32_1 = arith.constant 0 : i32
    return %c0_i32, %c0_i32_0 : i32, i32
  }
  func.func @transform_6(%arg0: i32) -> (i32, i32) {
    %c0_i32 = arith.constant 0 : i32
    %c0_i32_0 = arith.constant 0 : i32
    %c0_i32_1 = arith.constant 0 : i32
    return %c0_i32, %c0_i32_0 : i32, i32
  }
  func.func @transform_7(%arg0: i32) -> (i32, i32) {
    %c0_i32 = arith.constant 0 : i32
    %c0_i32_0 = arith.constant 0 : i32
    %c0_i32_1 = arith.constant 0 : i32
    return %c0_i32, %c0_i32_0 : i32, i32
  }
  func.func @transform_8(%arg0: i32) -> (i32, i32) {
    %c0_i32 = arith.constant 0 : i32
    %c0_i32_0 = arith.constant 0 : i32
    %c0_i32_1 = arith.constant 0 : i32
    return %c0_i32, %c0_i32_0 : i32, i32
  }
  func.func @transform_9(%arg0: i32) -> (i32, i32) {
    %c0_i32 = arith.constant 0 : i32
    %c0_i32_0 = arith.constant 0 : i32
    return %arg0, %c0_i32 : i32, i32
  }
  func.func @transform_10(%arg0: i32) -> (i32, i32) {
    %c0_i32 = arith.constant 0 : i32
    %c0_i32_0 = arith.constant 0 : i32
    return %arg0, %c0_i32 : i32, i32
  }
  func.func @transform_11(%arg0: i32) -> (i32, i32) {
    %c0_i32 = arith.constant 0 : i32
    %c0_i32_0 = arith.constant 0 : i32
    return %arg0, %c0_i32 : i32, i32
  }
}

module attributes {stable_mosaic.version = 14 : i64} {
  func.func @body(%arg0: i32, %arg1: memref<2x5000x128xf32, #tpu.memory_space<vmem>>, %arg2: memref<5000x1xf32, #tpu.memory_space<vmem>>, %arg3: memref<5000x128xf32, #tpu.memory_space<vmem>>, %arg4: memref<5000x128xf32, #tpu.memory_space<vmem>>) attributes {dimension_semantics = [#tpu.dimension_semantics<arbitrary>], iteration_bounds = array<i64: 2>, scalar_prefetch = 0 : i64, scratch_operands = 0 : i64, tpu.core_type = #tpu.core_type<tc>, window_params = [{transform_indices = @transform_0, window_bounds = array<i64: 2, 5000, 128>}, {transform_indices = @transform_1, window_bounds = array<i64: 5000, 1>}, {transform_indices = @transform_2, window_bounds = array<i64: 5000, 128>}, {transform_indices = @transform_3, window_bounds = array<i64: 5000, 128>}]} {
    %get3A = arith.constant 0 : index
    %get3A_0 = arith.constant 0 : index
    %get3A_1 = arith.constant 0 : index
    %get3A_2 = vector.load %arg1[%get3A, %get3A_0, %get3A_1] : memref<2x5000x128xf32, #tpu.memory_space<vmem>>, vector<1x5000x128xf32>
    %get3A_3 = vector.shape_cast %get3A_2 : vector<1x5000x128xf32> to vector<5000x128xf32>
    %get3A_4 = arith.constant 1 : index
    %get3A_5 = arith.constant 0 : index
    %get3A_6 = arith.constant 0 : index
    %get3A_7 = vector.load %arg1[%get3A_4, %get3A_5, %get3A_6] : memref<2x5000x128xf32, #tpu.memory_space<vmem>>, vector<1x5000x128xf32>
    %get3A_8 = vector.shape_cast %get3A_7 : vector<1x5000x128xf32> to vector<5000x128xf32>
    %add3A = arith.addf %get3A_3, %get3A_8 : vector<5000x128xf32>
    %get3A_9 = arith.constant 0 : index
    %get3A_10 = arith.constant 0 : index
    %get3A_11 = vector.load %arg2[%get3A_9, %get3A_10] : memref<5000x1xf32, #tpu.memory_space<vmem>>, vector<5000x1xf32>
    %mul3A = vector.broadcast %get3A_11 : vector<5000x1xf32> to vector<5000x128xf32>
    %mul3A_12 = arith.mulf %add3A, %mul3A : vector<5000x128xf32>
    %get3A_13 = arith.constant 0 : index
    %get3A_14 = arith.constant 0 : index
    %get3A_15 = vector.load %arg3[%get3A_13, %get3A_14] : memref<5000x128xf32, #tpu.memory_space<vmem>>, vector<5000x128xf32>
    %add3A_16 = arith.addf %mul3A_12, %get3A_15 : vector<5000x128xf32>
    %swap3A = arith.constant 0 : index
    %swap3A_17 = arith.constant 0 : index
    %swap3A_18 = vector.load %arg4[%swap3A, %swap3A_17] : memref<5000x128xf32, #tpu.memory_space<vmem>>, vector<5000x128xf32>
    tpu.vector_store %arg4[%swap3A, %swap3A_17], %add3A_16 {strides = array<i32>} : memref<5000x128xf32, #tpu.memory_space<vmem>>, vector<5000x128xf32>,
    return
  }
  func.func @transform_0(%arg0: i32) -> (i32, i32, i32) {
    %c0_i32 = arith.constant 0 : i32
    %c0_i32_0 = arith.constant 0 : i32
    %c0_i32_1 = arith.constant 0 : i32
    return %c0_i32, %arg0, %c0_i32_0 : i32, i32, i32
  }
  func.func @transform_1(%arg0: i32) -> (i32, i32) {
    %c0_i32 = arith.constant 0 : i32
    %c0_i32_0 = arith.constant 0 : i32
    return %arg0, %c0_i32 : i32, i32
  }
  func.func @transform_2(%arg0: i32) -> (i32, i32) {
    %c0_i32 = arith.constant 0 : i32
    %c0_i32_0 = arith.constant 0 : i32
    return %arg0, %c0_i32 : i32, i32
  }
  func.func @transform_3(%arg0: i32) -> (i32, i32) {
    %c0_i32 = arith.constant 0 : i32
    %c0_i32_0 = arith.constant 0 : i32
    return %arg0, %c0_i32 : i32, i32
  }
}

</mosaic_0001>

<sc_bundles>
// kernel: kernel.6.cloned.1.call-start
scs
__scs_entry_jumppad:
0x0: {  	(pc) =	sbr.rel $0x88, $3  }
0x1: {  	(tag) =	ssettag $0x0;
	lr =	simm.s32 $0x1  }
0x2: {  	[smem:$0x3F99] =	sst lr;
	_ =	strace $0xD0000000  }
0x3: {  	_ = 	snop  }
0x4: {  	_ = 	snop  }
0x5: {  	_ = 	snop  }
0x6: {  	_ = 	snop  }
0x7: {  	_ = 	snop  }
__scs_overlays_trampoline_lowered:
0x8: {  	[smem:$0x3FA8] =	sst s0  }
0x9: {  	[smem:$0x3FA9] =	sst s1  }
0xa: {  	[smem:$0x3FAA] =	sst s2  }
0xb: {  	[smem:$0x3FAB] =	sst s3  }
0xc: {  	[smem:$0x3FAC] =	sst s4  }
0xd: {  	[smem:$0x3FAD] =	sst s5  }
0xe: {  	[smem:$0x3FAE] =	sst s6  }
0xf: {  	[smem:$0x3FAF] =	sst s7  }
0x10: {  	[smem:$0x3FB0] =	sst s8  }
0x11: {  	[smem:$0x3FB1] =	sst s9;
	s0 =	simm.s32 @!p0 $0x0  }
0x12: {  	s1 =	sld [smem:$0x3F97];
	s0 =	simm.s32 @p0 $0x1  }
0x13: {  	[smem:$0x3FB2] =	sst s0;
	s0 =	simm.s32 @!p1 $0x0  }
0x14: {  	s2 =	sld [smem:$0x3F96];
	s0 =	simm.s32 @p1 $0x1  }
0x15: {  	[smem:$0x3FB3] =	sst s0;
	s0 =	simm.s32 @!p2 $0x0  }
0x16: {  	s3 =	sld [smem:$0x3FDB];
	s0 =	simm.s32 @p2 $0x1  }
0x17: {  	s4 =	simm.s32 $0x1BF5;
	[smem:$0x3FB5] =	sst s0  }
0x18: {  	s0 =	sld [smem:$0x3F98];
	_ =	swait.ge [sflag:s4], $0x0  }
0x19: {  	s7 =	sld [smem:$0x3F99]  }
0x1a: {  	s8 =	sadd.s32 $0xFFFFE003, lr  }
0x1b: {  	s9 =	sadd.s32 $0xFFFFFEF7, lr;
	s5 =	simm.s32 $0xFFFFFFFF;
	p2 =	slt.u32 s8, $0xFFFFF086  }
0x1c: {  	p1 =	slt.u32 s9, $0xF7A;
	s5 =	simm.s32 @!p2 $0x0  }
0x1d: {  	s5 =	simm.s32 @p1 $0x1;
	p0 =	seq.s32 s7, s2  }
0x1e: {  	s7 =	smul.u32 @!p0 $0xF7A, s2;
	p2 =	seq.s32 @!p0 s5, $0x0  }
0x1f: {  	s9 =	smul.u32 $0xF7A, s1;
	s8 =	simm.s32 @!p0 $0x1BF5;
	p2 =	por !p2, p0  }
0x20: {  	[sflag:s8] =	ssyncset.s32 @!p0 $0xFFFFF086;
	s6 =	sadd.s32 @!p0 s3, s7;
	s7 =	simm.s32 @!p0 $0x108  }
0x21: {  	s3 =	sadd.s32 s3, s9;
	s6 =	sadd.s32 @!p0 $0x88, s6;
	s7 =	simm.s32 @p2 $0x1082  }
0x22: {  	[simem:s7], [sflag:s8] =	dma.local @!p0 [hbm:s6], $0xF7A  }
0x23: {  	s9 =	sor.u32 $0xD0000000, s2;
	s6 =	simm.s32 $0x108;
	_ =	swait.ge @!p0 [sflag:s8], $0x0  }
0x24: {  	s3 =	sadd.s32 $0x88, s3;
	s6 =	simm.s32 @!p1 $0x1082;
	[sflag:s4] =	ssyncset.s32 $0xFFFFF086  }
0x25: {  	[simem:s6], [sflag:s4] =	dma.local [hbm:s3], $0xF7A  }
0x26: {  	[smem:$0x3F99] =	sst s1;
	(tag) =	ssettag s2;
	_ =	strace s9  }
0x27: {  	s1 =	sld [smem:$0x3FA9]  }
0x28: {  	s2 =	sld [smem:$0x3FAA]  }
0x29: {  	s4 =	sld [smem:$0x3FAC]  }
0x2a: {  	p0 =	seq.s32 s5, $0x0;
	s5 =	sld [smem:$0x3FAD]  }
0x2b: {  	s6 =	sld [smem:$0x3FAE]  }
0x2c: {  	s7 =	sld [smem:$0x3FAF]  }
0x2d: {  	s3 =	simm.s32 $0x108;
	s8 =	sld [smem:$0x3FB0]  }
0x2e: {  	s3 =	simm.s32 @!p0 $0x1082;
	s9 =	sld [smem:$0x3FB1]  }
0x2f: {  	lr =	sadd.s32 s0, s3;
	s0 =	sld [smem:$0x3FA8]  }
0x30: {  	s3 =	sld [smem:$0x3FAB]  }
0x31: {  	[smem:$0x3FB4] =	sst s10  }
0x32: {  	s10 =	sld [smem:$0x3FB2];
	_ =	sdelay $0x3  }
0x33: {  	p0 =	seq.s32 s10, $0x1;
	s10 =	sld [smem:$0x3FB4];
	_ =	sdelay $0x3  }
0x34: {  	[smem:$0x3FB4] =	sst s10  }
0x35: {  	s10 =	sld [smem:$0x3FB3];
	_ =	sdelay $0x3  }
0x36: {  	p1 =	seq.s32 s10, $0x1;
	s10 =	sld [smem:$0x3FB4];
	_ =	sdelay $0x3  }
0x37: {  	[smem:$0x3FB4] =	sst s10  }
0x38: {  	s10 =	sld [smem:$0x3FB5]  }
0x39: {  	_ = 	snop;
	(pc) =	sbr.ind lr, $3  }
0x3a: {  	_ = 	snop  }
0x3b: {  	_ = 	snop  }
0x3c: {  	p2 =	seq.s32 s10, $0x1;
	s10 =	sld [smem:$0x3FB4]  }
0x3d: {  	_ =	shalt  }
0x3e: {  	_ =	shalt  }
0x3f: {  	_ =	shalt  }
0x40: {  	_ =	shalt  }
0x41: {  	_ =	shalt  }
0x42: {  	_ =	shalt  }
0x43: {  	_ =	shalt  }
0x44: {  	_ =	shalt  }
0x45: {  	_ =	shalt  }
0x46: {  	_ =	shalt  }
0x47: {  	_ =	shalt  }
0x48: {  	_ =	shalt  }
0x49: {  	_ =	shalt  }
0x4a: {  	_ =	shalt  }
0x4b: {  	_ =	shalt  }
0x4c: {  	_ =	shalt  }
0x4d: {  	_ =	shalt  }
0x4e: {  	_ =	shalt  }
0x4f: {  	_ =	shalt  }
0x50: {  	_ =	shalt  }
0x51: {  	_ =	shalt  }
0x52: {  	_ =	shalt  }
0x53: {  	_ =	shalt  }
0x54: {  	_ =	shalt  }
0x55: {  	_ =	shalt  }
0x56: {  	_ =	shalt  }
0x57: {  	_ =	shalt  }
0x58: {  	_ =	shalt  }
0x59: {  	_ =	shalt  }
0x5a: {  	_ =	shalt  }
0x5b: {  	_ =	shalt  }
0x5c: {  	_ =	shalt  }
0x5d: {  	_ =	shalt  }
0x5e: {  	_ =	shalt  }
0x5f: {  	_ =	shalt  }
0x60: {  	_ =	shalt  }
0x61: {  	_ =	shalt  }
0x62: {  	_ =	shalt  }
0x63: {  	_ =	shalt  }
0x64: {  	_ =	shalt  }
0x65: {  	_ =	shalt  }
0x66: {  	_ =	shalt  }
0x67: {  	_ =	shalt  }
0x68: {  	_ =	shalt  }
0x69: {  	_ =	shalt  }
0x6a: {  	_ =	shalt  }
0x6b: {  	_ =	shalt  }
0x6c: {  	_ =	shalt  }
0x6d: {  	_ =	shalt  }
0x6e: {  	_ =	shalt  }
0x6f: {  	_ =	shalt  }
0x70: {  	_ =	shalt  }
0x71: {  	_ =	shalt  }
0x72: {  	_ =	shalt  }
0x73: {  	_ =	shalt  }
0x74: {  	_ =	shalt  }
0x75: {  	_ =	shalt  }
0x76: {  	_ =	shalt  }
0x77: {  	_ =	shalt  }
0x78: {  	_ =	shalt  }
0x79: {  	_ =	shalt  }
0x7a: {  	_ =	shalt  }
0x7b: {  	_ =	shalt  }
0x7c: {  	_ =	shalt  }
0x7d: {  	_ =	shalt  }
0x7e: {  	_ =	shalt  }
0x7f: {  	_ =	shalt  }
0x80: {  	_ =	shalt  }
0x81: {  	_ =	shalt  }
0x82: {  	_ =	shalt  }
0x83: {  	_ =	shalt  }
0x84: {  	_ =	shalt  }
0x85: {  	_ =	shalt  }
0x86: {  	_ =	shalt  }
0x87: {  	_ =	shalt  }
.Lfunc_end0:
.L_simem_size_0:
called_computation_lowered:
.L_overlay_start_0:
0x88: {  	s2 =	sld [smem:$0x3FD9]  }
0x89: {  	s3 =	sld [smem:$0x3FFE];
	_ =	sdelay $0x1  }
0x8a: {  	s1 =	srdreg.scid  }
0x8b: {  	s0 =	sand.u32 $0x1, s1  }
0x8c: {  	s17 =	sshll.u32 s0, $0xA;
	s2 =	sadd.s32 s3, s2  }
0x8d: {  	s2 =	sadd.s32 s2, s17  }
0x8e: {  	[smem:$0x3FC0] =	sst s2  }
0x8f: {  	_ = 	snop  }
0x90: {  	s2 =	sld [smem:$0x3FC9]  }
0x91: {  	s18 =	sld [smem:$0x3FD0];
	(tm) =	ssettm $0x1  }
0x92: {  	s4 =	sld [smem:$0x3FFB];
	_ =	sdelay $0x3  }
0x93: {  	_ =	strace s4  }
0x94: {  	s4 =	sld [smem:$0x3FFC];
	_ =	sdelay $0x3  }
0x95: {  	_ =	strace s4  }
0x96: {  	s4 =	sld [smem:$0x3FFD];
	_ =	sdelay $0x3  }
0x97: {  	_ =	strace s4  }
0x98: {  	_ =	strace $0x8FFFFFFF  }
0x99: {  	s19 =	sld [smem:$0x3FDB];
	_ =	sdelay $0x1  }
0x9a: {  	s5 =	simm.s32 $_scs_section_size  }
0x9b: {  	s6 =	simm.s32 $_size__tile_overlayer_lowered;
	s7 =	simm.s32 $_tile_overlayer_lowered  }
0x9c: {  	s22 =	simm.s32 $0x1BFF;
	s21 =	sshll.u32 s7, $0x1;
	s4 =	sadd.s32 s5, s19  }
0x9d: {  	s8 =	simm.s32 $0x0;
	s20 =	sshll.u32 s6, $0x1;
	s6 =	sadd.s32 s21, s4  }
0x9e: {  	[timem:s8], [sflag:s22] =	dma.local [hbm:s6], s20  }
0x9f: {  	_ =	swait.ge [sflag:s22], s20  }
0xa0: {  	s5 =	ssub.s32 $0x0, s20;
	[sflag:s22] =	ssyncset.done $0x0  }
0xa1: {  	[sflag:s22] =	ssyncadd.s32 s5;
	_ =	sdelay $0x1  }
0xa2: {  	s23 =	simm.s32 $0x1B8B  }
0xa3: {  	_ =	swait.ge [sflag:s23], $0x1  }
0xa4: {  	[sflag:s23] =	ssyncset.done $0x0  }
0xa5: {  	s25 =	simm.s32 $0x1B8E;
	s24 =	sld [smem:$0x3FFE];
	[sflag:s23] =	ssyncadd.s32 $0xFFFFFFFF  }
0xa6: {  	s26 =	simm.s32 $execute0_lowered;
	[smem:$0x3FD2] =	sst s25  }
0xa7: {  	s6 =	sshll.u32 s26, $0x1;
	_ =	strace $0x80000046;
	[dreg:$0x1] =	wrdreg $0xFFFFFFFF  }
0xa8: {  	s28 =	simm.s32 $_size_execute0_lowered;
	s4 =	sadd.s32 s4, s6;
	[dreg:$0x0] =	wrdreg $0x0  }
0xa9: {  	s6 =	sshll.u32 s28, $0x1;
	[dreg:$0x2] =	wrdreg s4  }
0xaa: {  	[dreg:$0x3] =	wrdreg s6  }
0xab: {  	[dreg:$0x4] =	wrdreg $0xC0  }
0xac: {  	_ =	task [dreg:s8], $0x5FFFF  }
0xad: {  	[dreg:$0x1] =	wrdreg $0xFFFFFFFF  }
0xae: {  	[dreg:$0x0] =	wrdreg $0x60  }
0xaf: {  	[dreg:$0x2] =	wrdreg s2  }
0xb0: {  	[dreg:$0x3] =	wrdreg s24  }
0xb1: {  	[dreg:$0x4] =	wrdreg s18  }
0xb2: {  	[dreg:$0x5] =	wrdreg $0xA5000  }
0xb3: {  	[dreg:$0x6] =	wrdreg $0x1E2800  }
0xb4: {  	[dreg:$0x7] =	wrdreg $0x9  }
0xb5: {  	_ =	task.clear_ibuf [dreg:s8], $0x8FFFF;
	_ =	strace $0x90000046  }
0xb6: {  	s29 =	simm.s32 $0x9;
	_ =	strace $0x80000048  }
0xb7: {  	_ =	swait.ge [sflag:s29], $0x1  }
0xb8: {  	[sflag:s29] =	ssyncadd.s32 $0xFFFFFFFF  }
0xb9: {  	_ =	strace $0x90000048  }
0xba: {  	_ =	sfence  }
0xbb: {  	s30 =	sld [smem:$0x0];
	_ =	sdelay $0x2  }
0xbc: {  	s31 =	sshll.u32 s1, $0xD;
	s1 =	sshrl.u32 s1, $0x2  }
0xbd: {  	s3 =	sand.u32 $0x4000, s31;
	s1 =	sadd.s32 s1, s30  }
0xbe: {  	s0 =	sor.u32 s3, s0;
	s1 =	sshll.u32 s1, $0x11  }
0xbf: {  	s0 =	sor.u32 s1, s0  }
0xc0: {  	s0 =	sadd.s32 $0x8F2B, s0  }
0xc1: {  	[sflag:s0] =	ssyncadd.remote.s32 $0x1  }
0xc2: {  	_ =	sfence.sel $0xFFFF  }
0xc3: {  	[dreg:$0x0] =	wrdreg $0xFFFFFFFF;
	(pc) =	sbr.abs _section_cstart, $3  }
0xc4: {  	[dreg:$0x1] =	wrdreg $0xFFFFFFFF  }
0xc5: {  	_ =	task.clear_ibuf [dreg:s8], $0x2FFFF;
	_ =	strace $0x9FFFFFFF  }
0xc6: {  	(tm) =	ssettm $0x7FFFFFFF  }
0xc7: {  	_ =	shalt  }
tec
execute0_lowered:
.L_overlay_start_1:
0x0: {  	(tag) =	ssettag $0x1  }
0x1: {  	s1 =	rddreg [dreg:$0x0]  }
0x2: {  	s0 =	rddreg [dreg:$0x1]  }
0x3: {  	s3 =	rddreg [dreg:$0x2]  }
0x4: {  	s2 =	rddreg [dreg:$0x3];
	s25 =	stileid.u32  }
0x5: {  	s4 =	rddreg [dreg:$0x4];
	s8 =	smul.u32 $0x2800, s25  }
0x6: {  	s5 =	srdreg.scid;
	s26 =	smul.u32 $0xA000, s25  }
0x7: {  	s29 =	simm.s32 $0x2D00;
	s31 =	simm.s32 $0x5500;
	s30 =	smul.u32 $0xA00, s25  }
0x8: {  	s6 =	sand.u32 $0x1, s5;
	s5 =	simm.s32 $0x0;
	s18 =	smul.u32 $0x1388, s25  }
0x9: {  	s9 =	sshll.u32 s25, $0x1;
	s10 =	sadd.s32 $0x1E00, s0;
	s19 =	smul.u32 $0x500, s25  }
0xa: {  	s13 =	sor.u32 $0x10, s25;
	s7 =	smul.u32 $0x138800, s6;
	s9 =	sor.u32 s6, s9  }
0xb: {  	[smem:$0x7FF] =	sst s5;
	s11 =	ssub.s32 $0x2, s6;
	s20 =	smul.u32 $0x4E20, s9  }
0xc: {  	_ =	strace $0x80000047;
	s12 =	sshrl.u32 s11, $0x1;
	s9 =	smul.u32 $0x9C4, s9  }
0xd: {  	s17 =	sshrl.u32 s26, $0x2;
	s7 =	sadd.s32 s8, s7;
	s21 =	ssub.s32 s11, s12  }
0xe: {  	s12 =	sshrl.u32 s30, $0x2;
	s7 =	sshrl.u32 s7, $0x3;
	s9 =	sadd.s32 s10, s9  }
0xf: {  	s8 =	sshrl.u32 s20, $0x3;
	s12 =	sadd.s32 s12, s4;
	[dreg:$0x6] =	wrdreg s9  }
0x10: {  	s20 =	sadd.s32 s17, s2;
	s0 =	sadd.s32 s7, s0;
	[dreg:$0x10] =	wrdreg s12  }
0x11: {  	s8 =	sadd.s32 s10, s8;
	s7 =	smax.u32 s21, $0x1;
	[dreg:$0xf] =	wrdreg s20  }
0x12: {  	s16 =	smul.u32 $0xA000, s13;
	s22 =	sadd.s32 $0x14, s8;
	[dreg:$0xe] =	wrdreg s7  }
0x13: {  	s26 =	sor.u32 $0x30, s25;
	s23 =	sadd.s32 $0x28, s8;
	[dreg:$0x7] =	wrdreg s22  }
0x14: {  	s9 =	smul.u32 $0x27100, s6;
	s24 =	sadd.s32 $0x3C, s8;
	[dreg:$0x8] =	wrdreg s23  }
0x15: {  	s21 =	smul.u32 $0xA00, s13;
	s28 =	sadd.s32 $0x50, s8;
	[dreg:$0x9] =	wrdreg s24  }
0x16: {  	s10 =	sadd.s32 s18, s10;
	s14 =	sadd.s32 $0x64, s8;
	[dreg:$0xa] =	wrdreg s28  }
0x17: {  	s6 =	smul.u32 $0x9C4, s6;
	s15 =	sadd.s32 $0x78, s8;
	[dreg:$0xb] =	wrdreg s14  }
0x18: {  	s13 =	sor.u32 $0x50, s25;
	s8 =	sadd.s32 $0x8C, s8;
	[dreg:$0xc] =	wrdreg s15  }
0x19: {  	s0 =	sadd.s32 $0x15800, s0;
	[dreg:$0xd] =	wrdreg s8;
	s22 =	sor.u32 $0x20, s25  }
0x1a: {  	s7 =	sadd.s32 s19, s9;
	s24 =	sshrl.u32 s16, $0x2;
	s28 =	smul.u32 $0xA000, s26  }
0x1b: {  	s8 =	sshrl.u32 s21, $0x2;
	s17 =	sadd.s32 s6, s10;
	s6 =	smul.u32 $0xA00, s26  }
0x1c: {  	s10 =	sor.u32 $0x40, s25;
	s14 =	smul.u32 $0xA000, s13;
	s15 =	sor.u32 $0x60, s25  }
0x1d: {  	s21 =	sor.u32 $0x70, s25;
	[smem:$0x7FD] =	sst s0;
	s23 =	smul.u32 $0xA000, s22  }
0x1e: {  	s0 =	simm.s32 $0x9;
	s12 =	sadd.s32 s24, s2;
	s11 =	smul.u32 $0xA00, s22  }
0x1f: {  	s7 =	sshrl.u32 s7, $0x4;
	s30 =	sadd.s32 s8, s4;
	s18 =	smul.u32 $0xA000, s15  }
0x20: {  	s19 =	smul.u32 $0xA00, s15;
	p0 =	sgt.u32 s21, $0x7C;
	[dreg:$0x11] =	wrdreg s12  }
0x21: {  	s15 =	simm.s32 $0x1E0;
	s3 =	sadd.s32 s7, s3;
	[dreg:$0x13] =	wrdreg s30  }
0x22: {  	s6 =	sshrl.u32 s6, $0x2;
	s12 =	smul.u32 $0xA00, s10;
	s9 =	sshrl.u32 s23, $0x2  }
0x23: {  	[dreg:$0x12] =	wrdreg s3;
	s3 =	sshrl.u32 s28, $0x2;
	s6 =	sadd.s32 s6, s4  }
0x24: {  	s23 =	smul.u32 $0xA000, s21;
	s24 =	sshrl.u32 s19, $0x2;
	s8 =	sadd.s32 s9, s2  }
0x25: {  	s9 =	sshrl.u32 s11, $0x2;
	s3 =	sadd.s32 s3, s2;
	s11 =	smul.u32 $0xA000, s10  }
0x26: {  	[dreg:$0x17] =	wrdreg s6;
	s6 =	sshrl.u32 s14, $0x2;
	s14 =	simm.s32 $0x3C0  }
0x27: {  	[dreg:$0x14] =	wrdreg s8;
	s7 =	sadd.s32 s9, s4;
	s8 =	smul.u32 $0xA00, s13  }
0x28: {  	[dreg:$0x16] =	wrdreg s3;
	s6 =	sadd.s32 s6, s2;
	s9 =	smul.u32 $0xA00, s21  }
0x29: {  	s26 =	sshrl.u32 s23, $0x2;
	s23 =	simm.s32 $0x280;
	s21 =	simm.s32 $0xB  }
0x2a: {  	s13 =	simm.s32 $0xC;
	[dreg:$0x15] =	wrdreg s7;
	s3 =	sshrl.u32 s11, $0x2  }
0x2b: {  	s7 =	sshrl.u32 s12, $0x2;
	[dreg:$0x1a] =	wrdreg s6;
	s11 =	simm.s32 $0x140  }
0x2c: {  	s12 =	simm.s32 $0x2D00;
	s3 =	sadd.s32 s3, s2;
	s16 =	sadd.s32 s7, s4  }
0x2d: {  	s22 =	sshrl.u32 s8, $0x2;
	s28 =	sshrl.u32 s9, $0x2;
	[dreg:$0x18] =	wrdreg s3  }
0x2e: {  	s7 =	simm.s32 $0xA;
	s9 =	simm.s32 $0x0;
	[dreg:$0x19] =	wrdreg s16  }
0x2f: {  	s3 =	sshrl.u32 s18, $0x2;
	s6 =	sadd.s32 s22, s4;
	s30 =	sadd.s32 s28, s4  }
0x30: {  	s16 =	simm.s32 $0xA0;
	s22 =	simm.s32 $0xD;
	[dreg:$0x1b] =	wrdreg s6  }
0x31: {  	s18 =	simm.s32 $0x5500;
	s3 =	sadd.s32 s3, s2;
	[dreg:$0x1f] =	wrdreg s30  }
0x32: {  	s6 =	simm.s32 $0x1DD80;
	[dreg:$0x1c] =	wrdreg s3;
	s3 =	sadd.s32 s24, s4  }
0x33: {  	s24 =	simm.s32 $0x50;
	[dreg:$0x1d] =	wrdreg s3;
	s3 =	sadd.s32 s26, s2  }
0x34: {  	v0 =	vimm.f32 $0.0e+00;
	v1 =	vimm.bf16 $1.0000e+00;
	v2 =	vimm.bf16 $0.0e+00;
	s26 =	simm.s32 $0x320;
	[dreg:$0x1e] =	wrdreg s3;
	s3 =	simm.s32 $0x500  }
.LBB2_1:
0x35: {  	[smem:$0x7FC] =	sst s9;
	s8 =	simm.s32 $0x0;
	s9 =	simm.s32 $0x200  }
.LBB2_2:
0x36: {  	p1 =	sne.s32 s9, $0x9E00;
	[tilespmem:s8+$0x570] =	vst v0  }
0x37: {  	[tilespmem:s8+$0x500] =	vst v0  }
0x38: {  	[tilespmem:s8+$0x510] =	vst v0  }
.Ltmp0:
0x39: {  	[tilespmem:s8+$0x520] =	vst v0;
	(pc) =	sbr.rel @p1 .LBB2_2-.Ltmp0, $4  }
0x3a: {  	[tilespmem:s8+$0x530] =	vst v0  }
0x3b: {  	[tilespmem:s8+$0x540] =	vst v0  }
0x3c: {  	[tilespmem:s8+$0x550] =	vst v0  }
0x3d: {  	[tilespmem:s8+$0x560] =	vst v0;
	s8 =	sshra.s32 s9, $0x2;
	s9 =	sadd.s32 $0x200, s9  }
0x3e: {  	[tilespmem:s8+$0x570] =	vst v0  }
0x3f: {  	[tilespmem:s8+$0x500] =	vst v0  }
0x40: {  	[tilespmem:s8+$0x510] =	vst v0  }
0x41: {  	[tilespmem:s8+$0x520] =	vst v0  }
0x42: {  	[tilespmem:s8+$0x530] =	vst v0  }
0x43: {  	[tilespmem:s8+$0x540] =	vst v0  }
0x44: {  	[tilespmem:s8+$0x550] =	vst v0  }
0x45: {  	[tilespmem:s8+$0x560] =	vst v0;
	s9 =	simm.s32 $0x40;
	s8 =	simm.s32 $0x0  }
.LBB2_4:
0x46: {  	p1 =	sne.s32 s9, $0x9C0;
	[tilespmem:s8+$0x1E008] =	vst.msk $0xff, v2;
	s10 =	smov.u32 s9;
	s9 =	sadd.s32 $0x40, s9  }
.Ltmp1:
0x47: {  	[tilespmem:s8+$0x1E000] =	vst.msk $0xff, v2;
	(pc) =	sbr.rel @p1 .LBB2_4-.Ltmp1, $3  }
0x48: {  	[tilespmem:s8+$0x1DD80] =	vst.msk $0xff, v1  }
0x49: {  	[tilespmem:s8+$0x1DD88] =	vst.msk $0xff, v1;
	_ =	sdelay $0x1  }
0x4a: {  	s8 =	sshra.s32 s10, $0x2  }
0x4b: {  	[tilespmem:s8+$0x1E008] =	vst.msk $0xff, v2  }
0x4c: {  	[tilespmem:s8+$0x1E000] =	vst.msk $0xff, v2  }
0x4d: {  	[tilespmem:s8+$0x1DD80] =	vst.msk $0xff, v1  }
0x4e: {  	[tilespmem:s8+$0x1DD88] =	vst.msk $0xff, v1;
	s9 =	rddreg [dreg:$0x6]  }
0x4f: {  	[tilespmem:s5], [sflag:$0x1] =	stream.linear.gather [hbm4b:s9+s5], $0xA0, $0x38;
	[tilespmem:$0x1F608] =	vst v63  }
0x50: {  	s10 =	rddreg [dreg:$0x7]  }
0x51: {  	[tilespmem:s16], [sflag:$0x2] =	stream.linear.gather [hbm4b:s10+s5], $0xA0, $0x38;
	[tilespmem:$0x1F608] =	vst v63  }
0x52: {  	s16 =	rddreg [dreg:$0x8]  }
0x53: {  	[tilespmem:s11], [sflag:$0x3] =	stream.linear.gather [hbm4b:s16+s5], $0xA0, $0x38;
	[tilespmem:$0x1F608] =	vst v63  }
0x54: {  	s19 =	rddreg [dreg:$0x9]  }
0x55: {  	[tilespmem:s15], [sflag:$0x4] =	stream.linear.gather [hbm4b:s19+s5], $0xA0, $0x38;
	[tilespmem:$0x1F608] =	vst v63  }
0x56: {  	s9 =	rddreg [dreg:$0xa]  }
0x57: {  	[tilespmem:s23], [sflag:$0x5] =	stream.linear.gather [hbm4b:s9+s5], $0xA0, $0x38;
	[tilespmem:$0x1F608] =	vst v63  }
0x58: {  	s10 =	rddreg [dreg:$0xb]  }
0x59: {  	[tilespmem:s26], [sflag:$0x6] =	stream.linear.gather [hbm4b:s10+s5], $0xA0, $0x38;
	[tilespmem:$0x1F608] =	vst v63  }
0x5a: {  	s16 =	rddreg [dreg:$0xc]  }
0x5b: {  	[tilespmem:s14], [sflag:$0x7] =	stream.linear.gather [hbm4b:s16+s5], $0xA0, $0x38;
	[tilespmem:$0x1F608] =	vst v63  }
0x5c: {  	s19 =	rddreg [dreg:$0xd];
	s9 =	simm.s32 $0x460  }
0x5d: {  	[tilespmem:s9], [sflag:$0x8] =	stream.linear.gather [hbm4b:s19+s5], $0xA0, $0x38;
	[tilespmem:$0x1F608] =	vst v63  }
0x5e: {  	s9 =	simm.s32 $0xE  }
0x5f: {  	[spmem:s20] =	stream.linear.scatter [tilespmem:s3], [sflag:$0xE], $0x2800, $0x38;
	[tilespmem:$0x1F608] =	vst v63  }
0x60: {  	_ =	swait.ge [sflag:s9], $0x2800  }
0x61: {  	[sflag:s9] =	ssyncset.done $0x0  }
0x62: {  	s10 =	simm.s32 $0x1E000;
	s20 =	rddreg [dreg:$0x10];
	[sflag:s9] =	ssyncadd.s32 $0xFFFFD800  }
0x63: {  	[spmem:s20] =	stream.linear.scatter [tilespmem:s10], [sflag:$0xD], $0x280, $0x38;
	[tilespmem:$0x1F608] =	vst v63  }
0x64: {  	_ =	swait.ge [sflag:s22], $0x280  }
0x65: {  	[sflag:s22] =	ssyncset.done $0x0  }
0x66: {  	s26 =	rddreg [dreg:$0x11];
	[sflag:s22] =	ssyncadd.s32 $0xFFFFFD80  }
0x67: {  	[spmem:s26] =	stream.linear.scatter [tilespmem:s3], [sflag:$0xE], $0x2800, $0x38;
	[tilespmem:$0x1F608] =	vst v63  }
0x68: {  	_ =	swait.ge [sflag:s9], $0x2800  }
0x69: {  	[sflag:s9] =	ssyncset.done $0x0  }
0x6a: {  	s14 =	rddreg [dreg:$0x13];
	[sflag:s9] =	ssyncadd.s32 $0xFFFFD800  }
0x6b: {  	[spmem:s14] =	stream.linear.scatter [tilespmem:s10], [sflag:$0xD], $0x280, $0x38;
	[tilespmem:$0x1F608] =	vst v63  }
0x6c: {  	_ =	swait.ge [sflag:s22], $0x280  }
0x6d: {  	[sflag:s22] =	ssyncset.done $0x0  }
0x6e: {  	s16 =	rddreg [dreg:$0x14];
	[sflag:s22] =	ssyncadd.s32 $0xFFFFFD80  }
0x6f: {  	[spmem:s16] =	stream.linear.scatter [tilespmem:s3], [sflag:$0xE], $0x2800, $0x38;
	[tilespmem:$0x1F608] =	vst v63  }
0x70: {  	_ =	swait.ge [sflag:s9], $0x2800  }
0x71: {  	[sflag:s9] =	ssyncset.done $0x0  }
0x72: {  	s19 =	rddreg [dreg:$0x15];
	[sflag:s9] =	ssyncadd.s32 $0xFFFFD800  }
0x73: {  	[spmem:s19] =	stream.linear.scatter [tilespmem:s10], [sflag:$0xD], $0x280, $0x38;
	[tilespmem:$0x1F608] =	vst v63  }
0x74: {  	_ =	swait.ge [sflag:s22], $0x280  }
0x75: {  	[sflag:s22] =	ssyncset.done $0x0  }
0x76: {  	s20 =	rddreg [dreg:$0x16];
	[sflag:s22] =	ssyncadd.s32 $0xFFFFFD80  }
0x77: {  	[spmem:s20] =	stream.linear.scatter [tilespmem:s3], [sflag:$0xE], $0x2800, $0x38;
	[tilespmem:$0x1F608] =	vst v63  }
0x78: {  	_ =	swait.ge [sflag:s9], $0x2800  }
0x79: {  	[sflag:s9] =	ssyncset.done $0x0  }
0x7a: {  	s26 =	rddreg [dreg:$0x17];
	[sflag:s9] =	ssyncadd.s32 $0xFFFFD800  }
0x7b: {  	[spmem:s26] =	stream.linear.scatter [tilespmem:s10], [sflag:$0xD], $0x280, $0x38;
	[tilespmem:$0x1F608] =	vst v63  }
0x7c: {  	_ =	swait.ge [sflag:s22], $0x280  }
0x7d: {  	[sflag:s22] =	ssyncset.done $0x0  }
0x7e: {  	s14 =	rddreg [dreg:$0x18];
	[sflag:s22] =	ssyncadd.s32 $0xFFFFFD80  }
0x7f: {  	[spmem:s14] =	stream.linear.scatter [tilespmem:s3], [sflag:$0xE], $0x2800, $0x38;
	[tilespmem:$0x1F608] =	vst v63  }
0x80: {  	_ =	swait.ge [sflag:s9], $0x2800  }
0x81: {  	[sflag:s9] =	ssyncset.done $0x0  }
0x82: {  	s16 =	rddreg [dreg:$0x19];
	[sflag:s9] =	ssyncadd.s32 $0xFFFFD800  }
0x83: {  	[spmem:s16] =	stream.linear.scatter [tilespmem:s10], [sflag:$0xD], $0x280, $0x38;
	[tilespmem:$0x1F608] =	vst v63  }
0x84: {  	_ =	swait.ge [sflag:s22], $0x280  }
0x85: {  	[sflag:s22] =	ssyncset.done $0x0  }
0x86: {  	s19 =	rddreg [dreg:$0x1a];
	[sflag:s22] =	ssyncadd.s32 $0xFFFFFD80  }
0x87: {  	[spmem:s19] =	stream.linear.scatter [tilespmem:s3], [sflag:$0xE], $0x2800, $0x38;
	[tilespmem:$0x1F608] =	vst v63  }
0x88: {  	_ =	swait.ge [sflag:s9], $0x2800  }
0x89: {  	[sflag:s9] =	ssyncset.done $0x0  }
0x8a: {  	s20 =	rddreg [dreg:$0x1b];
	[sflag:s9] =	ssyncadd.s32 $0xFFFFD800  }
0x8b: {  	[spmem:s20] =	stream.linear.scatter [tilespmem:s10], [sflag:$0xD], $0x280, $0x38;
	[tilespmem:$0x1F608] =	vst v63  }
0x8c: {  	_ =	swait.ge [sflag:s22], $0x280  }
0x8d: {  	[sflag:s22] =	ssyncset.done $0x0  }
0x8e: {  	s26 =	rddreg [dreg:$0x1c];
	[sflag:s22] =	ssyncadd.s32 $0xFFFFFD80  }
0x8f: {  	[spmem:s26] =	stream.linear.scatter [tilespmem:s3], [sflag:$0xE], $0x2800, $0x38;
	[tilespmem:$0x1F608] =	vst v63  }
0x90: {  	_ =	swait.ge [sflag:s9], $0x2800  }
0x91: {  	[sflag:s9] =	ssyncset.done $0x0  }
0x92: {  	s14 =	rddreg [dreg:$0x1d];
	[sflag:s9] =	ssyncadd.s32 $0xFFFFD800  }
0x93: {  	[spmem:s14] =	stream.linear.scatter [tilespmem:s10], [sflag:$0xD], $0x280, $0x38;
	[tilespmem:$0x1F608] =	vst v63  }
0x94: {  	_ =	swait.ge [sflag:s22], $0x280  }
0x95: {  	[sflag:s22] =	ssyncset.done $0x0  }
0x96: {  	s8 =	simm.s32 @!p0 $0x500;
	s9 =	rddreg [dreg:$0x1e];
	[sflag:s22] =	ssyncadd.s32 $0xFFFFFD80  }
0x97: {  	[spmem:s9] =	stream.linear.scatter @!p0 [tilespmem:s8], [sflag:$0xE], $0x2800, $0x38;
	[tilespmem:$0x1F608] =	vst v63  }
0x98: {  	s8 =	simm.s32 @!p0 $0xE  }
0x99: {  	_ =	swait.ge @!p0 [sflag:s8], $0x2800  }
0x9a: {  	[sflag:s8] =	ssyncset.done @!p0 $0x0  }
0x9b: {  	s9 =	rddreg [dreg:$0x1f];
	[sflag:s8] =	ssyncadd.s32 @!p0 $0xFFFFD800;
	s8 =	simm.s32 @!p0 $0x1E000  }
0x9c: {  	[spmem:s9] =	stream.linear.scatter @!p0 [tilespmem:s8], [sflag:$0xD], $0x280, $0x38;
	[tilespmem:$0x1F608] =	vst v63  }
0x9d: {  	s8 =	simm.s32 @!p0 $0xD  }
0x9e: {  	_ =	swait.ge @!p0 [sflag:s8], $0x280  }
0x9f: {  	[sflag:s8] =	ssyncset.done @!p0 $0x0  }
0xa0: {  	[sflag:s8] =	ssyncadd.s32 @!p0 $0xFFFFFD80  }
0xa1: {  	s9 =	simm.s32 $0x1;
	[bflag:$0x0] =	sbarrier.arrive $0xFFFF  }
0xa2: {  	_ =	swait.ge [sflag:s9], $0xA0  }
0xa3: {  	[sflag:s9] =	ssyncset.done $0x0  }
0xa4: {  	s16 =	simm.s32 $0x0;
	[sflag:s9] =	ssyncadd.s32 $0xFFFFFF60  }
0xa5: {  	[tilespmem:s3], [sflag:$0x9] =	stream.indirect.gather [hbm4b:s1+s24], $0x80, s16, s24, $0xb8;
	[tilespmem:$0x1F608] =	vst v63  }
0xa6: {  	s16 =	simm.s32 $0x2  }
0xa7: {  	_ =	swait.ge [sflag:s16], $0xA0  }
0xa8: {  	[sflag:s16] =	ssyncset.done $0x0  }
0xa9: {  	s20 =	simm.s32 $0xA0;
	[sflag:s16] =	ssyncadd.s32 $0xFFFFFF60  }
0xaa: {  	[tilespmem:s12], [sflag:$0xA] =	stream.indirect.gather [hbm4b:s1+s24], $0x80, s20, s24, $0xb8;
	[tilespmem:$0x1F608] =	vst v63  }
0xab: {  	s12 =	simm.s32 $0x3  }
0xac: {  	_ =	swait.ge [sflag:s12], $0xA0  }
0xad: {  	[sflag:s12] =	ssyncset.done $0x0  }
0xae: {  	s3 =	simm.s32 $0x4;
	[sflag:s12] =	ssyncadd.s32 $0xFFFFFF60  }
0xaf: {  	[tilespmem:s18], [sflag:$0xB] =	stream.indirect.gather [hbm4b:s1+s24], $0x80, s11, s24, $0xb8;
	[tilespmem:$0x1F608] =	vst v63  }
0xb0: {  	_ =	swait.ge [sflag:s3], $0xA0  }
0xb1: {  	[sflag:s3] =	ssyncset.done $0x0  }
0xb2: {  	s28 =	simm.s32 $0x7D00;
	[sflag:s3] =	ssyncadd.s32 $0xFFFFFF60  }
0xb3: {  	[tilespmem:s28], [sflag:$0xC] =	stream.indirect.gather [hbm4b:s1+s24], $0x80, s15, s24, $0xb8;
	[tilespmem:$0x1F608] =	vst v63  }
0xb4: {  	_ =	swait.ge [sflag:s0], $0x2800  }
0xb5: {  	[sflag:s0] =	ssyncset.done $0x0  }
0xb6: {  	s26 =	simm.s32 $0x500;
	[sflag:s0] =	ssyncadd.s32 $0xFFFFD800  }
0xb7: {  	[spmem:s2] =	stream.indirect.scatter.add.f32 [tilespmem:s26], [sflag:$0xD], $0x80, s24, s24, $0xb8;
	[tilespmem:$0x1F608] =	vst v63  }
0xb8: {  	_ =	swait.ge [sflag:s22], $0x2800  }
0xb9: {  	[sflag:s22] =	ssyncset.done $0x0  }
0xba: {  	[sflag:s22] =	ssyncadd.s32 $0xFFFFD800  }
0xbb: {  	[spmem:s4] =	stream.indirect.scatter.add.bf16 [tilespmem:s6], [sflag:$0xD], $0x8, s24, s24, $0xb8;
	[tilespmem:$0x1F608] =	vst v63  }
0xbc: {  	_ =	swait.ge [sflag:s22], $0x280  }
0xbd: {  	s14 =	sadd.s32 $0x0, s17;
	[sflag:s22] =	ssyncset.done $0x0  }
0xbe: {  	s18 =	sadd.s32 $0xA0, s14;
	[sflag:s22] =	ssyncadd.s32 $0xFFFFFD80  }
0xbf: {  	[tilespmem:s5], [sflag:$0x1] =	stream.linear.gather [hbm4b:s18+s5], $0xA0, $0x38;
	[tilespmem:$0x1F608] =	vst v63  }
0xc0: {  	s18 =	simm.s32 $0x5  }
0xc1: {  	_ =	swait.ge [sflag:s18], $0xA0  }
0xc2: {  	[sflag:s18] =	ssyncset.done $0x0  }
0xc3: {  	[sflag:s18] =	ssyncadd.s32 $0xFFFFFF60  }
0xc4: {  	[tilespmem:s26], [sflag:$0x9] =	stream.indirect.gather [hbm4b:s1+s24], $0x80, s23, s24, $0xb8;
	[tilespmem:$0x1F608] =	vst v63  }
0xc5: {  	_ =	swait.ge [sflag:s7], $0x2800  }
0xc6: {  	[sflag:s7] =	ssyncset.done $0x0  }
0xc7: {  	s8 =	simm.s32 $0xF0;
	[sflag:s7] =	ssyncadd.s32 $0xFFFFD800  }
0xc8: {  	[spmem:s2] =	stream.indirect.scatter.add.f32 [tilespmem:s29], [sflag:$0xD], $0x80, s8, s24, $0xb8;
	[tilespmem:$0x1F608] =	vst v63  }
0xc9: {  	_ =	swait.ge [sflag:s22], $0x2800  }
0xca: {  	[sflag:s22] =	ssyncset.done $0x0  }
0xcb: {  	[sflag:s22] =	ssyncadd.s32 $0xFFFFD800  }
0xcc: {  	[spmem:s4] =	stream.indirect.scatter.add.bf16 [tilespmem:s6], [sflag:$0xD], $0x8, s8, s24, $0xb8;
	[tilespmem:$0x1F608] =	vst v63  }
0xcd: {  	_ =	swait.ge [sflag:s22], $0x280  }
0xce: {  	[sflag:s22] =	ssyncset.done $0x0  }
0xcf: {  	s30 =	simm.s32 $0x6;
	s8 =	sadd.s32 $0xB4, s14;
	[sflag:s22] =	ssyncadd.s32 $0xFFFFFD80  }
0xd0: {  	[tilespmem:s20], [sflag:$0x2] =	stream.linear.gather [hbm4b:s8+s5], $0xA0, $0x38;
	[tilespmem:$0x1F608] =	vst v63  }
0xd1: {  	_ =	swait.ge [sflag:s30], $0xA0  }
0xd2: {  	[sflag:s30] =	ssyncset.done $0x0  }
0xd3: {  	s19 =	simm.s32 $0x320;
	[sflag:s30] =	ssyncadd.s32 $0xFFFFFF60  }
0xd4: {  	[tilespmem:s29], [sflag:$0xA] =	stream.indirect.gather [hbm4b:s1+s24], $0x80, s19, s24, $0xb8;
	[tilespmem:$0x1F608] =	vst v63  }
0xd5: {  	_ =	swait.ge [sflag:s21], $0x2800  }
0xd6: {  	[sflag:s21] =	ssyncset.done $0x0  }
0xd7: {  	s19 =	simm.s32 $0x190;
	[sflag:s21] =	ssyncadd.s32 $0xFFFFD800  }
0xd8: {  	[spmem:s2] =	stream.indirect.scatter.add.f32 [tilespmem:s31], [sflag:$0xD], $0x80, s19, s24, $0xb8;
	[tilespmem:$0x1F608] =	vst v63  }
0xd9: {  	_ =	swait.ge [sflag:s22], $0x2800  }
0xda: {  	[sflag:s22] =	ssyncset.done $0x0  }
0xdb: {  	[sflag:s22] =	ssyncadd.s32 $0xFFFFD800  }
0xdc: {  	[spmem:s4] =	stream.indirect.scatter.add.bf16 [tilespmem:s6], [sflag:$0xD], $0x8, s19, s24, $0xb8;
	[tilespmem:$0x1F608] =	vst v63  }
0xdd: {  	_ =	swait.ge [sflag:s22], $0x280  }
0xde: {  	[sflag:s22] =	ssyncset.done $0x0  }
0xdf: {  	s19 =	sadd.s32 $0xC8, s14;
	[sflag:s22] =	ssyncadd.s32 $0xFFFFFD80  }
0xe0: {  	[tilespmem:s11], [sflag:$0x3] =	stream.linear.gather [hbm4b:s19+s5], $0xA0, $0x38;
	[tilespmem:$0x1F608] =	vst v63  }
0xe1: {  	s19 =	simm.s32 $0x7  }
0xe2: {  	_ =	swait.ge [sflag:s19], $0xA0  }
0xe3: {  	[sflag:s19] =	ssyncset.done $0x0  }
0xe4: {  	s10 =	simm.s32 $0x3C0;
	[sflag:s19] =	ssyncadd.s32 $0xFFFFFF60  }
0xe5: {  	[tilespmem:s31], [sflag:$0xB] =	stream.indirect.gather [hbm4b:s1+s24], $0x80, s10, s24, $0xb8;
	[tilespmem:$0x1F608] =	vst v63  }
0xe6: {  	_ =	swait.ge [sflag:s13], $0x2800  }
0xe7: {  	[sflag:s13] =	ssyncset.done $0x0  }
0xe8: {  	s10 =	simm.s32 $0x230;
	[sflag:s13] =	ssyncadd.s32 $0xFFFFD800  }
0xe9: {  	[spmem:s2] =	stream.indirect.scatter.add.f32 [tilespmem:s28], [sflag:$0xD], $0x80, s10, s24, $0xb8;
	[tilespmem:$0x1F608] =	vst v63  }
0xea: {  	_ =	swait.ge [sflag:s22], $0x2800  }
0xeb: {  	[sflag:s22] =	ssyncset.done $0x0  }
0xec: {  	[sflag:s22] =	ssyncadd.s32 $0xFFFFD800  }
0xed: {  	[spmem:s4] =	stream.indirect.scatter.add.bf16 [tilespmem:s6], [sflag:$0xD], $0x8, s10, s24, $0xb8;
	[tilespmem:$0x1F608] =	vst v63  }
0xee: {  	_ =	swait.ge [sflag:s22], $0x280  }
0xef: {  	[sflag:s22] =	ssyncset.done $0x0  }
0xf0: {  	s11 =	sadd.s32 $0xDC, s14;
	[sflag:s22] =	ssyncadd.s32 $0xFFFFFD80  }
0xf1: {  	[tilespmem:s15], [sflag:$0x4] =	stream.linear.gather [hbm4b:s11+s5], $0xA0, $0x38;
	[tilespmem:$0x1F608] =	vst v63  }
0xf2: {  	s11 =	simm.s32 $0x8  }
0xf3: {  	_ =	swait.ge [sflag:s11], $0xA0  }
0xf4: {  	[sflag:s11] =	ssyncset.done $0x0  }
0xf5: {  	s15 =	simm.s32 $0x460;
	[sflag:s11] =	ssyncadd.s32 $0xFFFFFF60  }
0xf6: {  	[tilespmem:s28], [sflag:$0xC] =	stream.indirect.gather [hbm4b:s1+s24], $0x80, s15, s24, $0xb8;
	[tilespmem:$0x1F608] =	vst v63  }
0xf7: {  	_ =	swait.ge [sflag:s0], $0x2800  }
0xf8: {  	[sflag:s0] =	ssyncset.done $0x0  }
0xf9: {  	s10 =	simm.s32 $0x2D0;
	[sflag:s0] =	ssyncadd.s32 $0xFFFFD800  }
0xfa: {  	[spmem:s2] =	stream.indirect.scatter.add.f32 [tilespmem:s26], [sflag:$0xD], $0x80, s10, s24, $0xb8;
	[tilespmem:$0x1F608] =	vst v63  }
0xfb: {  	_ =	swait.ge [sflag:s22], $0x2800  }
0xfc: {  	[sflag:s22] =	ssyncset.done $0x0  }
0xfd: {  	[sflag:s22] =	ssyncadd.s32 $0xFFFFD800  }
0xfe: {  	[spmem:s4] =	stream.indirect.scatter.add.bf16 [tilespmem:s6], [sflag:$0xD], $0x8, s10, s24, $0xb8;
	[tilespmem:$0x1F608] =	vst v63  }
0xff: {  	_ =	swait.ge [sflag:s22], $0x280  }
0x100: {  	[sflag:s22] =	ssyncset.done $0x0  }
0x101: {  	s14 =	sadd.s32 $0xF0, s14;
	[sflag:s22] =	ssyncadd.s32 $0xFFFFFD80  }
0x102: {  	[tilespmem:s23], [sflag:$0x5] =	stream.linear.gather [hbm4b:s14+s5], $0xA0, $0x38;
	[tilespmem:$0x1F608] =	vst v63  }
0x103: {  	_ =	swait.ge [sflag:s9], $0xA0  }
0x104: {  	[sflag:s9] =	ssyncset.done $0x0  }
0x105: {  	[sflag:s9] =	ssyncadd.s32 $0xFFFFFF60  }
0x106: {  	[tilespmem:s26], [sflag:$0x9] =	stream.indirect.gather [hbm4b:s1+s24], $0x80, s5, s24, $0xb8;
	[tilespmem:$0x1F608] =	vst v63  }
0x107: {  	_ =	swait.ge [sflag:s7], $0x2800  }
0x108: {  	[sflag:s7] =	ssyncset.done $0x0  }
0x109: {  	s15 =	simm.s32 $0x370;
	[sflag:s7] =	ssyncadd.s32 $0xFFFFD800  }
0x10a: {  	[spmem:s2] =	stream.indirect.scatter.add.f32 [tilespmem:s29], [sflag:$0xD], $0x80, s15, s24, $0xb8;
	[tilespmem:$0x1F608] =	vst v63  }
0x10b: {  	_ =	swait.ge [sflag:s22], $0x2800  }
0x10c: {  	[sflag:s22] =	ssyncset.done $0x0  }
0x10d: {  	p1 =	por $0x0, $0x0;
	[sflag:s22] =	ssyncadd.s32 $0xFFFFD800  }
0x10e: {  	[spmem:s4] =	stream.indirect.scatter.add.bf16 [tilespmem:s6], [sflag:$0xD], $0x8, s15, s24, $0xb8;
	[tilespmem:$0x1F608] =	vst v63  }
0x10f: {  	s8 =	sadd.s32 @!p1 $0x0, s17;
	_ =	swait.ge [sflag:s22], $0x280  }
0x110: {  	s10 =	sadd.s32 @!p1 $0x104, s8;
	[sflag:s22] =	ssyncset.done $0x0  }
0x111: {  	s9 =	simm.s32 @!p1 $0x320;
	s15 =	simm.s32 @!p1 $0x0;
	[sflag:s22] =	ssyncadd.s32 $0xFFFFFD80  }
0x112: {  	[tilespmem:s9], [sflag:$0x6] =	stream.linear.gather @!p1 [hbm4b:s10+s15], $0xA0, $0x38;
	[tilespmem:$0x1F608] =	vst v63  }
0x113: {  	_ =	swait.ge [sflag:s16], $0xA0  }
0x114: {  	[sflag:s16] =	ssyncset.done $0x0  }
0x115: {  	[sflag:s16] =	ssyncadd.s32 $0xFFFFFF60  }
0x116: {  	[tilespmem:s29], [sflag:$0xA] =	stream.indirect.gather [hbm4b:s1+s24], $0x80, s20, s24, $0xb8;
	[tilespmem:$0x1F608] =	vst v63  }
0x117: {  	_ =	swait.ge [sflag:s21], $0x2800  }
0x118: {  	[sflag:s21] =	ssyncset.done $0x0  }
0x119: {  	s20 =	simm.s32 $0x410;
	[sflag:s21] =	ssyncadd.s32 $0xFFFFD800  }
0x11a: {  	[spmem:s2] =	stream.indirect.scatter.add.f32 [tilespmem:s31], [sflag:$0xD], $0x80, s20, s24, $0xb8;
	[tilespmem:$0x1F608] =	vst v63  }
0x11b: {  	_ =	swait.ge [sflag:s22], $0x2800  }
0x11c: {  	[sflag:s22] =	ssyncset.done $0x0  }
0x11d: {  	[sflag:s22] =	ssyncadd.s32 $0xFFFFD800  }
0x11e: {  	[spmem:s4] =	stream.indirect.scatter.add.bf16 [tilespmem:s6], [sflag:$0xD], $0x8, s20, s24, $0xb8;
	[tilespmem:$0x1F608] =	vst v63  }
0x11f: {  	_ =	swait.ge [sflag:s22], $0x280  }
0x120: {  	[sflag:s22] =	ssyncset.done $0x0  }
0x121: {  	s9 =	sadd.s32 @!p1 $0x118, s8;
	s10 =	simm.s32 @!p1 $0x3C0;
	[sflag:s22] =	ssyncadd.s32 $0xFFFFFD80  }
0x122: {  	[tilespmem:s10], [sflag:$0x7] =	stream.linear.gather @!p1 [hbm4b:s9+s15], $0xA0, $0x38;
	[tilespmem:$0x1F608] =	vst v63  }
0x123: {  	_ =	swait.ge [sflag:s12], $0xA0  }
0x124: {  	[sflag:s12] =	ssyncset.done $0x0  }
0x125: {  	s23 =	simm.s32 $0x140;
	[sflag:s12] =	ssyncadd.s32 $0xFFFFFF60  }
0x126: {  	[tilespmem:s31], [sflag:$0xB] =	stream.indirect.gather [hbm4b:s1+s24], $0x80, s23, s24, $0xb8;
	[tilespmem:$0x1F608] =	vst v63  }
0x127: {  	_ =	swait.ge [sflag:s13], $0x2800  }
0x128: {  	[sflag:s13] =	ssyncset.done $0x0  }
0x129: {  	s23 =	simm.s32 $0x4B0;
	[sflag:s13] =	ssyncadd.s32 $0xFFFFD800  }
0x12a: {  	[spmem:s2] =	stream.indirect.scatter.add.f32 [tilespmem:s28], [sflag:$0xD], $0x80, s23, s24, $0xb8;
	[tilespmem:$0x1F608] =	vst v63  }
0x12b: {  	_ =	swait.ge [sflag:s22], $0x2800  }
0x12c: {  	[sflag:s22] =	ssyncset.done $0x0  }
0x12d: {  	[sflag:s22] =	ssyncadd.s32 $0xFFFFD800  }
0x12e: {  	[spmem:s4] =	stream.indirect.scatter.add.bf16 [tilespmem:s6], [sflag:$0xD], $0x8, s23, s24, $0xb8;
	[tilespmem:$0x1F608] =	vst v63  }
0x12f: {  	_ =	swait.ge [sflag:s22], $0x280  }
0x130: {  	[sflag:s22] =	ssyncset.done $0x0  }
0x131: {  	s8 =	sadd.s32 @!p1 $0x12C, s8;
	s9 =	simm.s32 @!p1 $0x460;
	[sflag:s22] =	ssyncadd.s32 $0xFFFFFD80  }
0x132: {  	[tilespmem:s9], [sflag:$0x8] =	stream.linear.gather @!p1 [hbm4b:s8+s15], $0xA0, $0x38;
	[tilespmem:$0x1F608] =	vst v63  }
0x133: {  	_ =	swait.ge [sflag:s3], $0xA0  }
0x134: {  	[sflag:s3] =	ssyncset.done $0x0  }
0x135: {  	s15 =	simm.s32 $0xA0;
	[sflag:s3] =	ssyncadd.s32 $0xFFFFFF60  }
.LBB2_6:
0x136: {  	s10 =	simm.s32 $0x1E0  }
0x137: {  	[tilespmem:s28], [sflag:$0xC] =	stream.indirect.gather [hbm4b:s1+s24], $0x80, s10, s24, $0xb8;
	[tilespmem:$0x1F608] =	vst v63  }
0x138: {  	s20 =	smov.u32 s15;
	s15 =	sadd.s32 $0xA0, s15;
	_ =	swait.ge [sflag:s0], $0x2800  }
0x139: {  	p1 =	sne.s32 s15, $0x960;
	[sflag:s0] =	ssyncset.done $0x0  }
0x13a: {  	[sflag:s0] =	ssyncadd.s32 $0xFFFFD800  }
0x13b: {  	[spmem:s2] =	stream.indirect.scatter.add.f32 [tilespmem:s26], [sflag:$0xD], $0x80, s24, s24, $0xb8;
	[tilespmem:$0x1F608] =	vst v63  }
0x13c: {  	_ =	swait.ge [sflag:s22], $0x2800  }
0x13d: {  	[sflag:s22] =	ssyncset.done $0x0  }
0x13e: {  	[sflag:s22] =	ssyncadd.s32 $0xFFFFD800  }
0x13f: {  	[spmem:s4] =	stream.indirect.scatter.add.bf16 [tilespmem:s6], [sflag:$0xD], $0x8, s24, s24, $0xb8;
	[tilespmem:$0x1F608] =	vst v63  }
0x140: {  	_ =	swait.ge [sflag:s22], $0x280  }
0x141: {  	s14 =	sadd.s32 s20, s17;
	[sflag:s22] =	ssyncset.done $0x0  }
0x142: {  	s8 =	sadd.s32 $0xA0, s14;
	[sflag:s22] =	ssyncadd.s32 $0xFFFFFD80  }
0x143: {  	[tilespmem:s5], [sflag:$0x1] =	stream.linear.gather [hbm4b:s8+s5], $0xA0, $0x38;
	[tilespmem:$0x1F608] =	vst v63  }
0x144: {  	_ =	swait.ge [sflag:s18], $0xA0  }
0x145: {  	[sflag:s18] =	ssyncset.done $0x0  }
0x146: {  	s9 =	simm.s32 $0x280;
	[sflag:s18] =	ssyncadd.s32 $0xFFFFFF60  }
0x147: {  	[tilespmem:s26], [sflag:$0x9] =	stream.indirect.gather [hbm4b:s1+s24], $0x80, s9, s24, $0xb8;
	[tilespmem:$0x1F608] =	vst v63  }
0x148: {  	_ =	swait.ge [sflag:s7], $0x2800  }
0x149: {  	[sflag:s7] =	ssyncset.done $0x0  }
0x14a: {  	s8 =	simm.s32 $0xF0;
	[sflag:s7] =	ssyncadd.s32 $0xFFFFD800  }
0x14b: {  	[spmem:s2] =	stream.indirect.scatter.add.f32 [tilespmem:s29], [sflag:$0xD], $0x80, s8, s24, $0xb8;
	[tilespmem:$0x1F608] =	vst v63  }
0x14c: {  	_ =	swait.ge [sflag:s22], $0x2800  }
0x14d: {  	[sflag:s22] =	ssyncset.done $0x0  }
0x14e: {  	[sflag:s22] =	ssyncadd.s32 $0xFFFFD800  }
0x14f: {  	[spmem:s4] =	stream.indirect.scatter.add.bf16 [tilespmem:s6], [sflag:$0xD], $0x8, s8, s24, $0xb8;
	[tilespmem:$0x1F608] =	vst v63  }
0x150: {  	_ =	swait.ge [sflag:s22], $0x280  }
0x151: {  	[sflag:s22] =	ssyncset.done $0x0  }
0x152: {  	s23 =	simm.s32 $0xA0;
	s8 =	sadd.s32 $0xB4, s14;
	[sflag:s22] =	ssyncadd.s32 $0xFFFFFD80  }
0x153: {  	[tilespmem:s23], [sflag:$0x2] =	stream.linear.gather [hbm4b:s8+s5], $0xA0, $0x38;
	[tilespmem:$0x1F608] =	vst v63  }
0x154: {  	_ =	swait.ge [sflag:s30], $0xA0  }
0x155: {  	[sflag:s30] =	ssyncset.done $0x0  }
0x156: {  	s3 =	simm.s32 $0x320;
	[sflag:s30] =	ssyncadd.s32 $0xFFFFFF60  }
0x157: {  	[tilespmem:s29], [sflag:$0xA] =	stream.indirect.gather [hbm4b:s1+s24], $0x80, s3, s24, $0xb8;
	[tilespmem:$0x1F608] =	vst v63  }
0x158: {  	_ =	swait.ge [sflag:s21], $0x2800  }
0x159: {  	[sflag:s21] =	ssyncset.done $0x0  }
0x15a: {  	s8 =	simm.s32 $0x190;
	[sflag:s21] =	ssyncadd.s32 $0xFFFFD800  }
0x15b: {  	[spmem:s2] =	stream.indirect.scatter.add.f32 [tilespmem:s31], [sflag:$0xD], $0x80, s8, s24, $0xb8;
	[tilespmem:$0x1F608] =	vst v63  }
0x15c: {  	_ =	swait.ge [sflag:s22], $0x2800  }
0x15d: {  	[sflag:s22] =	ssyncset.done $0x0  }
0x15e: {  	[sflag:s22] =	ssyncadd.s32 $0xFFFFD800  }
0x15f: {  	[spmem:s4] =	stream.indirect.scatter.add.bf16 [tilespmem:s6], [sflag:$0xD], $0x8, s8, s24, $0xb8;
	[tilespmem:$0x1F608] =	vst v63  }
0x160: {  	_ =	swait.ge [sflag:s22], $0x280  }
0x161: {  	[sflag:s22] =	ssyncset.done $0x0  }
0x162: {  	s3 =	simm.s32 $0x140;
	s8 =	sadd.s32 $0xC8, s14;
	[sflag:s22] =	ssyncadd.s32 $0xFFFFFD80  }
0x163: {  	[tilespmem:s3], [sflag:$0x3] =	stream.linear.gather [hbm4b:s8+s5], $0xA0, $0x38;
	[tilespmem:$0x1F608] =	vst v63  }
0x164: {  	_ =	swait.ge [sflag:s19], $0xA0  }
0x165: {  	[sflag:s19] =	ssyncset.done $0x0  }
0x166: {  	s8 =	simm.s32 $0x3C0;
	[sflag:s19] =	ssyncadd.s32 $0xFFFFFF60  }
0x167: {  	[tilespmem:s31], [sflag:$0xB] =	stream.indirect.gather [hbm4b:s1+s24], $0x80, s8, s24, $0xb8;
	[tilespmem:$0x1F608] =	vst v63  }
0x168: {  	_ =	swait.ge [sflag:s13], $0x2800  }
0x169: {  	[sflag:s13] =	ssyncset.done $0x0  }
0x16a: {  	s8 =	simm.s32 $0x230;
	[sflag:s13] =	ssyncadd.s32 $0xFFFFD800  }
0x16b: {  	[spmem:s2] =	stream.indirect.scatter.add.f32 [tilespmem:s28], [sflag:$0xD], $0x80, s8, s24, $0xb8;
	[tilespmem:$0x1F608] =	vst v63  }
0x16c: {  	_ =	swait.ge [sflag:s22], $0x2800  }
0x16d: {  	[sflag:s22] =	ssyncset.done $0x0  }
0x16e: {  	[sflag:s22] =	ssyncadd.s32 $0xFFFFD800  }
0x16f: {  	[spmem:s4] =	stream.indirect.scatter.add.bf16 [tilespmem:s6], [sflag:$0xD], $0x8, s8, s24, $0xb8;
	[tilespmem:$0x1F608] =	vst v63  }
0x170: {  	_ =	swait.ge [sflag:s22], $0x280  }
0x171: {  	[sflag:s22] =	ssyncset.done $0x0  }
0x172: {  	s12 =	simm.s32 $0x1E0;
	s8 =	sadd.s32 $0xDC, s14;
	[sflag:s22] =	ssyncadd.s32 $0xFFFFFD80  }
0x173: {  	[tilespmem:s10], [sflag:$0x4] =	stream.linear.gather [hbm4b:s8+s5], $0xA0, $0x38;
	[tilespmem:$0x1F608] =	vst v63  }
0x174: {  	_ =	swait.ge [sflag:s11], $0xA0  }
0x175: {  	[sflag:s11] =	ssyncset.done $0x0  }
0x176: {  	s8 =	simm.s32 $0x460;
	[sflag:s11] =	ssyncadd.s32 $0xFFFFFF60  }
0x177: {  	[tilespmem:s28], [sflag:$0xC] =	stream.indirect.gather [hbm4b:s1+s24], $0x80, s8, s24, $0xb8;
	[tilespmem:$0x1F608] =	vst v63  }
0x178: {  	_ =	swait.ge [sflag:s0], $0x2800  }
0x179: {  	[sflag:s0] =	ssyncset.done $0x0  }
0x17a: {  	s8 =	simm.s32 $0x2D0;
	[sflag:s0] =	ssyncadd.s32 $0xFFFFD800  }
0x17b: {  	[spmem:s2] =	stream.indirect.scatter.add.f32 [tilespmem:s26], [sflag:$0xD], $0x80, s8, s24, $0xb8;
	[tilespmem:$0x1F608] =	vst v63  }
0x17c: {  	_ =	swait.ge [sflag:s22], $0x2800  }
0x17d: {  	[sflag:s22] =	ssyncset.done $0x0  }
0x17e: {  	[sflag:s22] =	ssyncadd.s32 $0xFFFFD800  }
0x17f: {  	[spmem:s4] =	stream.indirect.scatter.add.bf16 [tilespmem:s6], [sflag:$0xD], $0x8, s8, s24, $0xb8;
	[tilespmem:$0x1F608] =	vst v63  }
0x180: {  	_ =	swait.ge [sflag:s22], $0x280  }
0x181: {  	[sflag:s22] =	ssyncset.done $0x0  }
0x182: {  	s8 =	sadd.s32 $0xF0, s14;
	[sflag:s22] =	ssyncadd.s32 $0xFFFFFD80  }
0x183: {  	[tilespmem:s9], [sflag:$0x5] =	stream.linear.gather [hbm4b:s8+s5], $0xA0, $0x38;
	[tilespmem:$0x1F608] =	vst v63  }
0x184: {  	s16 =	simm.s32 $0x280;
	s8 =	simm.s32 $0x1  }
0x185: {  	_ =	swait.ge [sflag:s8], $0xA0  }
0x186: {  	[sflag:s8] =	ssyncset.done $0x0  }
0x187: {  	[sflag:s8] =	ssyncadd.s32 $0xFFFFFF60  }
0x188: {  	[tilespmem:s26], [sflag:$0x9] =	stream.indirect.gather [hbm4b:s1+s24], $0x80, s5, s24, $0xb8;
	[tilespmem:$0x1F608] =	vst v63  }
0x189: {  	_ =	swait.ge [sflag:s7], $0x2800  }
0x18a: {  	[sflag:s7] =	ssyncset.done $0x0  }
0x18b: {  	s8 =	simm.s32 $0x370;
	[sflag:s7] =	ssyncadd.s32 $0xFFFFD800  }
0x18c: {  	[spmem:s2] =	stream.indirect.scatter.add.f32 [tilespmem:s29], [sflag:$0xD], $0x80, s8, s24, $0xb8;
	[tilespmem:$0x1F608] =	vst v63  }
0x18d: {  	_ =	swait.ge [sflag:s22], $0x2800  }
0x18e: {  	[sflag:s22] =	ssyncset.done $0x0  }
0x18f: {  	[sflag:s22] =	ssyncadd.s32 $0xFFFFD800  }
0x190: {  	[spmem:s4] =	stream.indirect.scatter.add.bf16 [tilespmem:s6], [sflag:$0xD], $0x8, s8, s24, $0xb8;
	[tilespmem:$0x1F608] =	vst v63  }
0x191: {  	p2 =	seq.s32 s20, $0x8C0;
	_ =	swait.ge [sflag:s22], $0x280  }
0x192: {  	s9 =	simm.s32 @!p2 $0x320;
	s8 =	sadd.s32 @!p2 s20, s17;
	[sflag:s22] =	ssyncset.done $0x0  }
0x193: {  	s14 =	simm.s32 @!p2 $0x0;
	s10 =	sadd.s32 @!p2 $0x104, s8;
	[sflag:s22] =	ssyncadd.s32 $0xFFFFFD80  }
0x194: {  	[tilespmem:s9], [sflag:$0x6] =	stream.linear.gather @!p2 [hbm4b:s10+s14], $0xA0, $0x38;
	[tilespmem:$0x1F608] =	vst v63  }
0x195: {  	s10 =	simm.s32 $0x2  }
0x196: {  	s20 =	sadd.s32 @!p2 $0x12C, s8;
	s9 =	sadd.s32 @!p2 $0x118, s8;
	_ =	swait.ge [sflag:s10], $0xA0  }
0x197: {  	[sflag:s10] =	ssyncset.done $0x0  }
0x198: {  	[sflag:s10] =	ssyncadd.s32 $0xFFFFFF60  }
0x199: {  	[tilespmem:s29], [sflag:$0xA] =	stream.indirect.gather [hbm4b:s1+s24], $0x80, s23, s24, $0xb8;
	[tilespmem:$0x1F608] =	vst v63  }
0x19a: {  	_ =	swait.ge [sflag:s21], $0x2800  }
0x19b: {  	[sflag:s21] =	ssyncset.done $0x0  }
0x19c: {  	s8 =	simm.s32 $0x410;
	[sflag:s21] =	ssyncadd.s32 $0xFFFFD800  }
0x19d: {  	[spmem:s2] =	stream.indirect.scatter.add.f32 [tilespmem:s31], [sflag:$0xD], $0x80, s8, s24, $0xb8;
	[tilespmem:$0x1F608] =	vst v63  }
0x19e: {  	_ =	swait.ge [sflag:s22], $0x2800  }
0x19f: {  	[sflag:s22] =	ssyncset.done $0x0  }
0x1a0: {  	[sflag:s22] =	ssyncadd.s32 $0xFFFFD800  }
0x1a1: {  	[spmem:s4] =	stream.indirect.scatter.add.bf16 [tilespmem:s6], [sflag:$0xD], $0x8, s8, s24, $0xb8;
	[tilespmem:$0x1F608] =	vst v63  }
0x1a2: {  	_ =	swait.ge [sflag:s22], $0x280  }
0x1a3: {  	[sflag:s22] =	ssyncset.done $0x0  }
0x1a4: {  	s8 =	simm.s32 @!p2 $0x3C0;
	[sflag:s22] =	ssyncadd.s32 $0xFFFFFD80  }
0x1a5: {  	[tilespmem:s8], [sflag:$0x7] =	stream.linear.gather @!p2 [hbm4b:s9+s14], $0xA0, $0x38;
	[tilespmem:$0x1F608] =	vst v63  }
0x1a6: {  	s8 =	simm.s32 $0x3  }
0x1a7: {  	_ =	swait.ge [sflag:s8], $0xA0  }
0x1a8: {  	[sflag:s8] =	ssyncset.done $0x0  }
0x1a9: {  	[sflag:s8] =	ssyncadd.s32 $0xFFFFFF60  }
0x1aa: {  	[tilespmem:s31], [sflag:$0xB] =	stream.indirect.gather [hbm4b:s1+s24], $0x80, s3, s24, $0xb8;
	[tilespmem:$0x1F608] =	vst v63  }
0x1ab: {  	_ =	swait.ge [sflag:s13], $0x2800  }
0x1ac: {  	[sflag:s13] =	ssyncset.done $0x0  }
0x1ad: {  	s8 =	simm.s32 $0x4B0;
	[sflag:s13] =	ssyncadd.s32 $0xFFFFD800  }
0x1ae: {  	[spmem:s2] =	stream.indirect.scatter.add.f32 [tilespmem:s28], [sflag:$0xD], $0x80, s8, s24, $0xb8;
	[tilespmem:$0x1F608] =	vst v63  }
0x1af: {  	_ =	swait.ge [sflag:s22], $0x2800  }
0x1b0: {  	[sflag:s22] =	ssyncset.done $0x0  }
0x1b1: {  	[sflag:s22] =	ssyncadd.s32 $0xFFFFD800  }
0x1b2: {  	[spmem:s4] =	stream.indirect.scatter.add.bf16 [tilespmem:s6], [sflag:$0xD], $0x8, s8, s24, $0xb8;
	[tilespmem:$0x1F608] =	vst v63  }
0x1b3: {  	_ =	swait.ge [sflag:s22], $0x280  }
0x1b4: {  	s3 =	simm.s32 $0x4;
	[sflag:s22] =	ssyncset.done $0x0  }
.Ltmp2:
0x1b5: {  	s8 =	simm.s32 @!p2 $0x460;
	[sflag:s22] =	ssyncadd.s32 $0xFFFFFD80;
	(pc) =	sbr.rel @p1 .LBB2_6-.Ltmp2, $4  }
0x1b6: {  	[tilespmem:s8], [sflag:$0x8] =	stream.linear.gather @!p2 [hbm4b:s20+s14], $0xA0, $0x38;
	[tilespmem:$0x1F608] =	vst v63  }
0x1b7: {  	_ =	swait.ge [sflag:s3], $0xA0  }
0x1b8: {  	[sflag:s3] =	ssyncset.done $0x0  }
0x1b9: {  	[sflag:s3] =	ssyncadd.s32 $0xFFFFFF60  }
0x1ba: {  	[tilespmem:s28], [sflag:$0xC] =	stream.indirect.gather [hbm4b:s1+s24], $0x80, s12, s24, $0xb8;
	[tilespmem:$0x1F608] =	vst v63  }
0x1bb: {  	_ =	swait.ge [sflag:s0], $0x2800  }
0x1bc: {  	[sflag:s0] =	ssyncset.done $0x0  }
0x1bd: {  	[sflag:s0] =	ssyncadd.s32 $0xFFFFD800  }
0x1be: {  	[spmem:s2] =	stream.indirect.scatter.add.f32 [tilespmem:s26], [sflag:$0xD], $0x80, s24, s24, $0xb8;
	[tilespmem:$0x1F608] =	vst v63  }
0x1bf: {  	_ =	swait.ge [sflag:s22], $0x2800  }
0x1c0: {  	[sflag:s22] =	ssyncset.done $0x0  }
0x1c1: {  	[sflag:s22] =	ssyncadd.s32 $0xFFFFD800  }
0x1c2: {  	[spmem:s4] =	stream.indirect.scatter.add.bf16 [tilespmem:s6], [sflag:$0xD], $0x8, s24, s24, $0xb8;
	[tilespmem:$0x1F608] =	vst v63  }
0x1c3: {  	_ =	swait.ge [sflag:s22], $0x280  }
0x1c4: {  	[sflag:s22] =	ssyncset.done $0x0  }
0x1c5: {  	[sflag:s22] =	ssyncadd.s32 $0xFFFFFD80  }
0x1c6: {  	_ =	swait.ge [sflag:s18], $0xA0  }
0x1c7: {  	[sflag:s18] =	ssyncset.done $0x0  }
0x1c8: {  	[sflag:s18] =	ssyncadd.s32 $0xFFFFFF60  }
0x1c9: {  	[tilespmem:s26], [sflag:$0x9] =	stream.indirect.gather [hbm4b:s1+s24], $0x80, s16, s24, $0xb8;
	[tilespmem:$0x1F608] =	vst v63  }
0x1ca: {  	_ =	swait.ge [sflag:s7], $0x2800  }
0x1cb: {  	[sflag:s7] =	ssyncset.done $0x0  }
0x1cc: {  	s3 =	simm.s32 $0xF0;
	[sflag:s7] =	ssyncadd.s32 $0xFFFFD800  }
0x1cd: {  	[spmem:s2] =	stream.indirect.scatter.add.f32 [tilespmem:s29], [sflag:$0xD], $0x80, s3, s24, $0xb8;
	[tilespmem:$0x1F608] =	vst v63  }
0x1ce: {  	_ =	swait.ge [sflag:s22], $0x2800  }
0x1cf: {  	[sflag:s22] =	ssyncset.done $0x0  }
0x1d0: {  	[sflag:s22] =	ssyncadd.s32 $0xFFFFD800  }
0x1d1: {  	[spmem:s4] =	stream.indirect.scatter.add.bf16 [tilespmem:s6], [sflag:$0xD], $0x8, s3, s24, $0xb8;
	[tilespmem:$0x1F608] =	vst v63  }
0x1d2: {  	_ =	swait.ge [sflag:s22], $0x280  }
0x1d3: {  	[sflag:s22] =	ssyncset.done $0x0  }
0x1d4: {  	[sflag:s22] =	ssyncadd.s32 $0xFFFFFD80  }
0x1d5: {  	_ =	swait.ge [sflag:s21], $0x2800  }
0x1d6: {  	[sflag:s21] =	ssyncset.done $0x0  }
0x1d7: {  	s20 =	simm.s32 $0x190;
	[sflag:s21] =	ssyncadd.s32 $0xFFFFD800  }
0x1d8: {  	[spmem:s2] =	stream.indirect.scatter.add.f32 [tilespmem:s31], [sflag:$0xD], $0x80, s20, s24, $0xb8;
	[tilespmem:$0x1F608] =	vst v63  }
0x1d9: {  	_ =	swait.ge [sflag:s22], $0x2800  }
0x1da: {  	[sflag:s22] =	ssyncset.done $0x0  }
0x1db: {  	[sflag:s22] =	ssyncadd.s32 $0xFFFFD800  }
0x1dc: {  	[spmem:s4] =	stream.indirect.scatter.add.bf16 [tilespmem:s6], [sflag:$0xD], $0x8, s20, s24, $0xb8;
	[tilespmem:$0x1F608] =	vst v63  }
0x1dd: {  	_ =	swait.ge [sflag:s22], $0x280  }
0x1de: {  	[sflag:s22] =	ssyncset.done $0x0  }
0x1df: {  	[sflag:s22] =	ssyncadd.s32 $0xFFFFFD80  }
0x1e0: {  	_ =	swait.ge [sflag:s13], $0x2800  }
0x1e1: {  	[sflag:s13] =	ssyncset.done $0x0  }
0x1e2: {  	s23 =	simm.s32 $0x230;
	[sflag:s13] =	ssyncadd.s32 $0xFFFFD800  }
0x1e3: {  	[spmem:s2] =	stream.indirect.scatter.add.f32 [tilespmem:s28], [sflag:$0xD], $0x80, s23, s24, $0xb8;
	[tilespmem:$0x1F608] =	vst v63  }
0x1e4: {  	_ =	swait.ge [sflag:s22], $0x2800  }
0x1e5: {  	[sflag:s22] =	ssyncset.done $0x0  }
0x1e6: {  	[sflag:s22] =	ssyncadd.s32 $0xFFFFD800  }
0x1e7: {  	[spmem:s4] =	stream.indirect.scatter.add.bf16 [tilespmem:s6], [sflag:$0xD], $0x8, s23, s24, $0xb8;
	[tilespmem:$0x1F608] =	vst v63  }
0x1e8: {  	_ =	swait.ge [sflag:s22], $0x280  }
0x1e9: {  	[sflag:s22] =	ssyncset.done $0x0  }
0x1ea: {  	[sflag:s22] =	ssyncadd.s32 $0xFFFFFD80  }
0x1eb: {  	_ =	swait.ge [sflag:s0], $0x2800  }
0x1ec: {  	[sflag:s0] =	ssyncset.done $0x0  }
0x1ed: {  	s30 =	simm.s32 $0x2D0;
	[sflag:s0] =	ssyncadd.s32 $0xFFFFD800  }
0x1ee: {  	[spmem:s2] =	stream.indirect.scatter.add.f32 [tilespmem:s26], [sflag:$0xD], $0x80, s30, s24, $0xb8;
	[tilespmem:$0x1F608] =	vst v63  }
0x1ef: {  	_ =	swait.ge [sflag:s22], $0x2800  }
0x1f0: {  	[sflag:s22] =	ssyncset.done $0x0  }
0x1f1: {  	[sflag:s22] =	ssyncadd.s32 $0xFFFFD800  }
0x1f2: {  	[spmem:s4] =	stream.indirect.scatter.add.bf16 [tilespmem:s6], [sflag:$0xD], $0x8, s30, s24, $0xb8;
	[tilespmem:$0x1F608] =	vst v63  }
0x1f3: {  	_ =	swait.ge [sflag:s22], $0x280  }
0x1f4: {  	[sflag:s22] =	ssyncset.done $0x0  }
0x1f5: {  	[sflag:s22] =	ssyncadd.s32 $0xFFFFFD80  }
0x1f6: {  	s8 =	sadd.s32 $0x0, s25;
	[bflag:$0x0] =	sbarrier.arrive $0xFFFF  }
0x1f7: {  	p1 =	sgt.u32 s8, $0x7C;
	s30 =	sld [smem:$0x7FD]  }
0x1f8: {  	s12 =	simm.s32 $0x2D00;
	s8 =	sshll.u32 @!p1 s25, $0x6;
	s23 =	rddreg [dreg:$0xf]  }
0x1f9: {  	s11 =	simm.s32 @!p1 $0xE;
	s9 =	sor.u32 @!p1 $0x1C0E, s8;
	s10 =	sshrl.u32 @!p1 s23, $0x3  }
0x1fa: {  	[hbm:s30], [sflag:s9] =	dma.local @!p1 [spmem:s10], $0x500  }
0x1fb: {  	s8 =	sor.u32 @!p1 $0x1C0D, s8;
	s18 =	simm.s32 $0x5500;
	_ =	swait.ge @!p1 [sflag:s11], $0x500  }
0x1fc: {  	s3 =	simm.s32 $0x500;
	[sflag:s11] =	ssyncset.done @!p1 $0x0;
	s15 =	rddreg [dreg:$0x12]  }
0x1fd: {  	s20 =	simm.s32 $0x20;
	[sflag:s11] =	ssyncadd.s32 @!p1 $0xFFFFFB00;
	s11 =	rddreg [dreg:$0x10]  }
0x1fe: {  	s10 =	simm.s32 @!p1 $0xD;
	s14 =	sadd.s32 $0x500, s15;
	s9 =	sshrl.u32 @!p1 s11, $0x3  }
0x1ff: {  	[hbm:s15], [sflag:s8] =	dma.local @!p1 [spmem:s9], $0x50  }
0x200: {  	s8 =	sadd.s32 $0x5000, s30;
	s15 =	sadd.s32 $0x2800, s11;
	_ =	swait.ge @!p1 [sflag:s10], $0x50  }
0x201: {  	s11 =	sadd.s32 $0x10, s25;
	s9 =	sadd.s32 $0x28000, s23;
	[sflag:s10] =	ssyncset.done @!p1 $0x0  }
.LBB2_8:
0x202: {  	[sflag:s10] =	ssyncadd.s32 @!p1 $0xFFFFFFB0;
	p1 =	sgt.u32 s11, $0x7C  }
0x203: {  	s11 =	smov.u32 s20;
	s20 =	sadd.s32 $0x10, s20;
	s23 =	smov.u32 s14  }
0x204: {  	p2 =	sne.s32 s20, $0x80;
	s10 =	sshll.u32 @!p1 s25, $0x6  }
0x205: {  	s28 =	sshrl.u32 @!p1 s9, $0x3;
	s30 =	simm.s32 @!p1 $0xE;
	s25 =	sor.u32 @!p1 $0x1C0E, s10  }
0x206: {  	[hbm:s8], [sflag:s25] =	dma.local @!p1 [spmem:s28], $0x500  }
0x207: {  	s25 =	sor.u32 @!p1 $0x1C0D, s10;
	_ =	swait.ge @!p1 [sflag:s30], $0x500  }
0x208: {  	s14 =	sadd.s32 $0x500, s14;
	s28 =	sshrl.u32 @!p1 s15, $0x3;
	[sflag:s30] =	ssyncset.done @!p1 $0x0  }
.Ltmp3:
0x209: {  	s10 =	simm.s32 @!p1 $0xD;
	[sflag:s30] =	ssyncadd.s32 @!p1 $0xFFFFFB00;
	(pc) =	sbr.rel @p2 .LBB2_8-.Ltmp3, $4  }
0x20a: {  	[hbm:s23], [sflag:s25] =	dma.local @!p1 [spmem:s28], $0x50  }
0x20b: {  	s25 =	stileid.u32  }
0x20c: {  	s8 =	sadd.s32 $0x5000, s8;
	s15 =	sadd.s32 $0x2800, s15;
	_ =	swait.ge @!p1 [sflag:s10], $0x50  }
0x20d: {  	s9 =	sadd.s32 $0x28000, s9;
	s11 =	sadd.s32 s11, s25;
	[sflag:s10] =	ssyncset.done @!p1 $0x0  }
0x20e: {  	p2 =	sgt.u32 s11, $0x7C  }
0x20f: {  	[sflag:s10] =	ssyncadd.s32 @!p1 $0xFFFFFFB0;
	s10 =	sshll.u32 @!p2 s25, $0x6  }
0x210: {  	s9 =	sshrl.u32 @!p2 s9, $0x3;
	s20 =	simm.s32 @!p2 $0xE;
	s11 =	sor.u32 @!p2 $0x1C0E, s10  }
0x211: {  	[hbm:s8], [sflag:s11] =	dma.local @!p2 [spmem:s9], $0x500  }
0x212: {  	_ =	swait.ge @!p2 [sflag:s20], $0x500  }
0x213: {  	s8 =	sor.u32 @!p2 $0x1C0D, s10;
	[sflag:s20] =	ssyncset.done @!p2 $0x0  }
0x214: {  	s9 =	sshrl.u32 @!p2 s15, $0x3;
	s10 =	simm.s32 @!p2 $0xD;
	[sflag:s20] =	ssyncadd.s32 @!p2 $0xFFFFFB00  }
0x215: {  	[hbm:s14], [sflag:s8] =	dma.local @!p2 [spmem:s9], $0x50  }
0x216: {  	_ =	swait.ge @!p2 [sflag:s10], $0x50  }
0x217: {  	s28 =	sld [smem:$0x7FC];
	_ =	sdelay $0x2  }
0x218: {  	s30 =	rddreg [dreg:$0xe];
	s9 =	sadd.s32 $0x1, s28  }
0x219: {  	p1 =	sne.s32 s9, s30  }
.Ltmp4:
0x21a: {  	_ = 	snop;
	(pc) =	sbr.rel @p1 .LBB2_1-.Ltmp4, $4  }
0x21b: {  	_ = 	snop  }
0x21c: {  	s16 =	simm.s32 $0xA0;
	s23 =	simm.s32 $0x280;
	s26 =	simm.s32 $0x320  }
0x21d: {  	s11 =	simm.s32 $0x140;
	s15 =	simm.s32 $0x1E0;
	[sflag:s10] =	ssyncset.done @!p2 $0x0  }
0x21e: {  	s14 =	simm.s32 $0x3C0;
	s20 =	rddreg [dreg:$0xf];
	[sflag:s10] =	ssyncadd.s32 @!p2 $0xFFFFFFB0  }
0x21f: {  	_ =	sfence.sel $0x180000  }
0x220: {  	[bflag:$0x0] =	sbarrier.arrive $0xFFFF  }
0x221: {  	_ =	strace $0x90000047  }
0x222: {  	[bflag:$0x2] =	sbarrier.arrive $0xFFFF  }
0x223: {  	p0 =	sne.s32 s25, $0x0;
	s0 =	rddreg [dreg:$0x5]  }
0x224: {  	s0 =	sadd.s32 @!p0 $0x100000, s0  }
0x225: {  	[sflag:s0] =	ssyncadd.tile.s32 @!p0 $0x1;
	_ =	shalt  }
.Lfunc_end2:
_tile_overlayer_lowered:
.L_overlay_start_2:
0x226: {  	(tag) =	ssettag $0x2  }
0x227: {  	s0 =	rddreg [dreg:$0x0];
	s2 =	stileid.u32  }
0x228: {  	s1 =	rddreg [dreg:$0x1];
	p0 =	sne.s32 s2, $0x0  }
0x229: {  	s3 =	rddreg [dreg:$0x2];
	[bflag:$0x3] =	sbarrier.arrive $0xFFFF;
	s2 =	simm.s32 @!p0 $0x1C0D  }
0x22a: {  	[timem:s3], [sflag:s2] =	dma.local @!p0 [hbm:s0], s1  }
0x22b: {  	s0 =	simm.s32 @!p0 $0xD  }
0x22c: {  	_ =	swait.ge @!p0 [sflag:s0], s1  }
0x22d: {  	s1 =	ssub.s32 @!p0 $0x0, s1;
	[sflag:s0] =	ssyncset.done @!p0 $0x0  }
0x22e: {  	[sflag:s0] =	ssyncadd.s32 @!p0 s1  }
0x22f: {  	[bflag:$0x3] =	sbarrier.arrive $0xFFFF  }
0x230: {  	_ =	shalt  }

// kernel: kernel.9.cloned.1.call-start
scs
__scs_entry_jumppad:
0x0: {  	(pc) =	sbr.rel $0x88, $3  }
0x1: {  	(tag) =	ssettag $0x0;
	lr =	simm.s32 $0x1  }
0x2: {  	[smem:$0x3F99] =	sst lr;
	_ =	strace $0xD0000000  }
0x3: {  	_ = 	snop  }
0x4: {  	_ = 	snop  }
0x5: {  	_ = 	snop  }
0x6: {  	_ = 	snop  }
0x7: {  	_ = 	snop  }
__scs_overlays_trampoline_lowered:
0x8: {  	[smem:$0x3FA8] =	sst s0  }
0x9: {  	[smem:$0x3FA9] =	sst s1  }
0xa: {  	[smem:$0x3FAA] =	sst s2  }
0xb: {  	[smem:$0x3FAB] =	sst s3  }
0xc: {  	[smem:$0x3FAC] =	sst s4  }
0xd: {  	[smem:$0x3FAD] =	sst s5  }
0xe: {  	[smem:$0x3FAE] =	sst s6  }
0xf: {  	[smem:$0x3FAF] =	sst s7  }
0x10: {  	[smem:$0x3FB0] =	sst s8  }
0x11: {  	[smem:$0x3FB1] =	sst s9;
	s0 =	simm.s32 @!p0 $0x0  }
0x12: {  	s1 =	sld [smem:$0x3F97];
	s0 =	simm.s32 @p0 $0x1  }
0x13: {  	[smem:$0x3FB2] =	sst s0;
	s0 =	simm.s32 @!p1 $0x0  }
0x14: {  	s2 =	sld [smem:$0x3F96];
	s0 =	simm.s32 @p1 $0x1  }
0x15: {  	[smem:$0x3FB3] =	sst s0;
	s0 =	simm.s32 @!p2 $0x0  }
0x16: {  	s3 =	sld [smem:$0x3FDB];
	s0 =	simm.s32 @p2 $0x1  }
0x17: {  	s4 =	simm.s32 $0x1BF5;
	[smem:$0x3FB5] =	sst s0  }
0x18: {  	s0 =	sld [smem:$0x3F98];
	_ =	swait.ge [sflag:s4], $0x0  }
0x19: {  	s7 =	sld [smem:$0x3F99]  }
0x1a: {  	s8 =	sadd.s32 $0xFFFFE003, lr  }
0x1b: {  	s9 =	sadd.s32 $0xFFFFFEF7, lr;
	s5 =	simm.s32 $0xFFFFFFFF;
	p2 =	slt.u32 s8, $0xFFFFF086  }
0x1c: {  	p1 =	slt.u32 s9, $0xF7A;
	s5 =	simm.s32 @!p2 $0x0  }
0x1d: {  	s5 =	simm.s32 @p1 $0x1;
	p0 =	seq.s32 s7, s2  }
0x1e: {  	s7 =	smul.u32 @!p0 $0xF7A, s2;
	p2 =	seq.s32 @!p0 s5, $0x0  }
0x1f: {  	s9 =	smul.u32 $0xF7A, s1;
	s8 =	simm.s32 @!p0 $0x1BF5;
	p2 =	por !p2, p0  }
0x20: {  	[sflag:s8] =	ssyncset.s32 @!p0 $0xFFFFF086;
	s6 =	sadd.s32 @!p0 s3, s7;
	s7 =	simm.s32 @!p0 $0x108  }
0x21: {  	s3 =	sadd.s32 s3, s9;
	s6 =	sadd.s32 @!p0 $0x88, s6;
	s7 =	simm.s32 @p2 $0x1082  }
0x22: {  	[simem:s7], [sflag:s8] =	dma.local @!p0 [hbm:s6], $0xF7A  }
0x23: {  	s9 =	sor.u32 $0xD0000000, s2;
	s6 =	simm.s32 $0x108;
	_ =	swait.ge @!p0 [sflag:s8], $0x0  }
0x24: {  	s3 =	sadd.s32 $0x88, s3;
	s6 =	simm.s32 @!p1 $0x1082;
	[sflag:s4] =	ssyncset.s32 $0xFFFFF086  }
0x25: {  	[simem:s6], [sflag:s4] =	dma.local [hbm:s3], $0xF7A  }
0x26: {  	[smem:$0x3F99] =	sst s1;
	(tag) =	ssettag s2;
	_ =	strace s9  }
0x27: {  	s1 =	sld [smem:$0x3FA9]  }
0x28: {  	s2 =	sld [smem:$0x3FAA]  }
0x29: {  	s4 =	sld [smem:$0x3FAC]  }
0x2a: {  	p0 =	seq.s32 s5, $0x0;
	s5 =	sld [smem:$0x3FAD]  }
0x2b: {  	s6 =	sld [smem:$0x3FAE]  }
0x2c: {  	s7 =	sld [smem:$0x3FAF]  }
0x2d: {  	s3 =	simm.s32 $0x108;
	s8 =	sld [smem:$0x3FB0]  }
0x2e: {  	s3 =	simm.s32 @!p0 $0x1082;
	s9 =	sld [smem:$0x3FB1]  }
0x2f: {  	lr =	sadd.s32 s0, s3;
	s0 =	sld [smem:$0x3FA8]  }
0x30: {  	s3 =	sld [smem:$0x3FAB]  }
0x31: {  	[smem:$0x3FB4] =	sst s10  }
0x32: {  	s10 =	sld [smem:$0x3FB2];
	_ =	sdelay $0x3  }
0x33: {  	p0 =	seq.s32 s10, $0x1;
	s10 =	sld [smem:$0x3FB4];
	_ =	sdelay $0x3  }
0x34: {  	[smem:$0x3FB4] =	sst s10  }
0x35: {  	s10 =	sld [smem:$0x3FB3];
	_ =	sdelay $0x3  }
0x36: {  	p1 =	seq.s32 s10, $0x1;
	s10 =	sld [smem:$0x3FB4];
	_ =	sdelay $0x3  }
0x37: {  	[smem:$0x3FB4] =	sst s10  }
0x38: {  	s10 =	sld [smem:$0x3FB5]  }
0x39: {  	_ = 	snop;
	(pc) =	sbr.ind lr, $3  }
0x3a: {  	_ = 	snop  }
0x3b: {  	_ = 	snop  }
0x3c: {  	p2 =	seq.s32 s10, $0x1;
	s10 =	sld [smem:$0x3FB4]  }
0x3d: {  	_ =	shalt  }
0x3e: {  	_ =	shalt  }
0x3f: {  	_ =	shalt  }
0x40: {  	_ =	shalt  }
0x41: {  	_ =	shalt  }
0x42: {  	_ =	shalt  }
0x43: {  	_ =	shalt  }
0x44: {  	_ =	shalt  }
0x45: {  	_ =	shalt  }
0x46: {  	_ =	shalt  }
0x47: {  	_ =	shalt  }
0x48: {  	_ =	shalt  }
0x49: {  	_ =	shalt  }
0x4a: {  	_ =	shalt  }
0x4b: {  	_ =	shalt  }
0x4c: {  	_ =	shalt  }
0x4d: {  	_ =	shalt  }
0x4e: {  	_ =	shalt  }
0x4f: {  	_ =	shalt  }
0x50: {  	_ =	shalt  }
0x51: {  	_ =	shalt  }
0x52: {  	_ =	shalt  }
0x53: {  	_ =	shalt  }
0x54: {  	_ =	shalt  }
0x55: {  	_ =	shalt  }
0x56: {  	_ =	shalt  }
0x57: {  	_ =	shalt  }
0x58: {  	_ =	shalt  }
0x59: {  	_ =	shalt  }
0x5a: {  	_ =	shalt  }
0x5b: {  	_ =	shalt  }
0x5c: {  	_ =	shalt  }
0x5d: {  	_ =	shalt  }
0x5e: {  	_ =	shalt  }
0x5f: {  	_ =	shalt  }
0x60: {  	_ =	shalt  }
0x61: {  	_ =	shalt  }
0x62: {  	_ =	shalt  }
0x63: {  	_ =	shalt  }
0x64: {  	_ =	shalt  }
0x65: {  	_ =	shalt  }
0x66: {  	_ =	shalt  }
0x67: {  	_ =	shalt  }
0x68: {  	_ =	shalt  }
0x69: {  	_ =	shalt  }
0x6a: {  	_ =	shalt  }
0x6b: {  	_ =	shalt  }
0x6c: {  	_ =	shalt  }
0x6d: {  	_ =	shalt  }
0x6e: {  	_ =	shalt  }
0x6f: {  	_ =	shalt  }
0x70: {  	_ =	shalt  }
0x71: {  	_ =	shalt  }
0x72: {  	_ =	shalt  }
0x73: {  	_ =	shalt  }
0x74: {  	_ =	shalt  }
0x75: {  	_ =	shalt  }
0x76: {  	_ =	shalt  }
0x77: {  	_ =	shalt  }
0x78: {  	_ =	shalt  }
0x79: {  	_ =	shalt  }
0x7a: {  	_ =	shalt  }
0x7b: {  	_ =	shalt  }
0x7c: {  	_ =	shalt  }
0x7d: {  	_ =	shalt  }
0x7e: {  	_ =	shalt  }
0x7f: {  	_ =	shalt  }
0x80: {  	_ =	shalt  }
0x81: {  	_ =	shalt  }
0x82: {  	_ =	shalt  }
0x83: {  	_ =	shalt  }
0x84: {  	_ =	shalt  }
0x85: {  	_ =	shalt  }
0x86: {  	_ =	shalt  }
0x87: {  	_ =	shalt  }
.Lfunc_end0:
.L_simem_size_0:
called_computation.1_lowered:
.L_overlay_start_0:
0x88: {  	s2 =	sld [smem:$0x3FD9]  }
0x89: {  	s3 =	sld [smem:$0x3FFE];
	_ =	sdelay $0x1  }
0x8a: {  	s1 =	srdreg.scid  }
0x8b: {  	s0 =	sand.u32 $0x1, s1  }
0x8c: {  	s17 =	sshll.u32 s0, $0xA;
	s2 =	sadd.s32 s3, s2  }
0x8d: {  	s2 =	sadd.s32 s2, s17  }
0x8e: {  	[smem:$0x3FC0] =	sst s2  }
0x8f: {  	_ = 	snop  }
0x90: {  	s2 =	sld [smem:$0x3FD0];
	(tm) =	ssettm $0x1  }
0x91: {  	s18 =	sld [smem:$0x3FFB];
	_ =	sdelay $0x3  }
0x92: {  	_ =	strace s18  }
0x93: {  	s3 =	sld [smem:$0x3FFC];
	_ =	sdelay $0x3  }
0x94: {  	_ =	strace s3  }
0x95: {  	s3 =	sld [smem:$0x3FFD];
	_ =	sdelay $0x3  }
0x96: {  	_ =	strace s3  }
0x97: {  	_ =	strace $0x8FFFFFFF  }
0x98: {  	s19 =	sld [smem:$0x3FDB];
	_ =	sdelay $0x1  }
0x99: {  	s4 =	simm.s32 $_scs_section_size  }
0x9a: {  	s5 =	simm.s32 $_size__tile_overlayer_lowered;
	s6 =	simm.s32 $_tile_overlayer_lowered  }
0x9b: {  	s22 =	simm.s32 $0x1BFF;
	s21 =	sshll.u32 s6, $0x1;
	s3 =	sadd.s32 s4, s19  }
0x9c: {  	s7 =	simm.s32 $0x0;
	s20 =	sshll.u32 s5, $0x1;
	s5 =	sadd.s32 s21, s3  }
0x9d: {  	[timem:s7], [sflag:s22] =	dma.local [hbm:s5], s20  }
0x9e: {  	_ =	swait.ge [sflag:s22], s20  }
0x9f: {  	s4 =	ssub.s32 $0x0, s20;
	[sflag:s22] =	ssyncset.done $0x0  }
0xa0: {  	[sflag:s22] =	ssyncadd.s32 s4;
	_ =	sdelay $0x1  }
0xa1: {  	s23 =	simm.s32 $0x1B8B  }
0xa2: {  	_ =	swait.ge [sflag:s23], $0x1  }
0xa3: {  	[sflag:s23] =	ssyncset.done $0x0  }
0xa4: {  	s25 =	simm.s32 $0x1B8E;
	s24 =	sld [smem:$0x3FFE];
	[sflag:s23] =	ssyncadd.s32 $0xFFFFFFFF  }
0xa5: {  	s26 =	simm.s32 $execute0_lowered;
	[smem:$0x3FD2] =	sst s25  }
0xa6: {  	s5 =	sshll.u32 s26, $0x1;
	_ =	strace $0x80000049;
	[dreg:$0x1] =	wrdreg $0xFFFFFFFF  }
0xa7: {  	s28 =	simm.s32 $_size_execute0_lowered;
	s3 =	sadd.s32 s3, s5;
	[dreg:$0x0] =	wrdreg $0x0  }
0xa8: {  	s5 =	sshll.u32 s28, $0x1;
	[dreg:$0x2] =	wrdreg s3  }
0xa9: {  	[dreg:$0x3] =	wrdreg s5  }
0xaa: {  	[dreg:$0x4] =	wrdreg $0xC0  }
0xab: {  	_ =	task [dreg:s7], $0x5FFFF  }
0xac: {  	[dreg:$0x1] =	wrdreg $0xFFFFFFFF  }
0xad: {  	[dreg:$0x0] =	wrdreg $0x60  }
0xae: {  	[dreg:$0x2] =	wrdreg s2  }
0xaf: {  	[dreg:$0x3] =	wrdreg s24  }
0xb0: {  	[dreg:$0x4] =	wrdreg $0xA5000  }
0xb1: {  	[dreg:$0x5] =	wrdreg $0x9  }
0xb2: {  	_ =	task.clear_ibuf [dreg:s7], $0x6FFFF;
	_ =	strace $0x90000049  }
0xb3: {  	s29 =	simm.s32 $0x9;
	_ =	strace $0x8000004B  }
0xb4: {  	_ =	swait.ge [sflag:s29], $0x1  }
0xb5: {  	[sflag:s29] =	ssyncadd.s32 $0xFFFFFFFF  }
0xb6: {  	_ =	strace $0x9000004B  }
0xb7: {  	_ =	sfence  }
0xb8: {  	s30 =	sld [smem:$0x0];
	_ =	sdelay $0x2  }
0xb9: {  	s31 =	sshll.u32 s1, $0xD;
	s1 =	sshrl.u32 s1, $0x2  }
0xba: {  	s3 =	sand.u32 $0x4000, s31;
	s1 =	sadd.s32 s1, s30  }
0xbb: {  	s0 =	sor.u32 s3, s0;
	s1 =	sshll.u32 s1, $0x11  }
0xbc: {  	s0 =	sor.u32 s1, s0  }
0xbd: {  	s0 =	sadd.s32 $0x8F2B, s0  }
0xbe: {  	[sflag:s0] =	ssyncadd.remote.s32 $0x1  }
0xbf: {  	_ =	sfence.sel $0xFFFF  }
0xc0: {  	[dreg:$0x0] =	wrdreg $0xFFFFFFFF;
	(pc) =	sbr.abs _section_cstart, $3  }
0xc1: {  	[dreg:$0x1] =	wrdreg $0xFFFFFFFF  }
0xc2: {  	_ =	task.clear_ibuf [dreg:s7], $0x2FFFF;
	_ =	strace $0x9FFFFFFF  }
0xc3: {  	(tm) =	ssettm $0x7FFFFFFF  }
tec
execute0_lowered:
.L_overlay_start_1:
0x0: {  	(tag) =	ssettag $0x1  }
0x1: {  	s1 =	rddreg [dreg:$0x0]  }
0x2: {  	s14 =	rddreg [dreg:$0x1];
	s0 =	srdreg.scid  }
0x3: {  	s28 =	stileid.u32;
	s3 =	rddreg [dreg:$0x2];
	s4 =	simm.s32 $0x0  }
0x4: {  	s29 =	simm.s32 $0x7D00;
	s30 =	simm.s32 $0x9;
	s31 =	simm.s32 $0x5  }
0x5: {  	s15 =	sand.u32 $0x1, s0;
	s12 =	sshll.u32 s28, $0x1;
	[smem:$0x7FF] =	sst s4  }
0x6: {  	s18 =	sadd.s32 $0x15800, s14;
	s20 =	sor.u32 $0x10, s28;
	s19 =	smul.u32 $0x138800, s15  }
0x7: {  	s0 =	sor.u32 s15, s12;
	s2 =	ssub.s32 $0x2, s15;
	s15 =	smul.u32 $0x9C4, s15  }
0x8: {  	s21 =	sor.u32 $0x20, s28;
	s22 =	sor.u32 $0x30, s28;
	s16 =	smul.u32 $0x9C4, s0  }
0x9: {  	s11 =	sor.u32 $0x50, s28;
	s14 =	sadd.s32 $0x1E00, s14;
	s17 =	smul.u32 $0x4E20, s0  }
0xa: {  	_ =	strace $0x8000004A;
	s5 =	sshrl.u32 s2, $0x1;
	s0 =	smul.u32 $0x2800, s28  }
0xb: {  	s12 =	sor.u32 $0x40, s28;
	s10 =	ssub.s32 s2, s5;
	s2 =	smul.u32 $0x2800, s20  }
0xc: {  	s5 =	smul.u32 $0x2800, s21;
	s6 =	sadd.s32 s19, s0;
	s16 =	sadd.s32 s14, s16  }
0xd: {  	s17 =	sshrl.u32 s17, $0x3;
	s10 =	smax.u32 s10, $0x1;
	s0 =	sadd.s32 s0, s3  }
0xe: {  	s7 =	sshrl.u32 s6, $0x3;
	s8 =	sadd.s32 s19, s2;
	s6 =	smul.u32 $0x2800, s22  }
0xf: {  	s23 =	sadd.s32 s19, s5;
	[dreg:$0xf] =	wrdreg s16;
	s16 =	sadd.s32 s14, s17  }
0x10: {  	[dreg:$0x17] =	wrdreg s10;
	s2 =	sadd.s32 s2, s3;
	s5 =	sadd.s32 s5, s3  }
0x11: {  	s0 =	sshrl.u32 s0, $0x3;
	s7 =	sadd.s32 s18, s7;
	s13 =	sshrl.u32 s8, $0x3  }
0x12: {  	s24 =	sshrl.u32 s23, $0x3;
	s23 =	sor.u32 $0x60, s28;
	[smem:$0x7F5] =	sst s0  }
0x13: {  	[dreg:$0x7] =	wrdreg s7;
	s7 =	sadd.s32 s18, s13;
	s25 =	sadd.s32 s19, s6  }
0x14: {  	s9 =	smul.u32 $0x2800, s23;
	[dreg:$0x8] =	wrdreg s7;
	s7 =	sadd.s32 s18, s24  }
0x15: {  	s8 =	sshrl.u32 s25, $0x3;
	[dreg:$0x9] =	wrdreg s7;
	s7 =	smul.u32 $0x2800, s12  }
0x16: {  	s17 =	smul.u32 $0xA000, s23;
	s6 =	sadd.s32 s6, s3;
	s8 =	sadd.s32 s18, s8  }
0x17: {  	[dreg:$0xa] =	wrdreg s8;
	s8 =	smul.u32 $0x2800, s11;
	s13 =	sadd.s32 s19, s7  }
0x18: {  	s24 =	sor.u32 $0x70, s28;
	s12 =	smul.u32 $0xA000, s12;
	s25 =	sshrl.u32 s13, $0x3  }
0x19: {  	s26 =	sadd.s32 s19, s8;
	s13 =	smul.u32 $0x2800, s24;
	s25 =	sadd.s32 s18, s25  }
0x1a: {  	[dreg:$0xb] =	wrdreg s25;
	s25 =	sshrl.u32 s26, $0x3;
	s26 =	sadd.s32 s19, s9  }
0x1b: {  	s19 =	sadd.s32 s19, s13;
	s25 =	sadd.s32 s18, s25;
	s26 =	sshrl.u32 s26, $0x3  }
0x1c: {  	s19 =	sshrl.u32 s19, $0x3;
	[dreg:$0xc] =	wrdreg s25;
	s25 =	sadd.s32 s18, s26  }
0x1d: {  	p0 =	sgt.u32 s24, $0x7C;
	s18 =	sadd.s32 s18, s19;
	[dreg:$0xd] =	wrdreg s25  }
0x1e: {  	s11 =	smul.u32 $0xA000, s11;
	s26 =	simm.s32 $0x370;
	[dreg:$0xe] =	wrdreg s18  }
0x1f: {  	s12 =	sshrl.u32 s12, $0x2;
	s19 =	simm.s32 $0x410;
	[dreg:$0x4] =	wrdreg s26  }
0x20: {  	s7 =	sadd.s32 s7, s3;
	[dreg:$0x5] =	wrdreg s19;
	s25 =	simm.s32 $0x4B0  }
0x21: {  	s8 =	sadd.s32 s8, s3;
	s26 =	sadd.s32 $0x14, s16;
	[dreg:$0x6] =	wrdreg s25  }
0x22: {  	s9 =	sadd.s32 s9, s3;
	s19 =	sadd.s32 $0x3C, s16;
	[dreg:$0x10] =	wrdreg s26  }
0x23: {  	s18 =	smul.u32 $0x1388, s28;
	[dreg:$0x12] =	wrdreg s19;
	s25 =	sadd.s32 $0x64, s16  }
0x24: {  	s26 =	smul.u32 $0xA000, s28;
	s19 =	sadd.s32 $0x78, s16;
	s28 =	simm.s32 $0x4  }
0x25: {  	s14 =	sadd.s32 s18, s14;
	s18 =	sadd.s32 $0x28, s16;
	[dreg:$0x14] =	wrdreg s25  }
0x26: {  	[dreg:$0x15] =	wrdreg s19;
	s25 =	smul.u32 $0xA000, s22;
	s19 =	sadd.s32 s12, s3  }
0x27: {  	s12 =	simm.s32 $0x140;
	s14 =	sadd.s32 s15, s14;
	s15 =	smul.u32 $0xA000, s20  }
0x28: {  	[dreg:$0x11] =	wrdreg s18;
	s20 =	sadd.s32 $0x50, s16;
	s16 =	sadd.s32 $0x8C, s16  }
0x29: {  	s18 =	smul.u32 $0xA000, s24;
	[dreg:$0x1c] =	wrdreg s19;
	s24 =	sshrl.u32 s2, $0x3  }
0x2a: {  	s2 =	sshrl.u32 s7, $0x3;
	s19 =	simm.s32 $0x500;
	[dreg:$0x13] =	wrdreg s20  }
0x2b: {  	s7 =	simm.s32 $0x0;
	[dreg:$0x16] =	wrdreg s16;
	s20 =	smul.u32 $0xA000, s21  }
0x2c: {  	s21 =	sshrl.u32 s26, $0x2;
	s16 =	sshrl.u32 s25, $0x2;
	[smem:$0x7F6] =	sst s24  }
0x2d: {  	s25 =	sshrl.u32 s5, $0x3;
	[smem:$0x7F9] =	sst s2;
	s5 =	sshrl.u32 s8, $0x3  }
0x2e: {  	s24 =	simm.s32 $0x2D00;
	s2 =	simm.s32 $0xA;
	s8 =	simm.s32 $0x7  }
0x2f: {  	[smem:$0x7FD] =	sst s7;
	s10 =	sadd.s32 s21, s3;
	s26 =	sshrl.u32 s15, $0x2  }
0x30: {  	s21 =	sshrl.u32 s17, $0x2;
	s22 =	sshrl.u32 s18, $0x2;
	[smem:$0x7F7] =	sst s25  }
0x31: {  	[smem:$0x7FA] =	sst s5;
	s17 =	simm.s32 $0x320;
	s18 =	simm.s32 $0x460  }
0x32: {  	s25 =	simm.s32 $0x3;
	s5 =	simm.s32 $0x6;
	[dreg:$0x18] =	wrdreg s10  }
0x33: {  	s10 =	sadd.s32 s26, s3;
	s15 =	sshrl.u32 s20, $0x2;
	s20 =	sshrl.u32 s11, $0x2  }
0x34: {  	s23 =	sadd.s32 s22, s3;
	s26 =	sshrl.u32 s6, $0x3;
	[dreg:$0x19] =	wrdreg s10  }
0x35: {  	s6 =	sshrl.u32 s9, $0x3;
	s11 =	simm.s32 $0xA0;
	[dreg:$0x1f] =	wrdreg s23  }
0x36: {  	s22 =	simm.s32 $0x50;
	s9 =	simm.s32 $0xC;
	[smem:$0x7F8] =	sst s26  }
0x37: {  	s10 =	sadd.s32 s15, s3;
	[smem:$0x7FB] =	sst s6;
	s15 =	simm.s32 $0x280  }
0x38: {  	s23 =	simm.s32 $0x2;
	[dreg:$0x1a] =	wrdreg s10;
	s10 =	sadd.s32 s16, s3  }
0x39: {  	s26 =	simm.s32 $0x5500;
	[dreg:$0x1b] =	wrdreg s10;
	s10 =	sadd.s32 s20, s3  }
0x3a: {  	s6 =	simm.s32 $0xB;
	[dreg:$0x1d] =	wrdreg s10;
	s10 =	sadd.s32 s21, s3  }
0x3b: {  	s16 =	simm.s32 $0x8;
	[dreg:$0x1e] =	wrdreg s10;
	s10 =	sadd.s32 s13, s3  }
0x3c: {  	s20 =	simm.s32 $0xD;
	s21 =	simm.s32 $0x1;
	s0 =	sshrl.u32 @!p0 s10, $0x3  }
0x3d: {  	v0 =	vimm.f32 $0.0e+00;
	s13 =	simm.s32 $0x1E0;
	s10 =	simm.s32 $0x3C0;
	[smem:$0x7FC] =	sst s0  }
.LBB2_1:
0x3e: {  	s0 =	simm.s32 $0x0;
	s7 =	simm.s32 $0x200  }
.LBB2_2:
0x3f: {  	p1 =	sne.s32 s7, $0x9E00;
	[tilespmem:s0+$0x570] =	vst v0  }
0x40: {  	[tilespmem:s0+$0x500] =	vst v0  }
0x41: {  	[tilespmem:s0+$0x510] =	vst v0  }
.Ltmp0:
0x42: {  	[tilespmem:s0+$0x520] =	vst v0;
	(pc) =	sbr.rel @p1 .LBB2_2-.Ltmp0, $4  }
0x43: {  	[tilespmem:s0+$0x530] =	vst v0  }
0x44: {  	[tilespmem:s0+$0x540] =	vst v0  }
0x45: {  	[tilespmem:s0+$0x550] =	vst v0  }
0x46: {  	[tilespmem:s0+$0x560] =	vst v0;
	s0 =	sshra.s32 s7, $0x2;
	s7 =	sadd.s32 $0x200, s7  }
0x47: {  	[tilespmem:s0+$0x570] =	vst v0  }
0x48: {  	[tilespmem:s0+$0x500] =	vst v0  }
0x49: {  	[tilespmem:s0+$0x510] =	vst v0  }
0x4a: {  	[tilespmem:s0+$0x520] =	vst v0  }
0x4b: {  	[tilespmem:s0+$0x530] =	vst v0  }
0x4c: {  	[tilespmem:s0+$0x540] =	vst v0  }
0x4d: {  	[tilespmem:s0+$0x550] =	vst v0  }
0x4e: {  	[tilespmem:s0+$0x560] =	vst v0;
	s7 =	rddreg [dreg:$0xf]  }
0x4f: {  	[tilespmem:s4], [sflag:$0x1] =	stream.linear.gather [hbm4b:s7+s4], $0xA0, $0x38;
	[tilespmem:$0x1DD80] =	vst v63  }
0x50: {  	s7 =	rddreg [dreg:$0x10]  }
0x51: {  	[tilespmem:s11], [sflag:$0x2] =	stream.linear.gather [hbm4b:s7+s4], $0xA0, $0x38;
	[tilespmem:$0x1DD80] =	vst v63  }
0x52: {  	s7 =	rddreg [dreg:$0x11]  }
0x53: {  	[tilespmem:s12], [sflag:$0x3] =	stream.linear.gather [hbm4b:s7+s4], $0xA0, $0x38;
	[tilespmem:$0x1DD80] =	vst v63  }
0x54: {  	s7 =	rddreg [dreg:$0x12]  }
0x55: {  	[tilespmem:s13], [sflag:$0x4] =	stream.linear.gather [hbm4b:s7+s4], $0xA0, $0x38;
	[tilespmem:$0x1DD80] =	vst v63  }
0x56: {  	s7 =	rddreg [dreg:$0x13]  }
0x57: {  	[tilespmem:s15], [sflag:$0x5] =	stream.linear.gather [hbm4b:s7+s4], $0xA0, $0x38;
	[tilespmem:$0x1DD80] =	vst v63  }
0x58: {  	s7 =	rddreg [dreg:$0x14]  }
0x59: {  	[tilespmem:s17], [sflag:$0x6] =	stream.linear.gather [hbm4b:s7+s4], $0xA0, $0x38;
	[tilespmem:$0x1DD80] =	vst v63  }
0x5a: {  	s7 =	rddreg [dreg:$0x15]  }
0x5b: {  	[tilespmem:s10], [sflag:$0x7] =	stream.linear.gather [hbm4b:s7+s4], $0xA0, $0x38;
	[tilespmem:$0x1DD80] =	vst v63  }
0x5c: {  	s7 =	rddreg [dreg:$0x16]  }
0x5d: {  	[tilespmem:s18], [sflag:$0x8] =	stream.linear.gather [hbm4b:s7+s4], $0xA0, $0x38;
	[tilespmem:$0x1DD80] =	vst v63  }
0x5e: {  	s7 =	rddreg [dreg:$0x18]  }
0x5f: {  	[spmem:s7] =	stream.linear.scatter [tilespmem:s19], [sflag:$0xD], $0x2800, $0x38;
	[tilespmem:$0x1DD80] =	vst v63  }
0x60: {  	_ =	swait.ge [sflag:s20], $0x2800  }
0x61: {  	[sflag:s20] =	ssyncset.done $0x0  }
0x62: {  	s7 =	rddreg [dreg:$0x19];
	[sflag:s20] =	ssyncadd.s32 $0xFFFFD800  }
0x63: {  	[spmem:s7] =	stream.linear.scatter [tilespmem:s19], [sflag:$0xD], $0x2800, $0x38;
	[tilespmem:$0x1DD80] =	vst v63  }
0x64: {  	_ =	swait.ge [sflag:s20], $0x2800  }
0x65: {  	[sflag:s20] =	ssyncset.done $0x0  }
0x66: {  	s7 =	rddreg [dreg:$0x1a];
	[sflag:s20] =	ssyncadd.s32 $0xFFFFD800  }
0x67: {  	[spmem:s7] =	stream.linear.scatter [tilespmem:s19], [sflag:$0xD], $0x2800, $0x38;
	[tilespmem:$0x1DD80] =	vst v63  }
0x68: {  	_ =	swait.ge [sflag:s20], $0x2800  }
0x69: {  	[sflag:s20] =	ssyncset.done $0x0  }
0x6a: {  	s7 =	rddreg [dreg:$0x1b];
	[sflag:s20] =	ssyncadd.s32 $0xFFFFD800  }
0x6b: {  	[spmem:s7] =	stream.linear.scatter [tilespmem:s19], [sflag:$0xD], $0x2800, $0x38;
	[tilespmem:$0x1DD80] =	vst v63  }
0x6c: {  	_ =	swait.ge [sflag:s20], $0x2800  }
0x6d: {  	[sflag:s20] =	ssyncset.done $0x0  }
0x6e: {  	s7 =	rddreg [dreg:$0x1c];
	[sflag:s20] =	ssyncadd.s32 $0xFFFFD800  }
0x6f: {  	[spmem:s7] =	stream.linear.scatter [tilespmem:s19], [sflag:$0xD], $0x2800, $0x38;
	[tilespmem:$0x1DD80] =	vst v63  }
0x70: {  	_ =	swait.ge [sflag:s20], $0x2800  }
0x71: {  	[sflag:s20] =	ssyncset.done $0x0  }
0x72: {  	s7 =	rddreg [dreg:$0x1d];
	[sflag:s20] =	ssyncadd.s32 $0xFFFFD800  }
0x73: {  	[spmem:s7] =	stream.linear.scatter [tilespmem:s19], [sflag:$0xD], $0x2800, $0x38;
	[tilespmem:$0x1DD80] =	vst v63  }
0x74: {  	_ =	swait.ge [sflag:s20], $0x2800  }
0x75: {  	[sflag:s20] =	ssyncset.done $0x0  }
0x76: {  	s7 =	rddreg [dreg:$0x1e];
	[sflag:s20] =	ssyncadd.s32 $0xFFFFD800  }
0x77: {  	[spmem:s7] =	stream.linear.scatter [tilespmem:s19], [sflag:$0xD], $0x2800, $0x38;
	[tilespmem:$0x1DD80] =	vst v63  }
0x78: {  	_ =	swait.ge [sflag:s20], $0x2800  }
0x79: {  	[sflag:s20] =	ssyncset.done $0x0  }
0x7a: {  	s0 =	simm.s32 @!p0 $0x500;
	s7 =	rddreg [dreg:$0x1f];
	[sflag:s20] =	ssyncadd.s32 $0xFFFFD800  }
0x7b: {  	[spmem:s7] =	stream.linear.scatter @!p0 [tilespmem:s0], [sflag:$0xD], $0x2800, $0x38;
	[tilespmem:$0x1DD80] =	vst v63  }
0x7c: {  	s0 =	simm.s32 @!p0 $0xD  }
0x7d: {  	_ =	swait.ge @!p0 [sflag:s0], $0x2800  }
0x7e: {  	[sflag:s0] =	ssyncset.done @!p0 $0x0  }
0x7f: {  	[sflag:s0] =	ssyncadd.s32 @!p0 $0xFFFFD800  }
0x80: {  	[bflag:$0x0] =	sbarrier.arrive $0xFFFF  }
0x81: {  	_ =	swait.ge [sflag:s21], $0xA0  }
0x82: {  	[sflag:s21] =	ssyncset.done $0x0  }
0x83: {  	s7 =	simm.s32 $0x0;
	[sflag:s21] =	ssyncadd.s32 $0xFFFFFF60  }
0x84: {  	[tilespmem:s19], [sflag:$0x9] =	stream.indirect.gather [hbm4b:s1+s22], $0x80, s7, s22, $0xb8;
	[tilespmem:$0x1DD80] =	vst v63  }
0x85: {  	_ =	swait.ge [sflag:s23], $0xA0  }
0x86: {  	[sflag:s23] =	ssyncset.done $0x0  }
0x87: {  	[sflag:s23] =	ssyncadd.s32 $0xFFFFFF60  }
0x88: {  	[tilespmem:s24], [sflag:$0xA] =	stream.indirect.gather [hbm4b:s1+s22], $0x80, s11, s22, $0xb8;
	[tilespmem:$0x1DD80] =	vst v63  }
0x89: {  	_ =	swait.ge [sflag:s25], $0xA0  }
0x8a: {  	[sflag:s25] =	ssyncset.done $0x0  }
0x8b: {  	[sflag:s25] =	ssyncadd.s32 $0xFFFFFF60  }
0x8c: {  	[tilespmem:s26], [sflag:$0xB] =	stream.indirect.gather [hbm4b:s1+s22], $0x80, s12, s22, $0xb8;
	[tilespmem:$0x1DD80] =	vst v63  }
0x8d: {  	_ =	swait.ge [sflag:s28], $0xA0  }
0x8e: {  	[sflag:s28] =	ssyncset.done $0x0  }
0x8f: {  	[sflag:s28] =	ssyncadd.s32 $0xFFFFFF60  }
0x90: {  	[tilespmem:s29], [sflag:$0xC] =	stream.indirect.gather [hbm4b:s1+s22], $0x80, s13, s22, $0xb8;
	[tilespmem:$0x1DD80] =	vst v63  }
0x91: {  	_ =	swait.ge [sflag:s30], $0x2800  }
0x92: {  	[sflag:s30] =	ssyncset.done $0x0  }
0x93: {  	[sflag:s30] =	ssyncadd.s32 $0xFFFFD800  }
0x94: {  	[spmem:s3] =	stream.indirect.scatter.add.f32 [tilespmem:s19], [sflag:$0xD], $0x80, s22, s22, $0xb8;
	[tilespmem:$0x1DD80] =	vst v63  }
0x95: {  	_ =	swait.ge [sflag:s20], $0x2800  }
0x96: {  	s0 =	sadd.s32 $0x0, s14;
	[sflag:s20] =	ssyncset.done $0x0  }
0x97: {  	s7 =	sadd.s32 $0xA0, s0;
	[sflag:s20] =	ssyncadd.s32 $0xFFFFD800  }
0x98: {  	[tilespmem:s4], [sflag:$0x1] =	stream.linear.gather [hbm4b:s7+s4], $0xA0, $0x38;
	[tilespmem:$0x1DD80] =	vst v63  }
0x99: {  	_ =	swait.ge [sflag:s31], $0xA0  }
0x9a: {  	[sflag:s31] =	ssyncset.done $0x0  }
0x9b: {  	[sflag:s31] =	ssyncadd.s32 $0xFFFFFF60  }
0x9c: {  	[tilespmem:s19], [sflag:$0x9] =	stream.indirect.gather [hbm4b:s1+s22], $0x80, s15, s22, $0xb8;
	[tilespmem:$0x1DD80] =	vst v63  }
0x9d: {  	_ =	swait.ge [sflag:s2], $0x2800  }
0x9e: {  	[sflag:s2] =	ssyncset.done $0x0  }
0x9f: {  	s7 =	simm.s32 $0xF0;
	[sflag:s2] =	ssyncadd.s32 $0xFFFFD800  }
0xa0: {  	[spmem:s3] =	stream.indirect.scatter.add.f32 [tilespmem:s24], [sflag:$0xD], $0x80, s7, s22, $0xb8;
	[tilespmem:$0x1DD80] =	vst v63  }
0xa1: {  	_ =	swait.ge [sflag:s20], $0x2800  }
0xa2: {  	[sflag:s20] =	ssyncset.done $0x0  }
0xa3: {  	s7 =	sadd.s32 $0xB4, s0;
	[sflag:s20] =	ssyncadd.s32 $0xFFFFD800  }
0xa4: {  	[tilespmem:s11], [sflag:$0x2] =	stream.linear.gather [hbm4b:s7+s4], $0xA0, $0x38;
	[tilespmem:$0x1DD80] =	vst v63  }
0xa5: {  	_ =	swait.ge [sflag:s5], $0xA0  }
0xa6: {  	[sflag:s5] =	ssyncset.done $0x0  }
0xa7: {  	[sflag:s5] =	ssyncadd.s32 $0xFFFFFF60  }
0xa8: {  	[tilespmem:s24], [sflag:$0xA] =	stream.indirect.gather [hbm4b:s1+s22], $0x80, s17, s22, $0xb8;
	[tilespmem:$0x1DD80] =	vst v63  }
0xa9: {  	_ =	swait.ge [sflag:s6], $0x2800  }
0xaa: {  	[sflag:s6] =	ssyncset.done $0x0  }
0xab: {  	s7 =	simm.s32 $0x190;
	[sflag:s6] =	ssyncadd.s32 $0xFFFFD800  }
0xac: {  	[spmem:s3] =	stream.indirect.scatter.add.f32 [tilespmem:s26], [sflag:$0xD], $0x80, s7, s22, $0xb8;
	[tilespmem:$0x1DD80] =	vst v63  }
0xad: {  	_ =	swait.ge [sflag:s20], $0x2800  }
0xae: {  	[sflag:s20] =	ssyncset.done $0x0  }
0xaf: {  	s7 =	sadd.s32 $0xC8, s0;
	[sflag:s20] =	ssyncadd.s32 $0xFFFFD800  }
0xb0: {  	[tilespmem:s12], [sflag:$0x3] =	stream.linear.gather [hbm4b:s7+s4], $0xA0, $0x38;
	[tilespmem:$0x1DD80] =	vst v63  }
0xb1: {  	_ =	swait.ge [sflag:s8], $0xA0  }
0xb2: {  	[sflag:s8] =	ssyncset.done $0x0  }
0xb3: {  	[sflag:s8] =	ssyncadd.s32 $0xFFFFFF60  }
0xb4: {  	[tilespmem:s26], [sflag:$0xB] =	stream.indirect.gather [hbm4b:s1+s22], $0x80, s10, s22, $0xb8;
	[tilespmem:$0x1DD80] =	vst v63  }
0xb5: {  	_ =	swait.ge [sflag:s9], $0x2800  }
0xb6: {  	[sflag:s9] =	ssyncset.done $0x0  }
0xb7: {  	s10 =	simm.s32 $0x230;
	[sflag:s9] =	ssyncadd.s32 $0xFFFFD800  }
0xb8: {  	[spmem:s3] =	stream.indirect.scatter.add.f32 [tilespmem:s29], [sflag:$0xD], $0x80, s10, s22, $0xb8;
	[tilespmem:$0x1DD80] =	vst v63  }
0xb9: {  	_ =	swait.ge [sflag:s20], $0x2800  }
0xba: {  	[sflag:s20] =	ssyncset.done $0x0  }
0xbb: {  	s10 =	sadd.s32 $0xDC, s0;
	[sflag:s20] =	ssyncadd.s32 $0xFFFFD800  }
0xbc: {  	[tilespmem:s13], [sflag:$0x4] =	stream.linear.gather [hbm4b:s10+s4], $0xA0, $0x38;
	[tilespmem:$0x1DD80] =	vst v63  }
0xbd: {  	_ =	swait.ge [sflag:s16], $0xA0  }
0xbe: {  	[sflag:s16] =	ssyncset.done $0x0  }
0xbf: {  	[sflag:s16] =	ssyncadd.s32 $0xFFFFFF60  }
0xc0: {  	[tilespmem:s29], [sflag:$0xC] =	stream.indirect.gather [hbm4b:s1+s22], $0x80, s18, s22, $0xb8;
	[tilespmem:$0x1DD80] =	vst v63  }
0xc1: {  	_ =	swait.ge [sflag:s30], $0x2800  }
0xc2: {  	[sflag:s30] =	ssyncset.done $0x0  }
0xc3: {  	s10 =	simm.s32 $0x2D0;
	[sflag:s30] =	ssyncadd.s32 $0xFFFFD800  }
0xc4: {  	[spmem:s3] =	stream.indirect.scatter.add.f32 [tilespmem:s19], [sflag:$0xD], $0x80, s10, s22, $0xb8;
	[tilespmem:$0x1DD80] =	vst v63  }
0xc5: {  	_ =	swait.ge [sflag:s20], $0x2800  }
0xc6: {  	[sflag:s20] =	ssyncset.done $0x0  }
0xc7: {  	s0 =	sadd.s32 $0xF0, s0;
	[sflag:s20] =	ssyncadd.s32 $0xFFFFD800  }
0xc8: {  	[tilespmem:s15], [sflag:$0x5] =	stream.linear.gather [hbm4b:s0+s4], $0xA0, $0x38;
	[tilespmem:$0x1DD80] =	vst v63  }
0xc9: {  	_ =	swait.ge [sflag:s21], $0xA0  }
0xca: {  	[sflag:s21] =	ssyncset.done $0x0  }
0xcb: {  	[sflag:s21] =	ssyncadd.s32 $0xFFFFFF60  }
0xcc: {  	[tilespmem:s19], [sflag:$0x9] =	stream.indirect.gather [hbm4b:s1+s22], $0x80, s4, s22, $0xb8;
	[tilespmem:$0x1DD80] =	vst v63  }
0xcd: {  	_ =	swait.ge [sflag:s2], $0x2800  }
0xce: {  	[sflag:s2] =	ssyncset.done $0x0  }
0xcf: {  	s13 =	rddreg [dreg:$0x4];
	[sflag:s2] =	ssyncadd.s32 $0xFFFFD800  }
0xd0: {  	[spmem:s3] =	stream.indirect.scatter.add.f32 [tilespmem:s24], [sflag:$0xD], $0x80, s13, s22, $0xb8;
	[tilespmem:$0x1DD80] =	vst v63  }
0xd1: {  	p1 =	por $0x0, $0x0;
	_ =	swait.ge [sflag:s20], $0x2800  }
0xd2: {  	s7 =	simm.s32 @!p1 $0x320;
	s0 =	sadd.s32 @!p1 $0x0, s14;
	[sflag:s20] =	ssyncset.done $0x0  }
0xd3: {  	s10 =	simm.s32 @!p1 $0x0;
	s18 =	sadd.s32 @!p1 $0x104, s0;
	[sflag:s20] =	ssyncadd.s32 $0xFFFFD800  }
0xd4: {  	[tilespmem:s7], [sflag:$0x6] =	stream.linear.gather @!p1 [hbm4b:s18+s10], $0xA0, $0x38;
	[tilespmem:$0x1DD80] =	vst v63  }
0xd5: {  	_ =	swait.ge [sflag:s23], $0xA0  }
0xd6: {  	[sflag:s23] =	ssyncset.done $0x0  }
0xd7: {  	[sflag:s23] =	ssyncadd.s32 $0xFFFFFF60  }
0xd8: {  	[tilespmem:s24], [sflag:$0xA] =	stream.indirect.gather [hbm4b:s1+s22], $0x80, s11, s22, $0xb8;
	[tilespmem:$0x1DD80] =	vst v63  }
0xd9: {  	_ =	swait.ge [sflag:s6], $0x2800  }
0xda: {  	[sflag:s6] =	ssyncset.done $0x0  }
0xdb: {  	s15 =	rddreg [dreg:$0x5];
	[sflag:s6] =	ssyncadd.s32 $0xFFFFD800  }
0xdc: {  	[spmem:s3] =	stream.indirect.scatter.add.f32 [tilespmem:s26], [sflag:$0xD], $0x80, s15, s22, $0xb8;
	[tilespmem:$0x1DD80] =	vst v63  }
0xdd: {  	_ =	swait.ge [sflag:s20], $0x2800  }
0xde: {  	[sflag:s20] =	ssyncset.done $0x0  }
0xdf: {  	s18 =	sadd.s32 @!p1 $0x118, s0;
	s7 =	simm.s32 @!p1 $0x3C0;
	[sflag:s20] =	ssyncadd.s32 $0xFFFFD800  }
0xe0: {  	[tilespmem:s7], [sflag:$0x7] =	stream.linear.gather @!p1 [hbm4b:s18+s10], $0xA0, $0x38;
	[tilespmem:$0x1DD80] =	vst v63  }
0xe1: {  	_ =	swait.ge [sflag:s25], $0xA0  }
0xe2: {  	[sflag:s25] =	ssyncset.done $0x0  }
0xe3: {  	[sflag:s25] =	ssyncadd.s32 $0xFFFFFF60  }
0xe4: {  	[tilespmem:s26], [sflag:$0xB] =	stream.indirect.gather [hbm4b:s1+s22], $0x80, s12, s22, $0xb8;
	[tilespmem:$0x1DD80] =	vst v63  }
0xe5: {  	_ =	swait.ge [sflag:s9], $0x2800  }
0xe6: {  	[sflag:s9] =	ssyncset.done $0x0  }
0xe7: {  	s18 =	rddreg [dreg:$0x6];
	[sflag:s9] =	ssyncadd.s32 $0xFFFFD800  }
0xe8: {  	[spmem:s3] =	stream.indirect.scatter.add.f32 [tilespmem:s29], [sflag:$0xD], $0x80, s18, s22, $0xb8;
	[tilespmem:$0x1DD80] =	vst v63  }
0xe9: {  	_ =	swait.ge [sflag:s20], $0x2800  }
0xea: {  	[sflag:s20] =	ssyncset.done $0x0  }
0xeb: {  	s0 =	sadd.s32 @!p1 $0x12C, s0;
	s7 =	simm.s32 @!p1 $0x460;
	[sflag:s20] =	ssyncadd.s32 $0xFFFFD800  }
0xec: {  	[tilespmem:s7], [sflag:$0x8] =	stream.linear.gather @!p1 [hbm4b:s0+s10], $0xA0, $0x38;
	[tilespmem:$0x1DD80] =	vst v63  }
0xed: {  	s13 =	simm.s32 $0x140;
	_ =	swait.ge [sflag:s28], $0xA0  }
0xee: {  	s11 =	simm.s32 $0x280;
	s15 =	simm.s32 $0x1E0;
	[sflag:s28] =	ssyncset.done $0x0  }
0xef: {  	s12 =	simm.s32 $0xA0;
	s18 =	simm.s32 $0xA0;
	[sflag:s28] =	ssyncadd.s32 $0xFFFFFF60  }
.LBB2_4:
0xf0: {  	[tilespmem:s29], [sflag:$0xC] =	stream.indirect.gather [hbm4b:s1+s22], $0x80, s15, s22, $0xb8;
	[tilespmem:$0x1DD80] =	vst v63  }
0xf1: {  	_ =	swait.ge [sflag:s30], $0x2800  }
0xf2: {  	[sflag:s30] =	ssyncset.done $0x0  }
0xf3: {  	[sflag:s30] =	ssyncadd.s32 $0xFFFFD800  }
0xf4: {  	[spmem:s3] =	stream.indirect.scatter.add.f32 [tilespmem:s19], [sflag:$0xD], $0x80, s22, s22, $0xb8;
	[tilespmem:$0x1DD80] =	vst v63  }
0xf5: {  	s0 =	smov.u32 s18;
	_ =	swait.ge [sflag:s20], $0x2800  }
0xf6: {  	s7 =	sadd.s32 s0, s14;
	[sflag:s20] =	ssyncset.done $0x0  }
0xf7: {  	s10 =	sadd.s32 $0xA0, s7;
	[sflag:s20] =	ssyncadd.s32 $0xFFFFD800  }
0xf8: {  	[tilespmem:s4], [sflag:$0x1] =	stream.linear.gather [hbm4b:s10+s4], $0xA0, $0x38;
	[tilespmem:$0x1DD80] =	vst v63  }
0xf9: {  	_ =	swait.ge [sflag:s31], $0xA0  }
0xfa: {  	[sflag:s31] =	ssyncset.done $0x0  }
0xfb: {  	[sflag:s31] =	ssyncadd.s32 $0xFFFFFF60  }
0xfc: {  	[tilespmem:s19], [sflag:$0x9] =	stream.indirect.gather [hbm4b:s1+s22], $0x80, s11, s22, $0xb8;
	[tilespmem:$0x1DD80] =	vst v63  }
0xfd: {  	_ =	swait.ge [sflag:s2], $0x2800  }
0xfe: {  	[sflag:s2] =	ssyncset.done $0x0  }
0xff: {  	s10 =	simm.s32 $0xF0;
	[sflag:s2] =	ssyncadd.s32 $0xFFFFD800  }
0x100: {  	[spmem:s3] =	stream.indirect.scatter.add.f32 [tilespmem:s24], [sflag:$0xD], $0x80, s10, s22, $0xb8;
	[tilespmem:$0x1DD80] =	vst v63  }
0x101: {  	_ =	swait.ge [sflag:s20], $0x2800  }
0x102: {  	[sflag:s20] =	ssyncset.done $0x0  }
0x103: {  	s10 =	sadd.s32 $0xB4, s7;
	[sflag:s20] =	ssyncadd.s32 $0xFFFFD800  }
0x104: {  	[tilespmem:s12], [sflag:$0x2] =	stream.linear.gather [hbm4b:s10+s4], $0xA0, $0x38;
	[tilespmem:$0x1DD80] =	vst v63  }
0x105: {  	_ =	swait.ge [sflag:s5], $0xA0  }
0x106: {  	[sflag:s5] =	ssyncset.done $0x0  }
0x107: {  	[sflag:s5] =	ssyncadd.s32 $0xFFFFFF60  }
0x108: {  	[tilespmem:s24], [sflag:$0xA] =	stream.indirect.gather [hbm4b:s1+s22], $0x80, s17, s22, $0xb8;
	[tilespmem:$0x1DD80] =	vst v63  }
0x109: {  	_ =	swait.ge [sflag:s6], $0x2800  }
0x10a: {  	[sflag:s6] =	ssyncset.done $0x0  }
0x10b: {  	s17 =	simm.s32 $0x190;
	[sflag:s6] =	ssyncadd.s32 $0xFFFFD800  }
0x10c: {  	[spmem:s3] =	stream.indirect.scatter.add.f32 [tilespmem:s26], [sflag:$0xD], $0x80, s17, s22, $0xb8;
	[tilespmem:$0x1DD80] =	vst v63  }
0x10d: {  	_ =	swait.ge [sflag:s20], $0x2800  }
0x10e: {  	[sflag:s20] =	ssyncset.done $0x0  }
0x10f: {  	s17 =	sadd.s32 $0xC8, s7;
	[sflag:s20] =	ssyncadd.s32 $0xFFFFD800  }
0x110: {  	[tilespmem:s13], [sflag:$0x3] =	stream.linear.gather [hbm4b:s17+s4], $0xA0, $0x38;
	[tilespmem:$0x1DD80] =	vst v63  }
0x111: {  	_ =	swait.ge [sflag:s8], $0xA0  }
0x112: {  	[sflag:s8] =	ssyncset.done $0x0  }
0x113: {  	s17 =	simm.s32 $0x3C0;
	[sflag:s8] =	ssyncadd.s32 $0xFFFFFF60  }
0x114: {  	[tilespmem:s26], [sflag:$0xB] =	stream.indirect.gather [hbm4b:s1+s22], $0x80, s17, s22, $0xb8;
	[tilespmem:$0x1DD80] =	vst v63  }
0x115: {  	_ =	swait.ge [sflag:s9], $0x2800  }
0x116: {  	[sflag:s9] =	ssyncset.done $0x0  }
0x117: {  	s17 =	simm.s32 $0x230;
	[sflag:s9] =	ssyncadd.s32 $0xFFFFD800  }
0x118: {  	[spmem:s3] =	stream.indirect.scatter.add.f32 [tilespmem:s29], [sflag:$0xD], $0x80, s17, s22, $0xb8;
	[tilespmem:$0x1DD80] =	vst v63  }
0x119: {  	_ =	swait.ge [sflag:s20], $0x2800  }
0x11a: {  	[sflag:s20] =	ssyncset.done $0x0  }
0x11b: {  	s17 =	sadd.s32 $0xDC, s7;
	[sflag:s20] =	ssyncadd.s32 $0xFFFFD800  }
0x11c: {  	[tilespmem:s15], [sflag:$0x4] =	stream.linear.gather [hbm4b:s17+s4], $0xA0, $0x38;
	[tilespmem:$0x1DD80] =	vst v63  }
0x11d: {  	_ =	swait.ge [sflag:s16], $0xA0  }
0x11e: {  	[sflag:s16] =	ssyncset.done $0x0  }
0x11f: {  	s17 =	simm.s32 $0x460;
	[sflag:s16] =	ssyncadd.s32 $0xFFFFFF60  }
0x120: {  	[tilespmem:s29], [sflag:$0xC] =	stream.indirect.gather [hbm4b:s1+s22], $0x80, s17, s22, $0xb8;
	[tilespmem:$0x1DD80] =	vst v63  }
0x121: {  	_ =	swait.ge [sflag:s30], $0x2800  }
0x122: {  	[sflag:s30] =	ssyncset.done $0x0  }
0x123: {  	s17 =	simm.s32 $0x2D0;
	[sflag:s30] =	ssyncadd.s32 $0xFFFFD800  }
0x124: {  	[spmem:s3] =	stream.indirect.scatter.add.f32 [tilespmem:s19], [sflag:$0xD], $0x80, s17, s22, $0xb8;
	[tilespmem:$0x1DD80] =	vst v63  }
0x125: {  	_ =	swait.ge [sflag:s20], $0x2800  }
0x126: {  	[sflag:s20] =	ssyncset.done $0x0  }
0x127: {  	s7 =	sadd.s32 $0xF0, s7;
	[sflag:s20] =	ssyncadd.s32 $0xFFFFD800  }
0x128: {  	[tilespmem:s11], [sflag:$0x5] =	stream.linear.gather [hbm4b:s7+s4], $0xA0, $0x38;
	[tilespmem:$0x1DD80] =	vst v63  }
0x129: {  	_ =	swait.ge [sflag:s21], $0xA0  }
0x12a: {  	[sflag:s21] =	ssyncset.done $0x0  }
0x12b: {  	[sflag:s21] =	ssyncadd.s32 $0xFFFFFF60  }
0x12c: {  	[tilespmem:s19], [sflag:$0x9] =	stream.indirect.gather [hbm4b:s1+s22], $0x80, s4, s22, $0xb8;
	[tilespmem:$0x1DD80] =	vst v63  }
0x12d: {  	_ =	swait.ge [sflag:s2], $0x2800  }
0x12e: {  	[sflag:s2] =	ssyncset.done $0x0  }
0x12f: {  	p2 =	seq.s32 s0, $0x8C0;
	s17 =	rddreg [dreg:$0x4];
	[sflag:s2] =	ssyncadd.s32 $0xFFFFD800  }
0x130: {  	[spmem:s3] =	stream.indirect.scatter.add.f32 [tilespmem:s24], [sflag:$0xD], $0x80, s17, s22, $0xb8;
	[tilespmem:$0x1DD80] =	vst v63  }
0x131: {  	s0 =	sadd.s32 @!p2 s0, s14;
	_ =	swait.ge [sflag:s20], $0x2800  }
0x132: {  	s10 =	sadd.s32 @!p2 $0x104, s0;
	[sflag:s20] =	ssyncset.done $0x0  }
0x133: {  	s7 =	simm.s32 @!p2 $0x320;
	s17 =	simm.s32 @!p2 $0x0;
	[sflag:s20] =	ssyncadd.s32 $0xFFFFD800  }
0x134: {  	[tilespmem:s7], [sflag:$0x6] =	stream.linear.gather @!p2 [hbm4b:s10+s17], $0xA0, $0x38;
	[tilespmem:$0x1DD80] =	vst v63  }
0x135: {  	_ =	swait.ge [sflag:s23], $0xA0  }
0x136: {  	[sflag:s23] =	ssyncset.done $0x0  }
0x137: {  	[sflag:s23] =	ssyncadd.s32 $0xFFFFFF60  }
0x138: {  	[tilespmem:s24], [sflag:$0xA] =	stream.indirect.gather [hbm4b:s1+s22], $0x80, s12, s22, $0xb8;
	[tilespmem:$0x1DD80] =	vst v63  }
0x139: {  	_ =	swait.ge [sflag:s6], $0x2800  }
0x13a: {  	[sflag:s6] =	ssyncset.done $0x0  }
0x13b: {  	s10 =	rddreg [dreg:$0x5];
	[sflag:s6] =	ssyncadd.s32 $0xFFFFD800  }
0x13c: {  	[spmem:s3] =	stream.indirect.scatter.add.f32 [tilespmem:s26], [sflag:$0xD], $0x80, s10, s22, $0xb8;
	[tilespmem:$0x1DD80] =	vst v63  }
0x13d: {  	_ =	swait.ge [sflag:s20], $0x2800  }
0x13e: {  	[sflag:s20] =	ssyncset.done $0x0  }
0x13f: {  	s7 =	sadd.s32 @!p2 $0x118, s0;
	s10 =	simm.s32 @!p2 $0x3C0;
	[sflag:s20] =	ssyncadd.s32 $0xFFFFD800  }
0x140: {  	[tilespmem:s10], [sflag:$0x7] =	stream.linear.gather @!p2 [hbm4b:s7+s17], $0xA0, $0x38;
	[tilespmem:$0x1DD80] =	vst v63  }
0x141: {  	_ =	swait.ge [sflag:s25], $0xA0  }
0x142: {  	[sflag:s25] =	ssyncset.done $0x0  }
0x143: {  	[sflag:s25] =	ssyncadd.s32 $0xFFFFFF60  }
0x144: {  	[tilespmem:s26], [sflag:$0xB] =	stream.indirect.gather [hbm4b:s1+s22], $0x80, s13, s22, $0xb8;
	[tilespmem:$0x1DD80] =	vst v63  }
0x145: {  	_ =	swait.ge [sflag:s9], $0x2800  }
0x146: {  	[sflag:s9] =	ssyncset.done $0x0  }
0x147: {  	s10 =	rddreg [dreg:$0x6];
	[sflag:s9] =	ssyncadd.s32 $0xFFFFD800  }
0x148: {  	[spmem:s3] =	stream.indirect.scatter.add.f32 [tilespmem:s29], [sflag:$0xD], $0x80, s10, s22, $0xb8;
	[tilespmem:$0x1DD80] =	vst v63  }
0x149: {  	s18 =	sadd.s32 $0xA0, s18;
	_ =	swait.ge [sflag:s20], $0x2800  }
0x14a: {  	p1 =	sne.s32 s18, $0x960;
	s0 =	sadd.s32 @!p2 $0x12C, s0;
	[sflag:s20] =	ssyncset.done $0x0  }
.Ltmp1:
0x14b: {  	s7 =	simm.s32 @!p2 $0x460;
	[sflag:s20] =	ssyncadd.s32 $0xFFFFD800;
	(pc) =	sbr.rel @p1 .LBB2_4-.Ltmp1, $4  }
0x14c: {  	[tilespmem:s7], [sflag:$0x8] =	stream.linear.gather @!p2 [hbm4b:s0+s17], $0xA0, $0x38;
	[tilespmem:$0x1DD80] =	vst v63  }
0x14d: {  	_ =	swait.ge [sflag:s28], $0xA0  }
0x14e: {  	[sflag:s28] =	ssyncset.done $0x0  }
0x14f: {  	s17 =	simm.s32 $0x320;
	[sflag:s28] =	ssyncadd.s32 $0xFFFFFF60  }
0x150: {  	[tilespmem:s29], [sflag:$0xC] =	stream.indirect.gather [hbm4b:s1+s22], $0x80, s15, s22, $0xb8;
	[tilespmem:$0x1DD80] =	vst v63  }
0x151: {  	_ =	swait.ge [sflag:s30], $0x2800  }
0x152: {  	[sflag:s30] =	ssyncset.done $0x0  }
0x153: {  	[sflag:s30] =	ssyncadd.s32 $0xFFFFD800  }
0x154: {  	[spmem:s3] =	stream.indirect.scatter.add.f32 [tilespmem:s19], [sflag:$0xD], $0x80, s22, s22, $0xb8;
	[tilespmem:$0x1DD80] =	vst v63  }
0x155: {  	_ =	swait.ge [sflag:s20], $0x2800  }
0x156: {  	[sflag:s20] =	ssyncset.done $0x0  }
0x157: {  	[sflag:s20] =	ssyncadd.s32 $0xFFFFD800  }
0x158: {  	_ =	swait.ge [sflag:s31], $0xA0  }
0x159: {  	[sflag:s31] =	ssyncset.done $0x0  }
0x15a: {  	[sflag:s31] =	ssyncadd.s32 $0xFFFFFF60  }
0x15b: {  	[tilespmem:s19], [sflag:$0x9] =	stream.indirect.gather [hbm4b:s1+s22], $0x80, s11, s22, $0xb8;
	[tilespmem:$0x1DD80] =	vst v63  }
0x15c: {  	_ =	swait.ge [sflag:s2], $0x2800  }
0x15d: {  	[sflag:s2] =	ssyncset.done $0x0  }
0x15e: {  	s0 =	simm.s32 $0xF0;
	[sflag:s2] =	ssyncadd.s32 $0xFFFFD800  }
0x15f: {  	[spmem:s3] =	stream.indirect.scatter.add.f32 [tilespmem:s24], [sflag:$0xD], $0x80, s0, s22, $0xb8;
	[tilespmem:$0x1DD80] =	vst v63  }
0x160: {  	_ =	swait.ge [sflag:s20], $0x2800  }
0x161: {  	[sflag:s20] =	ssyncset.done $0x0  }
0x162: {  	[sflag:s20] =	ssyncadd.s32 $0xFFFFD800  }
0x163: {  	_ =	swait.ge [sflag:s6], $0x2800  }
0x164: {  	[sflag:s6] =	ssyncset.done $0x0  }
0x165: {  	s10 =	simm.s32 $0x190;
	[sflag:s6] =	ssyncadd.s32 $0xFFFFD800  }
0x166: {  	[spmem:s3] =	stream.indirect.scatter.add.f32 [tilespmem:s26], [sflag:$0xD], $0x80, s10, s22, $0xb8;
	[tilespmem:$0x1DD80] =	vst v63  }
0x167: {  	_ =	swait.ge [sflag:s20], $0x2800  }
0x168: {  	[sflag:s20] =	ssyncset.done $0x0  }
0x169: {  	[sflag:s20] =	ssyncadd.s32 $0xFFFFD800  }
0x16a: {  	_ =	swait.ge [sflag:s9], $0x2800  }
0x16b: {  	[sflag:s9] =	ssyncset.done $0x0  }
0x16c: {  	s11 =	simm.s32 $0x230;
	[sflag:s9] =	ssyncadd.s32 $0xFFFFD800  }
0x16d: {  	[spmem:s3] =	stream.indirect.scatter.add.f32 [tilespmem:s29], [sflag:$0xD], $0x80, s11, s22, $0xb8;
	[tilespmem:$0x1DD80] =	vst v63  }
0x16e: {  	_ =	swait.ge [sflag:s20], $0x2800  }
0x16f: {  	[sflag:s20] =	ssyncset.done $0x0  }
0x170: {  	[sflag:s20] =	ssyncadd.s32 $0xFFFFD800  }
0x171: {  	_ =	swait.ge [sflag:s30], $0x2800  }
0x172: {  	[sflag:s30] =	ssyncset.done $0x0  }
0x173: {  	s12 =	simm.s32 $0x2D0;
	[sflag:s30] =	ssyncadd.s32 $0xFFFFD800  }
0x174: {  	[spmem:s3] =	stream.indirect.scatter.add.f32 [tilespmem:s19], [sflag:$0xD], $0x80, s12, s22, $0xb8;
	[tilespmem:$0x1DD80] =	vst v63  }
0x175: {  	_ =	swait.ge [sflag:s20], $0x2800  }
0x176: {  	[sflag:s20] =	ssyncset.done $0x0  }
0x177: {  	[sflag:s20] =	ssyncadd.s32 $0xFFFFD800  }
0x178: {  	[bflag:$0x0] =	sbarrier.arrive $0xFFFF  }
0x179: {  	s13 =	stileid.u32;
	s10 =	sld [smem:$0x7F5]  }
0x17a: {  	s0 =	sshll.u32 s13, $0x6  }
0x17b: {  	s0 =	sor.u32 $0x1C0D, s0;
	s7 =	rddreg [dreg:$0x7]  }
0x17c: {  	[hbm:s7], [sflag:s0] =	dma.local [spmem:s10], $0x500  }
0x17d: {  	_ =	swait.ge [sflag:s20], $0x500  }
0x17e: {  	s18 =	sld [smem:$0x7F6]  }
0x17f: {  	[sflag:s20] =	ssyncset.done $0x0  }
0x180: {  	s15 =	rddreg [dreg:$0x8];
	[sflag:s20] =	ssyncadd.s32 $0xFFFFFB00  }
0x181: {  	[hbm:s15], [sflag:s0] =	dma.local [spmem:s18], $0x500  }
0x182: {  	_ =	swait.ge [sflag:s20], $0x500  }
0x183: {  	s11 =	sld [smem:$0x7F7]  }
0x184: {  	[sflag:s20] =	ssyncset.done $0x0  }
0x185: {  	s10 =	rddreg [dreg:$0x9];
	[sflag:s20] =	ssyncadd.s32 $0xFFFFFB00  }
0x186: {  	[hbm:s10], [sflag:s0] =	dma.local [spmem:s11], $0x500  }
0x187: {  	_ =	swait.ge [sflag:s20], $0x500  }
0x188: {  	s13 =	sld [smem:$0x7F8]  }
0x189: {  	[sflag:s20] =	ssyncset.done $0x0  }
0x18a: {  	s12 =	rddreg [dreg:$0xa];
	[sflag:s20] =	ssyncadd.s32 $0xFFFFFB00  }
0x18b: {  	[hbm:s12], [sflag:s0] =	dma.local [spmem:s13], $0x500  }
0x18c: {  	_ =	swait.ge [sflag:s20], $0x500  }
0x18d: {  	s18 =	sld [smem:$0x7F9]  }
0x18e: {  	[sflag:s20] =	ssyncset.done $0x0  }
0x18f: {  	s15 =	rddreg [dreg:$0xb];
	[sflag:s20] =	ssyncadd.s32 $0xFFFFFB00  }
0x190: {  	[hbm:s15], [sflag:s0] =	dma.local [spmem:s18], $0x500  }
0x191: {  	_ =	swait.ge [sflag:s20], $0x500  }
0x192: {  	s11 =	sld [smem:$0x7FA]  }
0x193: {  	[sflag:s20] =	ssyncset.done $0x0  }
0x194: {  	s10 =	rddreg [dreg:$0xc];
	[sflag:s20] =	ssyncadd.s32 $0xFFFFFB00  }
0x195: {  	[hbm:s10], [sflag:s0] =	dma.local [spmem:s11], $0x500  }
0x196: {  	_ =	swait.ge [sflag:s20], $0x500  }
0x197: {  	s13 =	sld [smem:$0x7FB]  }
0x198: {  	[sflag:s20] =	ssyncset.done $0x0  }
0x199: {  	s12 =	rddreg [dreg:$0xd];
	[sflag:s20] =	ssyncadd.s32 $0xFFFFFB00  }
0x19a: {  	[hbm:s12], [sflag:s0] =	dma.local [spmem:s13], $0x500  }
0x19b: {  	_ =	swait.ge [sflag:s20], $0x500  }
0x19c: {  	s10 =	sld [smem:$0x7FC]  }
0x19d: {  	[sflag:s20] =	ssyncset.done $0x0  }
0x19e: {  	s7 =	rddreg [dreg:$0xe];
	[sflag:s20] =	ssyncadd.s32 $0xFFFFFB00  }
0x19f: {  	[hbm:s7], [sflag:s0] =	dma.local @!p0 [spmem:s10], $0x500  }
0x1a0: {  	s0 =	simm.s32 @!p0 $0xD  }
0x1a1: {  	_ =	swait.ge @!p0 [sflag:s0], $0x500  }
0x1a2: {  	s15 =	sld [smem:$0x7FD];
	_ =	sdelay $0x2  }
0x1a3: {  	s18 =	rddreg [dreg:$0x17];
	s10 =	sadd.s32 $0x1, s15  }
0x1a4: {  	p1 =	sne.s32 s10, s18  }
.Ltmp2:
0x1a5: {  	_ = 	snop;
	(pc) =	sbr.rel @p1 .LBB2_1-.Ltmp2, $4  }
0x1a6: {  	_ = 	snop  }
0x1a7: {  	s11 =	simm.s32 $0xA0;
	s12 =	simm.s32 $0x140;
	[sflag:s0] =	ssyncset.done @!p0 $0x0  }
0x1a8: {  	s13 =	simm.s32 $0x1E0;
	[sflag:s0] =	ssyncadd.s32 @!p0 $0xFFFFFB00;
	s15 =	simm.s32 $0x280  }
0x1a9: {  	[smem:$0x7FD] =	sst s10;
	s10 =	simm.s32 $0x3C0;
	s18 =	simm.s32 $0x460  }
0x1aa: {  	_ =	sfence.sel $0x180000  }
0x1ab: {  	[bflag:$0x0] =	sbarrier.arrive $0xFFFF  }
0x1ac: {  	_ =	strace $0x9000004A  }
0x1ad: {  	s0 =	stileid.u32;
	[bflag:$0x2] =	sbarrier.arrive $0xFFFF  }
0x1ae: {  	p0 =	sne.s32 s0, $0x0;
	s0 =	rddreg [dreg:$0x3]  }
0x1af: {  	s0 =	sadd.s32 @!p0 $0x100000, s0  }
0x1b0: {  	[sflag:s0] =	ssyncadd.tile.s32 @!p0 $0x1;
	_ =	shalt  }
.Lfunc_end2:
_tile_overlayer_lowered:
.L_overlay_start_2:
0x1b1: {  	(tag) =	ssettag $0x2  }
0x1b2: {  	s0 =	rddreg [dreg:$0x0];
	s2 =	stileid.u32  }
0x1b3: {  	s1 =	rddreg [dreg:$0x1];
	p0 =	sne.s32 s2, $0x0  }
0x1b4: {  	s3 =	rddreg [dreg:$0x2];
	[bflag:$0x3] =	sbarrier.arrive $0xFFFF;
	s2 =	simm.s32 @!p0 $0x1C0D  }
0x1b5: {  	[timem:s3], [sflag:s2] =	dma.local @!p0 [hbm:s0], s1  }
0x1b6: {  	s0 =	simm.s32 @!p0 $0xD  }
0x1b7: {  	_ =	swait.ge @!p0 [sflag:s0], s1  }
0x1b8: {  	s1 =	ssub.s32 @!p0 $0x0, s1;
	[sflag:s0] =	ssyncset.done @!p0 $0x0  }
0x1b9: {  	[sflag:s0] =	ssyncadd.s32 @!p0 s1  }
0x1ba: {  	[bflag:$0x3] =	sbarrier.arrive $0xFFFF  }
0x1bb: {  	_ =	shalt  }

</sc_bundles>
